<compile_context>
chip_gen: v7x
topology: tpu7x:2x2x1
jax: 0.10.2.dev20260603
libtpu: 0.0.44.dev20260713+nightly
codegen_flags: <defaults>
</compile_context>

<pallas_src>
import functools

import jax
import jax.numpy as jnp
from jax import lax
from jax.experimental import pallas as pl
from jax.experimental.pallas import tpu as pltpu
from jax.experimental.pallas import tpu_sc as plsc

BATCH = 16384
HD = 32
NLEV = 4
EMBED = NLEV * HD
NCLS = (3, 6, 9, 38)
NC = 2
NS = 16
NW = NC * NS
BPW = BATCH // NW
CHUNK = 128
NCH = BPW // CHUNK
L = 16


def _mesh():
    return plsc.VectorSubcoreMesh(core_axis_name="c", subcore_axis_name="s")


@functools.partial(
    pl.kernel,
    out_type=jax.ShapeDtypeStruct((BATCH * EMBED,), jnp.float32),
    mesh=_mesh(),
    compiler_params=pltpu.CompilerParams(needs_layout_passes=False,
                                         disable_bounds_checks=True),
    scratch_types=[
        pltpu.VMEM((NLEV * NCH, CHUNK), jnp.int32),
        [pltpu.VMEM((n * HD,), jnp.float32) for n in NCLS],
        pltpu.VMEM((BPW * EMBED,), jnp.float32),
        [pltpu.SemaphoreType.DMA for _ in range(NLEV)],
    ],
)
def _sc_embed(i0, i1, i2, i3, w0, w1, w2, w3, out_hbm, idx_v, tabs_v, out_v,
              sems):
    wid = lax.axis_index("s") * NC + lax.axis_index("c")
    base = wid * BPW
    idx_hbm = (i0, i1, i2, i3)
    tabs_hbm = (w0, w1, w2, w3)
    waits = []
    for l in range(NLEV):
        waits.append(pltpu.async_copy(tabs_hbm[l], tabs_v[l], sems[l]))
        waits.append(pltpu.async_copy(idx_hbm[l].at[pl.ds(wid * NCH, NCH)],
                                      idx_v.at[pl.ds(l * NCH, NCH)], sems[l]))
    for l in range(NLEV):
        waits[2 * l].wait()
        waits[2 * l + 1].wait()

        @plsc.parallel_loop(0, BPW // L, unroll=2)
        def body(g, l=l):
            row = g >> 3
            col0 = (g & 7) * L
            obase = pl.multiple_of(g * L * EMBED, L * EMBED)
            ivs = idx_v[l * NCH + row, pl.ds(col0, L)] * HD
            for i in range(L):
                roff = ivs[i]
                for k in range(HD // L):
                    src = pl.multiple_of(roff + k * L, L)
                    out_v[pl.ds(obase + i * EMBED + l * HD + k * L, L)] = (
                        tabs_v[l][pl.ds(src, L)])
    pltpu.sync_copy(out_v, out_hbm.at[pl.ds(base * EMBED, BPW * EMBED)])


def kernel(idx0, idx1, idx2, idx3, W0, W1, W2, W3):
    shaped = [
        jnp.reshape(i, (BATCH // CHUNK, CHUNK)).astype(jnp.int32)
        for i in (idx0, idx1, idx2, idx3)
    ]
    flat_tabs = [jnp.reshape(w, (-1,)) for w in (W0, W1, W2, W3)]
    out = _sc_embed(*shaped, *flat_tabs)
    return jnp.reshape(out, (BATCH, 1, EMBED))

# --- scband reference (transcript-rebuilt; emitter-appended) ---
"""Pipeline reference for scband-heir-class-embedder-37658273252009 (READ-ONLY COPY).

The authoritative reference and input builder live on the scoring server;
editing this copy changes nothing except your own understanding.
"""

import jax, jax.numpy as jnp
import numpy as np

EMBED_DIM = 128
N_CLASSES = [3, 6, 9, 38]
HEIR_DIM = EMBED_DIM // len(N_CLASSES)  # 32
BATCH = 16384


def setup_inputs(seed: int = 0) -> dict:
    key = jax.random.key(seed)
    k0, k1, k2, k3, kw0, kw1, kw2, kw3 = jax.random.split(key, 8)
    idx0 = jax.random.randint(k0, (BATCH, 1), 0, N_CLASSES[0], dtype=jnp.int64 if jax.config.jax_enable_x64 else jnp.int32)
    idx1 = jax.random.randint(k1, (BATCH, 1), 0, N_CLASSES[1], dtype=idx0.dtype)
    idx2 = jax.random.randint(k2, (BATCH, 1), 0, N_CLASSES[2], dtype=idx0.dtype)
    idx3 = jax.random.randint(k3, (BATCH, 1), 0, N_CLASSES[3], dtype=idx0.dtype)
    # nn.Embedding default init: N(0, 1)
    W0 = jax.random.normal(kw0, (N_CLASSES[0], HEIR_DIM), dtype=jnp.float32)
    W1 = jax.random.normal(kw1, (N_CLASSES[1], HEIR_DIM), dtype=jnp.float32)
    W2 = jax.random.normal(kw2, (N_CLASSES[2], HEIR_DIM), dtype=jnp.float32)
    W3 = jax.random.normal(kw3, (N_CLASSES[3], HEIR_DIM), dtype=jnp.float32)
    return {"idx0": idx0, "idx1": idx1, "idx2": idx2, "idx3": idx3,
            "W0": W0, "W1": W1, "W2": W2, "W3": W3}


def reference(idx0, idx1, idx2, idx3, W0, W1, W2, W3):
    # Each level: embedding lookup on [B, 1] indices -> [B, 1, heir_dim]
    e0 = jnp.take(W0, idx0, axis=0)
    e1 = jnp.take(W1, idx1, axis=0)
    e2 = jnp.take(W2, idx2, axis=0)
    e3 = jnp.take(W3, idx3, axis=0)
    # Concatenate along the last (feature) dim -> [B, 1, embed_dim]
    embedding = jnp.concatenate([e0, e1, e2, e3], axis=-1)
    return embedding

if __name__ == "__main__":
    import jax
    _d = setup_inputs()
    print(jax.jit(kernel)(*tuple(_d.values())))

</pallas_src>

<mosaic_0001>
#map = affine_map<(d0, d1) -> (0, 0)>
#map1 = affine_map<(d0, d1) -> (0)>
module attributes {stable_mosaic.version = 14 : i64} {
  func.func @_sc_embed(%arg0: i32, %arg1: i32, %arg2: memref<128x128xi32, #tpu.memory_space<hbm>>, %arg3: memref<128x128xi32, #tpu.memory_space<hbm>>, %arg4: memref<128x128xi32, #tpu.memory_space<hbm>>, %arg5: memref<128x128xi32, #tpu.memory_space<hbm>>, %arg6: memref<96xf32, #tpu.memory_space<hbm>>, %arg7: memref<192xf32, #tpu.memory_space<hbm>>, %arg8: memref<288xf32, #tpu.memory_space<hbm>>, %arg9: memref<1216xf32, #tpu.memory_space<hbm>>, %arg10: memref<2097152xf32, #tpu.memory_space<hbm>>, %arg11: memref<16x128xi32, #tpu.memory_space<vmem>>, %arg12: memref<96xf32, #tpu.memory_space<vmem>>, %arg13: memref<192xf32, #tpu.memory_space<vmem>>, %arg14: memref<288xf32, #tpu.memory_space<vmem>>, %arg15: memref<1216xf32, #tpu.memory_space<vmem>>, %arg16: memref<65536xf32, #tpu.memory_space<vmem>>, %arg17: memref<!tpu.dma_semaphore, #tpu.memory_space<semaphore_mem>>, %arg18: memref<!tpu.dma_semaphore, #tpu.memory_space<semaphore_mem>>, %arg19: memref<!tpu.dma_semaphore, #tpu.memory_space<semaphore_mem>>, %arg20: memref<!tpu.dma_semaphore, #tpu.memory_space<semaphore_mem>>) attributes {dimension_semantics = [#tpu.dimension_semantics<core_parallel>, #tpu.dimension_semantics<subcore_parallel>], iteration_bounds = array<i64: 2, 16>, scalar_prefetch = 0 : i64, scratch_operands = 10 : i64, tpu.core_type = #tpu.core_type<sc_vector_subcore>, window_params = [{transform_indices = #map}, {transform_indices = #map}, {transform_indices = #map}, {transform_indices = #map}, {transform_indices = #map1}, {transform_indices = #map1}, {transform_indices = #map1}, {transform_indices = #map1}, {transform_indices = #map1}]} {
    %mul3A = arith.constant 2 : i32
    %mul3A_0 = arith.muli %arg1, %mul3A : i32
    %add3A = arith.addi %mul3A_0, %arg0 : i32
    %mul3A_1 = arith.constant 512 : i32
    %mul3A_2 = arith.muli %add3A, %mul3A_1 : i32
    tpu.enqueue_dma source(%arg6 : memref<96xf32, #tpu.memory_space<hbm>>) target(%arg12 : memref<96xf32, #tpu.memory_space<vmem>>) target_semaphore(%arg17 : memref<!tpu.dma_semaphore, #tpu.memory_space<semaphore_mem>>)
    %mul3A_3 = arith.constant 4 : i32
    %mul3A_4 = arith.muli %add3A, %mul3A_3 : i32
    %dma_start3A = arith.constant 0 : i32
    %dma_start3A_5 = arith.constant 0 : i32
    %dma_start3A_6 = tpu.memref_slice %arg11[%dma_start3A, %dma_start3A_5] : memref<16x128xi32, #tpu.memory_space<vmem>> -> memref<4x128xi32, #tpu.memory_space<vmem>>
    %dma_start3A_7 = arith.constant 0 : i32
    %dma_start3A_8 = tpu.memref_slice %arg2[%mul3A_4, %dma_start3A_7] : memref<128x128xi32, #tpu.memory_space<hbm>> -> memref<4x128xi32, #tpu.memory_space<hbm>>
    %dma_start3A_9 = arith.constant 0 : i32
    %dma_start3A_10 = arith.constant 0 : i32
    %dma_start3A_11 = tpu.memref_slice %arg11[%dma_start3A_9, %dma_start3A_10] : memref<16x128xi32, #tpu.memory_space<vmem>> -> memref<4x128xi32, #tpu.memory_space<vmem>>
    %dma_start3A_12 = arith.constant 0 : i32
    %dma_start3A_13 = tpu.memref_slice %arg2[%mul3A_4, %dma_start3A_12] : memref<128x128xi32, #tpu.memory_space<hbm>> -> memref<4x128xi32, #tpu.memory_space<hbm>>
    tpu.enqueue_dma source(%dma_start3A_13 : memref<4x128xi32, #tpu.memory_space<hbm>>) target(%dma_start3A_11 : memref<4x128xi32, #tpu.memory_space<vmem>>) target_semaphore(%arg17 : memref<!tpu.dma_semaphore, #tpu.memory_space<semaphore_mem>>)
    tpu.enqueue_dma source(%arg7 : memref<192xf32, #tpu.memory_space<hbm>>) target(%arg13 : memref<192xf32, #tpu.memory_space<vmem>>) target_semaphore(%arg18 : memref<!tpu.dma_semaphore, #tpu.memory_space<semaphore_mem>>)
    %mul3A_14 = arith.constant 4 : i32
    %mul3A_15 = arith.muli %add3A, %mul3A_14 : i32
    %dma_start3A_16 = arith.constant 4 : i32
    %dma_start3A_17 = arith.constant 0 : i32
    %dma_start3A_18 = tpu.memref_slice %arg11[%dma_start3A_16, %dma_start3A_17] : memref<16x128xi32, #tpu.memory_space<vmem>> -> memref<4x128xi32, #tpu.memory_space<vmem>>
    %dma_start3A_19 = arith.constant 0 : i32
    %dma_start3A_20 = tpu.memref_slice %arg3[%mul3A_15, %dma_start3A_19] : memref<128x128xi32, #tpu.memory_space<hbm>> -> memref<4x128xi32, #tpu.memory_space<hbm>>
    %dma_start3A_21 = arith.constant 4 : i32
    %dma_start3A_22 = arith.constant 0 : i32
    %dma_start3A_23 = tpu.memref_slice %arg11[%dma_start3A_21, %dma_start3A_22] : memref<16x128xi32, #tpu.memory_space<vmem>> -> memref<4x128xi32, #tpu.memory_space<vmem>>
    %dma_start3A_24 = arith.constant 0 : i32
    %dma_start3A_25 = tpu.memref_slice %arg3[%mul3A_15, %dma_start3A_24] : memref<128x128xi32, #tpu.memory_space<hbm>> -> memref<4x128xi32, #tpu.memory_space<hbm>>
    tpu.enqueue_dma source(%dma_start3A_25 : memref<4x128xi32, #tpu.memory_space<hbm>>) target(%dma_start3A_23 : memref<4x128xi32, #tpu.memory_space<vmem>>) target_semaphore(%arg18 : memref<!tpu.dma_semaphore, #tpu.memory_space<semaphore_mem>>)
    tpu.enqueue_dma source(%arg8 : memref<288xf32, #tpu.memory_space<hbm>>) target(%arg14 : memref<288xf32, #tpu.memory_space<vmem>>) target_semaphore(%arg19 : memref<!tpu.dma_semaphore, #tpu.memory_space<semaphore_mem>>)
    %mul3A_26 = arith.constant 4 : i32
    %mul3A_27 = arith.muli %add3A, %mul3A_26 : i32
    %dma_start3A_28 = arith.constant 8 : i32
    %dma_start3A_29 = arith.constant 0 : i32
    %dma_start3A_30 = tpu.memref_slice %arg11[%dma_start3A_28, %dma_start3A_29] : memref<16x128xi32, #tpu.memory_space<vmem>> -> memref<4x128xi32, #tpu.memory_space<vmem>>
    %dma_start3A_31 = arith.constant 0 : i32
    %dma_start3A_32 = tpu.memref_slice %arg4[%mul3A_27, %dma_start3A_31] : memref<128x128xi32, #tpu.memory_space<hbm>> -> memref<4x128xi32, #tpu.memory_space<hbm>>
    %dma_start3A_33 = arith.constant 8 : i32
    %dma_start3A_34 = arith.constant 0 : i32
    %dma_start3A_35 = tpu.memref_slice %arg11[%dma_start3A_33, %dma_start3A_34] : memref<16x128xi32, #tpu.memory_space<vmem>> -> memref<4x128xi32, #tpu.memory_space<vmem>>
    %dma_start3A_36 = arith.constant 0 : i32
    %dma_start3A_37 = tpu.memref_slice %arg4[%mul3A_27, %dma_start3A_36] : memref<128x128xi32, #tpu.memory_space<hbm>> -> memref<4x128xi32, #tpu.memory_space<hbm>>
    tpu.enqueue_dma source(%dma_start3A_37 : memref<4x128xi32, #tpu.memory_space<hbm>>) target(%dma_start3A_35 : memref<4x128xi32, #tpu.memory_space<vmem>>) target_semaphore(%arg19 : memref<!tpu.dma_semaphore, #tpu.memory_space<semaphore_mem>>)
    tpu.enqueue_dma source(%arg9 : memref<1216xf32, #tpu.memory_space<hbm>>) target(%arg15 : memref<1216xf32, #tpu.memory_space<vmem>>) target_semaphore(%arg20 : memref<!tpu.dma_semaphore, #tpu.memory_space<semaphore_mem>>)
    %mul3A_38 = arith.constant 4 : i32
    %mul3A_39 = arith.muli %add3A, %mul3A_38 : i32
    %dma_start3A_40 = arith.constant 12 : i32
    %dma_start3A_41 = arith.constant 0 : i32
    %dma_start3A_42 = tpu.memref_slice %arg11[%dma_start3A_40, %dma_start3A_41] : memref<16x128xi32, #tpu.memory_space<vmem>> -> memref<4x128xi32, #tpu.memory_space<vmem>>
    %dma_start3A_43 = arith.constant 0 : i32
    %dma_start3A_44 = tpu.memref_slice %arg5[%mul3A_39, %dma_start3A_43] : memref<128x128xi32, #tpu.memory_space<hbm>> -> memref<4x128xi32, #tpu.memory_space<hbm>>
    %dma_start3A_45 = arith.constant 12 : i32
    %dma_start3A_46 = arith.constant 0 : i32
    %dma_start3A_47 = tpu.memref_slice %arg11[%dma_start3A_45, %dma_start3A_46] : memref<16x128xi32, #tpu.memory_space<vmem>> -> memref<4x128xi32, #tpu.memory_space<vmem>>
    %dma_start3A_48 = arith.constant 0 : i32
    %dma_start3A_49 = tpu.memref_slice %arg5[%mul3A_39, %dma_start3A_48] : memref<128x128xi32, #tpu.memory_space<hbm>> -> memref<4x128xi32, #tpu.memory_space<hbm>>
    tpu.enqueue_dma source(%dma_start3A_49 : memref<4x128xi32, #tpu.memory_space<hbm>>) target(%dma_start3A_47 : memref<4x128xi32, #tpu.memory_space<vmem>>) target_semaphore(%arg20 : memref<!tpu.dma_semaphore, #tpu.memory_space<semaphore_mem>>)
    tpu.wait_dma2 semaphore(%arg17 : memref<!tpu.dma_semaphore, #tpu.memory_space<semaphore_mem>>) src(%arg6 : memref<96xf32, #tpu.memory_space<hbm>>) dst(%arg12 : memref<96xf32, #tpu.memory_space<vmem>>)
    %dma_wait3A = arith.constant 0 : i32
    %dma_wait3A_50 = arith.constant 0 : i32
    %dma_wait3A_51 = tpu.memref_slice %arg11[%dma_wait3A, %dma_wait3A_50] : memref<16x128xi32, #tpu.memory_space<vmem>> -> memref<4x128xi32, #tpu.memory_space<vmem>>
    %dma_wait3A_52 = arith.constant 0 : i32
    %dma_wait3A_53 = tpu.memref_slice %arg2[%mul3A_4, %dma_wait3A_52] : memref<128x128xi32, #tpu.memory_space<hbm>> -> memref<4x128xi32, #tpu.memory_space<hbm>>
    %dma_wait3A_54 = arith.constant 0 : i32
    %dma_wait3A_55 = arith.constant 0 : i32
    %dma_wait3A_56 = tpu.memref_slice %arg11[%dma_wait3A_54, %dma_wait3A_55] : memref<16x128xi32, #tpu.memory_space<vmem>> -> memref<4x128xi32, #tpu.memory_space<vmem>>
    %dma_wait3A_57 = arith.constant 0 : i32
    %dma_wait3A_58 = tpu.memref_slice %arg2[%mul3A_4, %dma_wait3A_57] : memref<128x128xi32, #tpu.memory_space<hbm>> -> memref<4x128xi32, #tpu.memory_space<hbm>>
    tpu.wait_dma2 semaphore(%arg17 : memref<!tpu.dma_semaphore, #tpu.memory_space<semaphore_mem>>) src(%dma_wait3A_58 : memref<4x128xi32, #tpu.memory_space<hbm>>) dst(%dma_wait3A_56 : memref<4x128xi32, #tpu.memory_space<vmem>>)
    %parallel_loop3A = arith.constant 0 : i32
    %parallel_loop3A_59 = arith.constant 32 : i32
    %parallel_loop3A_60 = arith.constant 1 : i32
    scf.for %parallel_loop3A_102 = %parallel_loop3A to %parallel_loop3A_59 step %parallel_loop3A_60  : i32 {
      %parallel_loop3A_103 = arith.constant 3 : i32
      %parallel_loop3A_104 = arith.shrsi %parallel_loop3A_102, %parallel_loop3A_103 : i32
      %parallel_loop3A_105 = arith.constant 7 : i32
      %parallel_loop3A_106 = arith.andi %parallel_loop3A_102, %parallel_loop3A_105 : i32
      %parallel_loop3A_107 = arith.constant 16 : i32
      %parallel_loop3A_108 = arith.muli %parallel_loop3A_106, %parallel_loop3A_107 : i32
      %parallel_loop3A_109 = arith.constant 16 : i32
      %parallel_loop3A_110 = arith.muli %parallel_loop3A_102, %parallel_loop3A_109 : i32
      %parallel_loop3A_111 = arith.constant 128 : i32
      %parallel_loop3A_112 = arith.muli %parallel_loop3A_110, %parallel_loop3A_111 : i32
      %parallel_loop3A_113 = tpu.assume_multiple %parallel_loop3A_112, 2048 : i32
      %parallel_loop3A_114 = arith.constant 0 : i32
      %parallel_loop3A_115 = arith.addi %parallel_loop3A_114, %parallel_loop3A_104 : i32
      %parallel_loop3A_116 = arith.index_cast %parallel_loop3A_115 : i32 to index
      %parallel_loop3A_117 = arith.index_cast %parallel_loop3A_108 : i32 to index
      %parallel_loop3A_118 = tpu.vector_load %arg11[%parallel_loop3A_116, %parallel_loop3A_117] {strides = array<i32>} : memref<16x128xi32, #tpu.memory_space<vmem>>, vector<16xi32>,
      %parallel_loop3A_119 = arith.constant 32 : i32
      %parallel_loop3A_120 = vector.broadcast %parallel_loop3A_119 : i32 to vector<16xi32>
      %parallel_loop3A_121 = arith.muli %parallel_loop3A_118, %parallel_loop3A_120 : vector<16xi32>
      %parallel_loop3A_122 = vector.extract_strided_slice %parallel_loop3A_121 {offsets = [0], sizes = [1], strides = [1]} : vector<16xi32> to vector<1xi32>
      %parallel_loop3A_123 = vector.extract %parallel_loop3A_122[0] : i32 from vector<1xi32>
      %parallel_loop3A_124 = arith.constant 0 : i32
      %parallel_loop3A_125 = arith.addi %parallel_loop3A_123, %parallel_loop3A_124 : i32
      %parallel_loop3A_126 = tpu.assume_multiple %parallel_loop3A_125, 16 : i32
      %parallel_loop3A_127 = arith.index_cast %parallel_loop3A_126 : i32 to index
      %parallel_loop3A_128 = tpu.vector_load %arg12[%parallel_loop3A_127] {strides = array<i32>} : memref<96xf32, #tpu.memory_space<vmem>>, vector<16xf32>,
      %parallel_loop3A_129 = arith.constant 0 : i32
      %parallel_loop3A_130 = arith.addi %parallel_loop3A_113, %parallel_loop3A_129 : i32
      %parallel_loop3A_131 = arith.constant 0 : i32
      %parallel_loop3A_132 = arith.addi %parallel_loop3A_130, %parallel_loop3A_131 : i32
      %parallel_loop3A_133 = arith.constant 0 : i32
      %parallel_loop3A_134 = arith.addi %parallel_loop3A_132, %parallel_loop3A_133 : i32
      %parallel_loop3A_135 = arith.index_cast %parallel_loop3A_134 : i32 to index
      %parallel_loop3A_136 = tpu.vector_load %arg16[%parallel_loop3A_135] {strides = array<i32>} : memref<65536xf32, #tpu.memory_space<vmem>>, vector<16xf32>,
      tpu.vector_store %arg16[%parallel_loop3A_135], %parallel_loop3A_128 {strides = array<i32>} : memref<65536xf32, #tpu.memory_space<vmem>>, vector<16xf32>,
      %parallel_loop3A_137 = arith.constant 16 : i32
      %parallel_loop3A_138 = arith.addi %parallel_loop3A_123, %parallel_loop3A_137 : i32
      %parallel_loop3A_139 = tpu.assume_multiple %parallel_loop3A_138, 16 : i32
      %parallel_loop3A_140 = arith.index_cast %parallel_loop3A_139 : i32 to index
      %parallel_loop3A_141 = tpu.vector_load %arg12[%parallel_loop3A_140] {strides = array<i32>} : memref<96xf32, #tpu.memory_space<vmem>>, vector<16xf32>,
      %parallel_loop3A_142 = arith.constant 0 : i32
      %parallel_loop3A_143 = arith.addi %parallel_loop3A_113, %parallel_loop3A_142 : i32
      %parallel_loop3A_144 = arith.constant 0 : i32
      %parallel_loop3A_145 = arith.addi %parallel_loop3A_143, %parallel_loop3A_144 : i32
      %parallel_loop3A_146 = arith.constant 16 : i32
      %parallel_loop3A_147 = arith.addi %parallel_loop3A_145, %parallel_loop3A_146 : i32
      %parallel_loop3A_148 = arith.index_cast %parallel_loop3A_147 : i32 to index
      %parallel_loop3A_149 = tpu.vector_load %arg16[%parallel_loop3A_148] {strides = array<i32>} : memref<65536xf32, #tpu.memory_space<vmem>>, vector<16xf32>,
      tpu.vector_store %arg16[%parallel_loop3A_148], %parallel_loop3A_141 {strides = array<i32>} : memref<65536xf32, #tpu.memory_space<vmem>>, vector<16xf32>,
      %parallel_loop3A_150 = vector.extract_strided_slice %parallel_loop3A_121 {offsets = [1], sizes = [1], strides = [1]} : vector<16xi32> to vector<1xi32>
      %parallel_loop3A_151 = vector.extract %parallel_loop3A_150[0] : i32 from vector<1xi32>
      %parallel_loop3A_152 = arith.constant 0 : i32
      %parallel_loop3A_153 = arith.addi %parallel_loop3A_151, %parallel_loop3A_152 : i32
      %parallel_loop3A_154 = tpu.assume_multiple %parallel_loop3A_153, 16 : i32
      %parallel_loop3A_155 = arith.index_cast %parallel_loop3A_154 : i32 to index
      %parallel_loop3A_156 = tpu.vector_load %arg12[%parallel_loop3A_155] {strides = array<i32>} : memref<96xf32, #tpu.memory_space<vmem>>, vector<16xf32>,
      %parallel_loop3A_157 = arith.constant 128 : i32
      %parallel_loop3A_158 = arith.addi %parallel_loop3A_113, %parallel_loop3A_157 : i32
      %parallel_loop3A_159 = arith.constant 0 : i32
      %parallel_loop3A_160 = arith.addi %parallel_loop3A_158, %parallel_loop3A_159 : i32
      %parallel_loop3A_161 = arith.constant 0 : i32
      %parallel_loop3A_162 = arith.addi %parallel_loop3A_160, %parallel_loop3A_161 : i32
      %parallel_loop3A_163 = arith.index_cast %parallel_loop3A_162 : i32 to index
      %parallel_loop3A_164 = tpu.vector_load %arg16[%parallel_loop3A_163] {strides = array<i32>} : memref<65536xf32, #tpu.memory_space<vmem>>, vector<16xf32>,
      tpu.vector_store %arg16[%parallel_loop3A_163], %parallel_loop3A_156 {strides = array<i32>} : memref<65536xf32, #tpu.memory_space<vmem>>, vector<16xf32>,
      %parallel_loop3A_165 = arith.constant 16 : i32
      %parallel_loop3A_166 = arith.addi %parallel_loop3A_151, %parallel_loop3A_165 : i32
      %parallel_loop3A_167 = tpu.assume_multiple %parallel_loop3A_166, 16 : i32
      %parallel_loop3A_168 = arith.index_cast %parallel_loop3A_167 : i32 to index
      %parallel_loop3A_169 = tpu.vector_load %arg12[%parallel_loop3A_168] {strides = array<i32>} : memref<96xf32, #tpu.memory_space<vmem>>, vector<16xf32>,
      %parallel_loop3A_170 = arith.constant 128 : i32
      %parallel_loop3A_171 = arith.addi %parallel_loop3A_113, %parallel_loop3A_170 : i32
      %parallel_loop3A_172 = arith.constant 0 : i32
      %parallel_loop3A_173 = arith.addi %parallel_loop3A_171, %parallel_loop3A_172 : i32
      %parallel_loop3A_174 = arith.constant 16 : i32
      %parallel_loop3A_175 = arith.addi %parallel_loop3A_173, %parallel_loop3A_174 : i32
      %parallel_loop3A_176 = arith.index_cast %parallel_loop3A_175 : i32 to index
      %parallel_loop3A_177 = tpu.vector_load %arg16[%parallel_loop3A_176] {strides = array<i32>} : memref<65536xf32, #tpu.memory_space<vmem>>, vector<16xf32>,
      tpu.vector_store %arg16[%parallel_loop3A_176], %parallel_loop3A_169 {strides = array<i32>} : memref<65536xf32, #tpu.memory_space<vmem>>, vector<16xf32>,
      %parallel_loop3A_178 = vector.extract_strided_slice %parallel_loop3A_121 {offsets = [2], sizes = [1], strides = [1]} : vector<16xi32> to vector<1xi32>
      %parallel_loop3A_179 = vector.extract %parallel_loop3A_178[0] : i32 from vector<1xi32>
      %parallel_loop3A_180 = arith.constant 0 : i32
      %parallel_loop3A_181 = arith.addi %parallel_loop3A_179, %parallel_loop3A_180 : i32
      %parallel_loop3A_182 = tpu.assume_multiple %parallel_loop3A_181, 16 : i32
      %parallel_loop3A_183 = arith.index_cast %parallel_loop3A_182 : i32 to index
      %parallel_loop3A_184 = tpu.vector_load %arg12[%parallel_loop3A_183] {strides = array<i32>} : memref<96xf32, #tpu.memory_space<vmem>>, vector<16xf32>,
      %parallel_loop3A_185 = arith.constant 256 : i32
      %parallel_loop3A_186 = arith.addi %parallel_loop3A_113, %parallel_loop3A_185 : i32
      %parallel_loop3A_187 = arith.constant 0 : i32
      %parallel_loop3A_188 = arith.addi %parallel_loop3A_186, %parallel_loop3A_187 : i32
      %parallel_loop3A_189 = arith.constant 0 : i32
      %parallel_loop3A_190 = arith.addi %parallel_loop3A_188, %parallel_loop3A_189 : i32
      %parallel_loop3A_191 = arith.index_cast %parallel_loop3A_190 : i32 to index
      %parallel_loop3A_192 = tpu.vector_load %arg16[%parallel_loop3A_191] {strides = array<i32>} : memref<65536xf32, #tpu.memory_space<vmem>>, vector<16xf32>,
      tpu.vector_store %arg16[%parallel_loop3A_191], %parallel_loop3A_184 {strides = array<i32>} : memref<65536xf32, #tpu.memory_space<vmem>>, vector<16xf32>,
      %parallel_loop3A_193 = arith.constant 16 : i32
      %parallel_loop3A_194 = arith.addi %parallel_loop3A_179, %parallel_loop3A_193 : i32
      %parallel_loop3A_195 = tpu.assume_multiple %parallel_loop3A_194, 16 : i32
      %parallel_loop3A_196 = arith.index_cast %parallel_loop3A_195 : i32 to index
      %parallel_loop3A_197 = tpu.vector_load %arg12[%parallel_loop3A_196] {strides = array<i32>} : memref<96xf32, #tpu.memory_space<vmem>>, vector<16xf32>,
      %parallel_loop3A_198 = arith.constant 256 : i32
      %parallel_loop3A_199 = arith.addi %parallel_loop3A_113, %parallel_loop3A_198 : i32
      %parallel_loop3A_200 = arith.constant 0 : i32
      %parallel_loop3A_201 = arith.addi %parallel_loop3A_199, %parallel_loop3A_200 : i32
      %parallel_loop3A_202 = arith.constant 16 : i32
      %parallel_loop3A_203 = arith.addi %parallel_loop3A_201, %parallel_loop3A_202 : i32
      %parallel_loop3A_204 = arith.index_cast %parallel_loop3A_203 : i32 to index
      %parallel_loop3A_205 = tpu.vector_load %arg16[%parallel_loop3A_204] {strides = array<i32>} : memref<65536xf32, #tpu.memory_space<vmem>>, vector<16xf32>,
      tpu.vector_store %arg16[%parallel_loop3A_204], %parallel_loop3A_197 {strides = array<i32>} : memref<65536xf32, #tpu.memory_space<vmem>>, vector<16xf32>,
      %parallel_loop3A_206 = vector.extract_strided_slice %parallel_loop3A_121 {offsets = [3], sizes = [1], strides = [1]} : vector<16xi32> to vector<1xi32>
      %parallel_loop3A_207 = vector.extract %parallel_loop3A_206[0] : i32 from vector<1xi32>
      %parallel_loop3A_208 = arith.constant 0 : i32
      %parallel_loop3A_209 = arith.addi %parallel_loop3A_207, %parallel_loop3A_208 : i32
      %parallel_loop3A_210 = tpu.assume_multiple %parallel_loop3A_209, 16 : i32
      %parallel_loop3A_211 = arith.index_cast %parallel_loop3A_210 : i32 to index
      %parallel_loop3A_212 = tpu.vector_load %arg12[%parallel_loop3A_211] {strides = array<i32>} : memref<96xf32, #tpu.memory_space<vmem>>, vector<16xf32>,
      %parallel_loop3A_213 = arith.constant 384 : i32
      %parallel_loop3A_214 = arith.addi %parallel_loop3A_113, %parallel_loop3A_213 : i32
      %parallel_loop3A_215 = arith.constant 0 : i32
      %parallel_loop3A_216 = arith.addi %parallel_loop3A_214, %parallel_loop3A_215 : i32
      %parallel_loop3A_217 = arith.constant 0 : i32
      %parallel_loop3A_218 = arith.addi %parallel_loop3A_216, %parallel_loop3A_217 : i32
      %parallel_loop3A_219 = arith.index_cast %parallel_loop3A_218 : i32 to index
      %parallel_loop3A_220 = tpu.vector_load %arg16[%parallel_loop3A_219] {strides = array<i32>} : memref<65536xf32, #tpu.memory_space<vmem>>, vector<16xf32>,
      tpu.vector_store %arg16[%parallel_loop3A_219], %parallel_loop3A_212 {strides = array<i32>} : memref<65536xf32, #tpu.memory_space<vmem>>, vector<16xf32>,
      %parallel_loop3A_221 = arith.constant 16 : i32
      %parallel_loop3A_222 = arith.addi %parallel_loop3A_207, %parallel_loop3A_221 : i32
      %parallel_loop3A_223 = tpu.assume_multiple %parallel_loop3A_222, 16 : i32
      %parallel_loop3A_224 = arith.index_cast %parallel_loop3A_223 : i32 to index
      %parallel_loop3A_225 = tpu.vector_load %arg12[%parallel_loop3A_224] {strides = array<i32>} : memref<96xf32, #tpu.memory_space<vmem>>, vector<16xf32>,
      %parallel_loop3A_226 = arith.constant 384 : i32
      %parallel_loop3A_227 = arith.addi %parallel_loop3A_113, %parallel_loop3A_226 : i32
      %parallel_loop3A_228 = arith.constant 0 : i32
      %parallel_loop3A_229 = arith.addi %parallel_loop3A_227, %parallel_loop3A_228 : i32
      %parallel_loop3A_230 = arith.constant 16 : i32
      %parallel_loop3A_231 = arith.addi %parallel_loop3A_229, %parallel_loop3A_230 : i32
      %parallel_loop3A_232 = arith.index_cast %parallel_loop3A_231 : i32 to index
      %parallel_loop3A_233 = tpu.vector_load %arg16[%parallel_loop3A_232] {strides = array<i32>} : memref<65536xf32, #tpu.memory_space<vmem>>, vector<16xf32>,
      tpu.vector_store %arg16[%parallel_loop3A_232], %parallel_loop3A_225 {strides = array<i32>} : memref<65536xf32, #tpu.memory_space<vmem>>, vector<16xf32>,
      %parallel_loop3A_234 = vector.extract_strided_slice %parallel_loop3A_121 {offsets = [4], sizes = [1], strides = [1]} : vector<16xi32> to vector<1xi32>
      %parallel_loop3A_235 = vector.extract %parallel_loop3A_234[0] : i32 from vector<1xi32>
      %parallel_loop3A_236 = arith.constant 0 : i32
      %parallel_loop3A_237 = arith.addi %parallel_loop3A_235, %parallel_loop3A_236 : i32
      %parallel_loop3A_238 = tpu.assume_multiple %parallel_loop3A_237, 16 : i32
      %parallel_loop3A_239 = arith.index_cast %parallel_loop3A_238 : i32 to index
      %parallel_loop3A_240 = tpu.vector_load %arg12[%parallel_loop3A_239] {strides = array<i32>} : memref<96xf32, #tpu.memory_space<vmem>>, vector<16xf32>,
      %parallel_loop3A_241 = arith.constant 512 : i32
      %parallel_loop3A_242 = arith.addi %parallel_loop3A_113, %parallel_loop3A_241 : i32
      %parallel_loop3A_243 = arith.constant 0 : i32
      %parallel_loop3A_244 = arith.addi %parallel_loop3A_242, %parallel_loop3A_243 : i32
      %parallel_loop3A_245 = arith.constant 0 : i32
      %parallel_loop3A_246 = arith.addi %parallel_loop3A_244, %parallel_loop3A_245 : i32
      %parallel_loop3A_247 = arith.index_cast %parallel_loop3A_246 : i32 to index
      %parallel_loop3A_248 = tpu.vector_load %arg16[%parallel_loop3A_247] {strides = array<i32>} : memref<65536xf32, #tpu.memory_space<vmem>>, vector<16xf32>,
      tpu.vector_store %arg16[%parallel_loop3A_247], %parallel_loop3A_240 {strides = array<i32>} : memref<65536xf32, #tpu.memory_space<vmem>>, vector<16xf32>,
      %parallel_loop3A_249 = arith.constant 16 : i32
      %parallel_loop3A_250 = arith.addi %parallel_loop3A_235, %parallel_loop3A_249 : i32
      %parallel_loop3A_251 = tpu.assume_multiple %parallel_loop3A_250, 16 : i32
      %parallel_loop3A_252 = arith.index_cast %parallel_loop3A_251 : i32 to index
      %parallel_loop3A_253 = tpu.vector_load %arg12[%parallel_loop3A_252] {strides = array<i32>} : memref<96xf32, #tpu.memory_space<vmem>>, vector<16xf32>,
      %parallel_loop3A_254 = arith.constant 512 : i32
      %parallel_loop3A_255 = arith.addi %parallel_loop3A_113, %parallel_loop3A_254 : i32
      %parallel_loop3A_256 = arith.constant 0 : i32
      %parallel_loop3A_257 = arith.addi %parallel_loop3A_255, %parallel_loop3A_256 : i32
      %parallel_loop3A_258 = arith.constant 16 : i32
      %parallel_loop3A_259 = arith.addi %parallel_loop3A_257, %parallel_loop3A_258 : i32
      %parallel_loop3A_260 = arith.index_cast %parallel_loop3A_259 : i32 to index
      %parallel_loop3A_261 = tpu.vector_load %arg16[%parallel_loop3A_260] {strides = array<i32>} : memref<65536xf32, #tpu.memory_space<vmem>>, vector<16xf32>,
      tpu.vector_store %arg16[%parallel_loop3A_260], %parallel_loop3A_253 {strides = array<i32>} : memref<65536xf32, #tpu.memory_space<vmem>>, vector<16xf32>,
      %parallel_loop3A_262 = vector.extract_strided_slice %parallel_loop3A_121 {offsets = [5], sizes = [1], strides = [1]} : vector<16xi32> to vector<1xi32>
      %parallel_loop3A_263 = vector.extract %parallel_loop3A_262[0] : i32 from vector<1xi32>
      %parallel_loop3A_264 = arith.constant 0 : i32
      %parallel_loop3A_265 = arith.addi %parallel_loop3A_263, %parallel_loop3A_264 : i32
      %parallel_loop3A_266 = tpu.assume_multiple %parallel_loop3A_265, 16 : i32
      %parallel_loop3A_267 = arith.index_cast %parallel_loop3A_266 : i32 to index
      %parallel_loop3A_268 = tpu.vector_load %arg12[%parallel_loop3A_267] {strides = array<i32>} : memref<96xf32, #tpu.memory_space<vmem>>, vector<16xf32>,
      %parallel_loop3A_269 = arith.constant 640 : i32
      %parallel_loop3A_270 = arith.addi %parallel_loop3A_113, %parallel_loop3A_269 : i32
      %parallel_loop3A_271 = arith.constant 0 : i32
      %parallel_loop3A_272 = arith.addi %parallel_loop3A_270, %parallel_loop3A_271 : i32
      %parallel_loop3A_273 = arith.constant 0 : i32
      %parallel_loop3A_274 = arith.addi %parallel_loop3A_272, %parallel_loop3A_273 : i32
      %parallel_loop3A_275 = arith.index_cast %parallel_loop3A_274 : i32 to index
      %parallel_loop3A_276 = tpu.vector_load %arg16[%parallel_loop3A_275] {strides = array<i32>} : memref<65536xf32, #tpu.memory_space<vmem>>, vector<16xf32>,
      tpu.vector_store %arg16[%parallel_loop3A_275], %parallel_loop3A_268 {strides = array<i32>} : memref<65536xf32, #tpu.memory_space<vmem>>, vector<16xf32>,
      %parallel_loop3A_277 = arith.constant 16 : i32
      %parallel_loop3A_278 = arith.addi %parallel_loop3A_263, %parallel_loop3A_277 : i32
      %parallel_loop3A_279 = tpu.assume_multiple %parallel_loop3A_278, 16 : i32
      %parallel_loop3A_280 = arith.index_cast %parallel_loop3A_279 : i32 to index
      %parallel_loop3A_281 = tpu.vector_load %arg12[%parallel_loop3A_280] {strides = array<i32>} : memref<96xf32, #tpu.memory_space<vmem>>, vector<16xf32>,
      %parallel_loop3A_282 = arith.constant 640 : i32
      %parallel_loop3A_283 = arith.addi %parallel_loop3A_113, %parallel_loop3A_282 : i32
      %parallel_loop3A_284 = arith.constant 0 : i32
      %parallel_loop3A_285 = arith.addi %parallel_loop3A_283, %parallel_loop3A_284 : i32
      %parallel_loop3A_286 = arith.constant 16 : i32
      %parallel_loop3A_287 = arith.addi %parallel_loop3A_285, %parallel_loop3A_286 : i32
      %parallel_loop3A_288 = arith.index_cast %parallel_loop3A_287 : i32 to index
      %parallel_loop3A_289 = tpu.vector_load %arg16[%parallel_loop3A_288] {strides = array<i32>} : memref<65536xf32, #tpu.memory_space<vmem>>, vector<16xf32>,
      tpu.vector_store %arg16[%parallel_loop3A_288], %parallel_loop3A_281 {strides = array<i32>} : memref<65536xf32, #tpu.memory_space<vmem>>, vector<16xf32>,
      %parallel_loop3A_290 = vector.extract_strided_slice %parallel_loop3A_121 {offsets = [6], sizes = [1], strides = [1]} : vector<16xi32> to vector<1xi32>
      %parallel_loop3A_291 = vector.extract %parallel_loop3A_290[0] : i32 from vector<1xi32>
      %parallel_loop3A_292 = arith.constant 0 : i32
      %parallel_loop3A_293 = arith.addi %parallel_loop3A_291, %parallel_loop3A_292 : i32
      %parallel_loop3A_294 = tpu.assume_multiple %parallel_loop3A_293, 16 : i32
      %parallel_loop3A_295 = arith.index_cast %parallel_loop3A_294 : i32 to index
      %parallel_loop3A_296 = tpu.vector_load %arg12[%parallel_loop3A_295] {strides = array<i32>} : memref<96xf32, #tpu.memory_space<vmem>>, vector<16xf32>,
      %parallel_loop3A_297 = arith.constant 768 : i32
      %parallel_loop3A_298 = arith.addi %parallel_loop3A_113, %parallel_loop3A_297 : i32
      %parallel_loop3A_299 = arith.constant 0 : i32
      %parallel_loop3A_300 = arith.addi %parallel_loop3A_298, %parallel_loop3A_299 : i32
      %parallel_loop3A_301 = arith.constant 0 : i32
      %parallel_loop3A_302 = arith.addi %parallel_loop3A_300, %parallel_loop3A_301 : i32
      %parallel_loop3A_303 = arith.index_cast %parallel_loop3A_302 : i32 to index
      %parallel_loop3A_304 = tpu.vector_load %arg16[%parallel_loop3A_303] {strides = array<i32>} : memref<65536xf32, #tpu.memory_space<vmem>>, vector<16xf32>,
      tpu.vector_store %arg16[%parallel_loop3A_303], %parallel_loop3A_296 {strides = array<i32>} : memref<65536xf32, #tpu.memory_space<vmem>>, vector<16xf32>,
      %parallel_loop3A_305 = arith.constant 16 : i32
      %parallel_loop3A_306 = arith.addi %parallel_loop3A_291, %parallel_loop3A_305 : i32
      %parallel_loop3A_307 = tpu.assume_multiple %parallel_loop3A_306, 16 : i32
      %parallel_loop3A_308 = arith.index_cast %parallel_loop3A_307 : i32 to index
      %parallel_loop3A_309 = tpu.vector_load %arg12[%parallel_loop3A_308] {strides = array<i32>} : memref<96xf32, #tpu.memory_space<vmem>>, vector<16xf32>,
      %parallel_loop3A_310 = arith.constant 768 : i32
      %parallel_loop3A_311 = arith.addi %parallel_loop3A_113, %parallel_loop3A_310 : i32
      %parallel_loop3A_312 = arith.constant 0 : i32
      %parallel_loop3A_313 = arith.addi %parallel_loop3A_311, %parallel_loop3A_312 : i32
      %parallel_loop3A_314 = arith.constant 16 : i32
      %parallel_loop3A_315 = arith.addi %parallel_loop3A_313, %parallel_loop3A_314 : i32
      %parallel_loop3A_316 = arith.index_cast %parallel_loop3A_315 : i32 to index
      %parallel_loop3A_317 = tpu.vector_load %arg16[%parallel_loop3A_316] {strides = array<i32>} : memref<65536xf32, #tpu.memory_space<vmem>>, vector<16xf32>,
      tpu.vector_store %arg16[%parallel_loop3A_316], %parallel_loop3A_309 {strides = array<i32>} : memref<65536xf32, #tpu.memory_space<vmem>>, vector<16xf32>,
      %parallel_loop3A_318 = vector.extract_strided_slice %parallel_loop3A_121 {offsets = [7], sizes = [1], strides = [1]} : vector<16xi32> to vector<1xi32>
      %parallel_loop3A_319 = vector.extract %parallel_loop3A_318[0] : i32 from vector<1xi32>
      %parallel_loop3A_320 = arith.constant 0 : i32
      %parallel_loop3A_321 = arith.addi %parallel_loop3A_319, %parallel_loop3A_320 : i32
      %parallel_loop3A_322 = tpu.assume_multiple %parallel_loop3A_321, 16 : i32
      %parallel_loop3A_323 = arith.index_cast %parallel_loop3A_322 : i32 to index
      %parallel_loop3A_324 = tpu.vector_load %arg12[%parallel_loop3A_323] {strides = array<i32>} : memref<96xf32, #tpu.memory_space<vmem>>, vector<16xf32>,
      %parallel_loop3A_325 = arith.constant 896 : i32
      %parallel_loop3A_326 = arith.addi %parallel_loop3A_113, %parallel_loop3A_325 : i32
      %parallel_loop3A_327 = arith.constant 0 : i32
      %parallel_loop3A_328 = arith.addi %parallel_loop3A_326, %parallel_loop3A_327 : i32
      %parallel_loop3A_329 = arith.constant 0 : i32
      %parallel_loop3A_330 = arith.addi %parallel_loop3A_328, %parallel_loop3A_329 : i32
      %parallel_loop3A_331 = arith.index_cast %parallel_loop3A_330 : i32 to index
      %parallel_loop3A_332 = tpu.vector_load %arg16[%parallel_loop3A_331] {strides = array<i32>} : memref<65536xf32, #tpu.memory_space<vmem>>, vector<16xf32>,
      tpu.vector_store %arg16[%parallel_loop3A_331], %parallel_loop3A_324 {strides = array<i32>} : memref<65536xf32, #tpu.memory_space<vmem>>, vector<16xf32>,
      %parallel_loop3A_333 = arith.constant 16 : i32
      %parallel_loop3A_334 = arith.addi %parallel_loop3A_319, %parallel_loop3A_333 : i32
      %parallel_loop3A_335 = tpu.assume_multiple %parallel_loop3A_334, 16 : i32
      %parallel_loop3A_336 = arith.index_cast %parallel_loop3A_335 : i32 to index
      %parallel_loop3A_337 = tpu.vector_load %arg12[%parallel_loop3A_336] {strides = array<i32>} : memref<96xf32, #tpu.memory_space<vmem>>, vector<16xf32>,
      %parallel_loop3A_338 = arith.constant 896 : i32
      %parallel_loop3A_339 = arith.addi %parallel_loop3A_113, %parallel_loop3A_338 : i32
      %parallel_loop3A_340 = arith.constant 0 : i32
      %parallel_loop3A_341 = arith.addi %parallel_loop3A_339, %parallel_loop3A_340 : i32
      %parallel_loop3A_342 = arith.constant 16 : i32
      %parallel_loop3A_343 = arith.addi %parallel_loop3A_341, %parallel_loop3A_342 : i32
      %parallel_loop3A_344 = arith.index_cast %parallel_loop3A_343 : i32 to index
      %parallel_loop3A_345 = tpu.vector_load %arg16[%parallel_loop3A_344] {strides = array<i32>} : memref<65536xf32, #tpu.memory_space<vmem>>, vector<16xf32>,
      tpu.vector_store %arg16[%parallel_loop3A_344], %parallel_loop3A_337 {strides = array<i32>} : memref<65536xf32, #tpu.memory_space<vmem>>, vector<16xf32>,
      %parallel_loop3A_346 = vector.extract_strided_slice %parallel_loop3A_121 {offsets = [8], sizes = [1], strides = [1]} : vector<16xi32> to vector<1xi32>
      %parallel_loop3A_347 = vector.extract %parallel_loop3A_346[0] : i32 from vector<1xi32>
      %parallel_loop3A_348 = arith.constant 0 : i32
      %parallel_loop3A_349 = arith.addi %parallel_loop3A_347, %parallel_loop3A_348 : i32
      %parallel_loop3A_350 = tpu.assume_multiple %parallel_loop3A_349, 16 : i32
      %parallel_loop3A_351 = arith.index_cast %parallel_loop3A_350 : i32 to index
      %parallel_loop3A_352 = tpu.vector_load %arg12[%parallel_loop3A_351] {strides = array<i32>} : memref<96xf32, #tpu.memory_space<vmem>>, vector<16xf32>,
      %parallel_loop3A_353 = arith.constant 1024 : i32
      %parallel_loop3A_354 = arith.addi %parallel_loop3A_113, %parallel_loop3A_353 : i32
      %parallel_loop3A_355 = arith.constant 0 : i32
      %parallel_loop3A_356 = arith.addi %parallel_loop3A_354, %parallel_loop3A_355 : i32
      %parallel_loop3A_357 = arith.constant 0 : i32
      %parallel_loop3A_358 = arith.addi %parallel_loop3A_356, %parallel_loop3A_357 : i32
      %parallel_loop3A_359 = arith.index_cast %parallel_loop3A_358 : i32 to index
      %parallel_loop3A_360 = tpu.vector_load %arg16[%parallel_loop3A_359] {strides = array<i32>} : memref<65536xf32, #tpu.memory_space<vmem>>, vector<16xf32>,
      tpu.vector_store %arg16[%parallel_loop3A_359], %parallel_loop3A_352 {strides = array<i32>} : memref<65536xf32, #tpu.memory_space<vmem>>, vector<16xf32>,
      %parallel_loop3A_361 = arith.constant 16 : i32
      %parallel_loop3A_362 = arith.addi %parallel_loop3A_347, %parallel_loop3A_361 : i32
      %parallel_loop3A_363 = tpu.assume_multiple %parallel_loop3A_362, 16 : i32
      %parallel_loop3A_364 = arith.index_cast %parallel_loop3A_363 : i32 to index
      %parallel_loop3A_365 = tpu.vector_load %arg12[%parallel_loop3A_364] {strides = array<i32>} : memref<96xf32, #tpu.memory_space<vmem>>, vector<16xf32>,
      %parallel_loop3A_366 = arith.constant 1024 : i32
      %parallel_loop3A_367 = arith.addi %parallel_loop3A_113, %parallel_loop3A_366 : i32
      %parallel_loop3A_368 = arith.constant 0 : i32
      %parallel_loop3A_369 = arith.addi %parallel_loop3A_367, %parallel_loop3A_368 : i32
      %parallel_loop3A_370 = arith.constant 16 : i32
      %parallel_loop3A_371 = arith.addi %parallel_loop3A_369, %parallel_loop3A_370 : i32
      %parallel_loop3A_372 = arith.index_cast %parallel_loop3A_371 : i32 to index
      %parallel_loop3A_373 = tpu.vector_load %arg16[%parallel_loop3A_372] {strides = array<i32>} : memref<65536xf32, #tpu.memory_space<vmem>>, vector<16xf32>,
      tpu.vector_store %arg16[%parallel_loop3A_372], %parallel_loop3A_365 {strides = array<i32>} : memref<65536xf32, #tpu.memory_space<vmem>>, vector<16xf32>,
      %parallel_loop3A_374 = vector.extract_strided_slice %parallel_loop3A_121 {offsets = [9], sizes = [1], strides = [1]} : vector<16xi32> to vector<1xi32>
      %parallel_loop3A_375 = vector.extract %parallel_loop3A_374[0] : i32 from vector<1xi32>
      %parallel_loop3A_376 = arith.constant 0 : i32
      %parallel_loop3A_377 = arith.addi %parallel_loop3A_375, %parallel_loop3A_376 : i32
      %parallel_loop3A_378 = tpu.assume_multiple %parallel_loop3A_377, 16 : i32
      %parallel_loop3A_379 = arith.index_cast %parallel_loop3A_378 : i32 to index
      %parallel_loop3A_380 = tpu.vector_load %arg12[%parallel_loop3A_379] {strides = array<i32>} : memref<96xf32, #tpu.memory_space<vmem>>, vector<16xf32>,
      %parallel_loop3A_381 = arith.constant 1152 : i32
      %parallel_loop3A_382 = arith.addi %parallel_loop3A_113, %parallel_loop3A_381 : i32
      %parallel_loop3A_383 = arith.constant 0 : i32
      %parallel_loop3A_384 = arith.addi %parallel_loop3A_382, %parallel_loop3A_383 : i32
      %parallel_loop3A_385 = arith.constant 0 : i32
      %parallel_loop3A_386 = arith.addi %parallel_loop3A_384, %parallel_loop3A_385 : i32
      %parallel_loop3A_387 = arith.index_cast %parallel_loop3A_386 : i32 to index
      %parallel_loop3A_388 = tpu.vector_load %arg16[%parallel_loop3A_387] {strides = array<i32>} : memref<65536xf32, #tpu.memory_space<vmem>>, vector<16xf32>,
      tpu.vector_store %arg16[%parallel_loop3A_387], %parallel_loop3A_380 {strides = array<i32>} : memref<65536xf32, #tpu.memory_space<vmem>>, vector<16xf32>,
      %parallel_loop3A_389 = arith.constant 16 : i32
      %parallel_loop3A_390 = arith.addi %parallel_loop3A_375, %parallel_loop3A_389 : i32
      %parallel_loop3A_391 = tpu.assume_multiple %parallel_loop3A_390, 16 : i32
      %parallel_loop3A_392 = arith.index_cast %parallel_loop3A_391 : i32 to index
      %parallel_loop3A_393 = tpu.vector_load %arg12[%parallel_loop3A_392] {strides = array<i32>} : memref<96xf32, #tpu.memory_space<vmem>>, vector<16xf32>,
      %parallel_loop3A_394 = arith.constant 1152 : i32
      %parallel_loop3A_395 = arith.addi %parallel_loop3A_113, %parallel_loop3A_394 : i32
      %parallel_loop3A_396 = arith.constant 0 : i32
      %parallel_loop3A_397 = arith.addi %parallel_loop3A_395, %parallel_loop3A_396 : i32
      %parallel_loop3A_398 = arith.constant 16 : i32
      %parallel_loop3A_399 = arith.addi %parallel_loop3A_397, %parallel_loop3A_398 : i32
      %parallel_loop3A_400 = arith.index_cast %parallel_loop3A_399 : i32 to index
      %parallel_loop3A_401 = tpu.vector_load %arg16[%parallel_loop3A_400] {strides = array<i32>} : memref<65536xf32, #tpu.memory_space<vmem>>, vector<16xf32>,
      tpu.vector_store %arg16[%parallel_loop3A_400], %parallel_loop3A_393 {strides = array<i32>} : memref<65536xf32, #tpu.memory_space<vmem>>, vector<16xf32>,
      %parallel_loop3A_402 = vector.extract_strided_slice %parallel_loop3A_121 {offsets = [10], sizes = [1], strides = [1]} : vector<16xi32> to vector<1xi32>
      %parallel_loop3A_403 = vector.extract %parallel_loop3A_402[0] : i32 from vector<1xi32>
      %parallel_loop3A_404 = arith.constant 0 : i32
      %parallel_loop3A_405 = arith.addi %parallel_loop3A_403, %parallel_loop3A_404 : i32
      %parallel_loop3A_406 = tpu.assume_multiple %parallel_loop3A_405, 16 : i32
      %parallel_loop3A_407 = arith.index_cast %parallel_loop3A_406 : i32 to index
      %parallel_loop3A_408 = tpu.vector_load %arg12[%parallel_loop3A_407] {strides = array<i32>} : memref<96xf32, #tpu.memory_space<vmem>>, vector<16xf32>,
      %parallel_loop3A_409 = arith.constant 1280 : i32
      %parallel_loop3A_410 = arith.addi %parallel_loop3A_113, %parallel_loop3A_409 : i32
      %parallel_loop3A_411 = arith.constant 0 : i32
      %parallel_loop3A_412 = arith.addi %parallel_loop3A_410, %parallel_loop3A_411 : i32
      %parallel_loop3A_413 = arith.constant 0 : i32
      %parallel_loop3A_414 = arith.addi %parallel_loop3A_412, %parallel_loop3A_413 : i32
      %parallel_loop3A_415 = arith.index_cast %parallel_loop3A_414 : i32 to index
      %parallel_loop3A_416 = tpu.vector_load %arg16[%parallel_loop3A_415] {strides = array<i32>} : memref<65536xf32, #tpu.memory_space<vmem>>, vector<16xf32>,
      tpu.vector_store %arg16[%parallel_loop3A_415], %parallel_loop3A_408 {strides = array<i32>} : memref<65536xf32, #tpu.memory_space<vmem>>, vector<16xf32>,
      %parallel_loop3A_417 = arith.constant 16 : i32
      %parallel_loop3A_418 = arith.addi %parallel_loop3A_403, %parallel_loop3A_417 : i32
      %parallel_loop3A_419 = tpu.assume_multiple %parallel_loop3A_418, 16 : i32
      %parallel_loop3A_420 = arith.index_cast %parallel_loop3A_419 : i32 to index
      %parallel_loop3A_421 = tpu.vector_load %arg12[%parallel_loop3A_420] {strides = array<i32>} : memref<96xf32, #tpu.memory_space<vmem>>, vector<16xf32>,
      %parallel_loop3A_422 = arith.constant 1280 : i32
      %parallel_loop3A_423 = arith.addi %parallel_loop3A_113, %parallel_loop3A_422 : i32
      %parallel_loop3A_424 = arith.constant 0 : i32
      %parallel_loop3A_425 = arith.addi %parallel_loop3A_423, %parallel_loop3A_424 : i32
      %parallel_loop3A_426 = arith.constant 16 : i32
      %parallel_loop3A_427 = arith.addi %parallel_loop3A_425, %parallel_loop3A_426 : i32
      %parallel_loop3A_428 = arith.index_cast %parallel_loop3A_427 : i32 to index
      %parallel_loop3A_429 = tpu.vector_load %arg16[%parallel_loop3A_428] {strides = array<i32>} : memref<65536xf32, #tpu.memory_space<vmem>>, vector<16xf32>,
      tpu.vector_store %arg16[%parallel_loop3A_428], %parallel_loop3A_421 {strides = array<i32>} : memref<65536xf32, #tpu.memory_space<vmem>>, vector<16xf32>,
      %parallel_loop3A_430 = vector.extract_strided_slice %parallel_loop3A_121 {offsets = [11], sizes = [1], strides = [1]} : vector<16xi32> to vector<1xi32>
      %parallel_loop3A_431 = vector.extract %parallel_loop3A_430[0] : i32 from vector<1xi32>
      %parallel_loop3A_432 = arith.constant 0 : i32
      %parallel_loop3A_433 = arith.addi %parallel_loop3A_431, %parallel_loop3A_432 : i32
      %parallel_loop3A_434 = tpu.assume_multiple %parallel_loop3A_433, 16 : i32
      %parallel_loop3A_435 = arith.index_cast %parallel_loop3A_434 : i32 to index
      %parallel_loop3A_436 = tpu.vector_load %arg12[%parallel_loop3A_435] {strides = array<i32>} : memref<96xf32, #tpu.memory_space<vmem>>, vector<16xf32>,
      %parallel_loop3A_437 = arith.constant 1408 : i32
      %parallel_loop3A_438 = arith.addi %parallel_loop3A_113, %parallel_loop3A_437 : i32
      %parallel_loop3A_439 = arith.constant 0 : i32
      %parallel_loop3A_440 = arith.addi %parallel_loop3A_438, %parallel_loop3A_439 : i32
      %parallel_loop3A_441 = arith.constant 0 : i32
      %parallel_loop3A_442 = arith.addi %parallel_loop3A_440, %parallel_loop3A_441 : i32
      %parallel_loop3A_443 = arith.index_cast %parallel_loop3A_442 : i32 to index
      %parallel_loop3A_444 = tpu.vector_load %arg16[%parallel_loop3A_443] {strides = array<i32>} : memref<65536xf32, #tpu.memory_space<vmem>>, vector<16xf32>,
      tpu.vector_store %arg16[%parallel_loop3A_443], %parallel_loop3A_436 {strides = array<i32>} : memref<65536xf32, #tpu.memory_space<vmem>>, vector<16xf32>,
      %parallel_loop3A_445 = arith.constant 16 : i32
      %parallel_loop3A_446 = arith.addi %parallel_loop3A_431, %parallel_loop3A_445 : i32
      %parallel_loop3A_447 = tpu.assume_multiple %parallel_loop3A_446, 16 : i32
      %parallel_loop3A_448 = arith.index_cast %parallel_loop3A_447 : i32 to index
      %parallel_loop3A_449 = tpu.vector_load %arg12[%parallel_loop3A_448] {strides = array<i32>} : memref<96xf32, #tpu.memory_space<vmem>>, vector<16xf32>,
      %parallel_loop3A_450 = arith.constant 1408 : i32
      %parallel_loop3A_451 = arith.addi %parallel_loop3A_113, %parallel_loop3A_450 : i32
      %parallel_loop3A_452 = arith.constant 0 : i32
      %parallel_loop3A_453 = arith.addi %parallel_loop3A_451, %parallel_loop3A_452 : i32
      %parallel_loop3A_454 = arith.constant 16 : i32
      %parallel_loop3A_455 = arith.addi %parallel_loop3A_453, %parallel_loop3A_454 : i32
      %parallel_loop3A_456 = arith.index_cast %parallel_loop3A_455 : i32 to index
      %parallel_loop3A_457 = tpu.vector_load %arg16[%parallel_loop3A_456] {strides = array<i32>} : memref<65536xf32, #tpu.memory_space<vmem>>, vector<16xf32>,
      tpu.vector_store %arg16[%parallel_loop3A_456], %parallel_loop3A_449 {strides = array<i32>} : memref<65536xf32, #tpu.memory_space<vmem>>, vector<16xf32>,
      %parallel_loop3A_458 = vector.extract_strided_slice %parallel_loop3A_121 {offsets = [12], sizes = [1], strides = [1]} : vector<16xi32> to vector<1xi32>
      %parallel_loop3A_459 = vector.extract %parallel_loop3A_458[0] : i32 from vector<1xi32>
      %parallel_loop3A_460 = arith.constant 0 : i32
      %parallel_loop3A_461 = arith.addi %parallel_loop3A_459, %parallel_loop3A_460 : i32
      %parallel_loop3A_462 = tpu.assume_multiple %parallel_loop3A_461, 16 : i32
      %parallel_loop3A_463 = arith.index_cast %parallel_loop3A_462 : i32 to index
      %parallel_loop3A_464 = tpu.vector_load %arg12[%parallel_loop3A_463] {strides = array<i32>} : memref<96xf32, #tpu.memory_space<vmem>>, vector<16xf32>,
      %parallel_loop3A_465 = arith.constant 1536 : i32
      %parallel_loop3A_466 = arith.addi %parallel_loop3A_113, %parallel_loop3A_465 : i32
      %parallel_loop3A_467 = arith.constant 0 : i32
      %parallel_loop3A_468 = arith.addi %parallel_loop3A_466, %parallel_loop3A_467 : i32
      %parallel_loop3A_469 = arith.constant 0 : i32
      %parallel_loop3A_470 = arith.addi %parallel_loop3A_468, %parallel_loop3A_469 : i32
      %parallel_loop3A_471 = arith.index_cast %parallel_loop3A_470 : i32 to index
      %parallel_loop3A_472 = tpu.vector_load %arg16[%parallel_loop3A_471] {strides = array<i32>} : memref<65536xf32, #tpu.memory_space<vmem>>, vector<16xf32>,
      tpu.vector_store %arg16[%parallel_loop3A_471], %parallel_loop3A_464 {strides = array<i32>} : memref<65536xf32, #tpu.memory_space<vmem>>, vector<16xf32>,
      %parallel_loop3A_473 = arith.constant 16 : i32
      %parallel_loop3A_474 = arith.addi %parallel_loop3A_459, %parallel_loop3A_473 : i32
      %parallel_loop3A_475 = tpu.assume_multiple %parallel_loop3A_474, 16 : i32
      %parallel_loop3A_476 = arith.index_cast %parallel_loop3A_475 : i32 to index
      %parallel_loop3A_477 = tpu.vector_load %arg12[%parallel_loop3A_476] {strides = array<i32>} : memref<96xf32, #tpu.memory_space<vmem>>, vector<16xf32>,
      %parallel_loop3A_478 = arith.constant 1536 : i32
      %parallel_loop3A_479 = arith.addi %parallel_loop3A_113, %parallel_loop3A_478 : i32
      %parallel_loop3A_480 = arith.constant 0 : i32
      %parallel_loop3A_481 = arith.addi %parallel_loop3A_479, %parallel_loop3A_480 : i32
      %parallel_loop3A_482 = arith.constant 16 : i32
      %parallel_loop3A_483 = arith.addi %parallel_loop3A_481, %parallel_loop3A_482 : i32
      %parallel_loop3A_484 = arith.index_cast %parallel_loop3A_483 : i32 to index
      %parallel_loop3A_485 = tpu.vector_load %arg16[%parallel_loop3A_484] {strides = array<i32>} : memref<65536xf32, #tpu.memory_space<vmem>>, vector<16xf32>,
      tpu.vector_store %arg16[%parallel_loop3A_484], %parallel_loop3A_477 {strides = array<i32>} : memref<65536xf32, #tpu.memory_space<vmem>>, vector<16xf32>,
      %parallel_loop3A_486 = vector.extract_strided_slice %parallel_loop3A_121 {offsets = [13], sizes = [1], strides = [1]} : vector<16xi32> to vector<1xi32>
      %parallel_loop3A_487 = vector.extract %parallel_loop3A_486[0] : i32 from vector<1xi32>
      %parallel_loop3A_488 = arith.constant 0 : i32
      %parallel_loop3A_489 = arith.addi %parallel_loop3A_487, %parallel_loop3A_488 : i32
      %parallel_loop3A_490 = tpu.assume_multiple %parallel_loop3A_489, 16 : i32
      %parallel_loop3A_491 = arith.index_cast %parallel_loop3A_490 : i32 to index
      %parallel_loop3A_492 = tpu.vector_load %arg12[%parallel_loop3A_491] {strides = array<i32>} : memref<96xf32, #tpu.memory_space<vmem>>, vector<16xf32>,
      %parallel_loop3A_493 = arith.constant 1664 : i32
      %parallel_loop3A_494 = arith.addi %parallel_loop3A_113, %parallel_loop3A_493 : i32
      %parallel_loop3A_495 = arith.constant 0 : i32
      %parallel_loop3A_496 = arith.addi %parallel_loop3A_494, %parallel_loop3A_495 : i32
      %parallel_loop3A_497 = arith.constant 0 : i32
      %parallel_loop3A_498 = arith.addi %parallel_loop3A_496, %parallel_loop3A_497 : i32
      %parallel_loop3A_499 = arith.index_cast %parallel_loop3A_498 : i32 to index
      %parallel_loop3A_500 = tpu.vector_load %arg16[%parallel_loop3A_499] {strides = array<i32>} : memref<65536xf32, #tpu.memory_space<vmem>>, vector<16xf32>,
      tpu.vector_store %arg16[%parallel_loop3A_499], %parallel_loop3A_492 {strides = array<i32>} : memref<65536xf32, #tpu.memory_space<vmem>>, vector<16xf32>,
      %parallel_loop3A_501 = arith.constant 16 : i32
      %parallel_loop3A_502 = arith.addi %parallel_loop3A_487, %parallel_loop3A_501 : i32
      %parallel_loop3A_503 = tpu.assume_multiple %parallel_loop3A_502, 16 : i32
      %parallel_loop3A_504 = arith.index_cast %parallel_loop3A_503 : i32 to index
      %parallel_loop3A_505 = tpu.vector_load %arg12[%parallel_loop3A_504] {strides = array<i32>} : memref<96xf32, #tpu.memory_space<vmem>>, vector<16xf32>,
      %parallel_loop3A_506 = arith.constant 1664 : i32
      %parallel_loop3A_507 = arith.addi %parallel_loop3A_113, %parallel_loop3A_506 : i32
      %parallel_loop3A_508 = arith.constant 0 : i32
      %parallel_loop3A_509 = arith.addi %parallel_loop3A_507, %parallel_loop3A_508 : i32
      %parallel_loop3A_510 = arith.constant 16 : i32
      %parallel_loop3A_511 = arith.addi %parallel_loop3A_509, %parallel_loop3A_510 : i32
      %parallel_loop3A_512 = arith.index_cast %parallel_loop3A_511 : i32 to index
      %parallel_loop3A_513 = tpu.vector_load %arg16[%parallel_loop3A_512] {strides = array<i32>} : memref<65536xf32, #tpu.memory_space<vmem>>, vector<16xf32>,
      tpu.vector_store %arg16[%parallel_loop3A_512], %parallel_loop3A_505 {strides = array<i32>} : memref<65536xf32, #tpu.memory_space<vmem>>, vector<16xf32>,
      %parallel_loop3A_514 = vector.extract_strided_slice %parallel_loop3A_121 {offsets = [14], sizes = [1], strides = [1]} : vector<16xi32> to vector<1xi32>
      %parallel_loop3A_515 = vector.extract %parallel_loop3A_514[0] : i32 from vector<1xi32>
      %parallel_loop3A_516 = arith.constant 0 : i32
      %parallel_loop3A_517 = arith.addi %parallel_loop3A_515, %parallel_loop3A_516 : i32
      %parallel_loop3A_518 = tpu.assume_multiple %parallel_loop3A_517, 16 : i32
      %parallel_loop3A_519 = arith.index_cast %parallel_loop3A_518 : i32 to index
      %parallel_loop3A_520 = tpu.vector_load %arg12[%parallel_loop3A_519] {strides = array<i32>} : memref<96xf32, #tpu.memory_space<vmem>>, vector<16xf32>,
      %parallel_loop3A_521 = arith.constant 1792 : i32
      %parallel_loop3A_522 = arith.addi %parallel_loop3A_113, %parallel_loop3A_521 : i32
      %parallel_loop3A_523 = arith.constant 0 : i32
      %parallel_loop3A_524 = arith.addi %parallel_loop3A_522, %parallel_loop3A_523 : i32
      %parallel_loop3A_525 = arith.constant 0 : i32
      %parallel_loop3A_526 = arith.addi %parallel_loop3A_524, %parallel_loop3A_525 : i32
      %parallel_loop3A_527 = arith.index_cast %parallel_loop3A_526 : i32 to index
      %parallel_loop3A_528 = tpu.vector_load %arg16[%parallel_loop3A_527] {strides = array<i32>} : memref<65536xf32, #tpu.memory_space<vmem>>, vector<16xf32>,
      tpu.vector_store %arg16[%parallel_loop3A_527], %parallel_loop3A_520 {strides = array<i32>} : memref<65536xf32, #tpu.memory_space<vmem>>, vector<16xf32>,
      %parallel_loop3A_529 = arith.constant 16 : i32
      %parallel_loop3A_530 = arith.addi %parallel_loop3A_515, %parallel_loop3A_529 : i32
      %parallel_loop3A_531 = tpu.assume_multiple %parallel_loop3A_530, 16 : i32
      %parallel_loop3A_532 = arith.index_cast %parallel_loop3A_531 : i32 to index
      %parallel_loop3A_533 = tpu.vector_load %arg12[%parallel_loop3A_532] {strides = array<i32>} : memref<96xf32, #tpu.memory_space<vmem>>, vector<16xf32>,
      %parallel_loop3A_534 = arith.constant 1792 : i32
      %parallel_loop3A_535 = arith.addi %parallel_loop3A_113, %parallel_loop3A_534 : i32
      %parallel_loop3A_536 = arith.constant 0 : i32
      %parallel_loop3A_537 = arith.addi %parallel_loop3A_535, %parallel_loop3A_536 : i32
      %parallel_loop3A_538 = arith.constant 16 : i32
      %parallel_loop3A_539 = arith.addi %parallel_loop3A_537, %parallel_loop3A_538 : i32
      %parallel_loop3A_540 = arith.index_cast %parallel_loop3A_539 : i32 to index
      %parallel_loop3A_541 = tpu.vector_load %arg16[%parallel_loop3A_540] {strides = array<i32>} : memref<65536xf32, #tpu.memory_space<vmem>>, vector<16xf32>,
      tpu.vector_store %arg16[%parallel_loop3A_540], %parallel_loop3A_533 {strides = array<i32>} : memref<65536xf32, #tpu.memory_space<vmem>>, vector<16xf32>,
      %parallel_loop3A_542 = vector.extract_strided_slice %parallel_loop3A_121 {offsets = [15], sizes = [1], strides = [1]} : vector<16xi32> to vector<1xi32>
      %parallel_loop3A_543 = vector.extract %parallel_loop3A_542[0] : i32 from vector<1xi32>
      %parallel_loop3A_544 = arith.constant 0 : i32
      %parallel_loop3A_545 = arith.addi %parallel_loop3A_543, %parallel_loop3A_544 : i32
      %parallel_loop3A_546 = tpu.assume_multiple %parallel_loop3A_545, 16 : i32
      %parallel_loop3A_547 = arith.index_cast %parallel_loop3A_546 : i32 to index
      %parallel_loop3A_548 = tpu.vector_load %arg12[%parallel_loop3A_547] {strides = array<i32>} : memref<96xf32, #tpu.memory_space<vmem>>, vector<16xf32>,
      %parallel_loop3A_549 = arith.constant 1920 : i32
      %parallel_loop3A_550 = arith.addi %parallel_loop3A_113, %parallel_loop3A_549 : i32
      %parallel_loop3A_551 = arith.constant 0 : i32
      %parallel_loop3A_552 = arith.addi %parallel_loop3A_550, %parallel_loop3A_551 : i32
      %parallel_loop3A_553 = arith.constant 0 : i32
      %parallel_loop3A_554 = arith.addi %parallel_loop3A_552, %parallel_loop3A_553 : i32
      %parallel_loop3A_555 = arith.index_cast %parallel_loop3A_554 : i32 to index
      %parallel_loop3A_556 = tpu.vector_load %arg16[%parallel_loop3A_555] {strides = array<i32>} : memref<65536xf32, #tpu.memory_space<vmem>>, vector<16xf32>,
      tpu.vector_store %arg16[%parallel_loop3A_555], %parallel_loop3A_548 {strides = array<i32>} : memref<65536xf32, #tpu.memory_space<vmem>>, vector<16xf32>,
      %parallel_loop3A_557 = arith.constant 16 : i32
      %parallel_loop3A_558 = arith.addi %parallel_loop3A_543, %parallel_loop3A_557 : i32
      %parallel_loop3A_559 = tpu.assume_multiple %parallel_loop3A_558, 16 : i32
      %parallel_loop3A_560 = arith.index_cast %parallel_loop3A_559 : i32 to index
      %parallel_loop3A_561 = tpu.vector_load %arg12[%parallel_loop3A_560] {strides = array<i32>} : memref<96xf32, #tpu.memory_space<vmem>>, vector<16xf32>,
      %parallel_loop3A_562 = arith.constant 1920 : i32
      %parallel_loop3A_563 = arith.addi %parallel_loop3A_113, %parallel_loop3A_562 : i32
      %parallel_loop3A_564 = arith.constant 0 : i32
      %parallel_loop3A_565 = arith.addi %parallel_loop3A_563, %parallel_loop3A_564 : i32
      %parallel_loop3A_566 = arith.constant 16 : i32
      %parallel_loop3A_567 = arith.addi %parallel_loop3A_565, %parallel_loop3A_566 : i32
      %parallel_loop3A_568 = arith.index_cast %parallel_loop3A_567 : i32 to index
      %parallel_loop3A_569 = tpu.vector_load %arg16[%parallel_loop3A_568] {strides = array<i32>} : memref<65536xf32, #tpu.memory_space<vmem>>, vector<16xf32>,
      tpu.vector_store %arg16[%parallel_loop3A_568], %parallel_loop3A_561 {strides = array<i32>} : memref<65536xf32, #tpu.memory_space<vmem>>, vector<16xf32>,
    } {sc.loop_unroll_factor = 2 : i64, sc.parallel_access}
    tpu.wait_dma2 semaphore(%arg18 : memref<!tpu.dma_semaphore, #tpu.memory_space<semaphore_mem>>) src(%arg7 : memref<192xf32, #tpu.memory_space<hbm>>) dst(%arg13 : memref<192xf32, #tpu.memory_space<vmem>>)
    %dma_wait3A_61 = arith.constant 4 : i32
    %dma_wait3A_62 = arith.constant 0 : i32
    %dma_wait3A_63 = tpu.memref_slice %arg11[%dma_wait3A_61, %dma_wait3A_62] : memref<16x128xi32, #tpu.memory_space<vmem>> -> memref<4x128xi32, #tpu.memory_space<vmem>>
    %dma_wait3A_64 = arith.constant 0 : i32
    %dma_wait3A_65 = tpu.memref_slice %arg3[%mul3A_15, %dma_wait3A_64] : memref<128x128xi32, #tpu.memory_space<hbm>> -> memref<4x128xi32, #tpu.memory_space<hbm>>
    %dma_wait3A_66 = arith.constant 4 : i32
    %dma_wait3A_67 = arith.constant 0 : i32
    %dma_wait3A_68 = tpu.memref_slice %arg11[%dma_wait3A_66, %dma_wait3A_67] : memref<16x128xi32, #tpu.memory_space<vmem>> -> memref<4x128xi32, #tpu.memory_space<vmem>>
    %dma_wait3A_69 = arith.constant 0 : i32
    %dma_wait3A_70 = tpu.memref_slice %arg3[%mul3A_15, %dma_wait3A_69] : memref<128x128xi32, #tpu.memory_space<hbm>> -> memref<4x128xi32, #tpu.memory_space<hbm>>
    tpu.wait_dma2 semaphore(%arg18 : memref<!tpu.dma_semaphore, #tpu.memory_space<semaphore_mem>>) src(%dma_wait3A_70 : memref<4x128xi32, #tpu.memory_space<hbm>>) dst(%dma_wait3A_68 : memref<4x128xi32, #tpu.memory_space<vmem>>)
    %parallel_loop3A_71 = arith.constant 0 : i32
    %parallel_loop3A_72 = arith.constant 32 : i32
    %parallel_loop3A_73 = arith.constant 1 : i32
    scf.for %parallel_loop3A_102 = %parallel_loop3A_71 to %parallel_loop3A_72 step %parallel_loop3A_73  : i32 {
      %parallel_loop3A_103 = arith.constant 3 : i32
      %parallel_loop3A_104 = arith.shrsi %parallel_loop3A_102, %parallel_loop3A_103 : i32
      %parallel_loop3A_105 = arith.constant 7 : i32
      %parallel_loop3A_106 = arith.andi %parallel_loop3A_102, %parallel_loop3A_105 : i32
      %parallel_loop3A_107 = arith.constant 16 : i32
      %parallel_loop3A_108 = arith.muli %parallel_loop3A_106, %parallel_loop3A_107 : i32
      %parallel_loop3A_109 = arith.constant 16 : i32
      %parallel_loop3A_110 = arith.muli %parallel_loop3A_102, %parallel_loop3A_109 : i32
      %parallel_loop3A_111 = arith.constant 128 : i32
      %parallel_loop3A_112 = arith.muli %parallel_loop3A_110, %parallel_loop3A_111 : i32
      %parallel_loop3A_113 = tpu.assume_multiple %parallel_loop3A_112, 2048 : i32
      %parallel_loop3A_114 = arith.constant 4 : i32
      %parallel_loop3A_115 = arith.addi %parallel_loop3A_114, %parallel_loop3A_104 : i32
      %parallel_loop3A_116 = arith.index_cast %parallel_loop3A_115 : i32 to index
      %parallel_loop3A_117 = arith.index_cast %parallel_loop3A_108 : i32 to index
      %parallel_loop3A_118 = tpu.vector_load %arg11[%parallel_loop3A_116, %parallel_loop3A_117] {strides = array<i32>} : memref<16x128xi32, #tpu.memory_space<vmem>>, vector<16xi32>,
      %parallel_loop3A_119 = arith.constant 32 : i32
      %parallel_loop3A_120 = vector.broadcast %parallel_loop3A_119 : i32 to vector<16xi32>
      %parallel_loop3A_121 = arith.muli %parallel_loop3A_118, %parallel_loop3A_120 : vector<16xi32>
      %parallel_loop3A_122 = vector.extract_strided_slice %parallel_loop3A_121 {offsets = [0], sizes = [1], strides = [1]} : vector<16xi32> to vector<1xi32>
      %parallel_loop3A_123 = vector.extract %parallel_loop3A_122[0] : i32 from vector<1xi32>
      %parallel_loop3A_124 = arith.constant 0 : i32
      %parallel_loop3A_125 = arith.addi %parallel_loop3A_123, %parallel_loop3A_124 : i32
      %parallel_loop3A_126 = tpu.assume_multiple %parallel_loop3A_125, 16 : i32
      %parallel_loop3A_127 = arith.index_cast %parallel_loop3A_126 : i32 to index
      %parallel_loop3A_128 = tpu.vector_load %arg13[%parallel_loop3A_127] {strides = array<i32>} : memref<192xf32, #tpu.memory_space<vmem>>, vector<16xf32>,
      %parallel_loop3A_129 = arith.constant 0 : i32
      %parallel_loop3A_130 = arith.addi %parallel_loop3A_113, %parallel_loop3A_129 : i32
      %parallel_loop3A_131 = arith.constant 32 : i32
      %parallel_loop3A_132 = arith.addi %parallel_loop3A_130, %parallel_loop3A_131 : i32
      %parallel_loop3A_133 = arith.constant 0 : i32
      %parallel_loop3A_134 = arith.addi %parallel_loop3A_132, %parallel_loop3A_133 : i32
      %parallel_loop3A_135 = arith.index_cast %parallel_loop3A_134 : i32 to index
      %parallel_loop3A_136 = tpu.vector_load %arg16[%parallel_loop3A_135] {strides = array<i32>} : memref<65536xf32, #tpu.memory_space<vmem>>, vector<16xf32>,
      tpu.vector_store %arg16[%parallel_loop3A_135], %parallel_loop3A_128 {strides = array<i32>} : memref<65536xf32, #tpu.memory_space<vmem>>, vector<16xf32>,
      %parallel_loop3A_137 = arith.constant 16 : i32
      %parallel_loop3A_138 = arith.addi %parallel_loop3A_123, %parallel_loop3A_137 : i32
      %parallel_loop3A_139 = tpu.assume_multiple %parallel_loop3A_138, 16 : i32
      %parallel_loop3A_140 = arith.index_cast %parallel_loop3A_139 : i32 to index
      %parallel_loop3A_141 = tpu.vector_load %arg13[%parallel_loop3A_140] {strides = array<i32>} : memref<192xf32, #tpu.memory_space<vmem>>, vector<16xf32>,
      %parallel_loop3A_142 = arith.constant 0 : i32
      %parallel_loop3A_143 = arith.addi %parallel_loop3A_113, %parallel_loop3A_142 : i32
      %parallel_loop3A_144 = arith.constant 32 : i32
      %parallel_loop3A_145 = arith.addi %parallel_loop3A_143, %parallel_loop3A_144 : i32
      %parallel_loop3A_146 = arith.constant 16 : i32
      %parallel_loop3A_147 = arith.addi %parallel_loop3A_145, %parallel_loop3A_146 : i32
      %parallel_loop3A_148 = arith.index_cast %parallel_loop3A_147 : i32 to index
      %parallel_loop3A_149 = tpu.vector_load %arg16[%parallel_loop3A_148] {strides = array<i32>} : memref<65536xf32, #tpu.memory_space<vmem>>, vector<16xf32>,
      tpu.vector_store %arg16[%parallel_loop3A_148], %parallel_loop3A_141 {strides = array<i32>} : memref<65536xf32, #tpu.memory_space<vmem>>, vector<16xf32>,
      %parallel_loop3A_150 = vector.extract_strided_slice %parallel_loop3A_121 {offsets = [1], sizes = [1], strides = [1]} : vector<16xi32> to vector<1xi32>
      %parallel_loop3A_151 = vector.extract %parallel_loop3A_150[0] : i32 from vector<1xi32>
      %parallel_loop3A_152 = arith.constant 0 : i32
      %parallel_loop3A_153 = arith.addi %parallel_loop3A_151, %parallel_loop3A_152 : i32
      %parallel_loop3A_154 = tpu.assume_multiple %parallel_loop3A_153, 16 : i32
      %parallel_loop3A_155 = arith.index_cast %parallel_loop3A_154 : i32 to index
      %parallel_loop3A_156 = tpu.vector_load %arg13[%parallel_loop3A_155] {strides = array<i32>} : memref<192xf32, #tpu.memory_space<vmem>>, vector<16xf32>,
      %parallel_loop3A_157 = arith.constant 128 : i32
      %parallel_loop3A_158 = arith.addi %parallel_loop3A_113, %parallel_loop3A_157 : i32
      %parallel_loop3A_159 = arith.constant 32 : i32
      %parallel_loop3A_160 = arith.addi %parallel_loop3A_158, %parallel_loop3A_159 : i32
      %parallel_loop3A_161 = arith.constant 0 : i32
      %parallel_loop3A_162 = arith.addi %parallel_loop3A_160, %parallel_loop3A_161 : i32
      %parallel_loop3A_163 = arith.index_cast %parallel_loop3A_162 : i32 to index
      %parallel_loop3A_164 = tpu.vector_load %arg16[%parallel_loop3A_163] {strides = array<i32>} : memref<65536xf32, #tpu.memory_space<vmem>>, vector<16xf32>,
      tpu.vector_store %arg16[%parallel_loop3A_163], %parallel_loop3A_156 {strides = array<i32>} : memref<65536xf32, #tpu.memory_space<vmem>>, vector<16xf32>,
      %parallel_loop3A_165 = arith.constant 16 : i32
      %parallel_loop3A_166 = arith.addi %parallel_loop3A_151, %parallel_loop3A_165 : i32
      %parallel_loop3A_167 = tpu.assume_multiple %parallel_loop3A_166, 16 : i32
      %parallel_loop3A_168 = arith.index_cast %parallel_loop3A_167 : i32 to index
      %parallel_loop3A_169 = tpu.vector_load %arg13[%parallel_loop3A_168] {strides = array<i32>} : memref<192xf32, #tpu.memory_space<vmem>>, vector<16xf32>,
      %parallel_loop3A_170 = arith.constant 128 : i32
      %parallel_loop3A_171 = arith.addi %parallel_loop3A_113, %parallel_loop3A_170 : i32
      %parallel_loop3A_172 = arith.constant 32 : i32
      %parallel_loop3A_173 = arith.addi %parallel_loop3A_171, %parallel_loop3A_172 : i32
      %parallel_loop3A_174 = arith.constant 16 : i32
      %parallel_loop3A_175 = arith.addi %parallel_loop3A_173, %parallel_loop3A_174 : i32
      %parallel_loop3A_176 = arith.index_cast %parallel_loop3A_175 : i32 to index
      %parallel_loop3A_177 = tpu.vector_load %arg16[%parallel_loop3A_176] {strides = array<i32>} : memref<65536xf32, #tpu.memory_space<vmem>>, vector<16xf32>,
      tpu.vector_store %arg16[%parallel_loop3A_176], %parallel_loop3A_169 {strides = array<i32>} : memref<65536xf32, #tpu.memory_space<vmem>>, vector<16xf32>,
      %parallel_loop3A_178 = vector.extract_strided_slice %parallel_loop3A_121 {offsets = [2], sizes = [1], strides = [1]} : vector<16xi32> to vector<1xi32>
      %parallel_loop3A_179 = vector.extract %parallel_loop3A_178[0] : i32 from vector<1xi32>
      %parallel_loop3A_180 = arith.constant 0 : i32
      %parallel_loop3A_181 = arith.addi %parallel_loop3A_179, %parallel_loop3A_180 : i32
      %parallel_loop3A_182 = tpu.assume_multiple %parallel_loop3A_181, 16 : i32
      %parallel_loop3A_183 = arith.index_cast %parallel_loop3A_182 : i32 to index
      %parallel_loop3A_184 = tpu.vector_load %arg13[%parallel_loop3A_183] {strides = array<i32>} : memref<192xf32, #tpu.memory_space<vmem>>, vector<16xf32>,
      %parallel_loop3A_185 = arith.constant 256 : i32
      %parallel_loop3A_186 = arith.addi %parallel_loop3A_113, %parallel_loop3A_185 : i32
      %parallel_loop3A_187 = arith.constant 32 : i32
      %parallel_loop3A_188 = arith.addi %parallel_loop3A_186, %parallel_loop3A_187 : i32
      %parallel_loop3A_189 = arith.constant 0 : i32
      %parallel_loop3A_190 = arith.addi %parallel_loop3A_188, %parallel_loop3A_189 : i32
      %parallel_loop3A_191 = arith.index_cast %parallel_loop3A_190 : i32 to index
      %parallel_loop3A_192 = tpu.vector_load %arg16[%parallel_loop3A_191] {strides = array<i32>} : memref<65536xf32, #tpu.memory_space<vmem>>, vector<16xf32>,
      tpu.vector_store %arg16[%parallel_loop3A_191], %parallel_loop3A_184 {strides = array<i32>} : memref<65536xf32, #tpu.memory_space<vmem>>, vector<16xf32>,
      %parallel_loop3A_193 = arith.constant 16 : i32
      %parallel_loop3A_194 = arith.addi %parallel_loop3A_179, %parallel_loop3A_193 : i32
      %parallel_loop3A_195 = tpu.assume_multiple %parallel_loop3A_194, 16 : i32
      %parallel_loop3A_196 = arith.index_cast %parallel_loop3A_195 : i32 to index
      %parallel_loop3A_197 = tpu.vector_load %arg13[%parallel_loop3A_196] {strides = array<i32>} : memref<192xf32, #tpu.memory_space<vmem>>, vector<16xf32>,
      %parallel_loop3A_198 = arith.constant 256 : i32
      %parallel_loop3A_199 = arith.addi %parallel_loop3A_113, %parallel_loop3A_198 : i32
      %parallel_loop3A_200 = arith.constant 32 : i32
      %parallel_loop3A_201 = arith.addi %parallel_loop3A_199, %parallel_loop3A_200 : i32
      %parallel_loop3A_202 = arith.constant 16 : i32
      %parallel_loop3A_203 = arith.addi %parallel_loop3A_201, %parallel_loop3A_202 : i32
      %parallel_loop3A_204 = arith.index_cast %parallel_loop3A_203 : i32 to index
      %parallel_loop3A_205 = tpu.vector_load %arg16[%parallel_loop3A_204] {strides = array<i32>} : memref<65536xf32, #tpu.memory_space<vmem>>, vector<16xf32>,
      tpu.vector_store %arg16[%parallel_loop3A_204], %parallel_loop3A_197 {strides = array<i32>} : memref<65536xf32, #tpu.memory_space<vmem>>, vector<16xf32>,
      %parallel_loop3A_206 = vector.extract_strided_slice %parallel_loop3A_121 {offsets = [3], sizes = [1], strides = [1]} : vector<16xi32> to vector<1xi32>
      %parallel_loop3A_207 = vector.extract %parallel_loop3A_206[0] : i32 from vector<1xi32>
      %parallel_loop3A_208 = arith.constant 0 : i32
      %parallel_loop3A_209 = arith.addi %parallel_loop3A_207, %parallel_loop3A_208 : i32
      %parallel_loop3A_210 = tpu.assume_multiple %parallel_loop3A_209, 16 : i32
      %parallel_loop3A_211 = arith.index_cast %parallel_loop3A_210 : i32 to index
      %parallel_loop3A_212 = tpu.vector_load %arg13[%parallel_loop3A_211] {strides = array<i32>} : memref<192xf32, #tpu.memory_space<vmem>>, vector<16xf32>,
      %parallel_loop3A_213 = arith.constant 384 : i32
      %parallel_loop3A_214 = arith.addi %parallel_loop3A_113, %parallel_loop3A_213 : i32
      %parallel_loop3A_215 = arith.constant 32 : i32
      %parallel_loop3A_216 = arith.addi %parallel_loop3A_214, %parallel_loop3A_215 : i32
      %parallel_loop3A_217 = arith.constant 0 : i32
      %parallel_loop3A_218 = arith.addi %parallel_loop3A_216, %parallel_loop3A_217 : i32
      %parallel_loop3A_219 = arith.index_cast %parallel_loop3A_218 : i32 to index
      %parallel_loop3A_220 = tpu.vector_load %arg16[%parallel_loop3A_219] {strides = array<i32>} : memref<65536xf32, #tpu.memory_space<vmem>>, vector<16xf32>,
      tpu.vector_store %arg16[%parallel_loop3A_219], %parallel_loop3A_212 {strides = array<i32>} : memref<65536xf32, #tpu.memory_space<vmem>>, vector<16xf32>,
      %parallel_loop3A_221 = arith.constant 16 : i32
      %parallel_loop3A_222 = arith.addi %parallel_loop3A_207, %parallel_loop3A_221 : i32
      %parallel_loop3A_223 = tpu.assume_multiple %parallel_loop3A_222, 16 : i32
      %parallel_loop3A_224 = arith.index_cast %parallel_loop3A_223 : i32 to index
      %parallel_loop3A_225 = tpu.vector_load %arg13[%parallel_loop3A_224] {strides = array<i32>} : memref<192xf32, #tpu.memory_space<vmem>>, vector<16xf32>,
      %parallel_loop3A_226 = arith.constant 384 : i32
      %parallel_loop3A_227 = arith.addi %parallel_loop3A_113, %parallel_loop3A_226 : i32
      %parallel_loop3A_228 = arith.constant 32 : i32
      %parallel_loop3A_229 = arith.addi %parallel_loop3A_227, %parallel_loop3A_228 : i32
      %parallel_loop3A_230 = arith.constant 16 : i32
      %parallel_loop3A_231 = arith.addi %parallel_loop3A_229, %parallel_loop3A_230 : i32
      %parallel_loop3A_232 = arith.index_cast %parallel_loop3A_231 : i32 to index
      %parallel_loop3A_233 = tpu.vector_load %arg16[%parallel_loop3A_232] {strides = array<i32>} : memref<65536xf32, #tpu.memory_space<vmem>>, vector<16xf32>,
      tpu.vector_store %arg16[%parallel_loop3A_232], %parallel_loop3A_225 {strides = array<i32>} : memref<65536xf32, #tpu.memory_space<vmem>>, vector<16xf32>,
      %parallel_loop3A_234 = vector.extract_strided_slice %parallel_loop3A_121 {offsets = [4], sizes = [1], strides = [1]} : vector<16xi32> to vector<1xi32>
      %parallel_loop3A_235 = vector.extract %parallel_loop3A_234[0] : i32 from vector<1xi32>
      %parallel_loop3A_236 = arith.constant 0 : i32
      %parallel_loop3A_237 = arith.addi %parallel_loop3A_235, %parallel_loop3A_236 : i32
      %parallel_loop3A_238 = tpu.assume_multiple %parallel_loop3A_237, 16 : i32
      %parallel_loop3A_239 = arith.index_cast %parallel_loop3A_238 : i32 to index
      %parallel_loop3A_240 = tpu.vector_load %arg13[%parallel_loop3A_239] {strides = array<i32>} : memref<192xf32, #tpu.memory_space<vmem>>, vector<16xf32>,
      %parallel_loop3A_241 = arith.constant 512 : i32
      %parallel_loop3A_242 = arith.addi %parallel_loop3A_113, %parallel_loop3A_241 : i32
      %parallel_loop3A_243 = arith.constant 32 : i32
      %parallel_loop3A_244 = arith.addi %parallel_loop3A_242, %parallel_loop3A_243 : i32
      %parallel_loop3A_245 = arith.constant 0 : i32
      %parallel_loop3A_246 = arith.addi %parallel_loop3A_244, %parallel_loop3A_245 : i32
      %parallel_loop3A_247 = arith.index_cast %parallel_loop3A_246 : i32 to index
      %parallel_loop3A_248 = tpu.vector_load %arg16[%parallel_loop3A_247] {strides = array<i32>} : memref<65536xf32, #tpu.memory_space<vmem>>, vector<16xf32>,
      tpu.vector_store %arg16[%parallel_loop3A_247], %parallel_loop3A_240 {strides = array<i32>} : memref<65536xf32, #tpu.memory_space<vmem>>, vector<16xf32>,
      %parallel_loop3A_249 = arith.constant 16 : i32
      %parallel_loop3A_250 = arith.addi %parallel_loop3A_235, %parallel_loop3A_249 : i32
      %parallel_loop3A_251 = tpu.assume_multiple %parallel_loop3A_250, 16 : i32
      %parallel_loop3A_252 = arith.index_cast %parallel_loop3A_251 : i32 to index
      %parallel_loop3A_253 = tpu.vector_load %arg13[%parallel_loop3A_252] {strides = array<i32>} : memref<192xf32, #tpu.memory_space<vmem>>, vector<16xf32>,
      %parallel_loop3A_254 = arith.constant 512 : i32
      %parallel_loop3A_255 = arith.addi %parallel_loop3A_113, %parallel_loop3A_254 : i32
      %parallel_loop3A_256 = arith.constant 32 : i32
      %parallel_loop3A_257 = arith.addi %parallel_loop3A_255, %parallel_loop3A_256 : i32
      %parallel_loop3A_258 = arith.constant 16 : i32
      %parallel_loop3A_259 = arith.addi %parallel_loop3A_257, %parallel_loop3A_258 : i32
      %parallel_loop3A_260 = arith.index_cast %parallel_loop3A_259 : i32 to index
      %parallel_loop3A_261 = tpu.vector_load %arg16[%parallel_loop3A_260] {strides = array<i32>} : memref<65536xf32, #tpu.memory_space<vmem>>, vector<16xf32>,
      tpu.vector_store %arg16[%parallel_loop3A_260], %parallel_loop3A_253 {strides = array<i32>} : memref<65536xf32, #tpu.memory_space<vmem>>, vector<16xf32>,
      %parallel_loop3A_262 = vector.extract_strided_slice %parallel_loop3A_121 {offsets = [5], sizes = [1], strides = [1]} : vector<16xi32> to vector<1xi32>
      %parallel_loop3A_263 = vector.extract %parallel_loop3A_262[0] : i32 from vector<1xi32>
      %parallel_loop3A_264 = arith.constant 0 : i32
      %parallel_loop3A_265 = arith.addi %parallel_loop3A_263, %parallel_loop3A_264 : i32
      %parallel_loop3A_266 = tpu.assume_multiple %parallel_loop3A_265, 16 : i32
      %parallel_loop3A_267 = arith.index_cast %parallel_loop3A_266 : i32 to index
      %parallel_loop3A_268 = tpu.vector_load %arg13[%parallel_loop3A_267] {strides = array<i32>} : memref<192xf32, #tpu.memory_space<vmem>>, vector<16xf32>,
      %parallel_loop3A_269 = arith.constant 640 : i32
      %parallel_loop3A_270 = arith.addi %parallel_loop3A_113, %parallel_loop3A_269 : i32
      %parallel_loop3A_271 = arith.constant 32 : i32
      %parallel_loop3A_272 = arith.addi %parallel_loop3A_270, %parallel_loop3A_271 : i32
      %parallel_loop3A_273 = arith.constant 0 : i32
      %parallel_loop3A_274 = arith.addi %parallel_loop3A_272, %parallel_loop3A_273 : i32
      %parallel_loop3A_275 = arith.index_cast %parallel_loop3A_274 : i32 to index
      %parallel_loop3A_276 = tpu.vector_load %arg16[%parallel_loop3A_275] {strides = array<i32>} : memref<65536xf32, #tpu.memory_space<vmem>>, vector<16xf32>,
      tpu.vector_store %arg16[%parallel_loop3A_275], %parallel_loop3A_268 {strides = array<i32>} : memref<65536xf32, #tpu.memory_space<vmem>>, vector<16xf32>,
      %parallel_loop3A_277 = arith.constant 16 : i32
      %parallel_loop3A_278 = arith.addi %parallel_loop3A_263, %parallel_loop3A_277 : i32
      %parallel_loop3A_279 = tpu.assume_multiple %parallel_loop3A_278, 16 : i32
      %parallel_loop3A_280 = arith.index_cast %parallel_loop3A_279 : i32 to index
      %parallel_loop3A_281 = tpu.vector_load %arg13[%parallel_loop3A_280] {strides = array<i32>} : memref<192xf32, #tpu.memory_space<vmem>>, vector<16xf32>,
      %parallel_loop3A_282 = arith.constant 640 : i32
      %parallel_loop3A_283 = arith.addi %parallel_loop3A_113, %parallel_loop3A_282 : i32
      %parallel_loop3A_284 = arith.constant 32 : i32
      %parallel_loop3A_285 = arith.addi %parallel_loop3A_283, %parallel_loop3A_284 : i32
      %parallel_loop3A_286 = arith.constant 16 : i32
      %parallel_loop3A_287 = arith.addi %parallel_loop3A_285, %parallel_loop3A_286 : i32
      %parallel_loop3A_288 = arith.index_cast %parallel_loop3A_287 : i32 to index
      %parallel_loop3A_289 = tpu.vector_load %arg16[%parallel_loop3A_288] {strides = array<i32>} : memref<65536xf32, #tpu.memory_space<vmem>>, vector<16xf32>,
      tpu.vector_store %arg16[%parallel_loop3A_288], %parallel_loop3A_281 {strides = array<i32>} : memref<65536xf32, #tpu.memory_space<vmem>>, vector<16xf32>,
      %parallel_loop3A_290 = vector.extract_strided_slice %parallel_loop3A_121 {offsets = [6], sizes = [1], strides = [1]} : vector<16xi32> to vector<1xi32>
      %parallel_loop3A_291 = vector.extract %parallel_loop3A_290[0] : i32 from vector<1xi32>
      %parallel_loop3A_292 = arith.constant 0 : i32
      %parallel_loop3A_293 = arith.addi %parallel_loop3A_291, %parallel_loop3A_292 : i32
      %parallel_loop3A_294 = tpu.assume_multiple %parallel_loop3A_293, 16 : i32
      %parallel_loop3A_295 = arith.index_cast %parallel_loop3A_294 : i32 to index
      %parallel_loop3A_296 = tpu.vector_load %arg13[%parallel_loop3A_295] {strides = array<i32>} : memref<192xf32, #tpu.memory_space<vmem>>, vector<16xf32>,
      %parallel_loop3A_297 = arith.constant 768 : i32
      %parallel_loop3A_298 = arith.addi %parallel_loop3A_113, %parallel_loop3A_297 : i32
      %parallel_loop3A_299 = arith.constant 32 : i32
      %parallel_loop3A_300 = arith.addi %parallel_loop3A_298, %parallel_loop3A_299 : i32
      %parallel_loop3A_301 = arith.constant 0 : i32
      %parallel_loop3A_302 = arith.addi %parallel_loop3A_300, %parallel_loop3A_301 : i32
      %parallel_loop3A_303 = arith.index_cast %parallel_loop3A_302 : i32 to index
      %parallel_loop3A_304 = tpu.vector_load %arg16[%parallel_loop3A_303] {strides = array<i32>} : memref<65536xf32, #tpu.memory_space<vmem>>, vector<16xf32>,
      tpu.vector_store %arg16[%parallel_loop3A_303], %parallel_loop3A_296 {strides = array<i32>} : memref<65536xf32, #tpu.memory_space<vmem>>, vector<16xf32>,
      %parallel_loop3A_305 = arith.constant 16 : i32
      %parallel_loop3A_306 = arith.addi %parallel_loop3A_291, %parallel_loop3A_305 : i32
      %parallel_loop3A_307 = tpu.assume_multiple %parallel_loop3A_306, 16 : i32
      %parallel_loop3A_308 = arith.index_cast %parallel_loop3A_307 : i32 to index
      %parallel_loop3A_309 = tpu.vector_load %arg13[%parallel_loop3A_308] {strides = array<i32>} : memref<192xf32, #tpu.memory_space<vmem>>, vector<16xf32>,
      %parallel_loop3A_310 = arith.constant 768 : i32
      %parallel_loop3A_311 = arith.addi %parallel_loop3A_113, %parallel_loop3A_310 : i32
      %parallel_loop3A_312 = arith.constant 32 : i32
      %parallel_loop3A_313 = arith.addi %parallel_loop3A_311, %parallel_loop3A_312 : i32
      %parallel_loop3A_314 = arith.constant 16 : i32
      %parallel_loop3A_315 = arith.addi %parallel_loop3A_313, %parallel_loop3A_314 : i32
      %parallel_loop3A_316 = arith.index_cast %parallel_loop3A_315 : i32 to index
      %parallel_loop3A_317 = tpu.vector_load %arg16[%parallel_loop3A_316] {strides = array<i32>} : memref<65536xf32, #tpu.memory_space<vmem>>, vector<16xf32>,
      tpu.vector_store %arg16[%parallel_loop3A_316], %parallel_loop3A_309 {strides = array<i32>} : memref<65536xf32, #tpu.memory_space<vmem>>, vector<16xf32>,
      %parallel_loop3A_318 = vector.extract_strided_slice %parallel_loop3A_121 {offsets = [7], sizes = [1], strides = [1]} : vector<16xi32> to vector<1xi32>
      %parallel_loop3A_319 = vector.extract %parallel_loop3A_318[0] : i32 from vector<1xi32>
      %parallel_loop3A_320 = arith.constant 0 : i32
      %parallel_loop3A_321 = arith.addi %parallel_loop3A_319, %parallel_loop3A_320 : i32
      %parallel_loop3A_322 = tpu.assume_multiple %parallel_loop3A_321, 16 : i32
      %parallel_loop3A_323 = arith.index_cast %parallel_loop3A_322 : i32 to index
      %parallel_loop3A_324 = tpu.vector_load %arg13[%parallel_loop3A_323] {strides = array<i32>} : memref<192xf32, #tpu.memory_space<vmem>>, vector<16xf32>,
      %parallel_loop3A_325 = arith.constant 896 : i32
      %parallel_loop3A_326 = arith.addi %parallel_loop3A_113, %parallel_loop3A_325 : i32
      %parallel_loop3A_327 = arith.constant 32 : i32
      %parallel_loop3A_328 = arith.addi %parallel_loop3A_326, %parallel_loop3A_327 : i32
      %parallel_loop3A_329 = arith.constant 0 : i32
      %parallel_loop3A_330 = arith.addi %parallel_loop3A_328, %parallel_loop3A_329 : i32
      %parallel_loop3A_331 = arith.index_cast %parallel_loop3A_330 : i32 to index
      %parallel_loop3A_332 = tpu.vector_load %arg16[%parallel_loop3A_331] {strides = array<i32>} : memref<65536xf32, #tpu.memory_space<vmem>>, vector<16xf32>,
      tpu.vector_store %arg16[%parallel_loop3A_331], %parallel_loop3A_324 {strides = array<i32>} : memref<65536xf32, #tpu.memory_space<vmem>>, vector<16xf32>,
      %parallel_loop3A_333 = arith.constant 16 : i32
      %parallel_loop3A_334 = arith.addi %parallel_loop3A_319, %parallel_loop3A_333 : i32
      %parallel_loop3A_335 = tpu.assume_multiple %parallel_loop3A_334, 16 : i32
      %parallel_loop3A_336 = arith.index_cast %parallel_loop3A_335 : i32 to index
      %parallel_loop3A_337 = tpu.vector_load %arg13[%parallel_loop3A_336] {strides = array<i32>} : memref<192xf32, #tpu.memory_space<vmem>>, vector<16xf32>,
      %parallel_loop3A_338 = arith.constant 896 : i32
      %parallel_loop3A_339 = arith.addi %parallel_loop3A_113, %parallel_loop3A_338 : i32
      %parallel_loop3A_340 = arith.constant 32 : i32
      %parallel_loop3A_341 = arith.addi %parallel_loop3A_339, %parallel_loop3A_340 : i32
      %parallel_loop3A_342 = arith.constant 16 : i32
      %parallel_loop3A_343 = arith.addi %parallel_loop3A_341, %parallel_loop3A_342 : i32
      %parallel_loop3A_344 = arith.index_cast %parallel_loop3A_343 : i32 to index
      %parallel_loop3A_345 = tpu.vector_load %arg16[%parallel_loop3A_344] {strides = array<i32>} : memref<65536xf32, #tpu.memory_space<vmem>>, vector<16xf32>,
      tpu.vector_store %arg16[%parallel_loop3A_344], %parallel_loop3A_337 {strides = array<i32>} : memref<65536xf32, #tpu.memory_space<vmem>>, vector<16xf32>,
      %parallel_loop3A_346 = vector.extract_strided_slice %parallel_loop3A_121 {offsets = [8], sizes = [1], strides = [1]} : vector<16xi32> to vector<1xi32>
      %parallel_loop3A_347 = vector.extract %parallel_loop3A_346[0] : i32 from vector<1xi32>
      %parallel_loop3A_348 = arith.constant 0 : i32
      %parallel_loop3A_349 = arith.addi %parallel_loop3A_347, %parallel_loop3A_348 : i32
      %parallel_loop3A_350 = tpu.assume_multiple %parallel_loop3A_349, 16 : i32
      %parallel_loop3A_351 = arith.index_cast %parallel_loop3A_350 : i32 to index
      %parallel_loop3A_352 = tpu.vector_load %arg13[%parallel_loop3A_351] {strides = array<i32>} : memref<192xf32, #tpu.memory_space<vmem>>, vector<16xf32>,
      %parallel_loop3A_353 = arith.constant 1024 : i32
      %parallel_loop3A_354 = arith.addi %parallel_loop3A_113, %parallel_loop3A_353 : i32
      %parallel_loop3A_355 = arith.constant 32 : i32
      %parallel_loop3A_356 = arith.addi %parallel_loop3A_354, %parallel_loop3A_355 : i32
      %parallel_loop3A_357 = arith.constant 0 : i32
      %parallel_loop3A_358 = arith.addi %parallel_loop3A_356, %parallel_loop3A_357 : i32
      %parallel_loop3A_359 = arith.index_cast %parallel_loop3A_358 : i32 to index
      %parallel_loop3A_360 = tpu.vector_load %arg16[%parallel_loop3A_359] {strides = array<i32>} : memref<65536xf32, #tpu.memory_space<vmem>>, vector<16xf32>,
      tpu.vector_store %arg16[%parallel_loop3A_359], %parallel_loop3A_352 {strides = array<i32>} : memref<65536xf32, #tpu.memory_space<vmem>>, vector<16xf32>,
      %parallel_loop3A_361 = arith.constant 16 : i32
      %parallel_loop3A_362 = arith.addi %parallel_loop3A_347, %parallel_loop3A_361 : i32
      %parallel_loop3A_363 = tpu.assume_multiple %parallel_loop3A_362, 16 : i32
      %parallel_loop3A_364 = arith.index_cast %parallel_loop3A_363 : i32 to index
      %parallel_loop3A_365 = tpu.vector_load %arg13[%parallel_loop3A_364] {strides = array<i32>} : memref<192xf32, #tpu.memory_space<vmem>>, vector<16xf32>,
      %parallel_loop3A_366 = arith.constant 1024 : i32
      %parallel_loop3A_367 = arith.addi %parallel_loop3A_113, %parallel_loop3A_366 : i32
      %parallel_loop3A_368 = arith.constant 32 : i32
      %parallel_loop3A_369 = arith.addi %parallel_loop3A_367, %parallel_loop3A_368 : i32
      %parallel_loop3A_370 = arith.constant 16 : i32
      %parallel_loop3A_371 = arith.addi %parallel_loop3A_369, %parallel_loop3A_370 : i32
      %parallel_loop3A_372 = arith.index_cast %parallel_loop3A_371 : i32 to index
      %parallel_loop3A_373 = tpu.vector_load %arg16[%parallel_loop3A_372] {strides = array<i32>} : memref<65536xf32, #tpu.memory_space<vmem>>, vector<16xf32>,
      tpu.vector_store %arg16[%parallel_loop3A_372], %parallel_loop3A_365 {strides = array<i32>} : memref<65536xf32, #tpu.memory_space<vmem>>, vector<16xf32>,
      %parallel_loop3A_374 = vector.extract_strided_slice %parallel_loop3A_121 {offsets = [9], sizes = [1], strides = [1]} : vector<16xi32> to vector<1xi32>
      %parallel_loop3A_375 = vector.extract %parallel_loop3A_374[0] : i32 from vector<1xi32>
      %parallel_loop3A_376 = arith.constant 0 : i32
      %parallel_loop3A_377 = arith.addi %parallel_loop3A_375, %parallel_loop3A_376 : i32
      %parallel_loop3A_378 = tpu.assume_multiple %parallel_loop3A_377, 16 : i32
      %parallel_loop3A_379 = arith.index_cast %parallel_loop3A_378 : i32 to index
      %parallel_loop3A_380 = tpu.vector_load %arg13[%parallel_loop3A_379] {strides = array<i32>} : memref<192xf32, #tpu.memory_space<vmem>>, vector<16xf32>,
      %parallel_loop3A_381 = arith.constant 1152 : i32
      %parallel_loop3A_382 = arith.addi %parallel_loop3A_113, %parallel_loop3A_381 : i32
      %parallel_loop3A_383 = arith.constant 32 : i32
      %parallel_loop3A_384 = arith.addi %parallel_loop3A_382, %parallel_loop3A_383 : i32
      %parallel_loop3A_385 = arith.constant 0 : i32
      %parallel_loop3A_386 = arith.addi %parallel_loop3A_384, %parallel_loop3A_385 : i32
      %parallel_loop3A_387 = arith.index_cast %parallel_loop3A_386 : i32 to index
      %parallel_loop3A_388 = tpu.vector_load %arg16[%parallel_loop3A_387] {strides = array<i32>} : memref<65536xf32, #tpu.memory_space<vmem>>, vector<16xf32>,
      tpu.vector_store %arg16[%parallel_loop3A_387], %parallel_loop3A_380 {strides = array<i32>} : memref<65536xf32, #tpu.memory_space<vmem>>, vector<16xf32>,
      %parallel_loop3A_389 = arith.constant 16 : i32
      %parallel_loop3A_390 = arith.addi %parallel_loop3A_375, %parallel_loop3A_389 : i32
      %parallel_loop3A_391 = tpu.assume_multiple %parallel_loop3A_390, 16 : i32
      %parallel_loop3A_392 = arith.index_cast %parallel_loop3A_391 : i32 to index
      %parallel_loop3A_393 = tpu.vector_load %arg13[%parallel_loop3A_392] {strides = array<i32>} : memref<192xf32, #tpu.memory_space<vmem>>, vector<16xf32>,
      %parallel_loop3A_394 = arith.constant 1152 : i32
      %parallel_loop3A_395 = arith.addi %parallel_loop3A_113, %parallel_loop3A_394 : i32
      %parallel_loop3A_396 = arith.constant 32 : i32
      %parallel_loop3A_397 = arith.addi %parallel_loop3A_395, %parallel_loop3A_396 : i32
      %parallel_loop3A_398 = arith.constant 16 : i32
      %parallel_loop3A_399 = arith.addi %parallel_loop3A_397, %parallel_loop3A_398 : i32
      %parallel_loop3A_400 = arith.index_cast %parallel_loop3A_399 : i32 to index
      %parallel_loop3A_401 = tpu.vector_load %arg16[%parallel_loop3A_400] {strides = array<i32>} : memref<65536xf32, #tpu.memory_space<vmem>>, vector<16xf32>,
      tpu.vector_store %arg16[%parallel_loop3A_400], %parallel_loop3A_393 {strides = array<i32>} : memref<65536xf32, #tpu.memory_space<vmem>>, vector<16xf32>,
      %parallel_loop3A_402 = vector.extract_strided_slice %parallel_loop3A_121 {offsets = [10], sizes = [1], strides = [1]} : vector<16xi32> to vector<1xi32>
      %parallel_loop3A_403 = vector.extract %parallel_loop3A_402[0] : i32 from vector<1xi32>
      %parallel_loop3A_404 = arith.constant 0 : i32
      %parallel_loop3A_405 = arith.addi %parallel_loop3A_403, %parallel_loop3A_404 : i32
      %parallel_loop3A_406 = tpu.assume_multiple %parallel_loop3A_405, 16 : i32
      %parallel_loop3A_407 = arith.index_cast %parallel_loop3A_406 : i32 to index
      %parallel_loop3A_408 = tpu.vector_load %arg13[%parallel_loop3A_407] {strides = array<i32>} : memref<192xf32, #tpu.memory_space<vmem>>, vector<16xf32>,
      %parallel_loop3A_409 = arith.constant 1280 : i32
      %parallel_loop3A_410 = arith.addi %parallel_loop3A_113, %parallel_loop3A_409 : i32
      %parallel_loop3A_411 = arith.constant 32 : i32
      %parallel_loop3A_412 = arith.addi %parallel_loop3A_410, %parallel_loop3A_411 : i32
      %parallel_loop3A_413 = arith.constant 0 : i32
      %parallel_loop3A_414 = arith.addi %parallel_loop3A_412, %parallel_loop3A_413 : i32
      %parallel_loop3A_415 = arith.index_cast %parallel_loop3A_414 : i32 to index
      %parallel_loop3A_416 = tpu.vector_load %arg16[%parallel_loop3A_415] {strides = array<i32>} : memref<65536xf32, #tpu.memory_space<vmem>>, vector<16xf32>,
      tpu.vector_store %arg16[%parallel_loop3A_415], %parallel_loop3A_408 {strides = array<i32>} : memref<65536xf32, #tpu.memory_space<vmem>>, vector<16xf32>,
      %parallel_loop3A_417 = arith.constant 16 : i32
      %parallel_loop3A_418 = arith.addi %parallel_loop3A_403, %parallel_loop3A_417 : i32
      %parallel_loop3A_419 = tpu.assume_multiple %parallel_loop3A_418, 16 : i32
      %parallel_loop3A_420 = arith.index_cast %parallel_loop3A_419 : i32 to index
      %parallel_loop3A_421 = tpu.vector_load %arg13[%parallel_loop3A_420] {strides = array<i32>} : memref<192xf32, #tpu.memory_space<vmem>>, vector<16xf32>,
      %parallel_loop3A_422 = arith.constant 1280 : i32
      %parallel_loop3A_423 = arith.addi %parallel_loop3A_113, %parallel_loop3A_422 : i32
      %parallel_loop3A_424 = arith.constant 32 : i32
      %parallel_loop3A_425 = arith.addi %parallel_loop3A_423, %parallel_loop3A_424 : i32
      %parallel_loop3A_426 = arith.constant 16 : i32
      %parallel_loop3A_427 = arith.addi %parallel_loop3A_425, %parallel_loop3A_426 : i32
      %parallel_loop3A_428 = arith.index_cast %parallel_loop3A_427 : i32 to index
      %parallel_loop3A_429 = tpu.vector_load %arg16[%parallel_loop3A_428] {strides = array<i32>} : memref<65536xf32, #tpu.memory_space<vmem>>, vector<16xf32>,
      tpu.vector_store %arg16[%parallel_loop3A_428], %parallel_loop3A_421 {strides = array<i32>} : memref<65536xf32, #tpu.memory_space<vmem>>, vector<16xf32>,
      %parallel_loop3A_430 = vector.extract_strided_slice %parallel_loop3A_121 {offsets = [11], sizes = [1], strides = [1]} : vector<16xi32> to vector<1xi32>
      %parallel_loop3A_431 = vector.extract %parallel_loop3A_430[0] : i32 from vector<1xi32>
      %parallel_loop3A_432 = arith.constant 0 : i32
      %parallel_loop3A_433 = arith.addi %parallel_loop3A_431, %parallel_loop3A_432 : i32
      %parallel_loop3A_434 = tpu.assume_multiple %parallel_loop3A_433, 16 : i32
      %parallel_loop3A_435 = arith.index_cast %parallel_loop3A_434 : i32 to index
      %parallel_loop3A_436 = tpu.vector_load %arg13[%parallel_loop3A_435] {strides = array<i32>} : memref<192xf32, #tpu.memory_space<vmem>>, vector<16xf32>,
      %parallel_loop3A_437 = arith.constant 1408 : i32
      %parallel_loop3A_438 = arith.addi %parallel_loop3A_113, %parallel_loop3A_437 : i32
      %parallel_loop3A_439 = arith.constant 32 : i32
      %parallel_loop3A_440 = arith.addi %parallel_loop3A_438, %parallel_loop3A_439 : i32
      %parallel_loop3A_441 = arith.constant 0 : i32
      %parallel_loop3A_442 = arith.addi %parallel_loop3A_440, %parallel_loop3A_441 : i32
      %parallel_loop3A_443 = arith.index_cast %parallel_loop3A_442 : i32 to index
      %parallel_loop3A_444 = tpu.vector_load %arg16[%parallel_loop3A_443] {strides = array<i32>} : memref<65536xf32, #tpu.memory_space<vmem>>, vector<16xf32>,
      tpu.vector_store %arg16[%parallel_loop3A_443], %parallel_loop3A_436 {strides = array<i32>} : memref<65536xf32, #tpu.memory_space<vmem>>, vector<16xf32>,
      %parallel_loop3A_445 = arith.constant 16 : i32
      %parallel_loop3A_446 = arith.addi %parallel_loop3A_431, %parallel_loop3A_445 : i32
      %parallel_loop3A_447 = tpu.assume_multiple %parallel_loop3A_446, 16 : i32
      %parallel_loop3A_448 = arith.index_cast %parallel_loop3A_447 : i32 to index
      %parallel_loop3A_449 = tpu.vector_load %arg13[%parallel_loop3A_448] {strides = array<i32>} : memref<192xf32, #tpu.memory_space<vmem>>, vector<16xf32>,
      %parallel_loop3A_450 = arith.constant 1408 : i32
      %parallel_loop3A_451 = arith.addi %parallel_loop3A_113, %parallel_loop3A_450 : i32
      %parallel_loop3A_452 = arith.constant 32 : i32
      %parallel_loop3A_453 = arith.addi %parallel_loop3A_451, %parallel_loop3A_452 : i32
      %parallel_loop3A_454 = arith.constant 16 : i32
      %parallel_loop3A_455 = arith.addi %parallel_loop3A_453, %parallel_loop3A_454 : i32
      %parallel_loop3A_456 = arith.index_cast %parallel_loop3A_455 : i32 to index
      %parallel_loop3A_457 = tpu.vector_load %arg16[%parallel_loop3A_456] {strides = array<i32>} : memref<65536xf32, #tpu.memory_space<vmem>>, vector<16xf32>,
      tpu.vector_store %arg16[%parallel_loop3A_456], %parallel_loop3A_449 {strides = array<i32>} : memref<65536xf32, #tpu.memory_space<vmem>>, vector<16xf32>,
      %parallel_loop3A_458 = vector.extract_strided_slice %parallel_loop3A_121 {offsets = [12], sizes = [1], strides = [1]} : vector<16xi32> to vector<1xi32>
      %parallel_loop3A_459 = vector.extract %parallel_loop3A_458[0] : i32 from vector<1xi32>
      %parallel_loop3A_460 = arith.constant 0 : i32
      %parallel_loop3A_461 = arith.addi %parallel_loop3A_459, %parallel_loop3A_460 : i32
      %parallel_loop3A_462 = tpu.assume_multiple %parallel_loop3A_461, 16 : i32
      %parallel_loop3A_463 = arith.index_cast %parallel_loop3A_462 : i32 to index
      %parallel_loop3A_464 = tpu.vector_load %arg13[%parallel_loop3A_463] {strides = array<i32>} : memref<192xf32, #tpu.memory_space<vmem>>, vector<16xf32>,
      %parallel_loop3A_465 = arith.constant 1536 : i32
      %parallel_loop3A_466 = arith.addi %parallel_loop3A_113, %parallel_loop3A_465 : i32
      %parallel_loop3A_467 = arith.constant 32 : i32
      %parallel_loop3A_468 = arith.addi %parallel_loop3A_466, %parallel_loop3A_467 : i32
      %parallel_loop3A_469 = arith.constant 0 : i32
      %parallel_loop3A_470 = arith.addi %parallel_loop3A_468, %parallel_loop3A_469 : i32
      %parallel_loop3A_471 = arith.index_cast %parallel_loop3A_470 : i32 to index
      %parallel_loop3A_472 = tpu.vector_load %arg16[%parallel_loop3A_471] {strides = array<i32>} : memref<65536xf32, #tpu.memory_space<vmem>>, vector<16xf32>,
      tpu.vector_store %arg16[%parallel_loop3A_471], %parallel_loop3A_464 {strides = array<i32>} : memref<65536xf32, #tpu.memory_space<vmem>>, vector<16xf32>,
      %parallel_loop3A_473 = arith.constant 16 : i32
      %parallel_loop3A_474 = arith.addi %parallel_loop3A_459, %parallel_loop3A_473 : i32
      %parallel_loop3A_475 = tpu.assume_multiple %parallel_loop3A_474, 16 : i32
      %parallel_loop3A_476 = arith.index_cast %parallel_loop3A_475 : i32 to index
      %parallel_loop3A_477 = tpu.vector_load %arg13[%parallel_loop3A_476] {strides = array<i32>} : memref<192xf32, #tpu.memory_space<vmem>>, vector<16xf32>,
      %parallel_loop3A_478 = arith.constant 1536 : i32
      %parallel_loop3A_479 = arith.addi %parallel_loop3A_113, %parallel_loop3A_478 : i32
      %parallel_loop3A_480 = arith.constant 32 : i32
      %parallel_loop3A_481 = arith.addi %parallel_loop3A_479, %parallel_loop3A_480 : i32
      %parallel_loop3A_482 = arith.constant 16 : i32
      %parallel_loop3A_483 = arith.addi %parallel_loop3A_481, %parallel_loop3A_482 : i32
      %parallel_loop3A_484 = arith.index_cast %parallel_loop3A_483 : i32 to index
      %parallel_loop3A_485 = tpu.vector_load %arg16[%parallel_loop3A_484] {strides = array<i32>} : memref<65536xf32, #tpu.memory_space<vmem>>, vector<16xf32>,
      tpu.vector_store %arg16[%parallel_loop3A_484], %parallel_loop3A_477 {strides = array<i32>} : memref<65536xf32, #tpu.memory_space<vmem>>, vector<16xf32>,
      %parallel_loop3A_486 = vector.extract_strided_slice %parallel_loop3A_121 {offsets = [13], sizes = [1], strides = [1]} : vector<16xi32> to vector<1xi32>
      %parallel_loop3A_487 = vector.extract %parallel_loop3A_486[0] : i32 from vector<1xi32>
      %parallel_loop3A_488 = arith.constant 0 : i32
      %parallel_loop3A_489 = arith.addi %parallel_loop3A_487, %parallel_loop3A_488 : i32
      %parallel_loop3A_490 = tpu.assume_multiple %parallel_loop3A_489, 16 : i32
      %parallel_loop3A_491 = arith.index_cast %parallel_loop3A_490 : i32 to index
      %parallel_loop3A_492 = tpu.vector_load %arg13[%parallel_loop3A_491] {strides = array<i32>} : memref<192xf32, #tpu.memory_space<vmem>>, vector<16xf32>,
      %parallel_loop3A_493 = arith.constant 1664 : i32
      %parallel_loop3A_494 = arith.addi %parallel_loop3A_113, %parallel_loop3A_493 : i32
      %parallel_loop3A_495 = arith.constant 32 : i32
      %parallel_loop3A_496 = arith.addi %parallel_loop3A_494, %parallel_loop3A_495 : i32
      %parallel_loop3A_497 = arith.constant 0 : i32
      %parallel_loop3A_498 = arith.addi %parallel_loop3A_496, %parallel_loop3A_497 : i32
      %parallel_loop3A_499 = arith.index_cast %parallel_loop3A_498 : i32 to index
      %parallel_loop3A_500 = tpu.vector_load %arg16[%parallel_loop3A_499] {strides = array<i32>} : memref<65536xf32, #tpu.memory_space<vmem>>, vector<16xf32>,
      tpu.vector_store %arg16[%parallel_loop3A_499], %parallel_loop3A_492 {strides = array<i32>} : memref<65536xf32, #tpu.memory_space<vmem>>, vector<16xf32>,
      %parallel_loop3A_501 = arith.constant 16 : i32
      %parallel_loop3A_502 = arith.addi %parallel_loop3A_487, %parallel_loop3A_501 : i32
      %parallel_loop3A_503 = tpu.assume_multiple %parallel_loop3A_502, 16 : i32
      %parallel_loop3A_504 = arith.index_cast %parallel_loop3A_503 : i32 to index
      %parallel_loop3A_505 = tpu.vector_load %arg13[%parallel_loop3A_504] {strides = array<i32>} : memref<192xf32, #tpu.memory_space<vmem>>, vector<16xf32>,
      %parallel_loop3A_506 = arith.constant 1664 : i32
      %parallel_loop3A_507 = arith.addi %parallel_loop3A_113, %parallel_loop3A_506 : i32
      %parallel_loop3A_508 = arith.constant 32 : i32
      %parallel_loop3A_509 = arith.addi %parallel_loop3A_507, %parallel_loop3A_508 : i32
      %parallel_loop3A_510 = arith.constant 16 : i32
      %parallel_loop3A_511 = arith.addi %parallel_loop3A_509, %parallel_loop3A_510 : i32
      %parallel_loop3A_512 = arith.index_cast %parallel_loop3A_511 : i32 to index
      %parallel_loop3A_513 = tpu.vector_load %arg16[%parallel_loop3A_512] {strides = array<i32>} : memref<65536xf32, #tpu.memory_space<vmem>>, vector<16xf32>,
      tpu.vector_store %arg16[%parallel_loop3A_512], %parallel_loop3A_505 {strides = array<i32>} : memref<65536xf32, #tpu.memory_space<vmem>>, vector<16xf32>,
      %parallel_loop3A_514 = vector.extract_strided_slice %parallel_loop3A_121 {offsets = [14], sizes = [1], strides = [1]} : vector<16xi32> to vector<1xi32>
      %parallel_loop3A_515 = vector.extract %parallel_loop3A_514[0] : i32 from vector<1xi32>
      %parallel_loop3A_516 = arith.constant 0 : i32
      %parallel_loop3A_517 = arith.addi %parallel_loop3A_515, %parallel_loop3A_516 : i32
      %parallel_loop3A_518 = tpu.assume_multiple %parallel_loop3A_517, 16 : i32
      %parallel_loop3A_519 = arith.index_cast %parallel_loop3A_518 : i32 to index
      %parallel_loop3A_520 = tpu.vector_load %arg13[%parallel_loop3A_519] {strides = array<i32>} : memref<192xf32, #tpu.memory_space<vmem>>, vector<16xf32>,
      %parallel_loop3A_521 = arith.constant 1792 : i32
      %parallel_loop3A_522 = arith.addi %parallel_loop3A_113, %parallel_loop3A_521 : i32
      %parallel_loop3A_523 = arith.constant 32 : i32
      %parallel_loop3A_524 = arith.addi %parallel_loop3A_522, %parallel_loop3A_523 : i32
      %parallel_loop3A_525 = arith.constant 0 : i32
      %parallel_loop3A_526 = arith.addi %parallel_loop3A_524, %parallel_loop3A_525 : i32
      %parallel_loop3A_527 = arith.index_cast %parallel_loop3A_526 : i32 to index
      %parallel_loop3A_528 = tpu.vector_load %arg16[%parallel_loop3A_527] {strides = array<i32>} : memref<65536xf32, #tpu.memory_space<vmem>>, vector<16xf32>,
      tpu.vector_store %arg16[%parallel_loop3A_527], %parallel_loop3A_520 {strides = array<i32>} : memref<65536xf32, #tpu.memory_space<vmem>>, vector<16xf32>,
      %parallel_loop3A_529 = arith.constant 16 : i32
      %parallel_loop3A_530 = arith.addi %parallel_loop3A_515, %parallel_loop3A_529 : i32
      %parallel_loop3A_531 = tpu.assume_multiple %parallel_loop3A_530, 16 : i32
      %parallel_loop3A_532 = arith.index_cast %parallel_loop3A_531 : i32 to index
      %parallel_loop3A_533 = tpu.vector_load %arg13[%parallel_loop3A_532] {strides = array<i32>} : memref<192xf32, #tpu.memory_space<vmem>>, vector<16xf32>,
      %parallel_loop3A_534 = arith.constant 1792 : i32
      %parallel_loop3A_535 = arith.addi %parallel_loop3A_113, %parallel_loop3A_534 : i32
      %parallel_loop3A_536 = arith.constant 32 : i32
      %parallel_loop3A_537 = arith.addi %parallel_loop3A_535, %parallel_loop3A_536 : i32
      %parallel_loop3A_538 = arith.constant 16 : i32
      %parallel_loop3A_539 = arith.addi %parallel_loop3A_537, %parallel_loop3A_538 : i32
      %parallel_loop3A_540 = arith.index_cast %parallel_loop3A_539 : i32 to index
      %parallel_loop3A_541 = tpu.vector_load %arg16[%parallel_loop3A_540] {strides = array<i32>} : memref<65536xf32, #tpu.memory_space<vmem>>, vector<16xf32>,
      tpu.vector_store %arg16[%parallel_loop3A_540], %parallel_loop3A_533 {strides = array<i32>} : memref<65536xf32, #tpu.memory_space<vmem>>, vector<16xf32>,
      %parallel_loop3A_542 = vector.extract_strided_slice %parallel_loop3A_121 {offsets = [15], sizes = [1], strides = [1]} : vector<16xi32> to vector<1xi32>
      %parallel_loop3A_543 = vector.extract %parallel_loop3A_542[0] : i32 from vector<1xi32>
      %parallel_loop3A_544 = arith.constant 0 : i32
      %parallel_loop3A_545 = arith.addi %parallel_loop3A_543, %parallel_loop3A_544 : i32
      %parallel_loop3A_546 = tpu.assume_multiple %parallel_loop3A_545, 16 : i32
      %parallel_loop3A_547 = arith.index_cast %parallel_loop3A_546 : i32 to index
      %parallel_loop3A_548 = tpu.vector_load %arg13[%parallel_loop3A_547] {strides = array<i32>} : memref<192xf32, #tpu.memory_space<vmem>>, vector<16xf32>,
      %parallel_loop3A_549 = arith.constant 1920 : i32
      %parallel_loop3A_550 = arith.addi %parallel_loop3A_113, %parallel_loop3A_549 : i32
      %parallel_loop3A_551 = arith.constant 32 : i32
      %parallel_loop3A_552 = arith.addi %parallel_loop3A_550, %parallel_loop3A_551 : i32
      %parallel_loop3A_553 = arith.constant 0 : i32
      %parallel_loop3A_554 = arith.addi %parallel_loop3A_552, %parallel_loop3A_553 : i32
      %parallel_loop3A_555 = arith.index_cast %parallel_loop3A_554 : i32 to index
      %parallel_loop3A_556 = tpu.vector_load %arg16[%parallel_loop3A_555] {strides = array<i32>} : memref<65536xf32, #tpu.memory_space<vmem>>, vector<16xf32>,
      tpu.vector_store %arg16[%parallel_loop3A_555], %parallel_loop3A_548 {strides = array<i32>} : memref<65536xf32, #tpu.memory_space<vmem>>, vector<16xf32>,
      %parallel_loop3A_557 = arith.constant 16 : i32
      %parallel_loop3A_558 = arith.addi %parallel_loop3A_543, %parallel_loop3A_557 : i32
      %parallel_loop3A_559 = tpu.assume_multiple %parallel_loop3A_558, 16 : i32
      %parallel_loop3A_560 = arith.index_cast %parallel_loop3A_559 : i32 to index
      %parallel_loop3A_561 = tpu.vector_load %arg13[%parallel_loop3A_560] {strides = array<i32>} : memref<192xf32, #tpu.memory_space<vmem>>, vector<16xf32>,
      %parallel_loop3A_562 = arith.constant 1920 : i32
      %parallel_loop3A_563 = arith.addi %parallel_loop3A_113, %parallel_loop3A_562 : i32
      %parallel_loop3A_564 = arith.constant 32 : i32
      %parallel_loop3A_565 = arith.addi %parallel_loop3A_563, %parallel_loop3A_564 : i32
      %parallel_loop3A_566 = arith.constant 16 : i32
      %parallel_loop3A_567 = arith.addi %parallel_loop3A_565, %parallel_loop3A_566 : i32
      %parallel_loop3A_568 = arith.index_cast %parallel_loop3A_567 : i32 to index
      %parallel_loop3A_569 = tpu.vector_load %arg16[%parallel_loop3A_568] {strides = array<i32>} : memref<65536xf32, #tpu.memory_space<vmem>>, vector<16xf32>,
      tpu.vector_store %arg16[%parallel_loop3A_568], %parallel_loop3A_561 {strides = array<i32>} : memref<65536xf32, #tpu.memory_space<vmem>>, vector<16xf32>,
    } {sc.loop_unroll_factor = 2 : i64, sc.parallel_access}
    tpu.wait_dma2 semaphore(%arg19 : memref<!tpu.dma_semaphore, #tpu.memory_space<semaphore_mem>>) src(%arg8 : memref<288xf32, #tpu.memory_space<hbm>>) dst(%arg14 : memref<288xf32, #tpu.memory_space<vmem>>)
    %dma_wait3A_74 = arith.constant 8 : i32
    %dma_wait3A_75 = arith.constant 0 : i32
    %dma_wait3A_76 = tpu.memref_slice %arg11[%dma_wait3A_74, %dma_wait3A_75] : memref<16x128xi32, #tpu.memory_space<vmem>> -> memref<4x128xi32, #tpu.memory_space<vmem>>
    %dma_wait3A_77 = arith.constant 0 : i32
    %dma_wait3A_78 = tpu.memref_slice %arg4[%mul3A_27, %dma_wait3A_77] : memref<128x128xi32, #tpu.memory_space<hbm>> -> memref<4x128xi32, #tpu.memory_space<hbm>>
    %dma_wait3A_79 = arith.constant 8 : i32
    %dma_wait3A_80 = arith.constant 0 : i32
    %dma_wait3A_81 = tpu.memref_slice %arg11[%dma_wait3A_79, %dma_wait3A_80] : memref<16x128xi32, #tpu.memory_space<vmem>> -> memref<4x128xi32, #tpu.memory_space<vmem>>
    %dma_wait3A_82 = arith.constant 0 : i32
    %dma_wait3A_83 = tpu.memref_slice %arg4[%mul3A_27, %dma_wait3A_82] : memref<128x128xi32, #tpu.memory_space<hbm>> -> memref<4x128xi32, #tpu.memory_space<hbm>>
    tpu.wait_dma2 semaphore(%arg19 : memref<!tpu.dma_semaphore, #tpu.memory_space<semaphore_mem>>) src(%dma_wait3A_83 : memref<4x128xi32, #tpu.memory_space<hbm>>) dst(%dma_wait3A_81 : memref<4x128xi32, #tpu.memory_space<vmem>>)
    %parallel_loop3A_84 = arith.constant 0 : i32
    %parallel_loop3A_85 = arith.constant 32 : i32
    %parallel_loop3A_86 = arith.constant 1 : i32
    scf.for %parallel_loop3A_102 = %parallel_loop3A_84 to %parallel_loop3A_85 step %parallel_loop3A_86  : i32 {
      %parallel_loop3A_103 = arith.constant 3 : i32
      %parallel_loop3A_104 = arith.shrsi %parallel_loop3A_102, %parallel_loop3A_103 : i32
      %parallel_loop3A_105 = arith.constant 7 : i32
      %parallel_loop3A_106 = arith.andi %parallel_loop3A_102, %parallel_loop3A_105 : i32
      %parallel_loop3A_107 = arith.constant 16 : i32
      %parallel_loop3A_108 = arith.muli %parallel_loop3A_106, %parallel_loop3A_107 : i32
      %parallel_loop3A_109 = arith.constant 16 : i32
      %parallel_loop3A_110 = arith.muli %parallel_loop3A_102, %parallel_loop3A_109 : i32
      %parallel_loop3A_111 = arith.constant 128 : i32
      %parallel_loop3A_112 = arith.muli %parallel_loop3A_110, %parallel_loop3A_111 : i32
      %parallel_loop3A_113 = tpu.assume_multiple %parallel_loop3A_112, 2048 : i32
      %parallel_loop3A_114 = arith.constant 8 : i32
      %parallel_loop3A_115 = arith.addi %parallel_loop3A_114, %parallel_loop3A_104 : i32
      %parallel_loop3A_116 = arith.index_cast %parallel_loop3A_115 : i32 to index
      %parallel_loop3A_117 = arith.index_cast %parallel_loop3A_108 : i32 to index
      %parallel_loop3A_118 = tpu.vector_load %arg11[%parallel_loop3A_116, %parallel_loop3A_117] {strides = array<i32>} : memref<16x128xi32, #tpu.memory_space<vmem>>, vector<16xi32>,
      %parallel_loop3A_119 = arith.constant 32 : i32
      %parallel_loop3A_120 = vector.broadcast %parallel_loop3A_119 : i32 to vector<16xi32>
      %parallel_loop3A_121 = arith.muli %parallel_loop3A_118, %parallel_loop3A_120 : vector<16xi32>
      %parallel_loop3A_122 = vector.extract_strided_slice %parallel_loop3A_121 {offsets = [0], sizes = [1], strides = [1]} : vector<16xi32> to vector<1xi32>
      %parallel_loop3A_123 = vector.extract %parallel_loop3A_122[0] : i32 from vector<1xi32>
      %parallel_loop3A_124 = arith.constant 0 : i32
      %parallel_loop3A_125 = arith.addi %parallel_loop3A_123, %parallel_loop3A_124 : i32
      %parallel_loop3A_126 = tpu.assume_multiple %parallel_loop3A_125, 16 : i32
      %parallel_loop3A_127 = arith.index_cast %parallel_loop3A_126 : i32 to index
      %parallel_loop3A_128 = tpu.vector_load %arg14[%parallel_loop3A_127] {strides = array<i32>} : memref<288xf32, #tpu.memory_space<vmem>>, vector<16xf32>,
      %parallel_loop3A_129 = arith.constant 0 : i32
      %parallel_loop3A_130 = arith.addi %parallel_loop3A_113, %parallel_loop3A_129 : i32
      %parallel_loop3A_131 = arith.constant 64 : i32
      %parallel_loop3A_132 = arith.addi %parallel_loop3A_130, %parallel_loop3A_131 : i32
      %parallel_loop3A_133 = arith.constant 0 : i32
      %parallel_loop3A_134 = arith.addi %parallel_loop3A_132, %parallel_loop3A_133 : i32
      %parallel_loop3A_135 = arith.index_cast %parallel_loop3A_134 : i32 to index
      %parallel_loop3A_136 = tpu.vector_load %arg16[%parallel_loop3A_135] {strides = array<i32>} : memref<65536xf32, #tpu.memory_space<vmem>>, vector<16xf32>,
      tpu.vector_store %arg16[%parallel_loop3A_135], %parallel_loop3A_128 {strides = array<i32>} : memref<65536xf32, #tpu.memory_space<vmem>>, vector<16xf32>,
      %parallel_loop3A_137 = arith.constant 16 : i32
      %parallel_loop3A_138 = arith.addi %parallel_loop3A_123, %parallel_loop3A_137 : i32
      %parallel_loop3A_139 = tpu.assume_multiple %parallel_loop3A_138, 16 : i32
      %parallel_loop3A_140 = arith.index_cast %parallel_loop3A_139 : i32 to index
      %parallel_loop3A_141 = tpu.vector_load %arg14[%parallel_loop3A_140] {strides = array<i32>} : memref<288xf32, #tpu.memory_space<vmem>>, vector<16xf32>,
      %parallel_loop3A_142 = arith.constant 0 : i32
      %parallel_loop3A_143 = arith.addi %parallel_loop3A_113, %parallel_loop3A_142 : i32
      %parallel_loop3A_144 = arith.constant 64 : i32
      %parallel_loop3A_145 = arith.addi %parallel_loop3A_143, %parallel_loop3A_144 : i32
      %parallel_loop3A_146 = arith.constant 16 : i32
      %parallel_loop3A_147 = arith.addi %parallel_loop3A_145, %parallel_loop3A_146 : i32
      %parallel_loop3A_148 = arith.index_cast %parallel_loop3A_147 : i32 to index
      %parallel_loop3A_149 = tpu.vector_load %arg16[%parallel_loop3A_148] {strides = array<i32>} : memref<65536xf32, #tpu.memory_space<vmem>>, vector<16xf32>,
      tpu.vector_store %arg16[%parallel_loop3A_148], %parallel_loop3A_141 {strides = array<i32>} : memref<65536xf32, #tpu.memory_space<vmem>>, vector<16xf32>,
      %parallel_loop3A_150 = vector.extract_strided_slice %parallel_loop3A_121 {offsets = [1], sizes = [1], strides = [1]} : vector<16xi32> to vector<1xi32>
      %parallel_loop3A_151 = vector.extract %parallel_loop3A_150[0] : i32 from vector<1xi32>
      %parallel_loop3A_152 = arith.constant 0 : i32
      %parallel_loop3A_153 = arith.addi %parallel_loop3A_151, %parallel_loop3A_152 : i32
      %parallel_loop3A_154 = tpu.assume_multiple %parallel_loop3A_153, 16 : i32
      %parallel_loop3A_155 = arith.index_cast %parallel_loop3A_154 : i32 to index
      %parallel_loop3A_156 = tpu.vector_load %arg14[%parallel_loop3A_155] {strides = array<i32>} : memref<288xf32, #tpu.memory_space<vmem>>, vector<16xf32>,
      %parallel_loop3A_157 = arith.constant 128 : i32
      %parallel_loop3A_158 = arith.addi %parallel_loop3A_113, %parallel_loop3A_157 : i32
      %parallel_loop3A_159 = arith.constant 64 : i32
      %parallel_loop3A_160 = arith.addi %parallel_loop3A_158, %parallel_loop3A_159 : i32
      %parallel_loop3A_161 = arith.constant 0 : i32
      %parallel_loop3A_162 = arith.addi %parallel_loop3A_160, %parallel_loop3A_161 : i32
      %parallel_loop3A_163 = arith.index_cast %parallel_loop3A_162 : i32 to index
      %parallel_loop3A_164 = tpu.vector_load %arg16[%parallel_loop3A_163] {strides = array<i32>} : memref<65536xf32, #tpu.memory_space<vmem>>, vector<16xf32>,
      tpu.vector_store %arg16[%parallel_loop3A_163], %parallel_loop3A_156 {strides = array<i32>} : memref<65536xf32, #tpu.memory_space<vmem>>, vector<16xf32>,
      %parallel_loop3A_165 = arith.constant 16 : i32
      %parallel_loop3A_166 = arith.addi %parallel_loop3A_151, %parallel_loop3A_165 : i32
      %parallel_loop3A_167 = tpu.assume_multiple %parallel_loop3A_166, 16 : i32
      %parallel_loop3A_168 = arith.index_cast %parallel_loop3A_167 : i32 to index
      %parallel_loop3A_169 = tpu.vector_load %arg14[%parallel_loop3A_168] {strides = array<i32>} : memref<288xf32, #tpu.memory_space<vmem>>, vector<16xf32>,
      %parallel_loop3A_170 = arith.constant 128 : i32
      %parallel_loop3A_171 = arith.addi %parallel_loop3A_113, %parallel_loop3A_170 : i32
      %parallel_loop3A_172 = arith.constant 64 : i32
      %parallel_loop3A_173 = arith.addi %parallel_loop3A_171, %parallel_loop3A_172 : i32
      %parallel_loop3A_174 = arith.constant 16 : i32
      %parallel_loop3A_175 = arith.addi %parallel_loop3A_173, %parallel_loop3A_174 : i32
      %parallel_loop3A_176 = arith.index_cast %parallel_loop3A_175 : i32 to index
      %parallel_loop3A_177 = tpu.vector_load %arg16[%parallel_loop3A_176] {strides = array<i32>} : memref<65536xf32, #tpu.memory_space<vmem>>, vector<16xf32>,
      tpu.vector_store %arg16[%parallel_loop3A_176], %parallel_loop3A_169 {strides = array<i32>} : memref<65536xf32, #tpu.memory_space<vmem>>, vector<16xf32>,
      %parallel_loop3A_178 = vector.extract_strided_slice %parallel_loop3A_121 {offsets = [2], sizes = [1], strides = [1]} : vector<16xi32> to vector<1xi32>
      %parallel_loop3A_179 = vector.extract %parallel_loop3A_178[0] : i32 from vector<1xi32>
      %parallel_loop3A_180 = arith.constant 0 : i32
      %parallel_loop3A_181 = arith.addi %parallel_loop3A_179, %parallel_loop3A_180 : i32
      %parallel_loop3A_182 = tpu.assume_multiple %parallel_loop3A_181, 16 : i32
      %parallel_loop3A_183 = arith.index_cast %parallel_loop3A_182 : i32 to index
      %parallel_loop3A_184 = tpu.vector_load %arg14[%parallel_loop3A_183] {strides = array<i32>} : memref<288xf32, #tpu.memory_space<vmem>>, vector<16xf32>,
      %parallel_loop3A_185 = arith.constant 256 : i32
      %parallel_loop3A_186 = arith.addi %parallel_loop3A_113, %parallel_loop3A_185 : i32
      %parallel_loop3A_187 = arith.constant 64 : i32
      %parallel_loop3A_188 = arith.addi %parallel_loop3A_186, %parallel_loop3A_187 : i32
      %parallel_loop3A_189 = arith.constant 0 : i32
      %parallel_loop3A_190 = arith.addi %parallel_loop3A_188, %parallel_loop3A_189 : i32
      %parallel_loop3A_191 = arith.index_cast %parallel_loop3A_190 : i32 to index
      %parallel_loop3A_192 = tpu.vector_load %arg16[%parallel_loop3A_191] {strides = array<i32>} : memref<65536xf32, #tpu.memory_space<vmem>>, vector<16xf32>,
      tpu.vector_store %arg16[%parallel_loop3A_191], %parallel_loop3A_184 {strides = array<i32>} : memref<65536xf32, #tpu.memory_space<vmem>>, vector<16xf32>,
      %parallel_loop3A_193 = arith.constant 16 : i32
      %parallel_loop3A_194 = arith.addi %parallel_loop3A_179, %parallel_loop3A_193 : i32
      %parallel_loop3A_195 = tpu.assume_multiple %parallel_loop3A_194, 16 : i32
      %parallel_loop3A_196 = arith.index_cast %parallel_loop3A_195 : i32 to index
      %parallel_loop3A_197 = tpu.vector_load %arg14[%parallel_loop3A_196] {strides = array<i32>} : memref<288xf32, #tpu.memory_space<vmem>>, vector<16xf32>,
      %parallel_loop3A_198 = arith.constant 256 : i32
      %parallel_loop3A_199 = arith.addi %parallel_loop3A_113, %parallel_loop3A_198 : i32
      %parallel_loop3A_200 = arith.constant 64 : i32
      %parallel_loop3A_201 = arith.addi %parallel_loop3A_199, %parallel_loop3A_200 : i32
      %parallel_loop3A_202 = arith.constant 16 : i32
      %parallel_loop3A_203 = arith.addi %parallel_loop3A_201, %parallel_loop3A_202 : i32
      %parallel_loop3A_204 = arith.index_cast %parallel_loop3A_203 : i32 to index
      %parallel_loop3A_205 = tpu.vector_load %arg16[%parallel_loop3A_204] {strides = array<i32>} : memref<65536xf32, #tpu.memory_space<vmem>>, vector<16xf32>,
      tpu.vector_store %arg16[%parallel_loop3A_204], %parallel_loop3A_197 {strides = array<i32>} : memref<65536xf32, #tpu.memory_space<vmem>>, vector<16xf32>,
      %parallel_loop3A_206 = vector.extract_strided_slice %parallel_loop3A_121 {offsets = [3], sizes = [1], strides = [1]} : vector<16xi32> to vector<1xi32>
      %parallel_loop3A_207 = vector.extract %parallel_loop3A_206[0] : i32 from vector<1xi32>
      %parallel_loop3A_208 = arith.constant 0 : i32
      %parallel_loop3A_209 = arith.addi %parallel_loop3A_207, %parallel_loop3A_208 : i32
      %parallel_loop3A_210 = tpu.assume_multiple %parallel_loop3A_209, 16 : i32
      %parallel_loop3A_211 = arith.index_cast %parallel_loop3A_210 : i32 to index
      %parallel_loop3A_212 = tpu.vector_load %arg14[%parallel_loop3A_211] {strides = array<i32>} : memref<288xf32, #tpu.memory_space<vmem>>, vector<16xf32>,
      %parallel_loop3A_213 = arith.constant 384 : i32
      %parallel_loop3A_214 = arith.addi %parallel_loop3A_113, %parallel_loop3A_213 : i32
      %parallel_loop3A_215 = arith.constant 64 : i32
      %parallel_loop3A_216 = arith.addi %parallel_loop3A_214, %parallel_loop3A_215 : i32
      %parallel_loop3A_217 = arith.constant 0 : i32
      %parallel_loop3A_218 = arith.addi %parallel_loop3A_216, %parallel_loop3A_217 : i32
      %parallel_loop3A_219 = arith.index_cast %parallel_loop3A_218 : i32 to index
      %parallel_loop3A_220 = tpu.vector_load %arg16[%parallel_loop3A_219] {strides = array<i32>} : memref<65536xf32, #tpu.memory_space<vmem>>, vector<16xf32>,
      tpu.vector_store %arg16[%parallel_loop3A_219], %parallel_loop3A_212 {strides = array<i32>} : memref<65536xf32, #tpu.memory_space<vmem>>, vector<16xf32>,
      %parallel_loop3A_221 = arith.constant 16 : i32
      %parallel_loop3A_222 = arith.addi %parallel_loop3A_207, %parallel_loop3A_221 : i32
      %parallel_loop3A_223 = tpu.assume_multiple %parallel_loop3A_222, 16 : i32
      %parallel_loop3A_224 = arith.index_cast %parallel_loop3A_223 : i32 to index
      %parallel_loop3A_225 = tpu.vector_load %arg14[%parallel_loop3A_224] {strides = array<i32>} : memref<288xf32, #tpu.memory_space<vmem>>, vector<16xf32>,
      %parallel_loop3A_226 = arith.constant 384 : i32
      %parallel_loop3A_227 = arith.addi %parallel_loop3A_113, %parallel_loop3A_226 : i32
      %parallel_loop3A_228 = arith.constant 64 : i32
      %parallel_loop3A_229 = arith.addi %parallel_loop3A_227, %parallel_loop3A_228 : i32
      %parallel_loop3A_230 = arith.constant 16 : i32
      %parallel_loop3A_231 = arith.addi %parallel_loop3A_229, %parallel_loop3A_230 : i32
      %parallel_loop3A_232 = arith.index_cast %parallel_loop3A_231 : i32 to index
      %parallel_loop3A_233 = tpu.vector_load %arg16[%parallel_loop3A_232] {strides = array<i32>} : memref<65536xf32, #tpu.memory_space<vmem>>, vector<16xf32>,
      tpu.vector_store %arg16[%parallel_loop3A_232], %parallel_loop3A_225 {strides = array<i32>} : memref<65536xf32, #tpu.memory_space<vmem>>, vector<16xf32>,
      %parallel_loop3A_234 = vector.extract_strided_slice %parallel_loop3A_121 {offsets = [4], sizes = [1], strides = [1]} : vector<16xi32> to vector<1xi32>
      %parallel_loop3A_235 = vector.extract %parallel_loop3A_234[0] : i32 from vector<1xi32>
      %parallel_loop3A_236 = arith.constant 0 : i32
      %parallel_loop3A_237 = arith.addi %parallel_loop3A_235, %parallel_loop3A_236 : i32
      %parallel_loop3A_238 = tpu.assume_multiple %parallel_loop3A_237, 16 : i32
      %parallel_loop3A_239 = arith.index_cast %parallel_loop3A_238 : i32 to index
      %parallel_loop3A_240 = tpu.vector_load %arg14[%parallel_loop3A_239] {strides = array<i32>} : memref<288xf32, #tpu.memory_space<vmem>>, vector<16xf32>,
      %parallel_loop3A_241 = arith.constant 512 : i32
      %parallel_loop3A_242 = arith.addi %parallel_loop3A_113, %parallel_loop3A_241 : i32
      %parallel_loop3A_243 = arith.constant 64 : i32
      %parallel_loop3A_244 = arith.addi %parallel_loop3A_242, %parallel_loop3A_243 : i32
      %parallel_loop3A_245 = arith.constant 0 : i32
      %parallel_loop3A_246 = arith.addi %parallel_loop3A_244, %parallel_loop3A_245 : i32
      %parallel_loop3A_247 = arith.index_cast %parallel_loop3A_246 : i32 to index
      %parallel_loop3A_248 = tpu.vector_load %arg16[%parallel_loop3A_247] {strides = array<i32>} : memref<65536xf32, #tpu.memory_space<vmem>>, vector<16xf32>,
      tpu.vector_store %arg16[%parallel_loop3A_247], %parallel_loop3A_240 {strides = array<i32>} : memref<65536xf32, #tpu.memory_space<vmem>>, vector<16xf32>,
      %parallel_loop3A_249 = arith.constant 16 : i32
      %parallel_loop3A_250 = arith.addi %parallel_loop3A_235, %parallel_loop3A_249 : i32
      %parallel_loop3A_251 = tpu.assume_multiple %parallel_loop3A_250, 16 : i32
      %parallel_loop3A_252 = arith.index_cast %parallel_loop3A_251 : i32 to index
      %parallel_loop3A_253 = tpu.vector_load %arg14[%parallel_loop3A_252] {strides = array<i32>} : memref<288xf32, #tpu.memory_space<vmem>>, vector<16xf32>,
      %parallel_loop3A_254 = arith.constant 512 : i32
      %parallel_loop3A_255 = arith.addi %parallel_loop3A_113, %parallel_loop3A_254 : i32
      %parallel_loop3A_256 = arith.constant 64 : i32
      %parallel_loop3A_257 = arith.addi %parallel_loop3A_255, %parallel_loop3A_256 : i32
      %parallel_loop3A_258 = arith.constant 16 : i32
      %parallel_loop3A_259 = arith.addi %parallel_loop3A_257, %parallel_loop3A_258 : i32
      %parallel_loop3A_260 = arith.index_cast %parallel_loop3A_259 : i32 to index
      %parallel_loop3A_261 = tpu.vector_load %arg16[%parallel_loop3A_260] {strides = array<i32>} : memref<65536xf32, #tpu.memory_space<vmem>>, vector<16xf32>,
      tpu.vector_store %arg16[%parallel_loop3A_260], %parallel_loop3A_253 {strides = array<i32>} : memref<65536xf32, #tpu.memory_space<vmem>>, vector<16xf32>,
      %parallel_loop3A_262 = vector.extract_strided_slice %parallel_loop3A_121 {offsets = [5], sizes = [1], strides = [1]} : vector<16xi32> to vector<1xi32>
      %parallel_loop3A_263 = vector.extract %parallel_loop3A_262[0] : i32 from vector<1xi32>
      %parallel_loop3A_264 = arith.constant 0 : i32
      %parallel_loop3A_265 = arith.addi %parallel_loop3A_263, %parallel_loop3A_264 : i32
      %parallel_loop3A_266 = tpu.assume_multiple %parallel_loop3A_265, 16 : i32
      %parallel_loop3A_267 = arith.index_cast %parallel_loop3A_266 : i32 to index
      %parallel_loop3A_268 = tpu.vector_load %arg14[%parallel_loop3A_267] {strides = array<i32>} : memref<288xf32, #tpu.memory_space<vmem>>, vector<16xf32>,
      %parallel_loop3A_269 = arith.constant 640 : i32
      %parallel_loop3A_270 = arith.addi %parallel_loop3A_113, %parallel_loop3A_269 : i32
      %parallel_loop3A_271 = arith.constant 64 : i32
      %parallel_loop3A_272 = arith.addi %parallel_loop3A_270, %parallel_loop3A_271 : i32
      %parallel_loop3A_273 = arith.constant 0 : i32
      %parallel_loop3A_274 = arith.addi %parallel_loop3A_272, %parallel_loop3A_273 : i32
      %parallel_loop3A_275 = arith.index_cast %parallel_loop3A_274 : i32 to index
      %parallel_loop3A_276 = tpu.vector_load %arg16[%parallel_loop3A_275] {strides = array<i32>} : memref<65536xf32, #tpu.memory_space<vmem>>, vector<16xf32>,
      tpu.vector_store %arg16[%parallel_loop3A_275], %parallel_loop3A_268 {strides = array<i32>} : memref<65536xf32, #tpu.memory_space<vmem>>, vector<16xf32>,
      %parallel_loop3A_277 = arith.constant 16 : i32
      %parallel_loop3A_278 = arith.addi %parallel_loop3A_263, %parallel_loop3A_277 : i32
      %parallel_loop3A_279 = tpu.assume_multiple %parallel_loop3A_278, 16 : i32
      %parallel_loop3A_280 = arith.index_cast %parallel_loop3A_279 : i32 to index
      %parallel_loop3A_281 = tpu.vector_load %arg14[%parallel_loop3A_280] {strides = array<i32>} : memref<288xf32, #tpu.memory_space<vmem>>, vector<16xf32>,
      %parallel_loop3A_282 = arith.constant 640 : i32
      %parallel_loop3A_283 = arith.addi %parallel_loop3A_113, %parallel_loop3A_282 : i32
      %parallel_loop3A_284 = arith.constant 64 : i32
      %parallel_loop3A_285 = arith.addi %parallel_loop3A_283, %parallel_loop3A_284 : i32
      %parallel_loop3A_286 = arith.constant 16 : i32
      %parallel_loop3A_287 = arith.addi %parallel_loop3A_285, %parallel_loop3A_286 : i32
      %parallel_loop3A_288 = arith.index_cast %parallel_loop3A_287 : i32 to index
      %parallel_loop3A_289 = tpu.vector_load %arg16[%parallel_loop3A_288] {strides = array<i32>} : memref<65536xf32, #tpu.memory_space<vmem>>, vector<16xf32>,
      tpu.vector_store %arg16[%parallel_loop3A_288], %parallel_loop3A_281 {strides = array<i32>} : memref<65536xf32, #tpu.memory_space<vmem>>, vector<16xf32>,
      %parallel_loop3A_290 = vector.extract_strided_slice %parallel_loop3A_121 {offsets = [6], sizes = [1], strides = [1]} : vector<16xi32> to vector<1xi32>
      %parallel_loop3A_291 = vector.extract %parallel_loop3A_290[0] : i32 from vector<1xi32>
      %parallel_loop3A_292 = arith.constant 0 : i32
      %parallel_loop3A_293 = arith.addi %parallel_loop3A_291, %parallel_loop3A_292 : i32
      %parallel_loop3A_294 = tpu.assume_multiple %parallel_loop3A_293, 16 : i32
      %parallel_loop3A_295 = arith.index_cast %parallel_loop3A_294 : i32 to index
      %parallel_loop3A_296 = tpu.vector_load %arg14[%parallel_loop3A_295] {strides = array<i32>} : memref<288xf32, #tpu.memory_space<vmem>>, vector<16xf32>,
      %parallel_loop3A_297 = arith.constant 768 : i32
      %parallel_loop3A_298 = arith.addi %parallel_loop3A_113, %parallel_loop3A_297 : i32
      %parallel_loop3A_299 = arith.constant 64 : i32
      %parallel_loop3A_300 = arith.addi %parallel_loop3A_298, %parallel_loop3A_299 : i32
      %parallel_loop3A_301 = arith.constant 0 : i32
      %parallel_loop3A_302 = arith.addi %parallel_loop3A_300, %parallel_loop3A_301 : i32
      %parallel_loop3A_303 = arith.index_cast %parallel_loop3A_302 : i32 to index
      %parallel_loop3A_304 = tpu.vector_load %arg16[%parallel_loop3A_303] {strides = array<i32>} : memref<65536xf32, #tpu.memory_space<vmem>>, vector<16xf32>,
      tpu.vector_store %arg16[%parallel_loop3A_303], %parallel_loop3A_296 {strides = array<i32>} : memref<65536xf32, #tpu.memory_space<vmem>>, vector<16xf32>,
      %parallel_loop3A_305 = arith.constant 16 : i32
      %parallel_loop3A_306 = arith.addi %parallel_loop3A_291, %parallel_loop3A_305 : i32
      %parallel_loop3A_307 = tpu.assume_multiple %parallel_loop3A_306, 16 : i32
      %parallel_loop3A_308 = arith.index_cast %parallel_loop3A_307 : i32 to index
      %parallel_loop3A_309 = tpu.vector_load %arg14[%parallel_loop3A_308] {strides = array<i32>} : memref<288xf32, #tpu.memory_space<vmem>>, vector<16xf32>,
      %parallel_loop3A_310 = arith.constant 768 : i32
      %parallel_loop3A_311 = arith.addi %parallel_loop3A_113, %parallel_loop3A_310 : i32
      %parallel_loop3A_312 = arith.constant 64 : i32
      %parallel_loop3A_313 = arith.addi %parallel_loop3A_311, %parallel_loop3A_312 : i32
      %parallel_loop3A_314 = arith.constant 16 : i32
      %parallel_loop3A_315 = arith.addi %parallel_loop3A_313, %parallel_loop3A_314 : i32
      %parallel_loop3A_316 = arith.index_cast %parallel_loop3A_315 : i32 to index
      %parallel_loop3A_317 = tpu.vector_load %arg16[%parallel_loop3A_316] {strides = array<i32>} : memref<65536xf32, #tpu.memory_space<vmem>>, vector<16xf32>,
      tpu.vector_store %arg16[%parallel_loop3A_316], %parallel_loop3A_309 {strides = array<i32>} : memref<65536xf32, #tpu.memory_space<vmem>>, vector<16xf32>,
      %parallel_loop3A_318 = vector.extract_strided_slice %parallel_loop3A_121 {offsets = [7], sizes = [1], strides = [1]} : vector<16xi32> to vector<1xi32>
      %parallel_loop3A_319 = vector.extract %parallel_loop3A_318[0] : i32 from vector<1xi32>
      %parallel_loop3A_320 = arith.constant 0 : i32
      %parallel_loop3A_321 = arith.addi %parallel_loop3A_319, %parallel_loop3A_320 : i32
      %parallel_loop3A_322 = tpu.assume_multiple %parallel_loop3A_321, 16 : i32
      %parallel_loop3A_323 = arith.index_cast %parallel_loop3A_322 : i32 to index
      %parallel_loop3A_324 = tpu.vector_load %arg14[%parallel_loop3A_323] {strides = array<i32>} : memref<288xf32, #tpu.memory_space<vmem>>, vector<16xf32>,
      %parallel_loop3A_325 = arith.constant 896 : i32
      %parallel_loop3A_326 = arith.addi %parallel_loop3A_113, %parallel_loop3A_325 : i32
      %parallel_loop3A_327 = arith.constant 64 : i32
      %parallel_loop3A_328 = arith.addi %parallel_loop3A_326, %parallel_loop3A_327 : i32
      %parallel_loop3A_329 = arith.constant 0 : i32
      %parallel_loop3A_330 = arith.addi %parallel_loop3A_328, %parallel_loop3A_329 : i32
      %parallel_loop3A_331 = arith.index_cast %parallel_loop3A_330 : i32 to index
      %parallel_loop3A_332 = tpu.vector_load %arg16[%parallel_loop3A_331] {strides = array<i32>} : memref<65536xf32, #tpu.memory_space<vmem>>, vector<16xf32>,
      tpu.vector_store %arg16[%parallel_loop3A_331], %parallel_loop3A_324 {strides = array<i32>} : memref<65536xf32, #tpu.memory_space<vmem>>, vector<16xf32>,
      %parallel_loop3A_333 = arith.constant 16 : i32
      %parallel_loop3A_334 = arith.addi %parallel_loop3A_319, %parallel_loop3A_333 : i32
      %parallel_loop3A_335 = tpu.assume_multiple %parallel_loop3A_334, 16 : i32
      %parallel_loop3A_336 = arith.index_cast %parallel_loop3A_335 : i32 to index
      %parallel_loop3A_337 = tpu.vector_load %arg14[%parallel_loop3A_336] {strides = array<i32>} : memref<288xf32, #tpu.memory_space<vmem>>, vector<16xf32>,
      %parallel_loop3A_338 = arith.constant 896 : i32
      %parallel_loop3A_339 = arith.addi %parallel_loop3A_113, %parallel_loop3A_338 : i32
      %parallel_loop3A_340 = arith.constant 64 : i32
      %parallel_loop3A_341 = arith.addi %parallel_loop3A_339, %parallel_loop3A_340 : i32
      %parallel_loop3A_342 = arith.constant 16 : i32
      %parallel_loop3A_343 = arith.addi %parallel_loop3A_341, %parallel_loop3A_342 : i32
      %parallel_loop3A_344 = arith.index_cast %parallel_loop3A_343 : i32 to index
      %parallel_loop3A_345 = tpu.vector_load %arg16[%parallel_loop3A_344] {strides = array<i32>} : memref<65536xf32, #tpu.memory_space<vmem>>, vector<16xf32>,
      tpu.vector_store %arg16[%parallel_loop3A_344], %parallel_loop3A_337 {strides = array<i32>} : memref<65536xf32, #tpu.memory_space<vmem>>, vector<16xf32>,
      %parallel_loop3A_346 = vector.extract_strided_slice %parallel_loop3A_121 {offsets = [8], sizes = [1], strides = [1]} : vector<16xi32> to vector<1xi32>
      %parallel_loop3A_347 = vector.extract %parallel_loop3A_346[0] : i32 from vector<1xi32>
      %parallel_loop3A_348 = arith.constant 0 : i32
      %parallel_loop3A_349 = arith.addi %parallel_loop3A_347, %parallel_loop3A_348 : i32
      %parallel_loop3A_350 = tpu.assume_multiple %parallel_loop3A_349, 16 : i32
      %parallel_loop3A_351 = arith.index_cast %parallel_loop3A_350 : i32 to index
      %parallel_loop3A_352 = tpu.vector_load %arg14[%parallel_loop3A_351] {strides = array<i32>} : memref<288xf32, #tpu.memory_space<vmem>>, vector<16xf32>,
      %parallel_loop3A_353 = arith.constant 1024 : i32
      %parallel_loop3A_354 = arith.addi %parallel_loop3A_113, %parallel_loop3A_353 : i32
      %parallel_loop3A_355 = arith.constant 64 : i32
      %parallel_loop3A_356 = arith.addi %parallel_loop3A_354, %parallel_loop3A_355 : i32
      %parallel_loop3A_357 = arith.constant 0 : i32
      %parallel_loop3A_358 = arith.addi %parallel_loop3A_356, %parallel_loop3A_357 : i32
      %parallel_loop3A_359 = arith.index_cast %parallel_loop3A_358 : i32 to index
      %parallel_loop3A_360 = tpu.vector_load %arg16[%parallel_loop3A_359] {strides = array<i32>} : memref<65536xf32, #tpu.memory_space<vmem>>, vector<16xf32>,
      tpu.vector_store %arg16[%parallel_loop3A_359], %parallel_loop3A_352 {strides = array<i32>} : memref<65536xf32, #tpu.memory_space<vmem>>, vector<16xf32>,
      %parallel_loop3A_361 = arith.constant 16 : i32
      %parallel_loop3A_362 = arith.addi %parallel_loop3A_347, %parallel_loop3A_361 : i32
      %parallel_loop3A_363 = tpu.assume_multiple %parallel_loop3A_362, 16 : i32
      %parallel_loop3A_364 = arith.index_cast %parallel_loop3A_363 : i32 to index
      %parallel_loop3A_365 = tpu.vector_load %arg14[%parallel_loop3A_364] {strides = array<i32>} : memref<288xf32, #tpu.memory_space<vmem>>, vector<16xf32>,
      %parallel_loop3A_366 = arith.constant 1024 : i32
      %parallel_loop3A_367 = arith.addi %parallel_loop3A_113, %parallel_loop3A_366 : i32
      %parallel_loop3A_368 = arith.constant 64 : i32
      %parallel_loop3A_369 = arith.addi %parallel_loop3A_367, %parallel_loop3A_368 : i32
      %parallel_loop3A_370 = arith.constant 16 : i32
      %parallel_loop3A_371 = arith.addi %parallel_loop3A_369, %parallel_loop3A_370 : i32
      %parallel_loop3A_372 = arith.index_cast %parallel_loop3A_371 : i32 to index
      %parallel_loop3A_373 = tpu.vector_load %arg16[%parallel_loop3A_372] {strides = array<i32>} : memref<65536xf32, #tpu.memory_space<vmem>>, vector<16xf32>,
      tpu.vector_store %arg16[%parallel_loop3A_372], %parallel_loop3A_365 {strides = array<i32>} : memref<65536xf32, #tpu.memory_space<vmem>>, vector<16xf32>,
      %parallel_loop3A_374 = vector.extract_strided_slice %parallel_loop3A_121 {offsets = [9], sizes = [1], strides = [1]} : vector<16xi32> to vector<1xi32>
      %parallel_loop3A_375 = vector.extract %parallel_loop3A_374[0] : i32 from vector<1xi32>
      %parallel_loop3A_376 = arith.constant 0 : i32
      %parallel_loop3A_377 = arith.addi %parallel_loop3A_375, %parallel_loop3A_376 : i32
      %parallel_loop3A_378 = tpu.assume_multiple %parallel_loop3A_377, 16 : i32
      %parallel_loop3A_379 = arith.index_cast %parallel_loop3A_378 : i32 to index
      %parallel_loop3A_380 = tpu.vector_load %arg14[%parallel_loop3A_379] {strides = array<i32>} : memref<288xf32, #tpu.memory_space<vmem>>, vector<16xf32>,
      %parallel_loop3A_381 = arith.constant 1152 : i32
      %parallel_loop3A_382 = arith.addi %parallel_loop3A_113, %parallel_loop3A_381 : i32
      %parallel_loop3A_383 = arith.constant 64 : i32
      %parallel_loop3A_384 = arith.addi %parallel_loop3A_382, %parallel_loop3A_383 : i32
      %parallel_loop3A_385 = arith.constant 0 : i32
      %parallel_loop3A_386 = arith.addi %parallel_loop3A_384, %parallel_loop3A_385 : i32
      %parallel_loop3A_387 = arith.index_cast %parallel_loop3A_386 : i32 to index
      %parallel_loop3A_388 = tpu.vector_load %arg16[%parallel_loop3A_387] {strides = array<i32>} : memref<65536xf32, #tpu.memory_space<vmem>>, vector<16xf32>,
      tpu.vector_store %arg16[%parallel_loop3A_387], %parallel_loop3A_380 {strides = array<i32>} : memref<65536xf32, #tpu.memory_space<vmem>>, vector<16xf32>,
      %parallel_loop3A_389 = arith.constant 16 : i32
      %parallel_loop3A_390 = arith.addi %parallel_loop3A_375, %parallel_loop3A_389 : i32
      %parallel_loop3A_391 = tpu.assume_multiple %parallel_loop3A_390, 16 : i32
      %parallel_loop3A_392 = arith.index_cast %parallel_loop3A_391 : i32 to index
      %parallel_loop3A_393 = tpu.vector_load %arg14[%parallel_loop3A_392] {strides = array<i32>} : memref<288xf32, #tpu.memory_space<vmem>>, vector<16xf32>,
      %parallel_loop3A_394 = arith.constant 1152 : i32
      %parallel_loop3A_395 = arith.addi %parallel_loop3A_113, %parallel_loop3A_394 : i32
      %parallel_loop3A_396 = arith.constant 64 : i32
      %parallel_loop3A_397 = arith.addi %parallel_loop3A_395, %parallel_loop3A_396 : i32
      %parallel_loop3A_398 = arith.constant 16 : i32
      %parallel_loop3A_399 = arith.addi %parallel_loop3A_397, %parallel_loop3A_398 : i32
      %parallel_loop3A_400 = arith.index_cast %parallel_loop3A_399 : i32 to index
      %parallel_loop3A_401 = tpu.vector_load %arg16[%parallel_loop3A_400] {strides = array<i32>} : memref<65536xf32, #tpu.memory_space<vmem>>, vector<16xf32>,
      tpu.vector_store %arg16[%parallel_loop3A_400], %parallel_loop3A_393 {strides = array<i32>} : memref<65536xf32, #tpu.memory_space<vmem>>, vector<16xf32>,
      %parallel_loop3A_402 = vector.extract_strided_slice %parallel_loop3A_121 {offsets = [10], sizes = [1], strides = [1]} : vector<16xi32> to vector<1xi32>
      %parallel_loop3A_403 = vector.extract %parallel_loop3A_402[0] : i32 from vector<1xi32>
      %parallel_loop3A_404 = arith.constant 0 : i32
      %parallel_loop3A_405 = arith.addi %parallel_loop3A_403, %parallel_loop3A_404 : i32
      %parallel_loop3A_406 = tpu.assume_multiple %parallel_loop3A_405, 16 : i32
      %parallel_loop3A_407 = arith.index_cast %parallel_loop3A_406 : i32 to index
      %parallel_loop3A_408 = tpu.vector_load %arg14[%parallel_loop3A_407] {strides = array<i32>} : memref<288xf32, #tpu.memory_space<vmem>>, vector<16xf32>,
      %parallel_loop3A_409 = arith.constant 1280 : i32
      %parallel_loop3A_410 = arith.addi %parallel_loop3A_113, %parallel_loop3A_409 : i32
      %parallel_loop3A_411 = arith.constant 64 : i32
      %parallel_loop3A_412 = arith.addi %parallel_loop3A_410, %parallel_loop3A_411 : i32
      %parallel_loop3A_413 = arith.constant 0 : i32
      %parallel_loop3A_414 = arith.addi %parallel_loop3A_412, %parallel_loop3A_413 : i32
      %parallel_loop3A_415 = arith.index_cast %parallel_loop3A_414 : i32 to index
      %parallel_loop3A_416 = tpu.vector_load %arg16[%parallel_loop3A_415] {strides = array<i32>} : memref<65536xf32, #tpu.memory_space<vmem>>, vector<16xf32>,
      tpu.vector_store %arg16[%parallel_loop3A_415], %parallel_loop3A_408 {strides = array<i32>} : memref<65536xf32, #tpu.memory_space<vmem>>, vector<16xf32>,
      %parallel_loop3A_417 = arith.constant 16 : i32
      %parallel_loop3A_418 = arith.addi %parallel_loop3A_403, %parallel_loop3A_417 : i32
      %parallel_loop3A_419 = tpu.assume_multiple %parallel_loop3A_418, 16 : i32
      %parallel_loop3A_420 = arith.index_cast %parallel_loop3A_419 : i32 to index
      %parallel_loop3A_421 = tpu.vector_load %arg14[%parallel_loop3A_420] {strides = array<i32>} : memref<288xf32, #tpu.memory_space<vmem>>, vector<16xf32>,
      %parallel_loop3A_422 = arith.constant 1280 : i32
      %parallel_loop3A_423 = arith.addi %parallel_loop3A_113, %parallel_loop3A_422 : i32
      %parallel_loop3A_424 = arith.constant 64 : i32
      %parallel_loop3A_425 = arith.addi %parallel_loop3A_423, %parallel_loop3A_424 : i32
      %parallel_loop3A_426 = arith.constant 16 : i32
      %parallel_loop3A_427 = arith.addi %parallel_loop3A_425, %parallel_loop3A_426 : i32
      %parallel_loop3A_428 = arith.index_cast %parallel_loop3A_427 : i32 to index
      %parallel_loop3A_429 = tpu.vector_load %arg16[%parallel_loop3A_428] {strides = array<i32>} : memref<65536xf32, #tpu.memory_space<vmem>>, vector<16xf32>,
      tpu.vector_store %arg16[%parallel_loop3A_428], %parallel_loop3A_421 {strides = array<i32>} : memref<65536xf32, #tpu.memory_space<vmem>>, vector<16xf32>,
      %parallel_loop3A_430 = vector.extract_strided_slice %parallel_loop3A_121 {offsets = [11], sizes = [1], strides = [1]} : vector<16xi32> to vector<1xi32>
      %parallel_loop3A_431 = vector.extract %parallel_loop3A_430[0] : i32 from vector<1xi32>
      %parallel_loop3A_432 = arith.constant 0 : i32
      %parallel_loop3A_433 = arith.addi %parallel_loop3A_431, %parallel_loop3A_432 : i32
      %parallel_loop3A_434 = tpu.assume_multiple %parallel_loop3A_433, 16 : i32
      %parallel_loop3A_435 = arith.index_cast %parallel_loop3A_434 : i32 to index
      %parallel_loop3A_436 = tpu.vector_load %arg14[%parallel_loop3A_435] {strides = array<i32>} : memref<288xf32, #tpu.memory_space<vmem>>, vector<16xf32>,
      %parallel_loop3A_437 = arith.constant 1408 : i32
      %parallel_loop3A_438 = arith.addi %parallel_loop3A_113, %parallel_loop3A_437 : i32
      %parallel_loop3A_439 = arith.constant 64 : i32
      %parallel_loop3A_440 = arith.addi %parallel_loop3A_438, %parallel_loop3A_439 : i32
      %parallel_loop3A_441 = arith.constant 0 : i32
      %parallel_loop3A_442 = arith.addi %parallel_loop3A_440, %parallel_loop3A_441 : i32
      %parallel_loop3A_443 = arith.index_cast %parallel_loop3A_442 : i32 to index
      %parallel_loop3A_444 = tpu.vector_load %arg16[%parallel_loop3A_443] {strides = array<i32>} : memref<65536xf32, #tpu.memory_space<vmem>>, vector<16xf32>,
      tpu.vector_store %arg16[%parallel_loop3A_443], %parallel_loop3A_436 {strides = array<i32>} : memref<65536xf32, #tpu.memory_space<vmem>>, vector<16xf32>,
      %parallel_loop3A_445 = arith.constant 16 : i32
      %parallel_loop3A_446 = arith.addi %parallel_loop3A_431, %parallel_loop3A_445 : i32
      %parallel_loop3A_447 = tpu.assume_multiple %parallel_loop3A_446, 16 : i32
      %parallel_loop3A_448 = arith.index_cast %parallel_loop3A_447 : i32 to index
      %parallel_loop3A_449 = tpu.vector_load %arg14[%parallel_loop3A_448] {strides = array<i32>} : memref<288xf32, #tpu.memory_space<vmem>>, vector<16xf32>,
      %parallel_loop3A_450 = arith.constant 1408 : i32
      %parallel_loop3A_451 = arith.addi %parallel_loop3A_113, %parallel_loop3A_450 : i32
      %parallel_loop3A_452 = arith.constant 64 : i32
      %parallel_loop3A_453 = arith.addi %parallel_loop3A_451, %parallel_loop3A_452 : i32
      %parallel_loop3A_454 = arith.constant 16 : i32
      %parallel_loop3A_455 = arith.addi %parallel_loop3A_453, %parallel_loop3A_454 : i32
      %parallel_loop3A_456 = arith.index_cast %parallel_loop3A_455 : i32 to index
      %parallel_loop3A_457 = tpu.vector_load %arg16[%parallel_loop3A_456] {strides = array<i32>} : memref<65536xf32, #tpu.memory_space<vmem>>, vector<16xf32>,
      tpu.vector_store %arg16[%parallel_loop3A_456], %parallel_loop3A_449 {strides = array<i32>} : memref<65536xf32, #tpu.memory_space<vmem>>, vector<16xf32>,
      %parallel_loop3A_458 = vector.extract_strided_slice %parallel_loop3A_121 {offsets = [12], sizes = [1], strides = [1]} : vector<16xi32> to vector<1xi32>
      %parallel_loop3A_459 = vector.extract %parallel_loop3A_458[0] : i32 from vector<1xi32>
      %parallel_loop3A_460 = arith.constant 0 : i32
      %parallel_loop3A_461 = arith.addi %parallel_loop3A_459, %parallel_loop3A_460 : i32
      %parallel_loop3A_462 = tpu.assume_multiple %parallel_loop3A_461, 16 : i32
      %parallel_loop3A_463 = arith.index_cast %parallel_loop3A_462 : i32 to index
      %parallel_loop3A_464 = tpu.vector_load %arg14[%parallel_loop3A_463] {strides = array<i32>} : memref<288xf32, #tpu.memory_space<vmem>>, vector<16xf32>,
      %parallel_loop3A_465 = arith.constant 1536 : i32
      %parallel_loop3A_466 = arith.addi %parallel_loop3A_113, %parallel_loop3A_465 : i32
      %parallel_loop3A_467 = arith.constant 64 : i32
      %parallel_loop3A_468 = arith.addi %parallel_loop3A_466, %parallel_loop3A_467 : i32
      %parallel_loop3A_469 = arith.constant 0 : i32
      %parallel_loop3A_470 = arith.addi %parallel_loop3A_468, %parallel_loop3A_469 : i32
      %parallel_loop3A_471 = arith.index_cast %parallel_loop3A_470 : i32 to index
      %parallel_loop3A_472 = tpu.vector_load %arg16[%parallel_loop3A_471] {strides = array<i32>} : memref<65536xf32, #tpu.memory_space<vmem>>, vector<16xf32>,
      tpu.vector_store %arg16[%parallel_loop3A_471], %parallel_loop3A_464 {strides = array<i32>} : memref<65536xf32, #tpu.memory_space<vmem>>, vector<16xf32>,
      %parallel_loop3A_473 = arith.constant 16 : i32
      %parallel_loop3A_474 = arith.addi %parallel_loop3A_459, %parallel_loop3A_473 : i32
      %parallel_loop3A_475 = tpu.assume_multiple %parallel_loop3A_474, 16 : i32
      %parallel_loop3A_476 = arith.index_cast %parallel_loop3A_475 : i32 to index
      %parallel_loop3A_477 = tpu.vector_load %arg14[%parallel_loop3A_476] {strides = array<i32>} : memref<288xf32, #tpu.memory_space<vmem>>, vector<16xf32>,
      %parallel_loop3A_478 = arith.constant 1536 : i32
      %parallel_loop3A_479 = arith.addi %parallel_loop3A_113, %parallel_loop3A_478 : i32
      %parallel_loop3A_480 = arith.constant 64 : i32
      %parallel_loop3A_481 = arith.addi %parallel_loop3A_479, %parallel_loop3A_480 : i32
      %parallel_loop3A_482 = arith.constant 16 : i32
      %parallel_loop3A_483 = arith.addi %parallel_loop3A_481, %parallel_loop3A_482 : i32
      %parallel_loop3A_484 = arith.index_cast %parallel_loop3A_483 : i32 to index
      %parallel_loop3A_485 = tpu.vector_load %arg16[%parallel_loop3A_484] {strides = array<i32>} : memref<65536xf32, #tpu.memory_space<vmem>>, vector<16xf32>,
      tpu.vector_store %arg16[%parallel_loop3A_484], %parallel_loop3A_477 {strides = array<i32>} : memref<65536xf32, #tpu.memory_space<vmem>>, vector<16xf32>,
      %parallel_loop3A_486 = vector.extract_strided_slice %parallel_loop3A_121 {offsets = [13], sizes = [1], strides = [1]} : vector<16xi32> to vector<1xi32>
      %parallel_loop3A_487 = vector.extract %parallel_loop3A_486[0] : i32 from vector<1xi32>
      %parallel_loop3A_488 = arith.constant 0 : i32
      %parallel_loop3A_489 = arith.addi %parallel_loop3A_487, %parallel_loop3A_488 : i32
      %parallel_loop3A_490 = tpu.assume_multiple %parallel_loop3A_489, 16 : i32
      %parallel_loop3A_491 = arith.index_cast %parallel_loop3A_490 : i32 to index
      %parallel_loop3A_492 = tpu.vector_load %arg14[%parallel_loop3A_491] {strides = array<i32>} : memref<288xf32, #tpu.memory_space<vmem>>, vector<16xf32>,
      %parallel_loop3A_493 = arith.constant 1664 : i32
      %parallel_loop3A_494 = arith.addi %parallel_loop3A_113, %parallel_loop3A_493 : i32
      %parallel_loop3A_495 = arith.constant 64 : i32
      %parallel_loop3A_496 = arith.addi %parallel_loop3A_494, %parallel_loop3A_495 : i32
      %parallel_loop3A_497 = arith.constant 0 : i32
      %parallel_loop3A_498 = arith.addi %parallel_loop3A_496, %parallel_loop3A_497 : i32
      %parallel_loop3A_499 = arith.index_cast %parallel_loop3A_498 : i32 to index
      %parallel_loop3A_500 = tpu.vector_load %arg16[%parallel_loop3A_499] {strides = array<i32>} : memref<65536xf32, #tpu.memory_space<vmem>>, vector<16xf32>,
      tpu.vector_store %arg16[%parallel_loop3A_499], %parallel_loop3A_492 {strides = array<i32>} : memref<65536xf32, #tpu.memory_space<vmem>>, vector<16xf32>,
      %parallel_loop3A_501 = arith.constant 16 : i32
      %parallel_loop3A_502 = arith.addi %parallel_loop3A_487, %parallel_loop3A_501 : i32
      %parallel_loop3A_503 = tpu.assume_multiple %parallel_loop3A_502, 16 : i32
      %parallel_loop3A_504 = arith.index_cast %parallel_loop3A_503 : i32 to index
      %parallel_loop3A_505 = tpu.vector_load %arg14[%parallel_loop3A_504] {strides = array<i32>} : memref<288xf32, #tpu.memory_space<vmem>>, vector<16xf32>,
      %parallel_loop3A_506 = arith.constant 1664 : i32
      %parallel_loop3A_507 = arith.addi %parallel_loop3A_113, %parallel_loop3A_506 : i32
      %parallel_loop3A_508 = arith.constant 64 : i32
      %parallel_loop3A_509 = arith.addi %parallel_loop3A_507, %parallel_loop3A_508 : i32
      %parallel_loop3A_510 = arith.constant 16 : i32
      %parallel_loop3A_511 = arith.addi %parallel_loop3A_509, %parallel_loop3A_510 : i32
      %parallel_loop3A_512 = arith.index_cast %parallel_loop3A_511 : i32 to index
      %parallel_loop3A_513 = tpu.vector_load %arg16[%parallel_loop3A_512] {strides = array<i32>} : memref<65536xf32, #tpu.memory_space<vmem>>, vector<16xf32>,
      tpu.vector_store %arg16[%parallel_loop3A_512], %parallel_loop3A_505 {strides = array<i32>} : memref<65536xf32, #tpu.memory_space<vmem>>, vector<16xf32>,
      %parallel_loop3A_514 = vector.extract_strided_slice %parallel_loop3A_121 {offsets = [14], sizes = [1], strides = [1]} : vector<16xi32> to vector<1xi32>
      %parallel_loop3A_515 = vector.extract %parallel_loop3A_514[0] : i32 from vector<1xi32>
      %parallel_loop3A_516 = arith.constant 0 : i32
      %parallel_loop3A_517 = arith.addi %parallel_loop3A_515, %parallel_loop3A_516 : i32
      %parallel_loop3A_518 = tpu.assume_multiple %parallel_loop3A_517, 16 : i32
      %parallel_loop3A_519 = arith.index_cast %parallel_loop3A_518 : i32 to index
      %parallel_loop3A_520 = tpu.vector_load %arg14[%parallel_loop3A_519] {strides = array<i32>} : memref<288xf32, #tpu.memory_space<vmem>>, vector<16xf32>,
      %parallel_loop3A_521 = arith.constant 1792 : i32
      %parallel_loop3A_522 = arith.addi %parallel_loop3A_113, %parallel_loop3A_521 : i32
      %parallel_loop3A_523 = arith.constant 64 : i32
      %parallel_loop3A_524 = arith.addi %parallel_loop3A_522, %parallel_loop3A_523 : i32
      %parallel_loop3A_525 = arith.constant 0 : i32
      %parallel_loop3A_526 = arith.addi %parallel_loop3A_524, %parallel_loop3A_525 : i32
      %parallel_loop3A_527 = arith.index_cast %parallel_loop3A_526 : i32 to index
      %parallel_loop3A_528 = tpu.vector_load %arg16[%parallel_loop3A_527] {strides = array<i32>} : memref<65536xf32, #tpu.memory_space<vmem>>, vector<16xf32>,
      tpu.vector_store %arg16[%parallel_loop3A_527], %parallel_loop3A_520 {strides = array<i32>} : memref<65536xf32, #tpu.memory_space<vmem>>, vector<16xf32>,
      %parallel_loop3A_529 = arith.constant 16 : i32
      %parallel_loop3A_530 = arith.addi %parallel_loop3A_515, %parallel_loop3A_529 : i32
      %parallel_loop3A_531 = tpu.assume_multiple %parallel_loop3A_530, 16 : i32
      %parallel_loop3A_532 = arith.index_cast %parallel_loop3A_531 : i32 to index
      %parallel_loop3A_533 = tpu.vector_load %arg14[%parallel_loop3A_532] {strides = array<i32>} : memref<288xf32, #tpu.memory_space<vmem>>, vector<16xf32>,
      %parallel_loop3A_534 = arith.constant 1792 : i32
      %parallel_loop3A_535 = arith.addi %parallel_loop3A_113, %parallel_loop3A_534 : i32
      %parallel_loop3A_536 = arith.constant 64 : i32
      %parallel_loop3A_537 = arith.addi %parallel_loop3A_535, %parallel_loop3A_536 : i32
      %parallel_loop3A_538 = arith.constant 16 : i32
      %parallel_loop3A_539 = arith.addi %parallel_loop3A_537, %parallel_loop3A_538 : i32
      %parallel_loop3A_540 = arith.index_cast %parallel_loop3A_539 : i32 to index
      %parallel_loop3A_541 = tpu.vector_load %arg16[%parallel_loop3A_540] {strides = array<i32>} : memref<65536xf32, #tpu.memory_space<vmem>>, vector<16xf32>,
      tpu.vector_store %arg16[%parallel_loop3A_540], %parallel_loop3A_533 {strides = array<i32>} : memref<65536xf32, #tpu.memory_space<vmem>>, vector<16xf32>,
      %parallel_loop3A_542 = vector.extract_strided_slice %parallel_loop3A_121 {offsets = [15], sizes = [1], strides = [1]} : vector<16xi32> to vector<1xi32>
      %parallel_loop3A_543 = vector.extract %parallel_loop3A_542[0] : i32 from vector<1xi32>
      %parallel_loop3A_544 = arith.constant 0 : i32
      %parallel_loop3A_545 = arith.addi %parallel_loop3A_543, %parallel_loop3A_544 : i32
      %parallel_loop3A_546 = tpu.assume_multiple %parallel_loop3A_545, 16 : i32
      %parallel_loop3A_547 = arith.index_cast %parallel_loop3A_546 : i32 to index
      %parallel_loop3A_548 = tpu.vector_load %arg14[%parallel_loop3A_547] {strides = array<i32>} : memref<288xf32, #tpu.memory_space<vmem>>, vector<16xf32>,
      %parallel_loop3A_549 = arith.constant 1920 : i32
      %parallel_loop3A_550 = arith.addi %parallel_loop3A_113, %parallel_loop3A_549 : i32
      %parallel_loop3A_551 = arith.constant 64 : i32
      %parallel_loop3A_552 = arith.addi %parallel_loop3A_550, %parallel_loop3A_551 : i32
      %parallel_loop3A_553 = arith.constant 0 : i32
      %parallel_loop3A_554 = arith.addi %parallel_loop3A_552, %parallel_loop3A_553 : i32
      %parallel_loop3A_555 = arith.index_cast %parallel_loop3A_554 : i32 to index
      %parallel_loop3A_556 = tpu.vector_load %arg16[%parallel_loop3A_555] {strides = array<i32>} : memref<65536xf32, #tpu.memory_space<vmem>>, vector<16xf32>,
      tpu.vector_store %arg16[%parallel_loop3A_555], %parallel_loop3A_548 {strides = array<i32>} : memref<65536xf32, #tpu.memory_space<vmem>>, vector<16xf32>,
      %parallel_loop3A_557 = arith.constant 16 : i32
      %parallel_loop3A_558 = arith.addi %parallel_loop3A_543, %parallel_loop3A_557 : i32
      %parallel_loop3A_559 = tpu.assume_multiple %parallel_loop3A_558, 16 : i32
      %parallel_loop3A_560 = arith.index_cast %parallel_loop3A_559 : i32 to index
      %parallel_loop3A_561 = tpu.vector_load %arg14[%parallel_loop3A_560] {strides = array<i32>} : memref<288xf32, #tpu.memory_space<vmem>>, vector<16xf32>,
      %parallel_loop3A_562 = arith.constant 1920 : i32
      %parallel_loop3A_563 = arith.addi %parallel_loop3A_113, %parallel_loop3A_562 : i32
      %parallel_loop3A_564 = arith.constant 64 : i32
      %parallel_loop3A_565 = arith.addi %parallel_loop3A_563, %parallel_loop3A_564 : i32
      %parallel_loop3A_566 = arith.constant 16 : i32
      %parallel_loop3A_567 = arith.addi %parallel_loop3A_565, %parallel_loop3A_566 : i32
      %parallel_loop3A_568 = arith.index_cast %parallel_loop3A_567 : i32 to index
      %parallel_loop3A_569 = tpu.vector_load %arg16[%parallel_loop3A_568] {strides = array<i32>} : memref<65536xf32, #tpu.memory_space<vmem>>, vector<16xf32>,
      tpu.vector_store %arg16[%parallel_loop3A_568], %parallel_loop3A_561 {strides = array<i32>} : memref<65536xf32, #tpu.memory_space<vmem>>, vector<16xf32>,
    } {sc.loop_unroll_factor = 2 : i64, sc.parallel_access}
    tpu.wait_dma2 semaphore(%arg20 : memref<!tpu.dma_semaphore, #tpu.memory_space<semaphore_mem>>) src(%arg9 : memref<1216xf32, #tpu.memory_space<hbm>>) dst(%arg15 : memref<1216xf32, #tpu.memory_space<vmem>>)
    %dma_wait3A_87 = arith.constant 12 : i32
    %dma_wait3A_88 = arith.constant 0 : i32
    %dma_wait3A_89 = tpu.memref_slice %arg11[%dma_wait3A_87, %dma_wait3A_88] : memref<16x128xi32, #tpu.memory_space<vmem>> -> memref<4x128xi32, #tpu.memory_space<vmem>>
    %dma_wait3A_90 = arith.constant 0 : i32
    %dma_wait3A_91 = tpu.memref_slice %arg5[%mul3A_39, %dma_wait3A_90] : memref<128x128xi32, #tpu.memory_space<hbm>> -> memref<4x128xi32, #tpu.memory_space<hbm>>
    %dma_wait3A_92 = arith.constant 12 : i32
    %dma_wait3A_93 = arith.constant 0 : i32
    %dma_wait3A_94 = tpu.memref_slice %arg11[%dma_wait3A_92, %dma_wait3A_93] : memref<16x128xi32, #tpu.memory_space<vmem>> -> memref<4x128xi32, #tpu.memory_space<vmem>>
    %dma_wait3A_95 = arith.constant 0 : i32
    %dma_wait3A_96 = tpu.memref_slice %arg5[%mul3A_39, %dma_wait3A_95] : memref<128x128xi32, #tpu.memory_space<hbm>> -> memref<4x128xi32, #tpu.memory_space<hbm>>
    tpu.wait_dma2 semaphore(%arg20 : memref<!tpu.dma_semaphore, #tpu.memory_space<semaphore_mem>>) src(%dma_wait3A_96 : memref<4x128xi32, #tpu.memory_space<hbm>>) dst(%dma_wait3A_94 : memref<4x128xi32, #tpu.memory_space<vmem>>)
    %parallel_loop3A_97 = arith.constant 0 : i32
    %parallel_loop3A_98 = arith.constant 32 : i32
    %parallel_loop3A_99 = arith.constant 1 : i32
    scf.for %parallel_loop3A_102 = %parallel_loop3A_97 to %parallel_loop3A_98 step %parallel_loop3A_99  : i32 {
      %parallel_loop3A_103 = arith.constant 3 : i32
      %parallel_loop3A_104 = arith.shrsi %parallel_loop3A_102, %parallel_loop3A_103 : i32
      %parallel_loop3A_105 = arith.constant 7 : i32
      %parallel_loop3A_106 = arith.andi %parallel_loop3A_102, %parallel_loop3A_105 : i32
      %parallel_loop3A_107 = arith.constant 16 : i32
      %parallel_loop3A_108 = arith.muli %parallel_loop3A_106, %parallel_loop3A_107 : i32
      %parallel_loop3A_109 = arith.constant 16 : i32
      %parallel_loop3A_110 = arith.muli %parallel_loop3A_102, %parallel_loop3A_109 : i32
      %parallel_loop3A_111 = arith.constant 128 : i32
      %parallel_loop3A_112 = arith.muli %parallel_loop3A_110, %parallel_loop3A_111 : i32
      %parallel_loop3A_113 = tpu.assume_multiple %parallel_loop3A_112, 2048 : i32
      %parallel_loop3A_114 = arith.constant 12 : i32
      %parallel_loop3A_115 = arith.addi %parallel_loop3A_114, %parallel_loop3A_104 : i32
      %parallel_loop3A_116 = arith.index_cast %parallel_loop3A_115 : i32 to index
      %parallel_loop3A_117 = arith.index_cast %parallel_loop3A_108 : i32 to index
      %parallel_loop3A_118 = tpu.vector_load %arg11[%parallel_loop3A_116, %parallel_loop3A_117] {strides = array<i32>} : memref<16x128xi32, #tpu.memory_space<vmem>>, vector<16xi32>,
      %parallel_loop3A_119 = arith.constant 32 : i32
      %parallel_loop3A_120 = vector.broadcast %parallel_loop3A_119 : i32 to vector<16xi32>
      %parallel_loop3A_121 = arith.muli %parallel_loop3A_118, %parallel_loop3A_120 : vector<16xi32>
      %parallel_loop3A_122 = vector.extract_strided_slice %parallel_loop3A_121 {offsets = [0], sizes = [1], strides = [1]} : vector<16xi32> to vector<1xi32>
      %parallel_loop3A_123 = vector.extract %parallel_loop3A_122[0] : i32 from vector<1xi32>
      %parallel_loop3A_124 = arith.constant 0 : i32
      %parallel_loop3A_125 = arith.addi %parallel_loop3A_123, %parallel_loop3A_124 : i32
      %parallel_loop3A_126 = tpu.assume_multiple %parallel_loop3A_125, 16 : i32
      %parallel_loop3A_127 = arith.index_cast %parallel_loop3A_126 : i32 to index
      %parallel_loop3A_128 = tpu.vector_load %arg15[%parallel_loop3A_127] {strides = array<i32>} : memref<1216xf32, #tpu.memory_space<vmem>>, vector<16xf32>,
      %parallel_loop3A_129 = arith.constant 0 : i32
      %parallel_loop3A_130 = arith.addi %parallel_loop3A_113, %parallel_loop3A_129 : i32
      %parallel_loop3A_131 = arith.constant 96 : i32
      %parallel_loop3A_132 = arith.addi %parallel_loop3A_130, %parallel_loop3A_131 : i32
      %parallel_loop3A_133 = arith.constant 0 : i32
      %parallel_loop3A_134 = arith.addi %parallel_loop3A_132, %parallel_loop3A_133 : i32
      %parallel_loop3A_135 = arith.index_cast %parallel_loop3A_134 : i32 to index
      %parallel_loop3A_136 = tpu.vector_load %arg16[%parallel_loop3A_135] {strides = array<i32>} : memref<65536xf32, #tpu.memory_space<vmem>>, vector<16xf32>,
      tpu.vector_store %arg16[%parallel_loop3A_135], %parallel_loop3A_128 {strides = array<i32>} : memref<65536xf32, #tpu.memory_space<vmem>>, vector<16xf32>,
      %parallel_loop3A_137 = arith.constant 16 : i32
      %parallel_loop3A_138 = arith.addi %parallel_loop3A_123, %parallel_loop3A_137 : i32
      %parallel_loop3A_139 = tpu.assume_multiple %parallel_loop3A_138, 16 : i32
      %parallel_loop3A_140 = arith.index_cast %parallel_loop3A_139 : i32 to index
      %parallel_loop3A_141 = tpu.vector_load %arg15[%parallel_loop3A_140] {strides = array<i32>} : memref<1216xf32, #tpu.memory_space<vmem>>, vector<16xf32>,
      %parallel_loop3A_142 = arith.constant 0 : i32
      %parallel_loop3A_143 = arith.addi %parallel_loop3A_113, %parallel_loop3A_142 : i32
      %parallel_loop3A_144 = arith.constant 96 : i32
      %parallel_loop3A_145 = arith.addi %parallel_loop3A_143, %parallel_loop3A_144 : i32
      %parallel_loop3A_146 = arith.constant 16 : i32
      %parallel_loop3A_147 = arith.addi %parallel_loop3A_145, %parallel_loop3A_146 : i32
      %parallel_loop3A_148 = arith.index_cast %parallel_loop3A_147 : i32 to index
      %parallel_loop3A_149 = tpu.vector_load %arg16[%parallel_loop3A_148] {strides = array<i32>} : memref<65536xf32, #tpu.memory_space<vmem>>, vector<16xf32>,
      tpu.vector_store %arg16[%parallel_loop3A_148], %parallel_loop3A_141 {strides = array<i32>} : memref<65536xf32, #tpu.memory_space<vmem>>, vector<16xf32>,
      %parallel_loop3A_150 = vector.extract_strided_slice %parallel_loop3A_121 {offsets = [1], sizes = [1], strides = [1]} : vector<16xi32> to vector<1xi32>
      %parallel_loop3A_151 = vector.extract %parallel_loop3A_150[0] : i32 from vector<1xi32>
      %parallel_loop3A_152 = arith.constant 0 : i32
      %parallel_loop3A_153 = arith.addi %parallel_loop3A_151, %parallel_loop3A_152 : i32
      %parallel_loop3A_154 = tpu.assume_multiple %parallel_loop3A_153, 16 : i32
      %parallel_loop3A_155 = arith.index_cast %parallel_loop3A_154 : i32 to index
      %parallel_loop3A_156 = tpu.vector_load %arg15[%parallel_loop3A_155] {strides = array<i32>} : memref<1216xf32, #tpu.memory_space<vmem>>, vector<16xf32>,
      %parallel_loop3A_157 = arith.constant 128 : i32
      %parallel_loop3A_158 = arith.addi %parallel_loop3A_113, %parallel_loop3A_157 : i32
      %parallel_loop3A_159 = arith.constant 96 : i32
      %parallel_loop3A_160 = arith.addi %parallel_loop3A_158, %parallel_loop3A_159 : i32
      %parallel_loop3A_161 = arith.constant 0 : i32
      %parallel_loop3A_162 = arith.addi %parallel_loop3A_160, %parallel_loop3A_161 : i32
      %parallel_loop3A_163 = arith.index_cast %parallel_loop3A_162 : i32 to index
      %parallel_loop3A_164 = tpu.vector_load %arg16[%parallel_loop3A_163] {strides = array<i32>} : memref<65536xf32, #tpu.memory_space<vmem>>, vector<16xf32>,
      tpu.vector_store %arg16[%parallel_loop3A_163], %parallel_loop3A_156 {strides = array<i32>} : memref<65536xf32, #tpu.memory_space<vmem>>, vector<16xf32>,
      %parallel_loop3A_165 = arith.constant 16 : i32
      %parallel_loop3A_166 = arith.addi %parallel_loop3A_151, %parallel_loop3A_165 : i32
      %parallel_loop3A_167 = tpu.assume_multiple %parallel_loop3A_166, 16 : i32
      %parallel_loop3A_168 = arith.index_cast %parallel_loop3A_167 : i32 to index
      %parallel_loop3A_169 = tpu.vector_load %arg15[%parallel_loop3A_168] {strides = array<i32>} : memref<1216xf32, #tpu.memory_space<vmem>>, vector<16xf32>,
      %parallel_loop3A_170 = arith.constant 128 : i32
      %parallel_loop3A_171 = arith.addi %parallel_loop3A_113, %parallel_loop3A_170 : i32
      %parallel_loop3A_172 = arith.constant 96 : i32
      %parallel_loop3A_173 = arith.addi %parallel_loop3A_171, %parallel_loop3A_172 : i32
      %parallel_loop3A_174 = arith.constant 16 : i32
      %parallel_loop3A_175 = arith.addi %parallel_loop3A_173, %parallel_loop3A_174 : i32
      %parallel_loop3A_176 = arith.index_cast %parallel_loop3A_175 : i32 to index
      %parallel_loop3A_177 = tpu.vector_load %arg16[%parallel_loop3A_176] {strides = array<i32>} : memref<65536xf32, #tpu.memory_space<vmem>>, vector<16xf32>,
      tpu.vector_store %arg16[%parallel_loop3A_176], %parallel_loop3A_169 {strides = array<i32>} : memref<65536xf32, #tpu.memory_space<vmem>>, vector<16xf32>,
      %parallel_loop3A_178 = vector.extract_strided_slice %parallel_loop3A_121 {offsets = [2], sizes = [1], strides = [1]} : vector<16xi32> to vector<1xi32>
      %parallel_loop3A_179 = vector.extract %parallel_loop3A_178[0] : i32 from vector<1xi32>
      %parallel_loop3A_180 = arith.constant 0 : i32
      %parallel_loop3A_181 = arith.addi %parallel_loop3A_179, %parallel_loop3A_180 : i32
      %parallel_loop3A_182 = tpu.assume_multiple %parallel_loop3A_181, 16 : i32
      %parallel_loop3A_183 = arith.index_cast %parallel_loop3A_182 : i32 to index
      %parallel_loop3A_184 = tpu.vector_load %arg15[%parallel_loop3A_183] {strides = array<i32>} : memref<1216xf32, #tpu.memory_space<vmem>>, vector<16xf32>,
      %parallel_loop3A_185 = arith.constant 256 : i32
      %parallel_loop3A_186 = arith.addi %parallel_loop3A_113, %parallel_loop3A_185 : i32
      %parallel_loop3A_187 = arith.constant 96 : i32
      %parallel_loop3A_188 = arith.addi %parallel_loop3A_186, %parallel_loop3A_187 : i32
      %parallel_loop3A_189 = arith.constant 0 : i32
      %parallel_loop3A_190 = arith.addi %parallel_loop3A_188, %parallel_loop3A_189 : i32
      %parallel_loop3A_191 = arith.index_cast %parallel_loop3A_190 : i32 to index
      %parallel_loop3A_192 = tpu.vector_load %arg16[%parallel_loop3A_191] {strides = array<i32>} : memref<65536xf32, #tpu.memory_space<vmem>>, vector<16xf32>,
      tpu.vector_store %arg16[%parallel_loop3A_191], %parallel_loop3A_184 {strides = array<i32>} : memref<65536xf32, #tpu.memory_space<vmem>>, vector<16xf32>,
      %parallel_loop3A_193 = arith.constant 16 : i32
      %parallel_loop3A_194 = arith.addi %parallel_loop3A_179, %parallel_loop3A_193 : i32
      %parallel_loop3A_195 = tpu.assume_multiple %parallel_loop3A_194, 16 : i32
      %parallel_loop3A_196 = arith.index_cast %parallel_loop3A_195 : i32 to index
      %parallel_loop3A_197 = tpu.vector_load %arg15[%parallel_loop3A_196] {strides = array<i32>} : memref<1216xf32, #tpu.memory_space<vmem>>, vector<16xf32>,
      %parallel_loop3A_198 = arith.constant 256 : i32
      %parallel_loop3A_199 = arith.addi %parallel_loop3A_113, %parallel_loop3A_198 : i32
      %parallel_loop3A_200 = arith.constant 96 : i32
      %parallel_loop3A_201 = arith.addi %parallel_loop3A_199, %parallel_loop3A_200 : i32
      %parallel_loop3A_202 = arith.constant 16 : i32
      %parallel_loop3A_203 = arith.addi %parallel_loop3A_201, %parallel_loop3A_202 : i32
      %parallel_loop3A_204 = arith.index_cast %parallel_loop3A_203 : i32 to index
      %parallel_loop3A_205 = tpu.vector_load %arg16[%parallel_loop3A_204] {strides = array<i32>} : memref<65536xf32, #tpu.memory_space<vmem>>, vector<16xf32>,
      tpu.vector_store %arg16[%parallel_loop3A_204], %parallel_loop3A_197 {strides = array<i32>} : memref<65536xf32, #tpu.memory_space<vmem>>, vector<16xf32>,
      %parallel_loop3A_206 = vector.extract_strided_slice %parallel_loop3A_121 {offsets = [3], sizes = [1], strides = [1]} : vector<16xi32> to vector<1xi32>
      %parallel_loop3A_207 = vector.extract %parallel_loop3A_206[0] : i32 from vector<1xi32>
      %parallel_loop3A_208 = arith.constant 0 : i32
      %parallel_loop3A_209 = arith.addi %parallel_loop3A_207, %parallel_loop3A_208 : i32
      %parallel_loop3A_210 = tpu.assume_multiple %parallel_loop3A_209, 16 : i32
      %parallel_loop3A_211 = arith.index_cast %parallel_loop3A_210 : i32 to index
      %parallel_loop3A_212 = tpu.vector_load %arg15[%parallel_loop3A_211] {strides = array<i32>} : memref<1216xf32, #tpu.memory_space<vmem>>, vector<16xf32>,
      %parallel_loop3A_213 = arith.constant 384 : i32
      %parallel_loop3A_214 = arith.addi %parallel_loop3A_113, %parallel_loop3A_213 : i32
      %parallel_loop3A_215 = arith.constant 96 : i32
      %parallel_loop3A_216 = arith.addi %parallel_loop3A_214, %parallel_loop3A_215 : i32
      %parallel_loop3A_217 = arith.constant 0 : i32
      %parallel_loop3A_218 = arith.addi %parallel_loop3A_216, %parallel_loop3A_217 : i32
      %parallel_loop3A_219 = arith.index_cast %parallel_loop3A_218 : i32 to index
      %parallel_loop3A_220 = tpu.vector_load %arg16[%parallel_loop3A_219] {strides = array<i32>} : memref<65536xf32, #tpu.memory_space<vmem>>, vector<16xf32>,
      tpu.vector_store %arg16[%parallel_loop3A_219], %parallel_loop3A_212 {strides = array<i32>} : memref<65536xf32, #tpu.memory_space<vmem>>, vector<16xf32>,
      %parallel_loop3A_221 = arith.constant 16 : i32
      %parallel_loop3A_222 = arith.addi %parallel_loop3A_207, %parallel_loop3A_221 : i32
      %parallel_loop3A_223 = tpu.assume_multiple %parallel_loop3A_222, 16 : i32
      %parallel_loop3A_224 = arith.index_cast %parallel_loop3A_223 : i32 to index
      %parallel_loop3A_225 = tpu.vector_load %arg15[%parallel_loop3A_224] {strides = array<i32>} : memref<1216xf32, #tpu.memory_space<vmem>>, vector<16xf32>,
      %parallel_loop3A_226 = arith.constant 384 : i32
      %parallel_loop3A_227 = arith.addi %parallel_loop3A_113, %parallel_loop3A_226 : i32
      %parallel_loop3A_228 = arith.constant 96 : i32
      %parallel_loop3A_229 = arith.addi %parallel_loop3A_227, %parallel_loop3A_228 : i32
      %parallel_loop3A_230 = arith.constant 16 : i32
      %parallel_loop3A_231 = arith.addi %parallel_loop3A_229, %parallel_loop3A_230 : i32
      %parallel_loop3A_232 = arith.index_cast %parallel_loop3A_231 : i32 to index
      %parallel_loop3A_233 = tpu.vector_load %arg16[%parallel_loop3A_232] {strides = array<i32>} : memref<65536xf32, #tpu.memory_space<vmem>>, vector<16xf32>,
      tpu.vector_store %arg16[%parallel_loop3A_232], %parallel_loop3A_225 {strides = array<i32>} : memref<65536xf32, #tpu.memory_space<vmem>>, vector<16xf32>,
      %parallel_loop3A_234 = vector.extract_strided_slice %parallel_loop3A_121 {offsets = [4], sizes = [1], strides = [1]} : vector<16xi32> to vector<1xi32>
      %parallel_loop3A_235 = vector.extract %parallel_loop3A_234[0] : i32 from vector<1xi32>
      %parallel_loop3A_236 = arith.constant 0 : i32
      %parallel_loop3A_237 = arith.addi %parallel_loop3A_235, %parallel_loop3A_236 : i32
      %parallel_loop3A_238 = tpu.assume_multiple %parallel_loop3A_237, 16 : i32
      %parallel_loop3A_239 = arith.index_cast %parallel_loop3A_238 : i32 to index
      %parallel_loop3A_240 = tpu.vector_load %arg15[%parallel_loop3A_239] {strides = array<i32>} : memref<1216xf32, #tpu.memory_space<vmem>>, vector<16xf32>,
      %parallel_loop3A_241 = arith.constant 512 : i32
      %parallel_loop3A_242 = arith.addi %parallel_loop3A_113, %parallel_loop3A_241 : i32
      %parallel_loop3A_243 = arith.constant 96 : i32
      %parallel_loop3A_244 = arith.addi %parallel_loop3A_242, %parallel_loop3A_243 : i32
      %parallel_loop3A_245 = arith.constant 0 : i32
      %parallel_loop3A_246 = arith.addi %parallel_loop3A_244, %parallel_loop3A_245 : i32
      %parallel_loop3A_247 = arith.index_cast %parallel_loop3A_246 : i32 to index
      %parallel_loop3A_248 = tpu.vector_load %arg16[%parallel_loop3A_247] {strides = array<i32>} : memref<65536xf32, #tpu.memory_space<vmem>>, vector<16xf32>,
      tpu.vector_store %arg16[%parallel_loop3A_247], %parallel_loop3A_240 {strides = array<i32>} : memref<65536xf32, #tpu.memory_space<vmem>>, vector<16xf32>,
      %parallel_loop3A_249 = arith.constant 16 : i32
      %parallel_loop3A_250 = arith.addi %parallel_loop3A_235, %parallel_loop3A_249 : i32
      %parallel_loop3A_251 = tpu.assume_multiple %parallel_loop3A_250, 16 : i32
      %parallel_loop3A_252 = arith.index_cast %parallel_loop3A_251 : i32 to index
      %parallel_loop3A_253 = tpu.vector_load %arg15[%parallel_loop3A_252] {strides = array<i32>} : memref<1216xf32, #tpu.memory_space<vmem>>, vector<16xf32>,
      %parallel_loop3A_254 = arith.constant 512 : i32
      %parallel_loop3A_255 = arith.addi %parallel_loop3A_113, %parallel_loop3A_254 : i32
      %parallel_loop3A_256 = arith.constant 96 : i32
      %parallel_loop3A_257 = arith.addi %parallel_loop3A_255, %parallel_loop3A_256 : i32
      %parallel_loop3A_258 = arith.constant 16 : i32
      %parallel_loop3A_259 = arith.addi %parallel_loop3A_257, %parallel_loop3A_258 : i32
      %parallel_loop3A_260 = arith.index_cast %parallel_loop3A_259 : i32 to index
      %parallel_loop3A_261 = tpu.vector_load %arg16[%parallel_loop3A_260] {strides = array<i32>} : memref<65536xf32, #tpu.memory_space<vmem>>, vector<16xf32>,
      tpu.vector_store %arg16[%parallel_loop3A_260], %parallel_loop3A_253 {strides = array<i32>} : memref<65536xf32, #tpu.memory_space<vmem>>, vector<16xf32>,
      %parallel_loop3A_262 = vector.extract_strided_slice %parallel_loop3A_121 {offsets = [5], sizes = [1], strides = [1]} : vector<16xi32> to vector<1xi32>
      %parallel_loop3A_263 = vector.extract %parallel_loop3A_262[0] : i32 from vector<1xi32>
      %parallel_loop3A_264 = arith.constant 0 : i32
      %parallel_loop3A_265 = arith.addi %parallel_loop3A_263, %parallel_loop3A_264 : i32
      %parallel_loop3A_266 = tpu.assume_multiple %parallel_loop3A_265, 16 : i32
      %parallel_loop3A_267 = arith.index_cast %parallel_loop3A_266 : i32 to index
      %parallel_loop3A_268 = tpu.vector_load %arg15[%parallel_loop3A_267] {strides = array<i32>} : memref<1216xf32, #tpu.memory_space<vmem>>, vector<16xf32>,
      %parallel_loop3A_269 = arith.constant 640 : i32
      %parallel_loop3A_270 = arith.addi %parallel_loop3A_113, %parallel_loop3A_269 : i32
      %parallel_loop3A_271 = arith.constant 96 : i32
      %parallel_loop3A_272 = arith.addi %parallel_loop3A_270, %parallel_loop3A_271 : i32
      %parallel_loop3A_273 = arith.constant 0 : i32
      %parallel_loop3A_274 = arith.addi %parallel_loop3A_272, %parallel_loop3A_273 : i32
      %parallel_loop3A_275 = arith.index_cast %parallel_loop3A_274 : i32 to index
      %parallel_loop3A_276 = tpu.vector_load %arg16[%parallel_loop3A_275] {strides = array<i32>} : memref<65536xf32, #tpu.memory_space<vmem>>, vector<16xf32>,
      tpu.vector_store %arg16[%parallel_loop3A_275], %parallel_loop3A_268 {strides = array<i32>} : memref<65536xf32, #tpu.memory_space<vmem>>, vector<16xf32>,
      %parallel_loop3A_277 = arith.constant 16 : i32
      %parallel_loop3A_278 = arith.addi %parallel_loop3A_263, %parallel_loop3A_277 : i32
      %parallel_loop3A_279 = tpu.assume_multiple %parallel_loop3A_278, 16 : i32
      %parallel_loop3A_280 = arith.index_cast %parallel_loop3A_279 : i32 to index
      %parallel_loop3A_281 = tpu.vector_load %arg15[%parallel_loop3A_280] {strides = array<i32>} : memref<1216xf32, #tpu.memory_space<vmem>>, vector<16xf32>,
      %parallel_loop3A_282 = arith.constant 640 : i32
      %parallel_loop3A_283 = arith.addi %parallel_loop3A_113, %parallel_loop3A_282 : i32
      %parallel_loop3A_284 = arith.constant 96 : i32
      %parallel_loop3A_285 = arith.addi %parallel_loop3A_283, %parallel_loop3A_284 : i32
      %parallel_loop3A_286 = arith.constant 16 : i32
      %parallel_loop3A_287 = arith.addi %parallel_loop3A_285, %parallel_loop3A_286 : i32
      %parallel_loop3A_288 = arith.index_cast %parallel_loop3A_287 : i32 to index
      %parallel_loop3A_289 = tpu.vector_load %arg16[%parallel_loop3A_288] {strides = array<i32>} : memref<65536xf32, #tpu.memory_space<vmem>>, vector<16xf32>,
      tpu.vector_store %arg16[%parallel_loop3A_288], %parallel_loop3A_281 {strides = array<i32>} : memref<65536xf32, #tpu.memory_space<vmem>>, vector<16xf32>,
      %parallel_loop3A_290 = vector.extract_strided_slice %parallel_loop3A_121 {offsets = [6], sizes = [1], strides = [1]} : vector<16xi32> to vector<1xi32>
      %parallel_loop3A_291 = vector.extract %parallel_loop3A_290[0] : i32 from vector<1xi32>
      %parallel_loop3A_292 = arith.constant 0 : i32
      %parallel_loop3A_293 = arith.addi %parallel_loop3A_291, %parallel_loop3A_292 : i32
      %parallel_loop3A_294 = tpu.assume_multiple %parallel_loop3A_293, 16 : i32
      %parallel_loop3A_295 = arith.index_cast %parallel_loop3A_294 : i32 to index
      %parallel_loop3A_296 = tpu.vector_load %arg15[%parallel_loop3A_295] {strides = array<i32>} : memref<1216xf32, #tpu.memory_space<vmem>>, vector<16xf32>,
      %parallel_loop3A_297 = arith.constant 768 : i32
      %parallel_loop3A_298 = arith.addi %parallel_loop3A_113, %parallel_loop3A_297 : i32
      %parallel_loop3A_299 = arith.constant 96 : i32
      %parallel_loop3A_300 = arith.addi %parallel_loop3A_298, %parallel_loop3A_299 : i32
      %parallel_loop3A_301 = arith.constant 0 : i32
      %parallel_loop3A_302 = arith.addi %parallel_loop3A_300, %parallel_loop3A_301 : i32
      %parallel_loop3A_303 = arith.index_cast %parallel_loop3A_302 : i32 to index
      %parallel_loop3A_304 = tpu.vector_load %arg16[%parallel_loop3A_303] {strides = array<i32>} : memref<65536xf32, #tpu.memory_space<vmem>>, vector<16xf32>,
      tpu.vector_store %arg16[%parallel_loop3A_303], %parallel_loop3A_296 {strides = array<i32>} : memref<65536xf32, #tpu.memory_space<vmem>>, vector<16xf32>,
      %parallel_loop3A_305 = arith.constant 16 : i32
      %parallel_loop3A_306 = arith.addi %parallel_loop3A_291, %parallel_loop3A_305 : i32
      %parallel_loop3A_307 = tpu.assume_multiple %parallel_loop3A_306, 16 : i32
      %parallel_loop3A_308 = arith.index_cast %parallel_loop3A_307 : i32 to index
      %parallel_loop3A_309 = tpu.vector_load %arg15[%parallel_loop3A_308] {strides = array<i32>} : memref<1216xf32, #tpu.memory_space<vmem>>, vector<16xf32>,
      %parallel_loop3A_310 = arith.constant 768 : i32
      %parallel_loop3A_311 = arith.addi %parallel_loop3A_113, %parallel_loop3A_310 : i32
      %parallel_loop3A_312 = arith.constant 96 : i32
      %parallel_loop3A_313 = arith.addi %parallel_loop3A_311, %parallel_loop3A_312 : i32
      %parallel_loop3A_314 = arith.constant 16 : i32
      %parallel_loop3A_315 = arith.addi %parallel_loop3A_313, %parallel_loop3A_314 : i32
      %parallel_loop3A_316 = arith.index_cast %parallel_loop3A_315 : i32 to index
      %parallel_loop3A_317 = tpu.vector_load %arg16[%parallel_loop3A_316] {strides = array<i32>} : memref<65536xf32, #tpu.memory_space<vmem>>, vector<16xf32>,
      tpu.vector_store %arg16[%parallel_loop3A_316], %parallel_loop3A_309 {strides = array<i32>} : memref<65536xf32, #tpu.memory_space<vmem>>, vector<16xf32>,
      %parallel_loop3A_318 = vector.extract_strided_slice %parallel_loop3A_121 {offsets = [7], sizes = [1], strides = [1]} : vector<16xi32> to vector<1xi32>
      %parallel_loop3A_319 = vector.extract %parallel_loop3A_318[0] : i32 from vector<1xi32>
      %parallel_loop3A_320 = arith.constant 0 : i32
      %parallel_loop3A_321 = arith.addi %parallel_loop3A_319, %parallel_loop3A_320 : i32
      %parallel_loop3A_322 = tpu.assume_multiple %parallel_loop3A_321, 16 : i32
      %parallel_loop3A_323 = arith.index_cast %parallel_loop3A_322 : i32 to index
      %parallel_loop3A_324 = tpu.vector_load %arg15[%parallel_loop3A_323] {strides = array<i32>} : memref<1216xf32, #tpu.memory_space<vmem>>, vector<16xf32>,
      %parallel_loop3A_325 = arith.constant 896 : i32
      %parallel_loop3A_326 = arith.addi %parallel_loop3A_113, %parallel_loop3A_325 : i32
      %parallel_loop3A_327 = arith.constant 96 : i32
      %parallel_loop3A_328 = arith.addi %parallel_loop3A_326, %parallel_loop3A_327 : i32
      %parallel_loop3A_329 = arith.constant 0 : i32
      %parallel_loop3A_330 = arith.addi %parallel_loop3A_328, %parallel_loop3A_329 : i32
      %parallel_loop3A_331 = arith.index_cast %parallel_loop3A_330 : i32 to index
      %parallel_loop3A_332 = tpu.vector_load %arg16[%parallel_loop3A_331] {strides = array<i32>} : memref<65536xf32, #tpu.memory_space<vmem>>, vector<16xf32>,
      tpu.vector_store %arg16[%parallel_loop3A_331], %parallel_loop3A_324 {strides = array<i32>} : memref<65536xf32, #tpu.memory_space<vmem>>, vector<16xf32>,
      %parallel_loop3A_333 = arith.constant 16 : i32
      %parallel_loop3A_334 = arith.addi %parallel_loop3A_319, %parallel_loop3A_333 : i32
      %parallel_loop3A_335 = tpu.assume_multiple %parallel_loop3A_334, 16 : i32
      %parallel_loop3A_336 = arith.index_cast %parallel_loop3A_335 : i32 to index
      %parallel_loop3A_337 = tpu.vector_load %arg15[%parallel_loop3A_336] {strides = array<i32>} : memref<1216xf32, #tpu.memory_space<vmem>>, vector<16xf32>,
      %parallel_loop3A_338 = arith.constant 896 : i32
      %parallel_loop3A_339 = arith.addi %parallel_loop3A_113, %parallel_loop3A_338 : i32
      %parallel_loop3A_340 = arith.constant 96 : i32
      %parallel_loop3A_341 = arith.addi %parallel_loop3A_339, %parallel_loop3A_340 : i32
      %parallel_loop3A_342 = arith.constant 16 : i32
      %parallel_loop3A_343 = arith.addi %parallel_loop3A_341, %parallel_loop3A_342 : i32
      %parallel_loop3A_344 = arith.index_cast %parallel_loop3A_343 : i32 to index
      %parallel_loop3A_345 = tpu.vector_load %arg16[%parallel_loop3A_344] {strides = array<i32>} : memref<65536xf32, #tpu.memory_space<vmem>>, vector<16xf32>,
      tpu.vector_store %arg16[%parallel_loop3A_344], %parallel_loop3A_337 {strides = array<i32>} : memref<65536xf32, #tpu.memory_space<vmem>>, vector<16xf32>,
      %parallel_loop3A_346 = vector.extract_strided_slice %parallel_loop3A_121 {offsets = [8], sizes = [1], strides = [1]} : vector<16xi32> to vector<1xi32>
      %parallel_loop3A_347 = vector.extract %parallel_loop3A_346[0] : i32 from vector<1xi32>
      %parallel_loop3A_348 = arith.constant 0 : i32
      %parallel_loop3A_349 = arith.addi %parallel_loop3A_347, %parallel_loop3A_348 : i32
      %parallel_loop3A_350 = tpu.assume_multiple %parallel_loop3A_349, 16 : i32
      %parallel_loop3A_351 = arith.index_cast %parallel_loop3A_350 : i32 to index
      %parallel_loop3A_352 = tpu.vector_load %arg15[%parallel_loop3A_351] {strides = array<i32>} : memref<1216xf32, #tpu.memory_space<vmem>>, vector<16xf32>,
      %parallel_loop3A_353 = arith.constant 1024 : i32
      %parallel_loop3A_354 = arith.addi %parallel_loop3A_113, %parallel_loop3A_353 : i32
      %parallel_loop3A_355 = arith.constant 96 : i32
      %parallel_loop3A_356 = arith.addi %parallel_loop3A_354, %parallel_loop3A_355 : i32
      %parallel_loop3A_357 = arith.constant 0 : i32
      %parallel_loop3A_358 = arith.addi %parallel_loop3A_356, %parallel_loop3A_357 : i32
      %parallel_loop3A_359 = arith.index_cast %parallel_loop3A_358 : i32 to index
      %parallel_loop3A_360 = tpu.vector_load %arg16[%parallel_loop3A_359] {strides = array<i32>} : memref<65536xf32, #tpu.memory_space<vmem>>, vector<16xf32>,
      tpu.vector_store %arg16[%parallel_loop3A_359], %parallel_loop3A_352 {strides = array<i32>} : memref<65536xf32, #tpu.memory_space<vmem>>, vector<16xf32>,
      %parallel_loop3A_361 = arith.constant 16 : i32
      %parallel_loop3A_362 = arith.addi %parallel_loop3A_347, %parallel_loop3A_361 : i32
      %parallel_loop3A_363 = tpu.assume_multiple %parallel_loop3A_362, 16 : i32
      %parallel_loop3A_364 = arith.index_cast %parallel_loop3A_363 : i32 to index
      %parallel_loop3A_365 = tpu.vector_load %arg15[%parallel_loop3A_364] {strides = array<i32>} : memref<1216xf32, #tpu.memory_space<vmem>>, vector<16xf32>,
      %parallel_loop3A_366 = arith.constant 1024 : i32
      %parallel_loop3A_367 = arith.addi %parallel_loop3A_113, %parallel_loop3A_366 : i32
      %parallel_loop3A_368 = arith.constant 96 : i32
      %parallel_loop3A_369 = arith.addi %parallel_loop3A_367, %parallel_loop3A_368 : i32
      %parallel_loop3A_370 = arith.constant 16 : i32
      %parallel_loop3A_371 = arith.addi %parallel_loop3A_369, %parallel_loop3A_370 : i32
      %parallel_loop3A_372 = arith.index_cast %parallel_loop3A_371 : i32 to index
      %parallel_loop3A_373 = tpu.vector_load %arg16[%parallel_loop3A_372] {strides = array<i32>} : memref<65536xf32, #tpu.memory_space<vmem>>, vector<16xf32>,
      tpu.vector_store %arg16[%parallel_loop3A_372], %parallel_loop3A_365 {strides = array<i32>} : memref<65536xf32, #tpu.memory_space<vmem>>, vector<16xf32>,
      %parallel_loop3A_374 = vector.extract_strided_slice %parallel_loop3A_121 {offsets = [9], sizes = [1], strides = [1]} : vector<16xi32> to vector<1xi32>
      %parallel_loop3A_375 = vector.extract %parallel_loop3A_374[0] : i32 from vector<1xi32>
      %parallel_loop3A_376 = arith.constant 0 : i32
      %parallel_loop3A_377 = arith.addi %parallel_loop3A_375, %parallel_loop3A_376 : i32
      %parallel_loop3A_378 = tpu.assume_multiple %parallel_loop3A_377, 16 : i32
      %parallel_loop3A_379 = arith.index_cast %parallel_loop3A_378 : i32 to index
      %parallel_loop3A_380 = tpu.vector_load %arg15[%parallel_loop3A_379] {strides = array<i32>} : memref<1216xf32, #tpu.memory_space<vmem>>, vector<16xf32>,
      %parallel_loop3A_381 = arith.constant 1152 : i32
      %parallel_loop3A_382 = arith.addi %parallel_loop3A_113, %parallel_loop3A_381 : i32
      %parallel_loop3A_383 = arith.constant 96 : i32
      %parallel_loop3A_384 = arith.addi %parallel_loop3A_382, %parallel_loop3A_383 : i32
      %parallel_loop3A_385 = arith.constant 0 : i32
      %parallel_loop3A_386 = arith.addi %parallel_loop3A_384, %parallel_loop3A_385 : i32
      %parallel_loop3A_387 = arith.index_cast %parallel_loop3A_386 : i32 to index
      %parallel_loop3A_388 = tpu.vector_load %arg16[%parallel_loop3A_387] {strides = array<i32>} : memref<65536xf32, #tpu.memory_space<vmem>>, vector<16xf32>,
      tpu.vector_store %arg16[%parallel_loop3A_387], %parallel_loop3A_380 {strides = array<i32>} : memref<65536xf32, #tpu.memory_space<vmem>>, vector<16xf32>,
      %parallel_loop3A_389 = arith.constant 16 : i32
      %parallel_loop3A_390 = arith.addi %parallel_loop3A_375, %parallel_loop3A_389 : i32
      %parallel_loop3A_391 = tpu.assume_multiple %parallel_loop3A_390, 16 : i32
      %parallel_loop3A_392 = arith.index_cast %parallel_loop3A_391 : i32 to index
      %parallel_loop3A_393 = tpu.vector_load %arg15[%parallel_loop3A_392] {strides = array<i32>} : memref<1216xf32, #tpu.memory_space<vmem>>, vector<16xf32>,
      %parallel_loop3A_394 = arith.constant 1152 : i32
      %parallel_loop3A_395 = arith.addi %parallel_loop3A_113, %parallel_loop3A_394 : i32
      %parallel_loop3A_396 = arith.constant 96 : i32
      %parallel_loop3A_397 = arith.addi %parallel_loop3A_395, %parallel_loop3A_396 : i32
      %parallel_loop3A_398 = arith.constant 16 : i32
      %parallel_loop3A_399 = arith.addi %parallel_loop3A_397, %parallel_loop3A_398 : i32
      %parallel_loop3A_400 = arith.index_cast %parallel_loop3A_399 : i32 to index
      %parallel_loop3A_401 = tpu.vector_load %arg16[%parallel_loop3A_400] {strides = array<i32>} : memref<65536xf32, #tpu.memory_space<vmem>>, vector<16xf32>,
      tpu.vector_store %arg16[%parallel_loop3A_400], %parallel_loop3A_393 {strides = array<i32>} : memref<65536xf32, #tpu.memory_space<vmem>>, vector<16xf32>,
      %parallel_loop3A_402 = vector.extract_strided_slice %parallel_loop3A_121 {offsets = [10], sizes = [1], strides = [1]} : vector<16xi32> to vector<1xi32>
      %parallel_loop3A_403 = vector.extract %parallel_loop3A_402[0] : i32 from vector<1xi32>
      %parallel_loop3A_404 = arith.constant 0 : i32
      %parallel_loop3A_405 = arith.addi %parallel_loop3A_403, %parallel_loop3A_404 : i32
      %parallel_loop3A_406 = tpu.assume_multiple %parallel_loop3A_405, 16 : i32
      %parallel_loop3A_407 = arith.index_cast %parallel_loop3A_406 : i32 to index
      %parallel_loop3A_408 = tpu.vector_load %arg15[%parallel_loop3A_407] {strides = array<i32>} : memref<1216xf32, #tpu.memory_space<vmem>>, vector<16xf32>,
      %parallel_loop3A_409 = arith.constant 1280 : i32
      %parallel_loop3A_410 = arith.addi %parallel_loop3A_113, %parallel_loop3A_409 : i32
      %parallel_loop3A_411 = arith.constant 96 : i32
      %parallel_loop3A_412 = arith.addi %parallel_loop3A_410, %parallel_loop3A_411 : i32
      %parallel_loop3A_413 = arith.constant 0 : i32
      %parallel_loop3A_414 = arith.addi %parallel_loop3A_412, %parallel_loop3A_413 : i32
      %parallel_loop3A_415 = arith.index_cast %parallel_loop3A_414 : i32 to index
      %parallel_loop3A_416 = tpu.vector_load %arg16[%parallel_loop3A_415] {strides = array<i32>} : memref<65536xf32, #tpu.memory_space<vmem>>, vector<16xf32>,
      tpu.vector_store %arg16[%parallel_loop3A_415], %parallel_loop3A_408 {strides = array<i32>} : memref<65536xf32, #tpu.memory_space<vmem>>, vector<16xf32>,
      %parallel_loop3A_417 = arith.constant 16 : i32
      %parallel_loop3A_418 = arith.addi %parallel_loop3A_403, %parallel_loop3A_417 : i32
      %parallel_loop3A_419 = tpu.assume_multiple %parallel_loop3A_418, 16 : i32
      %parallel_loop3A_420 = arith.index_cast %parallel_loop3A_419 : i32 to index
      %parallel_loop3A_421 = tpu.vector_load %arg15[%parallel_loop3A_420] {strides = array<i32>} : memref<1216xf32, #tpu.memory_space<vmem>>, vector<16xf32>,
      %parallel_loop3A_422 = arith.constant 1280 : i32
      %parallel_loop3A_423 = arith.addi %parallel_loop3A_113, %parallel_loop3A_422 : i32
      %parallel_loop3A_424 = arith.constant 96 : i32
      %parallel_loop3A_425 = arith.addi %parallel_loop3A_423, %parallel_loop3A_424 : i32
      %parallel_loop3A_426 = arith.constant 16 : i32
      %parallel_loop3A_427 = arith.addi %parallel_loop3A_425, %parallel_loop3A_426 : i32
      %parallel_loop3A_428 = arith.index_cast %parallel_loop3A_427 : i32 to index
      %parallel_loop3A_429 = tpu.vector_load %arg16[%parallel_loop3A_428] {strides = array<i32>} : memref<65536xf32, #tpu.memory_space<vmem>>, vector<16xf32>,
      tpu.vector_store %arg16[%parallel_loop3A_428], %parallel_loop3A_421 {strides = array<i32>} : memref<65536xf32, #tpu.memory_space<vmem>>, vector<16xf32>,
      %parallel_loop3A_430 = vector.extract_strided_slice %parallel_loop3A_121 {offsets = [11], sizes = [1], strides = [1]} : vector<16xi32> to vector<1xi32>
      %parallel_loop3A_431 = vector.extract %parallel_loop3A_430[0] : i32 from vector<1xi32>
      %parallel_loop3A_432 = arith.constant 0 : i32
      %parallel_loop3A_433 = arith.addi %parallel_loop3A_431, %parallel_loop3A_432 : i32
      %parallel_loop3A_434 = tpu.assume_multiple %parallel_loop3A_433, 16 : i32
      %parallel_loop3A_435 = arith.index_cast %parallel_loop3A_434 : i32 to index
      %parallel_loop3A_436 = tpu.vector_load %arg15[%parallel_loop3A_435] {strides = array<i32>} : memref<1216xf32, #tpu.memory_space<vmem>>, vector<16xf32>,
      %parallel_loop3A_437 = arith.constant 1408 : i32
      %parallel_loop3A_438 = arith.addi %parallel_loop3A_113, %parallel_loop3A_437 : i32
      %parallel_loop3A_439 = arith.constant 96 : i32
      %parallel_loop3A_440 = arith.addi %parallel_loop3A_438, %parallel_loop3A_439 : i32
      %parallel_loop3A_441 = arith.constant 0 : i32
      %parallel_loop3A_442 = arith.addi %parallel_loop3A_440, %parallel_loop3A_441 : i32
      %parallel_loop3A_443 = arith.index_cast %parallel_loop3A_442 : i32 to index
      %parallel_loop3A_444 = tpu.vector_load %arg16[%parallel_loop3A_443] {strides = array<i32>} : memref<65536xf32, #tpu.memory_space<vmem>>, vector<16xf32>,
      tpu.vector_store %arg16[%parallel_loop3A_443], %parallel_loop3A_436 {strides = array<i32>} : memref<65536xf32, #tpu.memory_space<vmem>>, vector<16xf32>,
      %parallel_loop3A_445 = arith.constant 16 : i32
      %parallel_loop3A_446 = arith.addi %parallel_loop3A_431, %parallel_loop3A_445 : i32
      %parallel_loop3A_447 = tpu.assume_multiple %parallel_loop3A_446, 16 : i32
      %parallel_loop3A_448 = arith.index_cast %parallel_loop3A_447 : i32 to index
      %parallel_loop3A_449 = tpu.vector_load %arg15[%parallel_loop3A_448] {strides = array<i32>} : memref<1216xf32, #tpu.memory_space<vmem>>, vector<16xf32>,
      %parallel_loop3A_450 = arith.constant 1408 : i32
      %parallel_loop3A_451 = arith.addi %parallel_loop3A_113, %parallel_loop3A_450 : i32
      %parallel_loop3A_452 = arith.constant 96 : i32
      %parallel_loop3A_453 = arith.addi %parallel_loop3A_451, %parallel_loop3A_452 : i32
      %parallel_loop3A_454 = arith.constant 16 : i32
      %parallel_loop3A_455 = arith.addi %parallel_loop3A_453, %parallel_loop3A_454 : i32
      %parallel_loop3A_456 = arith.index_cast %parallel_loop3A_455 : i32 to index
      %parallel_loop3A_457 = tpu.vector_load %arg16[%parallel_loop3A_456] {strides = array<i32>} : memref<65536xf32, #tpu.memory_space<vmem>>, vector<16xf32>,
      tpu.vector_store %arg16[%parallel_loop3A_456], %parallel_loop3A_449 {strides = array<i32>} : memref<65536xf32, #tpu.memory_space<vmem>>, vector<16xf32>,
      %parallel_loop3A_458 = vector.extract_strided_slice %parallel_loop3A_121 {offsets = [12], sizes = [1], strides = [1]} : vector<16xi32> to vector<1xi32>
      %parallel_loop3A_459 = vector.extract %parallel_loop3A_458[0] : i32 from vector<1xi32>
      %parallel_loop3A_460 = arith.constant 0 : i32
      %parallel_loop3A_461 = arith.addi %parallel_loop3A_459, %parallel_loop3A_460 : i32
      %parallel_loop3A_462 = tpu.assume_multiple %parallel_loop3A_461, 16 : i32
      %parallel_loop3A_463 = arith.index_cast %parallel_loop3A_462 : i32 to index
      %parallel_loop3A_464 = tpu.vector_load %arg15[%parallel_loop3A_463] {strides = array<i32>} : memref<1216xf32, #tpu.memory_space<vmem>>, vector<16xf32>,
      %parallel_loop3A_465 = arith.constant 1536 : i32
      %parallel_loop3A_466 = arith.addi %parallel_loop3A_113, %parallel_loop3A_465 : i32
      %parallel_loop3A_467 = arith.constant 96 : i32
      %parallel_loop3A_468 = arith.addi %parallel_loop3A_466, %parallel_loop3A_467 : i32
      %parallel_loop3A_469 = arith.constant 0 : i32
      %parallel_loop3A_470 = arith.addi %parallel_loop3A_468, %parallel_loop3A_469 : i32
      %parallel_loop3A_471 = arith.index_cast %parallel_loop3A_470 : i32 to index
      %parallel_loop3A_472 = tpu.vector_load %arg16[%parallel_loop3A_471] {strides = array<i32>} : memref<65536xf32, #tpu.memory_space<vmem>>, vector<16xf32>,
      tpu.vector_store %arg16[%parallel_loop3A_471], %parallel_loop3A_464 {strides = array<i32>} : memref<65536xf32, #tpu.memory_space<vmem>>, vector<16xf32>,
      %parallel_loop3A_473 = arith.constant 16 : i32
      %parallel_loop3A_474 = arith.addi %parallel_loop3A_459, %parallel_loop3A_473 : i32
      %parallel_loop3A_475 = tpu.assume_multiple %parallel_loop3A_474, 16 : i32
      %parallel_loop3A_476 = arith.index_cast %parallel_loop3A_475 : i32 to index
      %parallel_loop3A_477 = tpu.vector_load %arg15[%parallel_loop3A_476] {strides = array<i32>} : memref<1216xf32, #tpu.memory_space<vmem>>, vector<16xf32>,
      %parallel_loop3A_478 = arith.constant 1536 : i32
      %parallel_loop3A_479 = arith.addi %parallel_loop3A_113, %parallel_loop3A_478 : i32
      %parallel_loop3A_480 = arith.constant 96 : i32
      %parallel_loop3A_481 = arith.addi %parallel_loop3A_479, %parallel_loop3A_480 : i32
      %parallel_loop3A_482 = arith.constant 16 : i32
      %parallel_loop3A_483 = arith.addi %parallel_loop3A_481, %parallel_loop3A_482 : i32
      %parallel_loop3A_484 = arith.index_cast %parallel_loop3A_483 : i32 to index
      %parallel_loop3A_485 = tpu.vector_load %arg16[%parallel_loop3A_484] {strides = array<i32>} : memref<65536xf32, #tpu.memory_space<vmem>>, vector<16xf32>,
      tpu.vector_store %arg16[%parallel_loop3A_484], %parallel_loop3A_477 {strides = array<i32>} : memref<65536xf32, #tpu.memory_space<vmem>>, vector<16xf32>,
      %parallel_loop3A_486 = vector.extract_strided_slice %parallel_loop3A_121 {offsets = [13], sizes = [1], strides = [1]} : vector<16xi32> to vector<1xi32>
      %parallel_loop3A_487 = vector.extract %parallel_loop3A_486[0] : i32 from vector<1xi32>
      %parallel_loop3A_488 = arith.constant 0 : i32
      %parallel_loop3A_489 = arith.addi %parallel_loop3A_487, %parallel_loop3A_488 : i32
      %parallel_loop3A_490 = tpu.assume_multiple %parallel_loop3A_489, 16 : i32
      %parallel_loop3A_491 = arith.index_cast %parallel_loop3A_490 : i32 to index
      %parallel_loop3A_492 = tpu.vector_load %arg15[%parallel_loop3A_491] {strides = array<i32>} : memref<1216xf32, #tpu.memory_space<vmem>>, vector<16xf32>,
      %parallel_loop3A_493 = arith.constant 1664 : i32
      %parallel_loop3A_494 = arith.addi %parallel_loop3A_113, %parallel_loop3A_493 : i32
      %parallel_loop3A_495 = arith.constant 96 : i32
      %parallel_loop3A_496 = arith.addi %parallel_loop3A_494, %parallel_loop3A_495 : i32
      %parallel_loop3A_497 = arith.constant 0 : i32
      %parallel_loop3A_498 = arith.addi %parallel_loop3A_496, %parallel_loop3A_497 : i32
      %parallel_loop3A_499 = arith.index_cast %parallel_loop3A_498 : i32 to index
      %parallel_loop3A_500 = tpu.vector_load %arg16[%parallel_loop3A_499] {strides = array<i32>} : memref<65536xf32, #tpu.memory_space<vmem>>, vector<16xf32>,
      tpu.vector_store %arg16[%parallel_loop3A_499], %parallel_loop3A_492 {strides = array<i32>} : memref<65536xf32, #tpu.memory_space<vmem>>, vector<16xf32>,
      %parallel_loop3A_501 = arith.constant 16 : i32
      %parallel_loop3A_502 = arith.addi %parallel_loop3A_487, %parallel_loop3A_501 : i32
      %parallel_loop3A_503 = tpu.assume_multiple %parallel_loop3A_502, 16 : i32
      %parallel_loop3A_504 = arith.index_cast %parallel_loop3A_503 : i32 to index
      %parallel_loop3A_505 = tpu.vector_load %arg15[%parallel_loop3A_504] {strides = array<i32>} : memref<1216xf32, #tpu.memory_space<vmem>>, vector<16xf32>,
      %parallel_loop3A_506 = arith.constant 1664 : i32
      %parallel_loop3A_507 = arith.addi %parallel_loop3A_113, %parallel_loop3A_506 : i32
      %parallel_loop3A_508 = arith.constant 96 : i32
      %parallel_loop3A_509 = arith.addi %parallel_loop3A_507, %parallel_loop3A_508 : i32
      %parallel_loop3A_510 = arith.constant 16 : i32
      %parallel_loop3A_511 = arith.addi %parallel_loop3A_509, %parallel_loop3A_510 : i32
      %parallel_loop3A_512 = arith.index_cast %parallel_loop3A_511 : i32 to index
      %parallel_loop3A_513 = tpu.vector_load %arg16[%parallel_loop3A_512] {strides = array<i32>} : memref<65536xf32, #tpu.memory_space<vmem>>, vector<16xf32>,
      tpu.vector_store %arg16[%parallel_loop3A_512], %parallel_loop3A_505 {strides = array<i32>} : memref<65536xf32, #tpu.memory_space<vmem>>, vector<16xf32>,
      %parallel_loop3A_514 = vector.extract_strided_slice %parallel_loop3A_121 {offsets = [14], sizes = [1], strides = [1]} : vector<16xi32> to vector<1xi32>
      %parallel_loop3A_515 = vector.extract %parallel_loop3A_514[0] : i32 from vector<1xi32>
      %parallel_loop3A_516 = arith.constant 0 : i32
      %parallel_loop3A_517 = arith.addi %parallel_loop3A_515, %parallel_loop3A_516 : i32
      %parallel_loop3A_518 = tpu.assume_multiple %parallel_loop3A_517, 16 : i32
      %parallel_loop3A_519 = arith.index_cast %parallel_loop3A_518 : i32 to index
      %parallel_loop3A_520 = tpu.vector_load %arg15[%parallel_loop3A_519] {strides = array<i32>} : memref<1216xf32, #tpu.memory_space<vmem>>, vector<16xf32>,
      %parallel_loop3A_521 = arith.constant 1792 : i32
      %parallel_loop3A_522 = arith.addi %parallel_loop3A_113, %parallel_loop3A_521 : i32
      %parallel_loop3A_523 = arith.constant 96 : i32
      %parallel_loop3A_524 = arith.addi %parallel_loop3A_522, %parallel_loop3A_523 : i32
      %parallel_loop3A_525 = arith.constant 0 : i32
      %parallel_loop3A_526 = arith.addi %parallel_loop3A_524, %parallel_loop3A_525 : i32
      %parallel_loop3A_527 = arith.index_cast %parallel_loop3A_526 : i32 to index
      %parallel_loop3A_528 = tpu.vector_load %arg16[%parallel_loop3A_527] {strides = array<i32>} : memref<65536xf32, #tpu.memory_space<vmem>>, vector<16xf32>,
      tpu.vector_store %arg16[%parallel_loop3A_527], %parallel_loop3A_520 {strides = array<i32>} : memref<65536xf32, #tpu.memory_space<vmem>>, vector<16xf32>,
      %parallel_loop3A_529 = arith.constant 16 : i32
      %parallel_loop3A_530 = arith.addi %parallel_loop3A_515, %parallel_loop3A_529 : i32
      %parallel_loop3A_531 = tpu.assume_multiple %parallel_loop3A_530, 16 : i32
      %parallel_loop3A_532 = arith.index_cast %parallel_loop3A_531 : i32 to index
      %parallel_loop3A_533 = tpu.vector_load %arg15[%parallel_loop3A_532] {strides = array<i32>} : memref<1216xf32, #tpu.memory_space<vmem>>, vector<16xf32>,
      %parallel_loop3A_534 = arith.constant 1792 : i32
      %parallel_loop3A_535 = arith.addi %parallel_loop3A_113, %parallel_loop3A_534 : i32
      %parallel_loop3A_536 = arith.constant 96 : i32
      %parallel_loop3A_537 = arith.addi %parallel_loop3A_535, %parallel_loop3A_536 : i32
      %parallel_loop3A_538 = arith.constant 16 : i32
      %parallel_loop3A_539 = arith.addi %parallel_loop3A_537, %parallel_loop3A_538 : i32
      %parallel_loop3A_540 = arith.index_cast %parallel_loop3A_539 : i32 to index
      %parallel_loop3A_541 = tpu.vector_load %arg16[%parallel_loop3A_540] {strides = array<i32>} : memref<65536xf32, #tpu.memory_space<vmem>>, vector<16xf32>,
      tpu.vector_store %arg16[%parallel_loop3A_540], %parallel_loop3A_533 {strides = array<i32>} : memref<65536xf32, #tpu.memory_space<vmem>>, vector<16xf32>,
      %parallel_loop3A_542 = vector.extract_strided_slice %parallel_loop3A_121 {offsets = [15], sizes = [1], strides = [1]} : vector<16xi32> to vector<1xi32>
      %parallel_loop3A_543 = vector.extract %parallel_loop3A_542[0] : i32 from vector<1xi32>
      %parallel_loop3A_544 = arith.constant 0 : i32
      %parallel_loop3A_545 = arith.addi %parallel_loop3A_543, %parallel_loop3A_544 : i32
      %parallel_loop3A_546 = tpu.assume_multiple %parallel_loop3A_545, 16 : i32
      %parallel_loop3A_547 = arith.index_cast %parallel_loop3A_546 : i32 to index
      %parallel_loop3A_548 = tpu.vector_load %arg15[%parallel_loop3A_547] {strides = array<i32>} : memref<1216xf32, #tpu.memory_space<vmem>>, vector<16xf32>,
      %parallel_loop3A_549 = arith.constant 1920 : i32
      %parallel_loop3A_550 = arith.addi %parallel_loop3A_113, %parallel_loop3A_549 : i32
      %parallel_loop3A_551 = arith.constant 96 : i32
      %parallel_loop3A_552 = arith.addi %parallel_loop3A_550, %parallel_loop3A_551 : i32
      %parallel_loop3A_553 = arith.constant 0 : i32
      %parallel_loop3A_554 = arith.addi %parallel_loop3A_552, %parallel_loop3A_553 : i32
      %parallel_loop3A_555 = arith.index_cast %parallel_loop3A_554 : i32 to index
      %parallel_loop3A_556 = tpu.vector_load %arg16[%parallel_loop3A_555] {strides = array<i32>} : memref<65536xf32, #tpu.memory_space<vmem>>, vector<16xf32>,
      tpu.vector_store %arg16[%parallel_loop3A_555], %parallel_loop3A_548 {strides = array<i32>} : memref<65536xf32, #tpu.memory_space<vmem>>, vector<16xf32>,
      %parallel_loop3A_557 = arith.constant 16 : i32
      %parallel_loop3A_558 = arith.addi %parallel_loop3A_543, %parallel_loop3A_557 : i32
      %parallel_loop3A_559 = tpu.assume_multiple %parallel_loop3A_558, 16 : i32
      %parallel_loop3A_560 = arith.index_cast %parallel_loop3A_559 : i32 to index
      %parallel_loop3A_561 = tpu.vector_load %arg15[%parallel_loop3A_560] {strides = array<i32>} : memref<1216xf32, #tpu.memory_space<vmem>>, vector<16xf32>,
      %parallel_loop3A_562 = arith.constant 1920 : i32
      %parallel_loop3A_563 = arith.addi %parallel_loop3A_113, %parallel_loop3A_562 : i32
      %parallel_loop3A_564 = arith.constant 96 : i32
      %parallel_loop3A_565 = arith.addi %parallel_loop3A_563, %parallel_loop3A_564 : i32
      %parallel_loop3A_566 = arith.constant 16 : i32
      %parallel_loop3A_567 = arith.addi %parallel_loop3A_565, %parallel_loop3A_566 : i32
      %parallel_loop3A_568 = arith.index_cast %parallel_loop3A_567 : i32 to index
      %parallel_loop3A_569 = tpu.vector_load %arg16[%parallel_loop3A_568] {strides = array<i32>} : memref<65536xf32, #tpu.memory_space<vmem>>, vector<16xf32>,
      tpu.vector_store %arg16[%parallel_loop3A_568], %parallel_loop3A_561 {strides = array<i32>} : memref<65536xf32, #tpu.memory_space<vmem>>, vector<16xf32>,
    } {sc.loop_unroll_factor = 2 : i64, sc.parallel_access}
    %mul3A_100 = arith.constant 128 : i32
    %mul3A_101 = arith.muli %mul3A_2, %mul3A_100 : i32
    "tpu.region"() ({
      %run_scoped3A = tpu.sem_alloc : memref<!tpu.dma_semaphore, #tpu.memory_space<semaphore_mem>>
      %dma_start3A_102 = tpu.memref_slice %arg10[%mul3A_101] : memref<2097152xf32, #tpu.memory_space<hbm>> -> memref<65536xf32, #tpu.memory_space<hbm>>
      %dma_start3A_103 = tpu.memref_slice %arg10[%mul3A_101] : memref<2097152xf32, #tpu.memory_space<hbm>> -> memref<65536xf32, #tpu.memory_space<hbm>>
      tpu.enqueue_dma source(%arg16 : memref<65536xf32, #tpu.memory_space<vmem>>) target(%dma_start3A_103 : memref<65536xf32, #tpu.memory_space<hbm>>) target_semaphore(%run_scoped3A : memref<!tpu.dma_semaphore, #tpu.memory_space<semaphore_mem>>)
      %dma_wait3A_104 = tpu.memref_slice %arg10[%mul3A_101] : memref<2097152xf32, #tpu.memory_space<hbm>> -> memref<65536xf32, #tpu.memory_space<hbm>>
      %dma_wait3A_105 = tpu.memref_slice %arg10[%mul3A_101] : memref<2097152xf32, #tpu.memory_space<hbm>> -> memref<65536xf32, #tpu.memory_space<hbm>>
      tpu.wait_dma2 semaphore(%run_scoped3A : memref<!tpu.dma_semaphore, #tpu.memory_space<semaphore_mem>>) src(%arg16 : memref<65536xf32, #tpu.memory_space<vmem>>) dst(%dma_wait3A_105 : memref<65536xf32, #tpu.memory_space<hbm>>)
      tpu.yield
    }) : () -> ()
    return
  }
}

</mosaic_0001>

<sc_bundles>
// kernel: kernel.3.cloned.1.call-start
scs
__scs_entry_jumppad:
0x0: {  	(pc) =	sbr.rel $0x88, $3  }
0x1: {  	(tag) =	ssettag $0x0;
	lr =	simm.s32 $0x1  }
0x2: {  	[smem:$0x3F99] =	sst lr;
	_ =	strace $0xD0000000  }
0x3: {  	_ = 	snop  }
0x4: {  	_ = 	snop  }
0x5: {  	_ = 	snop  }
0x6: {  	_ = 	snop  }
0x7: {  	_ = 	snop  }
__scs_overlays_trampoline_lowered:
0x8: {  	[smem:$0x3FA8] =	sst s0  }
0x9: {  	[smem:$0x3FA9] =	sst s1  }
0xa: {  	[smem:$0x3FAA] =	sst s2  }
0xb: {  	[smem:$0x3FAB] =	sst s3  }
0xc: {  	[smem:$0x3FAC] =	sst s4  }
0xd: {  	[smem:$0x3FAD] =	sst s5  }
0xe: {  	[smem:$0x3FAE] =	sst s6  }
0xf: {  	[smem:$0x3FAF] =	sst s7  }
0x10: {  	[smem:$0x3FB0] =	sst s8  }
0x11: {  	[smem:$0x3FB1] =	sst s9;
	s0 =	simm.s32 @!p0 $0x0  }
0x12: {  	s1 =	sld [smem:$0x3F97];
	s0 =	simm.s32 @p0 $0x1  }
0x13: {  	[smem:$0x3FB2] =	sst s0;
	s0 =	simm.s32 @!p1 $0x0  }
0x14: {  	s2 =	sld [smem:$0x3F96];
	s0 =	simm.s32 @p1 $0x1  }
0x15: {  	[smem:$0x3FB3] =	sst s0;
	s0 =	simm.s32 @!p2 $0x0  }
0x16: {  	s3 =	sld [smem:$0x3FDB];
	s0 =	simm.s32 @p2 $0x1  }
0x17: {  	s4 =	simm.s32 $0x1BF5;
	[smem:$0x3FB5] =	sst s0  }
0x18: {  	s0 =	sld [smem:$0x3F98];
	_ =	swait.ge [sflag:s4], $0x0  }
0x19: {  	s7 =	sld [smem:$0x3F99]  }
0x1a: {  	s8 =	sadd.s32 $0xFFFFE003, lr  }
0x1b: {  	s9 =	sadd.s32 $0xFFFFFEF7, lr;
	s5 =	simm.s32 $0xFFFFFFFF;
	p2 =	slt.u32 s8, $0xFFFFF086  }
0x1c: {  	p1 =	slt.u32 s9, $0xF7A;
	s5 =	simm.s32 @!p2 $0x0  }
0x1d: {  	s5 =	simm.s32 @p1 $0x1;
	p0 =	seq.s32 s7, s2  }
0x1e: {  	s7 =	smul.u32 @!p0 $0xF7A, s2;
	p2 =	seq.s32 @!p0 s5, $0x0  }
0x1f: {  	s9 =	smul.u32 $0xF7A, s1;
	s8 =	simm.s32 @!p0 $0x1BF5;
	p2 =	por !p2, p0  }
0x20: {  	[sflag:s8] =	ssyncset.s32 @!p0 $0xFFFFF086;
	s6 =	sadd.s32 @!p0 s3, s7;
	s7 =	simm.s32 @!p0 $0x108  }
0x21: {  	s3 =	sadd.s32 s3, s9;
	s6 =	sadd.s32 @!p0 $0x88, s6;
	s7 =	simm.s32 @p2 $0x1082  }
0x22: {  	[simem:s7], [sflag:s8] =	dma.local @!p0 [hbm:s6], $0xF7A  }
0x23: {  	s9 =	sor.u32 $0xD0000000, s2;
	s6 =	simm.s32 $0x108;
	_ =	swait.ge @!p0 [sflag:s8], $0x0  }
0x24: {  	s3 =	sadd.s32 $0x88, s3;
	s6 =	simm.s32 @!p1 $0x1082;
	[sflag:s4] =	ssyncset.s32 $0xFFFFF086  }
0x25: {  	[simem:s6], [sflag:s4] =	dma.local [hbm:s3], $0xF7A  }
0x26: {  	[smem:$0x3F99] =	sst s1;
	(tag) =	ssettag s2;
	_ =	strace s9  }
0x27: {  	s1 =	sld [smem:$0x3FA9]  }
0x28: {  	s2 =	sld [smem:$0x3FAA]  }
0x29: {  	s4 =	sld [smem:$0x3FAC]  }
0x2a: {  	p0 =	seq.s32 s5, $0x0;
	s5 =	sld [smem:$0x3FAD]  }
0x2b: {  	s6 =	sld [smem:$0x3FAE]  }
0x2c: {  	s7 =	sld [smem:$0x3FAF]  }
0x2d: {  	s3 =	simm.s32 $0x108;
	s8 =	sld [smem:$0x3FB0]  }
0x2e: {  	s3 =	simm.s32 @!p0 $0x1082;
	s9 =	sld [smem:$0x3FB1]  }
0x2f: {  	lr =	sadd.s32 s0, s3;
	s0 =	sld [smem:$0x3FA8]  }
0x30: {  	s3 =	sld [smem:$0x3FAB]  }
0x31: {  	[smem:$0x3FB4] =	sst s10  }
0x32: {  	s10 =	sld [smem:$0x3FB2];
	_ =	sdelay $0x3  }
0x33: {  	p0 =	seq.s32 s10, $0x1;
	s10 =	sld [smem:$0x3FB4];
	_ =	sdelay $0x3  }
0x34: {  	[smem:$0x3FB4] =	sst s10  }
0x35: {  	s10 =	sld [smem:$0x3FB3];
	_ =	sdelay $0x3  }
0x36: {  	p1 =	seq.s32 s10, $0x1;
	s10 =	sld [smem:$0x3FB4];
	_ =	sdelay $0x3  }
0x37: {  	[smem:$0x3FB4] =	sst s10  }
0x38: {  	s10 =	sld [smem:$0x3FB5]  }
0x39: {  	_ = 	snop;
	(pc) =	sbr.ind lr, $3  }
0x3a: {  	_ = 	snop  }
0x3b: {  	_ = 	snop  }
0x3c: {  	p2 =	seq.s32 s10, $0x1;
	s10 =	sld [smem:$0x3FB4]  }
0x3d: {  	_ =	shalt  }
0x3e: {  	_ =	shalt  }
0x3f: {  	_ =	shalt  }
0x40: {  	_ =	shalt  }
0x41: {  	_ =	shalt  }
0x42: {  	_ =	shalt  }
0x43: {  	_ =	shalt  }
0x44: {  	_ =	shalt  }
0x45: {  	_ =	shalt  }
0x46: {  	_ =	shalt  }
0x47: {  	_ =	shalt  }
0x48: {  	_ =	shalt  }
0x49: {  	_ =	shalt  }
0x4a: {  	_ =	shalt  }
0x4b: {  	_ =	shalt  }
0x4c: {  	_ =	shalt  }
0x4d: {  	_ =	shalt  }
0x4e: {  	_ =	shalt  }
0x4f: {  	_ =	shalt  }
0x50: {  	_ =	shalt  }
0x51: {  	_ =	shalt  }
0x52: {  	_ =	shalt  }
0x53: {  	_ =	shalt  }
0x54: {  	_ =	shalt  }
0x55: {  	_ =	shalt  }
0x56: {  	_ =	shalt  }
0x57: {  	_ =	shalt  }
0x58: {  	_ =	shalt  }
0x59: {  	_ =	shalt  }
0x5a: {  	_ =	shalt  }
0x5b: {  	_ =	shalt  }
0x5c: {  	_ =	shalt  }
0x5d: {  	_ =	shalt  }
0x5e: {  	_ =	shalt  }
0x5f: {  	_ =	shalt  }
0x60: {  	_ =	shalt  }
0x61: {  	_ =	shalt  }
0x62: {  	_ =	shalt  }
0x63: {  	_ =	shalt  }
0x64: {  	_ =	shalt  }
0x65: {  	_ =	shalt  }
0x66: {  	_ =	shalt  }
0x67: {  	_ =	shalt  }
0x68: {  	_ =	shalt  }
0x69: {  	_ =	shalt  }
0x6a: {  	_ =	shalt  }
0x6b: {  	_ =	shalt  }
0x6c: {  	_ =	shalt  }
0x6d: {  	_ =	shalt  }
0x6e: {  	_ =	shalt  }
0x6f: {  	_ =	shalt  }
0x70: {  	_ =	shalt  }
0x71: {  	_ =	shalt  }
0x72: {  	_ =	shalt  }
0x73: {  	_ =	shalt  }
0x74: {  	_ =	shalt  }
0x75: {  	_ =	shalt  }
0x76: {  	_ =	shalt  }
0x77: {  	_ =	shalt  }
0x78: {  	_ =	shalt  }
0x79: {  	_ =	shalt  }
0x7a: {  	_ =	shalt  }
0x7b: {  	_ =	shalt  }
0x7c: {  	_ =	shalt  }
0x7d: {  	_ =	shalt  }
0x7e: {  	_ =	shalt  }
0x7f: {  	_ =	shalt  }
0x80: {  	_ =	shalt  }
0x81: {  	_ =	shalt  }
0x82: {  	_ =	shalt  }
0x83: {  	_ =	shalt  }
0x84: {  	_ =	shalt  }
0x85: {  	_ =	shalt  }
0x86: {  	_ =	shalt  }
0x87: {  	_ =	shalt  }
.Lfunc_end0:
.L_simem_size_0:
called_computation_lowered:
.L_overlay_start_0:
0x88: {  	s2 =	sld [smem:$0x3FD9]  }
0x89: {  	s3 =	sld [smem:$0x3FFE];
	_ =	sdelay $0x1  }
0x8a: {  	s1 =	srdreg.scid  }
0x8b: {  	s0 =	sand.u32 $0x1, s1  }
0x8c: {  	s17 =	sshll.u32 s0, $0xA;
	s2 =	sadd.s32 s3, s2  }
0x8d: {  	s2 =	sadd.s32 s2, s17  }
0x8e: {  	[smem:$0x3FC0] =	sst s2  }
0x8f: {  	_ = 	snop  }
0x90: {  	s2 =	sld [smem:$0x3FC9]  }
0x91: {  	s18 =	sld [smem:$0x3FC8]  }
0x92: {  	s4 =	sld [smem:$0x3FC7]  }
0x93: {  	s5 =	sld [smem:$0x3FC6]  }
0x94: {  	s6 =	sld [smem:$0x3FD0];
	(tm) =	ssettm $0x1  }
0x95: {  	s7 =	sld [smem:$0x3FFB];
	_ =	sdelay $0x3  }
0x96: {  	_ =	strace s7  }
0x97: {  	s7 =	sld [smem:$0x3FFC];
	_ =	sdelay $0x3  }
0x98: {  	_ =	strace s7  }
0x99: {  	s7 =	sld [smem:$0x3FFD];
	_ =	sdelay $0x3  }
0x9a: {  	_ =	strace s7  }
0x9b: {  	_ =	strace $0x8FFFFFFF  }
0x9c: {  	s19 =	sld [smem:$0x3FDB];
	_ =	sdelay $0x1  }
0x9d: {  	s8 =	simm.s32 $_scs_section_size  }
0x9e: {  	s9 =	simm.s32 $_size__tile_overlayer_lowered;
	s10 =	simm.s32 $_tile_overlayer_lowered  }
0x9f: {  	s22 =	simm.s32 $0x1BFF;
	s21 =	sshll.u32 s10, $0x1;
	s7 =	sadd.s32 s8, s19  }
0xa0: {  	s11 =	simm.s32 $0x0;
	s20 =	sshll.u32 s9, $0x1;
	s9 =	sadd.s32 s21, s7  }
0xa1: {  	[timem:s11], [sflag:s22] =	dma.local [hbm:s9], s20  }
0xa2: {  	_ =	swait.ge [sflag:s22], s20  }
0xa3: {  	s8 =	ssub.s32 $0x0, s20;
	[sflag:s22] =	ssyncset.done $0x0  }
0xa4: {  	[sflag:s22] =	ssyncadd.s32 s8;
	_ =	sdelay $0x1  }
0xa5: {  	s23 =	simm.s32 $0x1B8B  }
0xa6: {  	_ =	swait.ge [sflag:s23], $0x1  }
0xa7: {  	[sflag:s23] =	ssyncset.done $0x0  }
0xa8: {  	s25 =	simm.s32 $0x1B8E;
	s24 =	sld [smem:$0x3FFE];
	[sflag:s23] =	ssyncadd.s32 $0xFFFFFFFF  }
0xa9: {  	s26 =	simm.s32 $execute0_lowered;
	[smem:$0x3FD2] =	sst s25  }
0xaa: {  	s9 =	sshll.u32 s26, $0x1;
	_ =	strace $0x80000046;
	[dreg:$0x1] =	wrdreg $0xFFFFFFFF  }
0xab: {  	s28 =	simm.s32 $_size_execute0_lowered;
	s7 =	sadd.s32 s7, s9;
	[dreg:$0x0] =	wrdreg $0x0  }
0xac: {  	s9 =	sshll.u32 s28, $0x1;
	[dreg:$0x2] =	wrdreg s7  }
0xad: {  	[dreg:$0x3] =	wrdreg s9  }
0xae: {  	[dreg:$0x4] =	wrdreg $0xC0  }
0xaf: {  	_ =	task [dreg:s11], $0x5FFFF  }
0xb0: {  	[dreg:$0x1] =	wrdreg $0xFFFFFFFF  }
0xb1: {  	[dreg:$0x0] =	wrdreg $0x60  }
0xb2: {  	[dreg:$0x2] =	wrdreg s2  }
0xb3: {  	[dreg:$0x3] =	wrdreg s18  }
0xb4: {  	[dreg:$0x4] =	wrdreg s4  }
0xb5: {  	[dreg:$0x5] =	wrdreg s5  }
0xb6: {  	[dreg:$0x6] =	wrdreg s24  }
0xb7: {  	[dreg:$0x7] =	wrdreg s6  }
0xb8: {  	[dreg:$0x8] =	wrdreg $0x9  }
0xb9: {  	_ =	task.clear_ibuf [dreg:s11], $0x9FFFF;
	_ =	strace $0x90000046  }
0xba: {  	s29 =	simm.s32 $0x9;
	_ =	strace $0x80000048  }
0xbb: {  	_ =	swait.ge [sflag:s29], $0x1  }
0xbc: {  	[sflag:s29] =	ssyncadd.s32 $0xFFFFFFFF  }
0xbd: {  	_ =	strace $0x90000048  }
0xbe: {  	_ =	sfence  }
0xbf: {  	s30 =	sld [smem:$0x0];
	_ =	sdelay $0x2  }
0xc0: {  	s31 =	sshll.u32 s1, $0xD;
	s1 =	sshrl.u32 s1, $0x2  }
0xc1: {  	s3 =	sand.u32 $0x4000, s31;
	s1 =	sadd.s32 s1, s30  }
0xc2: {  	s0 =	sor.u32 s3, s0;
	s1 =	sshll.u32 s1, $0x11  }
0xc3: {  	s0 =	sor.u32 s1, s0  }
0xc4: {  	s0 =	sadd.s32 $0x8F2B, s0  }
0xc5: {  	[sflag:s0] =	ssyncadd.remote.s32 $0x1  }
0xc6: {  	_ =	sfence.sel $0xFFFF  }
0xc7: {  	[dreg:$0x0] =	wrdreg $0xFFFFFFFF;
	(pc) =	sbr.abs _section_cstart, $3  }
0xc8: {  	[dreg:$0x1] =	wrdreg $0xFFFFFFFF  }
0xc9: {  	_ =	task.clear_ibuf [dreg:s11], $0x2FFFF;
	_ =	strace $0x9FFFFFFF  }
0xca: {  	(tm) =	ssettm $0x7FFFFFFF  }
0xcb: {  	_ =	shalt  }
tec
execute0_lowered:
.L_overlay_start_1:
0x0: {  	(tag) =	ssettag $0x1  }
0x1: {  	s0 =	rddreg [dreg:$0x0]  }
0x2: {  	s1 =	rddreg [dreg:$0x1]  }
0x3: {  	s2 =	rddreg [dreg:$0x2]  }
0x4: {  	s3 =	rddreg [dreg:$0x3]  }
0x5: {  	s4 =	rddreg [dreg:$0x4]  }
0x6: {  	s5 =	rddreg [dreg:$0x5];
	s10 =	simm.s32 $0x0;
	s24 =	srdreg.scid  }
0x7: {  	s11 =	stileid.u32;
	[smem:$0x7FF] =	sst s10;
	s6 =	sadd.s32 $0x400, s4  }
0x8: {  	s23 =	sadd.s32 $0x600, s4;
	s7 =	sadd.s32 $0x800, s4;
	s8 =	sshll.u32 s11, $0x7  }
0x9: {  	_ =	strace $0x80000047;
	[smem:$0x7F4] =	sst s6;
	s6 =	sand.u32 $0x1, s24  }
0xa: {  	s4 =	sadd.s32 $0xA00, s4;
	[smem:$0x7F5] =	sst s23;
	s9 =	sshll.u32 s6, $0x6  }
0xb: {  	s29 =	sshll.u32 s11, $0xE;
	[smem:$0x7F6] =	sst s7;
	s8 =	sor.u32 s9, s8  }
0xc: {  	[smem:$0x7F7] =	sst s4;
	s25 =	ssub.s32 $0x2, s6;
	s0 =	sadd.s32 s0, s8  }
0xd: {  	s28 =	sshll.u32 s6, $0xD;
	s1 =	sadd.s32 s1, s8;
	[smem:$0x7F8] =	sst s0  }
0xe: {  	s26 =	sshrl.u32 s25, $0x1;
	s2 =	sadd.s32 s2, s8;
	[smem:$0x7F9] =	sst s1  }
0xf: {  	s4 =	ssub.s32 s25, s26;
	s30 =	sadd.s32 s3, s8;
	[smem:$0x7FA] =	sst s2  }
0x10: {  	s0 =	sadd.s32 s5, s28;
	[smem:$0x7FB] =	sst s30;
	s31 =	smax.u32 s4, $0x1  }
0x11: {  	s0 =	sadd.s32 s29, s0;
	[smem:$0x7FD] =	sst s31  }
0x12: {  	s2 =	simm.s32 $0x0;
	[smem:$0x7FC] =	sst s0  }
.LBB2_1:
0x13: {  	s0 =	sld [smem:$0x7F4];
	_ =	sdelay $0x1  }
0x14: {  	s1 =	simm.s32 $0x800;
	s9 =	sld [smem:$0x7F8]  }
0x15: {  	[tilespmem:s1], [sflag:$0x1] =	stream.linear.gather [hbm4b:s0+s10], $0x80, $0x38;
	[tilespmem:$0x11000] =	vst v63  }
0x16: {  	s11 =	sld [smem:$0x7F5]  }
0x17: {  	[tilespmem:s10], [sflag:$0x1] =	stream.linear.gather [hbm4b:s9+s10], $0x200, $0x38;
	[tilespmem:$0x11000] =	vst v63  }
0x18: {  	s12 =	simm.s32 $0x880;
	s13 =	sld [smem:$0x7F9]  }
0x19: {  	[tilespmem:s12], [sflag:$0x2] =	stream.linear.gather [hbm4b:s11+s10], $0x100, $0x38;
	[tilespmem:$0x11000] =	vst v63  }
0x1a: {  	s14 =	simm.s32 $0x200;
	s15 =	sld [smem:$0x7F6]  }
0x1b: {  	[tilespmem:s14], [sflag:$0x2] =	stream.linear.gather [hbm4b:s13+s10], $0x200, $0x38;
	[tilespmem:$0x11000] =	vst v63  }
0x1c: {  	s16 =	simm.s32 $0x980;
	s17 =	sld [smem:$0x7FA]  }
0x1d: {  	[tilespmem:s16], [sflag:$0x3] =	stream.linear.gather [hbm4b:s15+s10], $0x180, $0x38;
	[tilespmem:$0x11000] =	vst v63  }
0x1e: {  	s18 =	simm.s32 $0x400;
	s19 =	sld [smem:$0x7F7]  }
0x1f: {  	[tilespmem:s18], [sflag:$0x3] =	stream.linear.gather [hbm4b:s17+s10], $0x200, $0x38;
	[tilespmem:$0x11000] =	vst v63  }
0x20: {  	s20 =	simm.s32 $0xB00;
	s21 =	sld [smem:$0x7FB]  }
0x21: {  	[tilespmem:s20], [sflag:$0x4] =	stream.linear.gather [hbm4b:s19+s10], $0x500, $0x38;
	[tilespmem:$0x11000] =	vst v63  }
0x22: {  	[smem:$0x7EF] =	sst s2;
	s22 =	simm.s32 $0x600;
	s23 =	simm.s32 $0x1  }
0x23: {  	[tilespmem:s22], [sflag:$0x4] =	stream.linear.gather [hbm4b:s21+s10], $0x200, $0x38;
	[tilespmem:$0x11000] =	vst v63  }
0x24: {  	_ =	swait.ge [sflag:s23], $0x80  }
0x25: {  	[sflag:s23] =	ssyncset.done $0x0  }
0x26: {  	[sflag:s23] =	ssyncadd.s32 $0xFFFFFF80  }
0x27: {  	_ =	swait.ge [sflag:s23], $0x200  }
0x28: {  	[sflag:s23] =	ssyncset.done $0x0  }
0x29: {  	s24 =	sand.u32 $0x1E0, s10;
	[sflag:s23] =	ssyncadd.s32 $0xFFFFFE00  }
0x2a: {  	v0 =	vld [tilespmem:s24+$0x0]  }
0x2b: {  	s25 =	simm.s32 $0x10  }
0x2c: {  	s26 =	sand.u32 $0x180, s10;
	s0 =	sand.u32 $0x70, s25  }
0x2d: {  	s0 =	sor.u32 s0, s26  }
0x2e: {  	v1 =	vld [tilespmem:s0+$0x0]  }
0x2f: {  	v0 =	vshll.u32 v0, $0x5  }
0x30: {  	(v2sf) =	vpush v0, $0x0  }
0x31: {  	(v2sf) =	vpush v0, $0x1  }
0x32: {  	(v2sf) =	vpush v0, $0x2  }
0x33: {  	v1 =	vshll.u32 v1, $0x5;
	(v2sf) =	vpush v0, $0x3  }
0x34: {  	(v2sf) =	vpush v1, $0x0;
	_ =	sdelay $0x2  }
0x35: {  	(v2sf) =	vpush v0, $0x4  }
0x36: {  	(v2sf) =	vpush v0, $0x5  }
0x37: {  	(v2sf) =	vpush v0, $0x6  }
0x38: {  	(v2sf) =	vpush v0, $0x7  }
0x39: {  	(v2sf) =	vpush v0, $0x8  }
0x3a: {  	(v2sf) =	vpush v0, $0x9  }
0x3b: {  	(v2sf) =	vpush v0, $0xA  }
0x3c: {  	(v2sf) =	vpush v0, $0xB  }
0x3d: {  	(v2sf) =	vpush v0, $0xC;
	s28 =	spop (v2sf)  }
0x3e: {  	(v2sf) =	vpush v1, $0x1;
	s7 =	spop (v2sf)  }
0x3f: {  	s9 =	spop (v2sf)  }
0x40: {  	s6 =	spop (v2sf)  }
0x41: {  	s3 =	spop (v2sf)  }
0x42: {  	v2 =	vld [tilespmem:s3+$0x800];
	_ =	sdelay $0x1  }
0x43: {  	s29 =	spop (v2sf)  }
0x44: {  	s0 =	spop (v2sf)  }
0x45: {  	s22 =	simm.s32 $0x1800;
	(v2sf) =	vpush v0, $0xD;
	s16 =	spop (v2sf)  }
0x46: {  	(v2sf) =	vpush v0, $0xE;
	s15 =	spop (v2sf);
	[tilespmem:s22+$0x0] =	vst v2  }
0x47: {  	(v2sf) =	vpush v0, $0xF;
	s13 =	spop (v2sf);
	v0 =	vld [tilespmem:s3+$0x810]  }
0x48: {  	s3 =	spop (v2sf)  }
0x49: {  	(v2sf) =	vpush v1, $0x2;
	s10 =	spop (v2sf)  }
0x4a: {  	s8 =	spop (v2sf)  }
0x4b: {  	v3 =	vld [tilespmem:s28+$0x800];
	s1 =	spop (v2sf)  }
0x4c: {  	s4 =	spop (v2sf);
	[tilespmem:s22+$0x10] =	vst v0  }
0x4d: {  	v0 =	vld [tilespmem:s4+$0x800];
	_ =	sdelay $0x2  }
0x4e: {  	[tilespmem:s22+$0xFFFFF800] =	vst v3  }
0x4f: {  	v2 =	vld [tilespmem:s28+$0x810]  }
0x50: {  	[tilespmem:s22+$0x80] =	vst v0  }
0x51: {  	v0 =	vld [tilespmem:s4+$0x810];
	_ =	sdelay $0x1  }
0x52: {  	(v2sf) =	vpush v1, $0x3;
	s5 =	spop (v2sf)  }
0x53: {  	[tilespmem:s22+$0xFFFFF810] =	vst v2;
	s14 =	spop (v2sf)  }
0x54: {  	v2 =	vld [tilespmem:s7+$0x800];
	[smem:$0x7F0] =	sst s14;
	s23 =	spop (v2sf)  }
0x55: {  	s17 =	spop (v2sf);
	[tilespmem:s22+$0x90] =	vst v0  }
0x56: {  	v0 =	vld [tilespmem:s17+$0x800];
	_ =	sdelay $0x2  }
0x57: {  	[tilespmem:s22+$0xFFFFF880] =	vst v2  }
0x58: {  	v2 =	vld [tilespmem:s7+$0x810]  }
0x59: {  	[tilespmem:s22+$0x100] =	vst v0  }
0x5a: {  	v0 =	vld [tilespmem:s17+$0x810];
	_ =	sdelay $0x1  }
0x5b: {  	(v2sf) =	vpush v1, $0x4  }
0x5c: {  	s11 =	simm.s32 $0x20;
	[tilespmem:s22+$0xFFFFF890] =	vst v2  }
0x5d: {  	s12 =	sand.u32 $0x1E0, s11;
	v2 =	vld [tilespmem:s9+$0x800]  }
0x5e: {  	v3 =	vld [tilespmem:s12+$0x0];
	s18 =	spop (v2sf);
	[tilespmem:s22+$0x110] =	vst v0  }
0x5f: {  	v0 =	vld [tilespmem:s18+$0x800];
	_ =	sdelay $0x1  }
0x60: {  	s19 =	simm.s32 $0x30  }
0x61: {  	s11 =	sand.u32 $0x180, s11;
	s12 =	sand.u32 $0x70, s19;
	[tilespmem:s22+$0xFFFFF900] =	vst v2  }
0x62: {  	s20 =	sor.u32 s12, s11;
	v2 =	vld [tilespmem:s9+$0x810]  }
0x63: {  	v3 =	vshll.u32 v3, $0x5;
	v4 =	vld [tilespmem:s20+$0x0];
	(v2sf) =	vpush v1, $0x5;
	[tilespmem:s22+$0x180] =	vst v0  }
0x64: {  	(v2sf) =	vpush v3, $0x0;
	v0 =	vld [tilespmem:s18+$0x810];
	_ =	sdelay $0x1  }
0x65: {  	(v2sf) =	vpush v3, $0x1  }
0x66: {  	(v2sf) =	vpush v3, $0x2;
	[tilespmem:s22+$0xFFFFF910] =	vst v2  }
0x67: {  	(v2sf) =	vpush v3, $0x3;
	v2 =	vshll.u32 v4, $0x5;
	v5 =	vld [tilespmem:s6+$0x800]  }
0x68: {  	s21 =	spop (v2sf);
	(v2sf) =	vpush v2, $0x0;
	[tilespmem:s22+$0x190] =	vst v0  }
0x69: {  	(v2sf) =	vpush v3, $0x4;
	v0 =	vld [tilespmem:s21+$0x800]  }
0x6a: {  	(v2sf) =	vpush v3, $0x5  }
0x6b: {  	(v2sf) =	vpush v3, $0x6  }
0x6c: {  	(v2sf) =	vpush v3, $0x7;
	[tilespmem:s22+$0xFFFFF980] =	vst v5  }
0x6d: {  	(v2sf) =	vpush v3, $0x8;
	v4 =	vld [tilespmem:s6+$0x810]  }
0x6e: {  	(v2sf) =	vpush v1, $0x6;
	[tilespmem:s22+$0x200] =	vst v0  }
0x6f: {  	(v2sf) =	vpush v3, $0x9;
	v0 =	vld [tilespmem:s21+$0x810]  }
0x70: {  	(v2sf) =	vpush v3, $0xA  }
0x71: {  	(v2sf) =	vpush v3, $0xB;
	s24 =	spop (v2sf)  }
0x72: {  	s20 =	spop (v2sf);
	(v2sf) =	vpush v3, $0xC;
	[tilespmem:s22+$0xFFFFF990] =	vst v4  }
0x73: {  	v4 =	vld [tilespmem:s29+$0x800]  }
0x74: {  	s21 =	spop (v2sf);
	(v2sf) =	vpush v2, $0x1;
	[tilespmem:s22+$0x210] =	vst v0  }
0x75: {  	s19 =	spop (v2sf);
	v0 =	vld [tilespmem:s24+$0x800]  }
0x76: {  	s18 =	spop (v2sf)  }
0x77: {  	s25 =	spop (v2sf)  }
0x78: {  	s17 =	spop (v2sf);
	[tilespmem:s22+$0xFFFFFA00] =	vst v4;
	v4 =	vld [tilespmem:s25+$0x800]  }
0x79: {  	s14 =	spop (v2sf);
	v5 =	vld [tilespmem:s29+$0x810]  }
0x7a: {  	v6 =	vld [tilespmem:s20+$0x800];
	(v2sf) =	vpush v3, $0xD;
	s12 =	spop (v2sf);
	[tilespmem:s22+$0x280] =	vst v0  }
0x7b: {  	(v2sf) =	vpush v3, $0xE;
	s11 =	spop (v2sf);
	v0 =	vld [tilespmem:s24+$0x810]  }
0x7c: {  	s30 =	simm.s32 $0x2800;
	(v2sf) =	vpush v3, $0xF;
	s24 =	spop (v2sf)  }
0x7d: {  	[tilespmem:s30+$0x0] =	vst v4;
	s26 =	spop (v2sf)  }
0x7e: {  	(v2sf) =	vpush v1, $0x7;
	[tilespmem:s22+$0xFFFFFA10] =	vst v5;
	v3 =	vld [tilespmem:s25+$0x810];
	s7 =	spop (v2sf)  }
0x7f: {  	[tilespmem:s30+$0xFFFFF800] =	vst v6;
	v4 =	vld [tilespmem:s0+$0x800];
	s6 =	spop (v2sf)  }
0x80: {  	s28 =	spop (v2sf);
	[tilespmem:s22+$0x290] =	vst v0  }
0x81: {  	(v2sf) =	vpush v2, $0x2;
	s29 =	spop (v2sf);
	v0 =	vld [tilespmem:s26+$0x800];
	[smem:$0x7F1] =	sst s28  }
0x82: {  	v5 =	vld [tilespmem:s20+$0x810];
	[smem:$0x7F3] =	sst s29  }
0x83: {  	s4 =	spop (v2sf);
	[tilespmem:s30+$0x10] =	vst v3  }
0x84: {  	[tilespmem:s22+$0xFFFFFA80] =	vst v4;
	v3 =	vld [tilespmem:s4+$0x800]  }
0x85: {  	v4 =	vld [tilespmem:s0+$0x810];
	_ =	sdelay $0x1  }
0x86: {  	[tilespmem:s22+$0x300] =	vst v0  }
0x87: {  	v0 =	vld [tilespmem:s26+$0x810];
	[tilespmem:s30+$0xFFFFF810] =	vst v5  }
0x88: {  	s2 =	simm.s32 $0x1800;
	s22 =	spop (v2sf);
	[tilespmem:s30+$0x80] =	vst v3  }
0x89: {  	(v2sf) =	vpush v1, $0x8;
	s9 =	spop (v2sf);
	v5 =	vld [tilespmem:s21+$0x800];
	[tilespmem:s2+$0xFFFFFA90] =	vst v4  }
0x8a: {  	s20 =	spop (v2sf);
	v3 =	vld [tilespmem:s4+$0x810];
	[dreg:$0xb] =	wrdreg s9  }
0x8b: {  	v4 =	vld [tilespmem:s16+$0x800];
	[dreg:$0x7] =	wrdreg s20  }
0x8c: {  	(v2sf) =	vpush v2, $0x3;
	s25 =	spop (v2sf);
	[tilespmem:s2+$0x310] =	vst v0  }
0x8d: {  	v0 =	vld [tilespmem:s25+$0x800]  }
0x8e: {  	[tilespmem:s30+$0xFFFFF880] =	vst v5  }
0x8f: {  	s26 =	spop (v2sf);
	v5 =	vld [tilespmem:s21+$0x810];
	[tilespmem:s30+$0x90] =	vst v3  }
0x90: {  	[tilespmem:s2+$0xFFFFFB00] =	vst v4;
	v3 =	vld [tilespmem:s26+$0x800]  }
0x91: {  	v4 =	vld [tilespmem:s16+$0x810]  }
0x92: {  	[tilespmem:s2+$0x380] =	vst v0  }
0x93: {  	v0 =	vld [tilespmem:s25+$0x810]  }
0x94: {  	[tilespmem:s30+$0xFFFFF890] =	vst v5  }
0x95: {  	v5 =	vld [tilespmem:s19+$0x800];
	[tilespmem:s30+$0x100] =	vst v3  }
0x96: {  	(v2sf) =	vpush v1, $0x9;
	[tilespmem:s2+$0xFFFFFB10] =	vst v4;
	v3 =	vld [tilespmem:s26+$0x810]  }
0x97: {  	v4 =	vld [tilespmem:s15+$0x800]  }
0x98: {  	(v2sf) =	vpush v2, $0x4;
	s29 =	simm.s32 $0x40;
	s28 =	spop (v2sf);
	[tilespmem:s2+$0x390] =	vst v0  }
0x99: {  	s0 =	sand.u32 $0x1E0, s29;
	v0 =	vld [tilespmem:s28+$0x800]  }
0x9a: {  	v6 =	vld [tilespmem:s0+$0x0];
	[tilespmem:s30+$0xFFFFF900] =	vst v5  }
0x9b: {  	s4 =	spop (v2sf);
	v5 =	vld [tilespmem:s19+$0x810];
	[tilespmem:s30+$0x110] =	vst v3  }
0x9c: {  	[tilespmem:s2+$0xFFFFFB80] =	vst v4;
	v3 =	vld [tilespmem:s4+$0x800]  }
0x9d: {  	s9 =	simm.s32 $0x50;
	v4 =	vld [tilespmem:s15+$0x810]  }
0x9e: {  	s20 =	sand.u32 $0x180, s29;
	s15 =	sand.u32 $0x70, s9;
	[tilespmem:s2+$0x400] =	vst v0  }
0x9f: {  	s15 =	sor.u32 s15, s20;
	v0 =	vld [tilespmem:s28+$0x810]  }
0xa0: {  	(v2sf) =	vpush v1, $0xA;
	[tilespmem:s30+$0xFFFFF910] =	vst v5;
	v5 =	vld [tilespmem:s15+$0x0]  }
0xa1: {  	(v2sf) =	vpush v2, $0x5;
	v7 =	vld [tilespmem:s18+$0x800];
	[tilespmem:s30+$0x180] =	vst v3;
	v3 =	vshll.u32 v6, $0x5  }
0xa2: {  	[tilespmem:s2+$0xFFFFFB90] =	vst v4;
	v4 =	vld [tilespmem:s4+$0x810];
	(v2sf) =	vpush v3, $0x0  }
0xa3: {  	v6 =	vld [tilespmem:s13+$0x800];
	(v2sf) =	vpush v3, $0x1  }
0xa4: {  	(v2sf) =	vpush v3, $0x2  }
0xa5: {  	s21 =	spop (v2sf);
	[tilespmem:s2+$0x410] =	vst v0;
	v0 =	vshll.u32 v5, $0x5;
	(v2sf) =	vpush v3, $0x3  }
0xa6: {  	v5 =	vld [tilespmem:s21+$0x800];
	[tilespmem:s30+$0xFFFFF980] =	vst v7;
	(v2sf) =	vpush v0, $0x0  }
0xa7: {  	v7 =	vld [tilespmem:s18+$0x810];
	s18 =	smov.u32 s22;
	s22 =	spop (v2sf);
	[tilespmem:s30+$0x190] =	vst v4;
	(v2sf) =	vpush v3, $0x4  }
0xa8: {  	[tilespmem:s2+$0xFFFFFC00] =	vst v6;
	v4 =	vld [tilespmem:s22+$0x800];
	(v2sf) =	vpush v1, $0xB  }
0xa9: {  	v6 =	vld [tilespmem:s13+$0x810];
	(v2sf) =	vpush v3, $0x5  }
0xaa: {  	(v2sf) =	vpush v3, $0x6  }
0xab: {  	[tilespmem:s2+$0x480] =	vst v5;
	(v2sf) =	vpush v3, $0x7  }
0xac: {  	v5 =	vld [tilespmem:s21+$0x810];
	[tilespmem:s30+$0xFFFFF990] =	vst v7;
	(v2sf) =	vpush v3, $0x8  }
0xad: {  	v7 =	vld [tilespmem:s17+$0x800];
	[tilespmem:s30+$0x200] =	vst v4;
	(v2sf) =	vpush v2, $0x6  }
0xae: {  	[tilespmem:s2+$0xFFFFFC10] =	vst v6;
	v4 =	vld [tilespmem:s22+$0x810];
	(v2sf) =	vpush v3, $0x9  }
0xaf: {  	s25 =	spop (v2sf);
	v6 =	vld [tilespmem:s3+$0x800];
	(v2sf) =	vpush v3, $0xA  }
0xb0: {  	s0 =	spop (v2sf)  }
0xb1: {  	(v2sf) =	vpush v3, $0xB;
	[tilespmem:s2+$0x490] =	vst v5;
	s16 =	spop (v2sf)  }
0xb2: {  	v5 =	vld [tilespmem:s25+$0x800];
	[tilespmem:s30+$0xFFFFFA00] =	vst v7;
	s28 =	spop (v2sf)  }
0xb3: {  	(v2sf) =	vpush v3, $0xC;
	v7 =	vld [tilespmem:s17+$0x810];
	[tilespmem:s30+$0x210] =	vst v4;
	s26 =	spop (v2sf)  }
0xb4: {  	(v2sf) =	vpush v0, $0x1;
	[tilespmem:s2+$0xFFFFFC80] =	vst v6;
	v4 =	vld [tilespmem:s0+$0x800];
	s22 =	spop (v2sf)  }
0xb5: {  	v6 =	vld [tilespmem:s3+$0x810];
	s9 =	spop (v2sf)  }
0xb6: {  	s21 =	spop (v2sf)  }
0xb7: {  	v8 =	vld [tilespmem:s9+$0x800];
	[tilespmem:s2+$0x500] =	vst v5;
	s29 =	spop (v2sf)  }
0xb8: {  	v5 =	vld [tilespmem:s25+$0x810];
	[tilespmem:s30+$0xFFFFFA10] =	vst v7;
	s4 =	spop (v2sf)  }
0xb9: {  	v7 =	vld [tilespmem:s14+$0x800];
	[tilespmem:s30+$0x280] =	vst v4;
	s25 =	spop (v2sf)  }
0xba: {  	(v2sf) =	vpush v3, $0xD;
	[tilespmem:s2+$0xFFFFFC90] =	vst v6;
	s15 =	spop (v2sf)  }
0xbb: {  	s13 =	simm.s32 $0x3800;
	v4 =	vld [tilespmem:s0+$0x810];
	[smem:$0x7F2] =	sst s15;
	s31 =	spop (v2sf)  }
0xbc: {  	(v2sf) =	vpush v1, $0xC;
	v6 =	vld [tilespmem:s10+$0x800];
	[tilespmem:s13+$0x0] =	vst v8;
	s17 =	spop (v2sf)  }
0xbd: {  	(v2sf) =	vpush v3, $0xE;
	v8 =	vld [tilespmem:s16+$0x800];
	[tilespmem:s2+$0x510] =	vst v5;
	s3 =	spop (v2sf)  }
0xbe: {  	(v2sf) =	vpush v3, $0xF;
	v3 =	vld [tilespmem:s9+$0x810];
	[tilespmem:s30+$0xFFFFFA80] =	vst v7;
	s19 =	spop (v2sf)  }
0xbf: {  	v5 =	vld [tilespmem:s29+$0x800];
	[dreg:$0x17] =	wrdreg s19  }
0xc0: {  	(v2sf) =	vpush v2, $0x7;
	s20 =	spop (v2sf);
	[tilespmem:s30+$0x290] =	vst v4  }
0xc1: {  	(v2sf) =	vpush v0, $0x2;
	v7 =	vld [tilespmem:s14+$0x810];
	[dreg:$0x13] =	wrdreg s20  }
0xc2: {  	s19 =	spop (v2sf);
	[tilespmem:s2+$0xFFFFFD00] =	vst v6;
	v4 =	vld [tilespmem:s17+$0x800]  }
0xc3: {  	s9 =	spop (v2sf);
	[tilespmem:s13+$0x10] =	vst v3;
	v6 =	vld [tilespmem:s10+$0x810]  }
0xc4: {  	[tilespmem:s13+$0xFFFFF800] =	vst v8;
	v3 =	vld [tilespmem:s9+$0x800]  }
0xc5: {  	[tilespmem:s2+$0x580] =	vst v5  }
0xc6: {  	v8 =	vld [tilespmem:s16+$0x810];
	[tilespmem:s30+$0xFFFFFA90] =	vst v7  }
0xc7: {  	v5 =	vld [tilespmem:s29+$0x810];
	[tilespmem:s30+$0x300] =	vst v4  }
0xc8: {  	v7 =	vld [tilespmem:s12+$0x800];
	[tilespmem:s2+$0xFFFFFD10] =	vst v6  }
0xc9: {  	s14 =	spop (v2sf);
	v4 =	vld [tilespmem:s17+$0x810];
	[tilespmem:s13+$0x80] =	vst v3  }
0xca: {  	v6 =	vld [tilespmem:s8+$0x800];
	[dreg:$0x12] =	wrdreg s14  }
0xcb: {  	(v2sf) =	vpush v1, $0xD;
	v3 =	vld [tilespmem:s9+$0x810]  }
0xcc: {  	(v2sf) =	vpush v2, $0x8;
	s15 =	spop (v2sf);
	[tilespmem:s13+$0xFFFFF810] =	vst v8  }
0xcd: {  	[tilespmem:s2+$0x590] =	vst v5;
	s9 =	spop (v2sf);
	(v2sf) =	vpush v0, $0x3;
	v5 =	vld [tilespmem:s28+$0x800]  }
0xce: {  	v8 =	vld [tilespmem:s15+$0x800];
	[tilespmem:s30+$0xFFFFFB00] =	vst v7;
	s17 =	spop (v2sf)  }
0xcf: {  	v7 =	vld [tilespmem:s12+$0x810];
	s20 =	spop (v2sf);
	[tilespmem:s30+$0x310] =	vst v4  }
0xd0: {  	s16 =	smov.u32 s23;
	s23 =	spop (v2sf);
	v4 =	vld [tilespmem:s20+$0x800];
	[tilespmem:s13+$0x90] =	vst v3  }
0xd1: {  	[tilespmem:s2+$0xFFFFFD80] =	vst v6;
	v3 =	vld [tilespmem:s23+$0x800]  }
0xd2: {  	v6 =	vld [tilespmem:s8+$0x810];
	[tilespmem:s13+$0xFFFFF880] =	vst v5  }
0xd3: {  	[tilespmem:s2+$0x600] =	vst v8;
	v5 =	vld [tilespmem:s28+$0x810]  }
0xd4: {  	v8 =	vld [tilespmem:s15+$0x810];
	[tilespmem:s30+$0xFFFFFB10] =	vst v7  }
0xd5: {  	v7 =	vld [tilespmem:s11+$0x800];
	[tilespmem:s30+$0x380] =	vst v4  }
0xd6: {  	s14 =	simm.s32 $0x60;
	v4 =	vld [tilespmem:s20+$0x810];
	[tilespmem:s13+$0x100] =	vst v3  }
0xd7: {  	(v2sf) =	vpush v1, $0xE;
	s15 =	sand.u32 $0x1E0, s14;
	v3 =	vld [tilespmem:s23+$0x810]  }
0xd8: {  	v9 =	vld [tilespmem:s15+$0x0];
	[tilespmem:s13+$0xFFFFF890] =	vst v5  }
0xd9: {  	(v2sf) =	vpush v2, $0x9;
	[tilespmem:s2+$0xFFFFFD90] =	vst v6;
	v5 =	vld [tilespmem:s26+$0x800]  }
0xda: {  	(v2sf) =	vpush v0, $0x4;
	s28 =	spop (v2sf);
	v6 =	vld [tilespmem:s1+$0x800];
	[tilespmem:s2+$0x610] =	vst v8  }
0xdb: {  	s29 =	spop (v2sf);
	v8 =	vld [tilespmem:s28+$0x800];
	[tilespmem:s30+$0x390] =	vst v4  }
0xdc: {  	s0 =	spop (v2sf);
	v4 =	vld [tilespmem:s29+$0x800];
	[tilespmem:s13+$0x110] =	vst v3  }
0xdd: {  	[tilespmem:s30+$0xFFFFFB80] =	vst v7;
	v3 =	vld [tilespmem:s0+$0x800]  }
0xde: {  	v7 =	vld [tilespmem:s11+$0x810];
	[tilespmem:s13+$0xFFFFF900] =	vst v5  }
0xdf: {  	[tilespmem:s2+$0xFFFFFE00] =	vst v6;
	v5 =	vld [tilespmem:s26+$0x810]  }
0xe0: {  	v6 =	vld [tilespmem:s1+$0x810];
	[tilespmem:s2+$0x680] =	vst v8  }
0xe1: {  	v8 =	vld [tilespmem:s28+$0x810];
	[tilespmem:s30+$0x400] =	vst v4  }
0xe2: {  	v4 =	vld [tilespmem:s29+$0x810];
	[tilespmem:s13+$0x180] =	vst v3  }
0xe3: {  	(v2sf) =	vpush v1, $0xF;
	s20 =	simm.s32 $0x70;
	[tilespmem:s30+$0xFFFFFB90] =	vst v7;
	v1 =	vld [tilespmem:s0+$0x810]  }
0xe4: {  	s23 =	sand.u32 $0x180, s14;
	s26 =	sand.u32 $0x70, s20;
	[tilespmem:s13+$0xFFFFF910] =	vst v5;
	v5 =	vld [tilespmem:s24+$0x800]  }
0xe5: {  	s8 =	sor.u32 s26, s23;
	[tilespmem:s2+$0xFFFFFE10] =	vst v6;
	v3 =	vld [tilespmem:s22+$0x800]  }
0xe6: {  	(v2sf) =	vpush v2, $0xA;
	s28 =	spop (v2sf);
	v10 =	vld [tilespmem:s8+$0x0];
	[tilespmem:s2+$0x690] =	vst v8  }
0xe7: {  	(v2sf) =	vpush v0, $0x5;
	v8 =	vld [tilespmem:s28+$0x800];
	[tilespmem:s30+$0x410] =	vst v4  }
0xe8: {  	v7 =	vshll.u32 v9, $0x5;
	s29 =	spop (v2sf);
	v6 =	vld [tilespmem:s5+$0x800];
	[tilespmem:s13+$0x190] =	vst v1  }
0xe9: {  	(v2sf) =	vpush v7, $0x0;
	s0 =	spop (v2sf);
	v4 =	vld [tilespmem:s29+$0x800];
	[tilespmem:s30+$0xFFFFFC00] =	vst v5  }
0xea: {  	(v2sf) =	vpush v7, $0x1;
	[tilespmem:s13+$0xFFFFF980] =	vst v3;
	v3 =	vld [tilespmem:s0+$0x800]  }
0xeb: {  	(v2sf) =	vpush v7, $0x2;
	v5 =	vld [tilespmem:s24+$0x810]  }
0xec: {  	(v2sf) =	vpush v7, $0x3;
	v1 =	vshll.u32 v10, $0x5;
	[tilespmem:s2+$0x700] =	vst v8;
	v60 =	vld [tilespmem:s22+$0x810]  }
0xed: {  	[tilespmem:s2+$0xFFFFFE80] =	vst v6;
	(v2sf) =	vpush v1, $0x0;
	v8 =	vld [tilespmem:s28+$0x810]  }
0xee: {  	(v2sf) =	vpush v7, $0x4;
	[tilespmem:s30+$0x480] =	vst v4  }
0xef: {  	v6 =	vld [tilespmem:s5+$0x810];
	(v2sf) =	vpush v2, $0xB;
	[tilespmem:s13+$0x200] =	vst v3  }
0xf0: {  	(v2sf) =	vpush v7, $0x5;
	v4 =	vld [tilespmem:s29+$0x810];
	[tilespmem:s30+$0xFFFFFC10] =	vst v5  }
0xf1: {  	(v2sf) =	vpush v7, $0x6;
	[tilespmem:s13+$0xFFFFF990] =	vst v60;
	v3 =	vld [tilespmem:s0+$0x810]  }
0xf2: {  	(v2sf) =	vpush v7, $0x7;
	[tilespmem:s2+$0x710] =	vst v8;
	v8 =	vld [tilespmem:s7+$0x800]  }
0xf3: {  	(v2sf) =	vpush v7, $0x8;
	v5 =	vld [tilespmem:s21+$0x800]  }
0xf4: {  	s8 =	spop (v2sf);
	[tilespmem:s2+$0xFFFFFE90] =	vst v6;
	(v2sf) =	vpush v0, $0x6  }
0xf5: {  	s10 =	spop (v2sf);
	v61 =	vld [tilespmem:s8+$0x800];
	[tilespmem:s30+$0x490] =	vst v4  }
0xf6: {  	s12 =	spop (v2sf);
	(v2sf) =	vpush v7, $0x9;
	v4 =	vld [tilespmem:s10+$0x800];
	s11 =	sld [smem:$0x7F0];
	[tilespmem:s13+$0x210] =	vst v3  }
0xf7: {  	(v2sf) =	vpush v7, $0xA;
	[tilespmem:s30+$0xFFFFFC80] =	vst v8;
	v3 =	vld [tilespmem:s12+$0x800]  }
0xf8: {  	s14 =	spop (v2sf);
	(v2sf) =	vpush v7, $0xB;
	[tilespmem:s13+$0xFFFFFA00] =	vst v5;
	v8 =	vld [tilespmem:s7+$0x810]  }
0xf9: {  	s29 =	spop (v2sf);
	(v2sf) =	vpush v7, $0xC;
	v5 =	vld [tilespmem:s21+$0x810]  }
0xfa: {  	s28 =	spop (v2sf);
	[tilespmem:s2+$0x780] =	vst v61;
	(v2sf) =	vpush v1, $0x1;
	v6 =	vld [tilespmem:s11+$0x800]  }
0xfb: {  	s1 =	spop (v2sf);
	v9 =	vld [tilespmem:s8+$0x810];
	(v2sf) =	vpush v7, $0xD;
	[tilespmem:s30+$0x500] =	vst v4  }
0xfc: {  	s15 =	spop (v2sf);
	(v2sf) =	vpush v2, $0xC;
	v4 =	vld [tilespmem:s10+$0x810];
	[tilespmem:s13+$0x280] =	vst v3  }
0xfd: {  	s22 =	spop (v2sf);
	(v2sf) =	vpush v7, $0xE;
	[tilespmem:s30+$0xFFFFFC90] =	vst v8;
	v3 =	vld [tilespmem:s12+$0x810]  }
0xfe: {  	s23 =	spop (v2sf);
	(v2sf) =	vpush v7, $0xF;
	[tilespmem:s13+$0xFFFFFA10] =	vst v5;
	v7 =	vld [tilespmem:s6+$0x800]  }
0xff: {  	[tilespmem:s2+$0xFFFFFF00] =	vst v6;
	s12 =	spop (v2sf);
	v5 =	vld [tilespmem:s4+$0x800]  }
0x100: {  	v6 =	vld [tilespmem:s11+$0x810];
	s11 =	spop (v2sf)  }
0x101: {  	v8 =	vld [tilespmem:s15+$0x800];
	s20 =	spop (v2sf);
	[tilespmem:s30+$0x510] =	vst v4  }
0x102: {  	[tilespmem:s2+$0x790] =	vst v9;
	s26 =	spop (v2sf);
	v4 =	vld [tilespmem:s23+$0x800]  }
0x103: {  	v62 =	vld [tilespmem:s14+$0x800];
	s24 =	spop (v2sf);
	[tilespmem:s13+$0x290] =	vst v3  }
0x104: {  	(v2sf) =	vpush v0, $0x7;
	[tilespmem:s13+$0xFFFFFA80] =	vst v5;
	v3 =	vld [tilespmem:s24+$0x800]  }
0x105: {  	[tilespmem:s30+$0xFFFFFD00] =	vst v7;
	v5 =	vld [tilespmem:s4+$0x810];
	s4 =	simm.s32 $0x4800  }
0x106: {  	s21 =	spop (v2sf);
	v7 =	vld [tilespmem:s6+$0x810];
	[tilespmem:s4+$0x0] =	vst v8  }
0x107: {  	s8 =	spop (v2sf);
	[tilespmem:s30+$0x580] =	vst v4  }
0x108: {  	v8 =	vld [tilespmem:s15+$0x810];
	[dreg:$0x1f] =	wrdreg s8  }
0x109: {  	[tilespmem:s4+$0xFFFFF800] =	vst v62  }
0x10a: {  	[tilespmem:s13+$0x300] =	vst v3  }
0x10b: {  	s8 =	spop (v2sf);
	v4 =	vld [tilespmem:s23+$0x810];
	[tilespmem:s30+$0xFFFFFD10] =	vst v7  }
0x10c: {  	s6 =	spop (v2sf);
	v9 =	vld [tilespmem:s14+$0x810];
	[tilespmem:s13+$0xFFFFFA90] =	vst v5  }
0x10d: {  	(v2sf) =	vpush v1, $0x2;
	s23 =	spop (v2sf);
	[tilespmem:s4+$0x10] =	vst v8  }
0x10e: {  	v3 =	vld [tilespmem:s24+$0x810];
	s24 =	spop (v2sf);
	s14 =	sld [smem:$0x7F1]  }
0x10f: {  	s5 =	smov.u32 s31;
	(v2sf) =	vpush v2, $0xD;
	v5 =	vld [tilespmem:s25+$0x800];
	s31 =	spop (v2sf)  }
0x110: {  	v8 =	vld [tilespmem:s23+$0x800];
	s10 =	spop (v2sf);
	[tilespmem:s30+$0x590] =	vst v4  }
0x111: {  	s15 =	spop (v2sf);
	[tilespmem:s4+$0xFFFFF810] =	vst v9;
	v7 =	vld [tilespmem:s14+$0x800]  }
0x112: {  	(v2sf) =	vpush v0, $0x8;
	v4 =	vld [tilespmem:s31+$0x800];
	[dreg:$0x1e] =	wrdreg s15  }
0x113: {  	s0 =	spop (v2sf);
	v9 =	vld [tilespmem:s29+$0x800];
	[tilespmem:s13+$0x310] =	vst v3  }
0x114: {  	[tilespmem:s13+$0xFFFFFB00] =	vst v5;
	v3 =	vld [tilespmem:s0+$0x800]  }
0x115: {  	v5 =	vld [tilespmem:s25+$0x810];
	[tilespmem:s4+$0x80] =	vst v8  }
0x116: {  	v8 =	vld [tilespmem:s23+$0x810];
	[tilespmem:s30+$0xFFFFFD80] =	vst v7  }
0x117: {  	[tilespmem:s30+$0x600] =	vst v4;
	v7 =	vld [tilespmem:s14+$0x810]  }
0x118: {  	[tilespmem:s4+$0xFFFFF880] =	vst v9  }
0x119: {  	v4 =	vld [tilespmem:s31+$0x810];
	[tilespmem:s13+$0x380] =	vst v3  }
0x11a: {  	(v2sf) =	vpush v1, $0x3;
	v9 =	vld [tilespmem:s29+$0x810];
	[tilespmem:s13+$0xFFFFFB10] =	vst v5  }
0x11b: {  	s14 =	sld [smem:$0x7F2];
	[tilespmem:s4+$0x90] =	vst v8  }
0x11c: {  	s23 =	spop (v2sf);
	v3 =	vld [tilespmem:s0+$0x810];
	[tilespmem:s30+$0xFFFFFD90] =	vst v7  }
0x11d: {  	(v2sf) =	vpush v2, $0xE;
	v8 =	vld [tilespmem:s23+$0x800];
	s15 =	sld [smem:$0x7F3]  }
0x11e: {  	s25 =	spop (v2sf);
	v5 =	vld [tilespmem:s14+$0x800];
	[tilespmem:s30+$0x610] =	vst v4  }
0x11f: {  	[tilespmem:s4+$0xFFFFF890] =	vst v9;
	v4 =	vld [tilespmem:s25+$0x800]  }
0x120: {  	[tilespmem:s2+$0xFFFFFF10] =	vst v6;
	v7 =	vld [tilespmem:s15+$0x800]  }
0x121: {  	s29 =	spop (v2sf);
	v9 =	vld [tilespmem:s28+$0x800];
	[tilespmem:s13+$0x390] =	vst v3  }
0x122: {  	v3 =	vld [tilespmem:s29+$0x800];
	[tilespmem:s4+$0x100] =	vst v8  }
0x123: {  	v8 =	vld [tilespmem:s23+$0x810];
	[tilespmem:s13+$0xFFFFFB80] =	vst v5  }
0x124: {  	v63 =	vld [tilespmem:s14+$0x810];
	[tilespmem:s30+$0x680] =	vst v4  }
0x125: {  	v12 =	vld [tilespmem:s25+$0x810];
	[tilespmem:s30+$0xFFFFFE00] =	vst v7  }
0x126: {  	[tilespmem:s4+$0xFFFFF900] =	vst v9;
	v11 =	vld [tilespmem:s15+$0x810]  }
0x127: {  	[tilespmem:s13+$0x400] =	vst v3;
	v3 =	vld [tilespmem:s16+$0x800]  }
0x128: {  	(v2sf) =	vpush v0, $0x9;
	v7 =	vld [tilespmem:s28+$0x810]  }
0x129: {  	(v2sf) =	vpush v1, $0x4;
	s14 =	spop (v2sf);
	v5 =	vld [tilespmem:s29+$0x810];
	[tilespmem:s4+$0x110] =	vst v8  }
0x12a: {  	(v2sf) =	vpush v2, $0xF;
	v2 =	vld [tilespmem:s14+$0x800];
	[tilespmem:s13+$0xFFFFFB90] =	vst v63  }
0x12b: {  	v6 =	vld [tilespmem:s5+$0x800];
	[tilespmem:s30+$0xFFFFFE10] =	vst v11  }
0x12c: {  	s23 =	simm.s32 $0x6;
	s31 =	spop (v2sf);
	s25 =	simm.s32 $0x80;
	[tilespmem:s30+$0x690] =	vst v12;
	v4 =	vld [tilespmem:s18+$0x800]  }
.LBB2_2:
0x12d: {  	_ =	sdelay $0x1  }
0x12e: {  	s28 =	sand.u32 $0x1E0, s25;
	[tilespmem:s4+$0xFFFFF910] =	vst v7  }
0x12f: {  	v8 =	vld [tilespmem:s28+$0x0];
	[tilespmem:s13+$0xFFFFFC00] =	vst v6  }
0x130: {  	s29 =	sadd.s32 $0x10, s25;
	v6 =	vld [tilespmem:s1+$0x800]  }
0x131: {  	s15 =	sand.u32 $0x180, s25;
	s7 =	sand.u32 $0x70, s29  }
0x132: {  	v7 =	vld [tilespmem:s31+$0x800];
	s15 =	sor.u32 s7, s15;
	[tilespmem:s30+$0xFFFFFE80] =	vst v4  }
0x133: {  	v4 =	vld [tilespmem:s15+$0x0];
	[tilespmem:s4+$0x180] =	vst v2  }
0x134: {  	(v2sf) =	vpush v0, $0xA;
	[tilespmem:s2+$0xFFFFFF80] =	vst v3  }
0x135: {  	v2 =	vld [tilespmem:s14+$0x810];
	[tilespmem:s4+$0xFFFFF980] =	vst v6  }
0x136: {  	v3 =	vld [tilespmem:s5+$0x810]  }
0x137: {  	[tilespmem:s13+$0x410] =	vst v5;
	v6 =	vld [tilespmem:s1+$0x810];
	s28 =	spop (v2sf)  }
0x138: {  	v5 =	vld [tilespmem:s28+$0x800]  }
0x139: {  	[tilespmem:s30+$0x700] =	vst v7  }
0x13a: {  	(v2sf) =	vpush v1, $0x5;
	v7 =	vshll.u32 v8, $0x5;
	v8 =	vld [tilespmem:s31+$0x810];
	[tilespmem:s4+$0x190] =	vst v2  }
0x13b: {  	v9 =	vld [tilespmem:s18+$0x810];
	s29 =	spop (v2sf);
	(v2sf) =	vpush v7, $0x0;
	[tilespmem:s13+$0xFFFFFC10] =	vst v3  }
0x13c: {  	v10 =	vld [tilespmem:s29+$0x800];
	[tilespmem:s4+$0xFFFFF990] =	vst v6  }
0x13d: {  	(v2sf) =	vpush v7, $0x1;
	v6 =	vld [tilespmem:s22+$0x800];
	[tilespmem:s13+$0x480] =	vst v5  }
0x13e: {  	v2 =	vshll.u32 v4, $0x5;
	(v2sf) =	vpush v7, $0x2;
	v4 =	vld [tilespmem:s28+$0x810]  }
0x13f: {  	s18 =	spop (v2sf);
	(v2sf) =	vpush v7, $0x3;
	v5 =	vld [tilespmem:s3+$0x800];
	[tilespmem:s30+$0x710] =	vst v8  }
0x140: {  	(v2sf) =	vpush v2, $0x0;
	[tilespmem:s30+$0xFFFFFE90] =	vst v9;
	v3 =	vld [tilespmem:s18+$0x800]  }
0x141: {  	s15 =	smov.u32 s24;
	s24 =	rddreg [dreg:$0xb];
	(v2sf) =	vpush v7, $0x4;
	[tilespmem:s4+$0x200] =	vst v10  }
0x142: {  	v8 =	vld [tilespmem:s24+$0x800];
	(v2sf) =	vpush v0, $0xB;
	[tilespmem:s4+$0xFFFFFA00] =	vst v6  }
0x143: {  	s0 =	smov.u32 s26;
	s26 =	spop (v2sf);
	(v2sf) =	vpush v7, $0x5;
	v61 =	vld [tilespmem:s29+$0x810];
	[tilespmem:s13+$0x490] =	vst v4  }
0x144: {  	(v2sf) =	vpush v7, $0x6;
	[tilespmem:s13+$0xFFFFFC80] =	vst v5;
	v4 =	vld [tilespmem:s26+$0x800]  }
0x145: {  	(v2sf) =	vpush v7, $0x7;
	v5 =	vld [tilespmem:s3+$0x810];
	[tilespmem:s30+$0x780] =	vst v3  }
0x146: {  	(v2sf) =	vpush v7, $0x8;
	v3 =	vld [tilespmem:s18+$0x810]  }
0x147: {  	v6 =	vld [tilespmem:s22+$0x810];
	[tilespmem:s30+$0xFFFFFF00] =	vst v8;
	(v2sf) =	vpush v1, $0x6  }
0x148: {  	s7 =	rddreg [dreg:$0x12];
	v8 =	vld [tilespmem:s24+$0x810];
	(v2sf) =	vpush v7, $0x9;
	[tilespmem:s4+$0x210] =	vst v61  }
0x149: {  	[dreg:$0x12] =	wrdreg s15;
	(v2sf) =	vpush v7, $0xA;
	s15 =	spop (v2sf);
	[tilespmem:s13+$0x500] =	vst v4;
	v4 =	vld [tilespmem:s16+$0x810]  }
0x14a: {  	s14 =	smov.u32 s10;
	(v2sf) =	vpush v7, $0xB;
	s10 =	spop (v2sf);
	[tilespmem:s13+$0xFFFFFC90] =	vst v5;
	v9 =	vld [tilespmem:s15+$0x800]  }
0x14b: {  	[smem:$0x7ED] =	sst s14;
	(v2sf) =	vpush v7, $0xC;
	[tilespmem:s30+$0x790] =	vst v3;
	v5 =	vld [tilespmem:s10+$0x800]  }
0x14c: {  	s5 =	smov.u32 s7;
	s7 =	smov.u32 s9;
	s28 =	spop (v2sf);
	(v2sf) =	vpush v2, $0x1;
	[tilespmem:s4+$0xFFFFFA10] =	vst v6;
	v3 =	vld [tilespmem:s26+$0x810]  }
0x14d: {  	[dreg:$0xb] =	wrdreg s7;
	s29 =	smov.u32 s21;
	s31 =	spop (v2sf);
	(v2sf) =	vpush v7, $0xD;
	v6 =	vld [tilespmem:s12+$0x800]  }
0x14e: {  	s21 =	smov.u32 s17;
	s24 =	rddreg [dreg:$0x17];
	s1 =	spop (v2sf);
	(v2sf) =	vpush v0, $0xC;
	[tilespmem:s30+$0xFFFFFF10] =	vst v8  }
0x14f: {  	s17 =	smov.u32 s30;
	s22 =	rddreg [dreg:$0x1e];
	(v2sf) =	vpush v7, $0xE;
	s7 =	spop (v2sf);
	v8 =	vld [tilespmem:s24+$0x800];
	[tilespmem:s2+$0xFFFFFF90] =	vst v4  }
0x150: {  	s3 =	smov.u32 s22;
	s30 =	smov.u32 s13;
	s22 =	spop (v2sf);
	(v2sf) =	vpush v7, $0xF;
	v4 =	vld [tilespmem:s7+$0x800];
	[tilespmem:s4+$0x280] =	vst v9  }
0x151: {  	s16 =	rddreg [dreg:$0x7];
	s14 =	spop (v2sf);
	v7 =	vld [tilespmem:s15+$0x810];
	[tilespmem:s30+$0x510] =	vst v3  }
0x152: {  	s18 =	smov.u32 s16;
	s9 =	spop (v2sf);
	[tilespmem:s4+$0xFFFFFA80] =	vst v6;
	v9 =	vld [tilespmem:s14+$0x800]  }
0x153: {  	[smem:$0x7EE] =	sst s29;
	s16 =	spop (v2sf);
	(v2sf) =	vpush v1, $0x7;
	v3 =	vld [tilespmem:s18+$0x800]  }
0x154: {  	s13 =	smov.u32 s4;
	s4 =	sadd.s32 $0x1000, s4;
	s29 =	spop (v2sf);
	v6 =	vld [tilespmem:s12+$0x810];
	[tilespmem:s30+$0xFFFFFD00] =	vst v8  }
0x155: {  	s26 =	spop (v2sf);
	[tilespmem:s4+$0x0] =	vst v4;
	v4 =	vld [tilespmem:s24+$0x810]  }
0x156: {  	v8 =	vld [tilespmem:s7+$0x810];
	s7 =	spop (v2sf);
	[tilespmem:s13+$0x290] =	vst v7  }
0x157: {  	[dreg:$0x7] =	wrdreg s21;
	s12 =	smov.u32 s9;
	s9 =	spop (v2sf);
	v7 =	vld [tilespmem:s7+$0x800];
	[tilespmem:s30+$0x580] =	vst v9  }
0x158: {  	s21 =	rddreg [dreg:$0x1f];
	[tilespmem:s4+$0xFFFFF800] =	vst v5;
	s2 =	spop (v2sf);
	(v2sf) =	vpush v2, $0x2;
	v5 =	vld [tilespmem:s14+$0x810]  }
0x159: {  	s24 =	smov.u32 s21;
	v62 =	vld [tilespmem:s10+$0x810];
	[tilespmem:s13+$0xFFFFFA90] =	vst v6;
	s15 =	spop (v2sf)  }
0x15a: {  	s21 =	smov.u32 s6;
	s6 =	rddreg [dreg:$0x13];
	v6 =	vld [tilespmem:s11+$0x800];
	s14 =	spop (v2sf);
	[tilespmem:s30+$0xFFFFFD10] =	vst v4;
	(v2sf) =	vpush v0, $0xD  }
0x15b: {  	[smem:$0x7EC] =	sst s0;
	[tilespmem:s4+$0x10] =	vst v8;
	s0 =	spop (v2sf);
	v4 =	vld [tilespmem:s6+$0x800]  }
0x15c: {  	[dreg:$0x17] =	wrdreg s24;
	v8 =	vld [tilespmem:s0+$0x800];
	s24 =	spop (v2sf);
	[tilespmem:s13+$0x300] =	vst v7  }
0x15d: {  	[dreg:$0x1f] =	wrdreg s2;
	s2 =	spop (v2sf);
	v7 =	vld [tilespmem:s7+$0x810];
	[tilespmem:s30+$0x590] =	vst v5  }
0x15e: {  	[tilespmem:s4+$0xFFFFF810] =	vst v62;
	s10 =	spop (v2sf);
	v5 =	vld [tilespmem:s2+$0x800]  }
0x15f: {  	v9 =	vld [tilespmem:s28+$0x800];
	[tilespmem:s13+$0xFFFFFB00] =	vst v6;
	s7 =	spop (v2sf);
	(v2sf) =	vpush v1, $0x8  }
0x160: {  	v6 =	vld [tilespmem:s11+$0x810];
	[tilespmem:s30+$0xFFFFFD80] =	vst v4  }
0x161: {  	[tilespmem:s4+$0x80] =	vst v8;
	v4 =	vld [tilespmem:s6+$0x810]  }
0x162: {  	[dreg:$0x1e] =	wrdreg s7;
	s7 =	spop (v2sf);
	v8 =	vld [tilespmem:s0+$0x810];
	[tilespmem:s13+$0x310] =	vst v7  }
0x163: {  	v7 =	vld [tilespmem:s7+$0x800];
	[tilespmem:s30+$0x600] =	vst v5  }
0x164: {  	[tilespmem:s4+$0xFFFFF880] =	vst v9;
	(v2sf) =	vpush v2, $0x3;
	v5 =	vld [tilespmem:s2+$0x810]  }
0x165: {  	v9 =	vld [tilespmem:s28+$0x810];
	[tilespmem:s13+$0xFFFFFB10] =	vst v6  }
0x166: {  	(v2sf) =	vpush v0, $0xE;
	v6 =	vld [tilespmem:s20+$0x800];
	[tilespmem:s30+$0xFFFFFD90] =	vst v4  }
0x167: {  	s6 =	smov.u32 s8;
	s8 =	smov.u32 s15;
	[tilespmem:s4+$0x90] =	vst v8;
	s15 =	spop (v2sf);
	v4 =	vld [tilespmem:s19+$0x800]  }
0x168: {  	v8 =	vld [tilespmem:s15+$0x800];
	[tilespmem:s13+$0x380] =	vst v7  }
0x169: {  	s28 =	spop (v2sf);
	v7 =	vld [tilespmem:s7+$0x810];
	[tilespmem:s30+$0x610] =	vst v5  }
0x16a: {  	[tilespmem:s4+$0xFFFFF890] =	vst v9;
	v5 =	vld [tilespmem:s28+$0x800]  }
0x16b: {  	v9 =	vld [tilespmem:s31+$0x800];
	[tilespmem:s13+$0xFFFFFB80] =	vst v6  }
0x16c: {  	v6 =	vld [tilespmem:s20+$0x810];
	[tilespmem:s30+$0xFFFFFE00] =	vst v4  }
0x16d: {  	s23 =	sadd.s32 $0x2, s23;
	[tilespmem:s4+$0x100] =	vst v8;
	v4 =	vld [tilespmem:s19+$0x810]  }
0x16e: {  	s11 =	smov.u32 s16;
	s20 =	smov.u32 s29;
	v8 =	vld [tilespmem:s15+$0x810];
	s29 =	spop (v2sf);
	[tilespmem:s13+$0x390] =	vst v7  }
0x16f: {  	s16 =	smov.u32 s18;
	s18 =	smov.u32 s5;
	s5 =	sld [smem:$0x7EC];
	v10 =	vld [tilespmem:s29+$0x800];
	[tilespmem:s30+$0x680] =	vst v5  }
0x170: {  	p0 =	slt.u32 s23, $0x1E;
	[tilespmem:s4+$0xFFFFF900] =	vst v9;
	v63 =	vld [tilespmem:s28+$0x810]  }
.Ltmp0:
0x171: {  	v7 =	vld [tilespmem:s31+$0x810];
	[tilespmem:s13+$0xFFFFFB90] =	vst v6;
	(pc) =	sbr.rel @p0 .LBB2_2-.Ltmp0, $4  }
0x172: {  	s25 =	sadd.s32 $0x20, s25;
	[dreg:$0x13] =	wrdreg s6;
	(v2sf) =	vpush v1, $0x9;
	v6 =	vld [tilespmem:s5+$0x800];
	[tilespmem:s30+$0xFFFFFE10] =	vst v4  }
0x173: {  	s6 =	smov.u32 s14;
	s2 =	smov.u32 s17;
	(v2sf) =	vpush v2, $0x4;
	s14 =	spop (v2sf);
	[tilespmem:s4+$0x110] =	vst v8;
	v4 =	vld [tilespmem:s18+$0x800]  }
0x174: {  	s17 =	smov.u32 s3;
	s3 =	sld [smem:$0x7EE];
	s19 =	smov.u32 s21;
	(v2sf) =	vpush v0, $0xF;
	v0 =	vmov v1;
	v1 =	vmov v2;
	v2 =	vld [tilespmem:s14+$0x800];
	[tilespmem:s13+$0x400] =	vst v10  }
0x175: {  	s21 =	smov.u32 s9;
	s9 =	sld [smem:$0x7ED];
	s31 =	spop (v2sf);
	v5 =	vld [tilespmem:s29+$0x810];
	[tilespmem:s30+$0x690] =	vst v63  }
0x176: {  	_ =	sdelay $0x1  }
0x177: {  	[tilespmem:s4+$0xFFFFF910] =	vst v7  }
0x178: {  	v7 =	vld [tilespmem:s1+$0x800];
	_ =	sdelay $0x2  }
0x179: {  	[tilespmem:s4+$0x180] =	vst v2  }
0x17a: {  	v2 =	vld [tilespmem:s14+$0x810]  }
0x17b: {  	(v2sf) =	vpush v0, $0xA;
	[tilespmem:s4+$0xFFFFF980] =	vst v7  }
0x17c: {  	(v2sf) =	vpush v1, $0x5;
	v7 =	vld [tilespmem:s1+$0x810];
	_ =	sdelay $0x1  }
0x17d: {  	s14 =	spop (v2sf)  }
0x17e: {  	[tilespmem:s4+$0x190] =	vst v2;
	s0 =	spop (v2sf)  }
0x17f: {  	v2 =	vld [tilespmem:s0+$0x800]  }
0x180: {  	[tilespmem:s4+$0xFFFFF990] =	vst v7  }
0x181: {  	v7 =	vld [tilespmem:s22+$0x800];
	_ =	sdelay $0x2  }
0x182: {  	[tilespmem:s4+$0x200] =	vst v2  }
0x183: {  	v2 =	vld [tilespmem:s0+$0x810]  }
0x184: {  	(v2sf) =	vpush v0, $0xB;
	[tilespmem:s4+$0xFFFFFA00] =	vst v7  }
0x185: {  	(v2sf) =	vpush v1, $0x6;
	v7 =	vld [tilespmem:s22+$0x810]  }
0x186: {  	s1 =	spop (v2sf)  }
0x187: {  	s23 =	spop (v2sf)  }
0x188: {  	s7 =	spop (v2sf);
	[tilespmem:s4+$0x210] =	vst v2  }
0x189: {  	v2 =	vld [tilespmem:s7+$0x800]  }
0x18a: {  	[tilespmem:s4+$0xFFFFFA10] =	vst v7  }
0x18b: {  	v7 =	vld [tilespmem:s12+$0x800];
	_ =	sdelay $0x2  }
0x18c: {  	[tilespmem:s4+$0x280] =	vst v2  }
0x18d: {  	v2 =	vld [tilespmem:s7+$0x810]  }
0x18e: {  	(v2sf) =	vpush v0, $0xC;
	[tilespmem:s4+$0xFFFFFA80] =	vst v7  }
0x18f: {  	(v2sf) =	vpush v1, $0x7;
	v7 =	vld [tilespmem:s12+$0x810];
	_ =	sdelay $0x1  }
0x190: {  	s22 =	spop (v2sf)  }
0x191: {  	s15 =	spop (v2sf);
	[tilespmem:s4+$0x290] =	vst v2  }
0x192: {  	v2 =	vld [tilespmem:s15+$0x800]  }
0x193: {  	[tilespmem:s4+$0xFFFFFA90] =	vst v7  }
0x194: {  	v7 =	vld [tilespmem:s11+$0x800];
	_ =	sdelay $0x2  }
0x195: {  	[tilespmem:s4+$0x300] =	vst v2  }
0x196: {  	v2 =	vld [tilespmem:s15+$0x810]  }
0x197: {  	(v2sf) =	vpush v0, $0xD;
	[tilespmem:s4+$0xFFFFFB00] =	vst v7  }
0x198: {  	(v2sf) =	vpush v1, $0x8;
	v7 =	vld [tilespmem:s11+$0x810];
	_ =	sdelay $0x1  }
0x199: {  	s12 =	spop (v2sf)  }
0x19a: {  	s25 =	spop (v2sf);
	[tilespmem:s4+$0x310] =	vst v2  }
0x19b: {  	v2 =	vld [tilespmem:s25+$0x800]  }
0x19c: {  	[tilespmem:s4+$0xFFFFFB10] =	vst v7  }
0x19d: {  	v7 =	vld [tilespmem:s20+$0x800];
	_ =	sdelay $0x2  }
0x19e: {  	[tilespmem:s4+$0x380] =	vst v2  }
0x19f: {  	v2 =	vld [tilespmem:s25+$0x810]  }
0x1a0: {  	(v2sf) =	vpush v0, $0xE;
	[tilespmem:s4+$0xFFFFFB80] =	vst v7  }
0x1a1: {  	(v2sf) =	vpush v1, $0x9;
	v7 =	vld [tilespmem:s20+$0x810];
	_ =	sdelay $0x1  }
0x1a2: {  	s11 =	spop (v2sf)  }
0x1a3: {  	s29 =	spop (v2sf);
	[tilespmem:s4+$0x390] =	vst v2  }
0x1a4: {  	v2 =	vld [tilespmem:s29+$0x800]  }
0x1a5: {  	[tilespmem:s4+$0xFFFFFB90] =	vst v7  }
0x1a6: {  	v7 =	vld [tilespmem:s26+$0x800]  }
0x1a7: {  	[tilespmem:s13+$0xFFFFFC00] =	vst v6  }
0x1a8: {  	v6 =	vld [tilespmem:s5+$0x810]  }
0x1a9: {  	[tilespmem:s4+$0x400] =	vst v2  }
0x1aa: {  	v2 =	vld [tilespmem:s29+$0x810]  }
0x1ab: {  	(v2sf) =	vpush v0, $0xF;
	[tilespmem:s4+$0xFFFFFC00] =	vst v7  }
0x1ac: {  	(v2sf) =	vpush v1, $0xA;
	v0 =	vld [tilespmem:s26+$0x810]  }
0x1ad: {  	[tilespmem:s13+$0xFFFFFC10] =	vst v6  }
0x1ae: {  	[tilespmem:s13+$0x410] =	vst v5;
	v6 =	vld [tilespmem:s3+$0x800];
	s15 =	spop (v2sf)  }
0x1af: {  	v5 =	vld [tilespmem:s14+$0x800];
	s7 =	spop (v2sf);
	[tilespmem:s4+$0x410] =	vst v2  }
0x1b0: {  	v2 =	vld [tilespmem:s7+$0x800]  }
0x1b1: {  	[tilespmem:s4+$0xFFFFFC10] =	vst v0  }
0x1b2: {  	v0 =	vld [tilespmem:s21+$0x800]  }
0x1b3: {  	[tilespmem:s13+$0xFFFFFC80] =	vst v6  }
0x1b4: {  	v6 =	vld [tilespmem:s3+$0x810];
	[tilespmem:s13+$0x480] =	vst v5  }
0x1b5: {  	v5 =	vld [tilespmem:s14+$0x810];
	[tilespmem:s4+$0x480] =	vst v2  }
0x1b6: {  	v2 =	vld [tilespmem:s7+$0x810]  }
0x1b7: {  	[tilespmem:s4+$0xFFFFFC80] =	vst v0  }
0x1b8: {  	v0 =	vld [tilespmem:s21+$0x810]  }
0x1b9: {  	(v2sf) =	vpush v1, $0xB;
	[tilespmem:s13+$0xFFFFFC90] =	vst v6  }
0x1ba: {  	[tilespmem:s13+$0x490] =	vst v5;
	s3 =	spop (v2sf)  }
0x1bb: {  	v5 =	vld [tilespmem:s23+$0x800];
	s14 =	spop (v2sf);
	[tilespmem:s4+$0x490] =	vst v2  }
0x1bc: {  	v2 =	vld [tilespmem:s14+$0x800];
	s20 =	rddreg [dreg:$0x17]  }
0x1bd: {  	[tilespmem:s4+$0xFFFFFC90] =	vst v0;
	v6 =	vld [tilespmem:s20+$0x800]  }
0x1be: {  	s7 =	rddreg [dreg:$0x1f]  }
0x1bf: {  	v0 =	vld [tilespmem:s7+$0x800]  }
0x1c0: {  	[tilespmem:s13+$0x500] =	vst v5  }
0x1c1: {  	v5 =	vld [tilespmem:s23+$0x810];
	[tilespmem:s4+$0x500] =	vst v2  }
0x1c2: {  	v2 =	vld [tilespmem:s14+$0x810];
	[tilespmem:s13+$0xFFFFFD00] =	vst v6  }
0x1c3: {  	v6 =	vld [tilespmem:s20+$0x810]  }
0x1c4: {  	[tilespmem:s4+$0xFFFFFD00] =	vst v0  }
0x1c5: {  	(v2sf) =	vpush v1, $0xC;
	v0 =	vld [tilespmem:s7+$0x810]  }
0x1c6: {  	[tilespmem:s13+$0x510] =	vst v5  }
0x1c7: {  	v5 =	vld [tilespmem:s22+$0x800];
	[tilespmem:s4+$0x510] =	vst v2  }
0x1c8: {  	s21 =	spop (v2sf);
	[tilespmem:s13+$0xFFFFFD10] =	vst v6  }
0x1c9: {  	v2 =	vld [tilespmem:s21+$0x800];
	s23 =	rddreg [dreg:$0x13]  }
0x1ca: {  	[tilespmem:s4+$0xFFFFFD10] =	vst v0;
	v6 =	vld [tilespmem:s23+$0x800]  }
0x1cb: {  	v0 =	vld [tilespmem:s8+$0x800]  }
0x1cc: {  	[tilespmem:s13+$0x580] =	vst v5  }
0x1cd: {  	v5 =	vld [tilespmem:s22+$0x810]  }
0x1ce: {  	[tilespmem:s4+$0x580] =	vst v2  }
0x1cf: {  	v2 =	vld [tilespmem:s21+$0x810];
	[tilespmem:s13+$0xFFFFFD80] =	vst v6  }
0x1d0: {  	[tilespmem:s4+$0xFFFFFD80] =	vst v0;
	v6 =	vld [tilespmem:s23+$0x810]  }
0x1d1: {  	v0 =	vld [tilespmem:s8+$0x810]  }
0x1d2: {  	(v2sf) =	vpush v1, $0xD;
	[tilespmem:s13+$0x590] =	vst v5  }
0x1d3: {  	v5 =	vld [tilespmem:s12+$0x800]  }
0x1d4: {  	s25 =	spop (v2sf);
	[tilespmem:s4+$0x590] =	vst v2  }
0x1d5: {  	v2 =	vld [tilespmem:s25+$0x800];
	[tilespmem:s13+$0xFFFFFD90] =	vst v6  }
0x1d6: {  	[tilespmem:s4+$0xFFFFFD90] =	vst v0;
	v6 =	vld [tilespmem:s19+$0x800]  }
0x1d7: {  	v0 =	vld [tilespmem:s6+$0x800]  }
0x1d8: {  	[tilespmem:s13+$0x600] =	vst v5  }
0x1d9: {  	v5 =	vld [tilespmem:s12+$0x810]  }
0x1da: {  	[tilespmem:s4+$0x600] =	vst v2  }
0x1db: {  	v2 =	vld [tilespmem:s25+$0x810];
	[tilespmem:s13+$0xFFFFFE00] =	vst v6  }
0x1dc: {  	[tilespmem:s4+$0xFFFFFE00] =	vst v0;
	v6 =	vld [tilespmem:s19+$0x810]  }
0x1dd: {  	v0 =	vld [tilespmem:s6+$0x810]  }
0x1de: {  	[tilespmem:s13+$0x610] =	vst v5  }
0x1df: {  	(v2sf) =	vpush v1, $0xE;
	v5 =	vld [tilespmem:s11+$0x800]  }
0x1e0: {  	v7 =	vld [tilespmem:s31+$0x800];
	[tilespmem:s4+$0x610] =	vst v2  }
0x1e1: {  	s26 =	spop (v2sf);
	[tilespmem:s13+$0xFFFFFE10] =	vst v6  }
0x1e2: {  	v2 =	vld [tilespmem:s26+$0x800];
	s29 =	rddreg [dreg:$0x12];
	[tilespmem:s4+$0xFFFFFE10] =	vst v0  }
0x1e3: {  	[tilespmem:s30+$0xFFFFFE80] =	vst v4;
	v6 =	vld [tilespmem:s29+$0x800]  }
0x1e4: {  	[tilespmem:s13+$0x680] =	vst v5;
	v0 =	vld [tilespmem:s24+$0x800]  }
0x1e5: {  	[tilespmem:s30+$0x700] =	vst v7;
	v4 =	vld [tilespmem:s11+$0x810]  }
0x1e6: {  	[tilespmem:s2+$0xFFFFFF80] =	vst v3;
	v5 =	vld [tilespmem:s18+$0x810]  }
0x1e7: {  	[tilespmem:s4+$0x680] =	vst v2  }
0x1e8: {  	(v2sf) =	vpush v1, $0xF;
	v1 =	vld [tilespmem:s31+$0x810];
	[tilespmem:s13+$0xFFFFFE80] =	vst v6  }
0x1e9: {  	v2 =	vld [tilespmem:s26+$0x810];
	[tilespmem:s4+$0xFFFFFE80] =	vst v0  }
0x1ea: {  	[tilespmem:s13+$0x690] =	vst v4;
	v6 =	vld [tilespmem:s29+$0x810]  }
0x1eb: {  	[tilespmem:s30+$0xFFFFFE90] =	vst v5;
	v0 =	vld [tilespmem:s24+$0x810]  }
0x1ec: {  	v3 =	vld [tilespmem:s15+$0x800];
	s6 =	rddreg [dreg:$0xb]  }
0x1ed: {  	[tilespmem:s30+$0x710] =	vst v1;
	v4 =	vld [tilespmem:s6+$0x800]  }
0x1ee: {  	s7 =	spop (v2sf);
	v1 =	vld [tilespmem:s1+$0x800];
	[tilespmem:s4+$0x690] =	vst v2  }
0x1ef: {  	v2 =	vld [tilespmem:s7+$0x800];
	[tilespmem:s13+$0xFFFFFE90] =	vst v6  }
0x1f0: {  	[tilespmem:s4+$0xFFFFFE90] =	vst v0;
	v5 =	vld [tilespmem:s9+$0x800]  }
0x1f1: {  	[tilespmem:s13+$0x700] =	vst v3;
	v0 =	vld [tilespmem:s10+$0x800]  }
0x1f2: {  	[tilespmem:s30+$0xFFFFFF00] =	vst v4;
	v3 =	vld [tilespmem:s15+$0x810]  }
0x1f3: {  	[tilespmem:s30+$0x780] =	vst v1;
	v4 =	vld [tilespmem:s6+$0x810]  }
0x1f4: {  	v1 =	vld [tilespmem:s1+$0x810];
	[tilespmem:s4+$0x700] =	vst v2  }
0x1f5: {  	v2 =	vld [tilespmem:s7+$0x810];
	[tilespmem:s13+$0xFFFFFF00] =	vst v5  }
0x1f6: {  	[tilespmem:s4+$0xFFFFFF00] =	vst v0;
	v5 =	vld [tilespmem:s9+$0x810]  }
0x1f7: {  	[tilespmem:s13+$0x710] =	vst v3;
	v0 =	vld [tilespmem:s10+$0x810]  }
0x1f8: {  	[tilespmem:s30+$0xFFFFFF10] =	vst v4  }
0x1f9: {  	s8 =	rddreg [dreg:$0x7];
	[tilespmem:s30+$0x790] =	vst v1  }
0x1fa: {  	v3 =	vld [tilespmem:s3+$0x800];
	[tilespmem:s4+$0x710] =	vst v2  }
0x1fb: {  	s9 =	spop (v2sf);
	v4 =	vld [tilespmem:s8+$0x800];
	[tilespmem:s13+$0xFFFFFF10] =	vst v5  }
0x1fc: {  	v2 =	vld [tilespmem:s9+$0x800];
	[tilespmem:s4+$0xFFFFFF10] =	vst v0  }
0x1fd: {  	v5 =	vld [tilespmem:s17+$0x800];
	s10 =	rddreg [dreg:$0x1e]  }
0x1fe: {  	v0 =	vld [tilespmem:s10+$0x800]  }
0x1ff: {  	v1 =	vld [tilespmem:s16+$0x810];
	[tilespmem:s13+$0x780] =	vst v3  }
0x200: {  	[tilespmem:s30+$0xFFFFFF80] =	vst v4;
	v3 =	vld [tilespmem:s3+$0x810]  }
0x201: {  	v4 =	vld [tilespmem:s8+$0x810];
	[tilespmem:s4+$0x780] =	vst v2  }
0x202: {  	v2 =	vld [tilespmem:s9+$0x810];
	[tilespmem:s13+$0xFFFFFF80] =	vst v5  }
0x203: {  	v5 =	vld [tilespmem:s17+$0x810];
	[tilespmem:s4+$0xFFFFFF80] =	vst v0  }
0x204: {  	[tilespmem:s2+$0xFFFFFF90] =	vst v1;
	v0 =	vld [tilespmem:s10+$0x810]  }
0x205: {  	[tilespmem:s13+$0x790] =	vst v3  }
0x206: {  	[tilespmem:s30+$0xFFFFFF90] =	vst v4  }
0x207: {  	[tilespmem:s4+$0x790] =	vst v2  }
0x208: {  	[tilespmem:s13+$0xFFFFFF90] =	vst v5  }
0x209: {  	s11 =	simm.s32 $0x2;
	[tilespmem:s4+$0xFFFFFF90] =	vst v0  }
0x20a: {  	_ =	swait.ge [sflag:s11], $0x100  }
0x20b: {  	[sflag:s11] =	ssyncset.done $0x0  }
0x20c: {  	s12 =	simm.s32 $0x0;
	[sflag:s11] =	ssyncadd.s32 $0xFFFFFF00  }
0x20d: {  	s14 =	simm.s32 $0x10;
	s13 =	sand.u32 $0x180, s12;
	_ =	swait.ge [sflag:s11], $0x200  }
0x20e: {  	s2 =	sand.u32 $0x70, s14;
	s1 =	sor.u32 $0x200, s13;
	[sflag:s11] =	ssyncset.done $0x0  }
0x20f: {  	s2 =	sor.u32 s2, s1;
	[sflag:s11] =	ssyncadd.s32 $0xFFFFFE00  }
0x210: {  	v0 =	vld [tilespmem:s2+$0x0]  }
0x211: {  	s0 =	sand.u32 $0x60, s12  }
0x212: {  	s0 =	sor.u32 s0, s1  }
0x213: {  	v2 =	vld [tilespmem:s0+$0x0];
	_ =	sdelay $0x1  }
0x214: {  	v1 =	vshll.u32 v0, $0x5  }
0x215: {  	(v2sf) =	vpush v1, $0x0;
	_ =	sdelay $0x1  }
0x216: {  	v0 =	vshll.u32 v2, $0x5  }
0x217: {  	(v2sf) =	vpush v0, $0x0  }
0x218: {  	(v2sf) =	vpush v0, $0x1  }
0x219: {  	(v2sf) =	vpush v0, $0x2  }
0x21a: {  	(v2sf) =	vpush v0, $0x3  }
0x21b: {  	(v2sf) =	vpush v0, $0x4  }
0x21c: {  	(v2sf) =	vpush v0, $0x5  }
0x21d: {  	(v2sf) =	vpush v0, $0x6  }
0x21e: {  	(v2sf) =	vpush v0, $0x7  }
0x21f: {  	(v2sf) =	vpush v0, $0x8  }
0x220: {  	(v2sf) =	vpush v1, $0x1;
	_ =	sdelay $0x2  }
0x221: {  	s15 =	spop (v2sf)  }
0x222: {  	v2 =	vld [tilespmem:s15+$0x880]  }
0x223: {  	(v2sf) =	vpush v0, $0x9  }
0x224: {  	(v2sf) =	vpush v0, $0xA;
	s16 =	spop (v2sf)  }
0x225: {  	(v2sf) =	vpush v0, $0xB;
	s18 =	spop (v2sf)  }
0x226: {  	s29 =	simm.s32 $0x1820;
	(v2sf) =	vpush v0, $0xC;
	s19 =	spop (v2sf)  }
0x227: {  	(v2sf) =	vpush v0, $0xD;
	s20 =	spop (v2sf);
	[tilespmem:s29+$0x0] =	vst v2  }
0x228: {  	(v2sf) =	vpush v0, $0xE;
	s6 =	spop (v2sf);
	v2 =	vld [tilespmem:s15+$0x890]  }
0x229: {  	(v2sf) =	vpush v0, $0xF;
	s0 =	spop (v2sf)  }
0x22a: {  	s17 =	spop (v2sf);
	(v2sf) =	vpush v1, $0x2  }
0x22b: {  	s15 =	spop (v2sf)  }
0x22c: {  	v3 =	vld [tilespmem:s16+$0x880];
	s13 =	spop (v2sf)  }
0x22d: {  	s21 =	spop (v2sf);
	[tilespmem:s29+$0x10] =	vst v2  }
0x22e: {  	v2 =	vld [tilespmem:s21+$0x880];
	_ =	sdelay $0x2  }
0x22f: {  	[tilespmem:s29+$0xFFFFF800] =	vst v3  }
0x230: {  	v0 =	vld [tilespmem:s16+$0x890];
	s2 =	spop (v2sf)  }
0x231: {  	s3 =	spop (v2sf);
	[tilespmem:s29+$0x80] =	vst v2  }
0x232: {  	s9 =	spop (v2sf);
	v2 =	vld [tilespmem:s21+$0x890]  }
0x233: {  	s1 =	spop (v2sf)  }
0x234: {  	s5 =	spop (v2sf)  }
0x235: {  	[tilespmem:s29+$0xFFFFF810] =	vst v0;
	(v2sf) =	vpush v1, $0x3;
	s4 =	spop (v2sf)  }
0x236: {  	v0 =	vld [tilespmem:s18+$0x880];
	s31 =	spop (v2sf)  }
0x237: {  	s22 =	spop (v2sf);
	[tilespmem:s29+$0x90] =	vst v2  }
0x238: {  	v2 =	vld [tilespmem:s22+$0x880];
	_ =	sdelay $0x2  }
0x239: {  	[tilespmem:s29+$0xFFFFF880] =	vst v0  }
0x23a: {  	v0 =	vld [tilespmem:s18+$0x890]  }
0x23b: {  	[tilespmem:s29+$0x100] =	vst v2  }
0x23c: {  	v2 =	vld [tilespmem:s22+$0x890];
	_ =	sdelay $0x2  }
0x23d: {  	(v2sf) =	vpush v1, $0x4;
	[tilespmem:s29+$0xFFFFF890] =	vst v0  }
0x23e: {  	v0 =	vld [tilespmem:s19+$0x880]  }
0x23f: {  	[tilespmem:s29+$0x110] =	vst v2  }
0x240: {  	s23 =	spop (v2sf)  }
0x241: {  	s24 =	simm.s32 $0x20;
	v2 =	vld [tilespmem:s23+$0x880]  }
0x242: {  	s26 =	simm.s32 $0x30;
	s25 =	sand.u32 $0x180, s24  }
0x243: {  	s14 =	sand.u32 $0x70, s26;
	s12 =	sor.u32 $0x200, s25;
	[tilespmem:s29+$0xFFFFF900] =	vst v0  }
0x244: {  	s14 =	sor.u32 s14, s12;
	s11 =	sand.u32 $0x60, s24;
	v0 =	vld [tilespmem:s19+$0x890]  }
0x245: {  	s16 =	sor.u32 s11, s12;
	v3 =	vld [tilespmem:s14+$0x0]  }
0x246: {  	v5 =	vld [tilespmem:s16+$0x0];
	[tilespmem:s29+$0x180] =	vst v2  }
0x247: {  	v4 =	vld [tilespmem:s23+$0x890];
	_ =	sdelay $0x1  }
0x248: {  	(v2sf) =	vpush v1, $0x5;
	_ =	sdelay $0x1  }
0x249: {  	[tilespmem:s29+$0xFFFFF910] =	vst v0;
	v2 =	vshll.u32 v3, $0x5  }
0x24a: {  	s18 =	spop (v2sf);
	v0 =	vld [tilespmem:s20+$0x880];
	v3 =	vshll.u32 v5, $0x5;
	(v2sf) =	vpush v2, $0x0;
	[tilespmem:s29+$0x190] =	vst v4  }
0x24b: {  	(v2sf) =	vpush v3, $0x0;
	v4 =	vld [tilespmem:s18+$0x880];
	_ =	sdelay $0x1  }
0x24c: {  	(v2sf) =	vpush v3, $0x1  }
0x24d: {  	(v2sf) =	vpush v3, $0x2  }
0x24e: {  	(v2sf) =	vpush v3, $0x3;
	[tilespmem:s29+$0xFFFFF980] =	vst v0  }
0x24f: {  	(v2sf) =	vpush v3, $0x4;
	v0 =	vld [tilespmem:s20+$0x890];
	[tilespmem:s29+$0x200] =	vst v4  }
0x250: {  	(v2sf) =	vpush v1, $0x6;
	v4 =	vld [tilespmem:s18+$0x890]  }
0x251: {  	(v2sf) =	vpush v3, $0x5  }
0x252: {  	(v2sf) =	vpush v3, $0x6  }
0x253: {  	(v2sf) =	vpush v3, $0x7  }
0x254: {  	(v2sf) =	vpush v3, $0x8;
	[tilespmem:s29+$0xFFFFF990] =	vst v0  }
0x255: {  	s19 =	spop (v2sf);
	(v2sf) =	vpush v2, $0x1;
	v0 =	vld [tilespmem:s6+$0x880];
	[tilespmem:s29+$0x210] =	vst v4  }
0x256: {  	v4 =	vld [tilespmem:s19+$0x880];
	_ =	sdelay $0x1  }
0x257: {  	(v2sf) =	vpush v3, $0x9;
	s20 =	spop (v2sf)  }
0x258: {  	(v2sf) =	vpush v3, $0xA;
	v5 =	vld [tilespmem:s20+$0x880];
	s22 =	spop (v2sf)  }
0x259: {  	(v2sf) =	vpush v3, $0xB;
	[tilespmem:s29+$0xFFFFFA00] =	vst v0;
	v0 =	vld [tilespmem:s22+$0x880]  }
0x25a: {  	(v2sf) =	vpush v3, $0xC;
	s23 =	spop (v2sf);
	v6 =	vld [tilespmem:s6+$0x890];
	[tilespmem:s29+$0x280] =	vst v4  }
0x25b: {  	(v2sf) =	vpush v3, $0xD;
	s21 =	spop (v2sf);
	v4 =	vld [tilespmem:s19+$0x890]  }
0x25c: {  	s30 =	simm.s32 $0x2820;
	(v2sf) =	vpush v1, $0x7;
	s19 =	spop (v2sf)  }
0x25d: {  	(v2sf) =	vpush v3, $0xE;
	[tilespmem:s30+$0x0] =	vst v5;
	s18 =	spop (v2sf)  }
0x25e: {  	(v2sf) =	vpush v3, $0xF;
	v5 =	vld [tilespmem:s20+$0x890];
	[tilespmem:s30+$0xFFFFF800] =	vst v0;
	s24 =	spop (v2sf)  }
0x25f: {  	[tilespmem:s29+$0xFFFFFA10] =	vst v6;
	v0 =	vld [tilespmem:s22+$0x890];
	s16 =	spop (v2sf)  }
0x260: {  	v3 =	vld [tilespmem:s0+$0x880];
	s14 =	spop (v2sf);
	(v2sf) =	vpush v2, $0x2;
	[tilespmem:s29+$0x290] =	vst v4  }
0x261: {  	s20 =	spop (v2sf);
	v4 =	vld [tilespmem:s24+$0x880]  }
0x262: {  	s12 =	spop (v2sf)  }
0x263: {  	[tilespmem:s30+$0x10] =	vst v5;
	s25 =	spop (v2sf)  }
0x264: {  	[tilespmem:s30+$0xFFFFF810] =	vst v0;
	v5 =	vld [tilespmem:s25+$0x880]  }
0x265: {  	[tilespmem:s29+$0xFFFFFA80] =	vst v3;
	v0 =	vld [tilespmem:s23+$0x880]  }
0x266: {  	v3 =	vld [tilespmem:s0+$0x890];
	s11 =	spop (v2sf);
	[tilespmem:s29+$0x300] =	vst v4  }
0x267: {  	s7 =	spop (v2sf);
	v4 =	vld [tilespmem:s24+$0x890]  }
0x268: {  	s6 =	spop (v2sf)  }
0x269: {  	s8 =	spop (v2sf);
	[tilespmem:s30+$0x80] =	vst v5  }
0x26a: {  	[tilespmem:s30+$0xFFFFF880] =	vst v0;
	s10 =	spop (v2sf);
	v5 =	vld [tilespmem:s25+$0x890]  }
0x26b: {  	(v2sf) =	vpush v1, $0x8;
	[tilespmem:s29+$0xFFFFFA90] =	vst v3;
	v0 =	vld [tilespmem:s23+$0x890];
	s26 =	spop (v2sf)  }
0x26c: {  	(v2sf) =	vpush v2, $0x3;
	v3 =	vld [tilespmem:s17+$0x880];
	s22 =	spop (v2sf);
	[tilespmem:s29+$0x310] =	vst v4  }
0x26d: {  	s24 =	spop (v2sf);
	[dreg:$0xc] =	wrdreg s22  }
0x26e: {  	v4 =	vld [tilespmem:s26+$0x880];
	[dreg:$0x8] =	wrdreg s24  }
0x26f: {  	s25 =	spop (v2sf);
	[tilespmem:s30+$0x90] =	vst v5  }
0x270: {  	[tilespmem:s30+$0xFFFFF890] =	vst v0;
	v5 =	vld [tilespmem:s25+$0x880]  }
0x271: {  	[tilespmem:s29+$0xFFFFFB00] =	vst v3;
	v0 =	vld [tilespmem:s21+$0x880]  }
0x272: {  	v3 =	vld [tilespmem:s17+$0x890];
	_ =	sdelay $0x1  }
0x273: {  	[tilespmem:s29+$0x380] =	vst v4  }
0x274: {  	v4 =	vld [tilespmem:s26+$0x890];
	[tilespmem:s30+$0x100] =	vst v5  }
0x275: {  	[tilespmem:s30+$0xFFFFF900] =	vst v0;
	v5 =	vld [tilespmem:s25+$0x890]  }
0x276: {  	(v2sf) =	vpush v1, $0x9;
	[tilespmem:s29+$0xFFFFFB10] =	vst v3;
	v0 =	vld [tilespmem:s21+$0x890]  }
0x277: {  	v3 =	vld [tilespmem:s15+$0x880];
	_ =	sdelay $0x1  }
0x278: {  	(v2sf) =	vpush v2, $0x4;
	s17 =	spop (v2sf);
	[tilespmem:s29+$0x390] =	vst v4  }
0x279: {  	s21 =	spop (v2sf);
	v4 =	vld [tilespmem:s17+$0x880];
	[tilespmem:s30+$0x110] =	vst v5  }
0x27a: {  	s22 =	simm.s32 $0x40;
	[tilespmem:s30+$0xFFFFF910] =	vst v0;
	v5 =	vld [tilespmem:s21+$0x880]  }
0x27b: {  	s0 =	simm.s32 $0x50;
	s26 =	sand.u32 $0x180, s22;
	[tilespmem:s29+$0xFFFFFB80] =	vst v3;
	v0 =	vld [tilespmem:s19+$0x880]  }
0x27c: {  	s25 =	sand.u32 $0x70, s0;
	v3 =	vld [tilespmem:s15+$0x890];
	s15 =	sor.u32 $0x200, s26  }
0x27d: {  	s26 =	sor.u32 s25, s15  }
0x27e: {  	s0 =	sand.u32 $0x60, s22;
	v6 =	vld [tilespmem:s26+$0x0];
	[tilespmem:s29+$0x400] =	vst v4  }
0x27f: {  	s15 =	sor.u32 s0, s15;
	v4 =	vld [tilespmem:s17+$0x890];
	[tilespmem:s30+$0x180] =	vst v5  }
0x280: {  	v7 =	vld [tilespmem:s15+$0x0];
	[tilespmem:s30+$0xFFFFF980] =	vst v0  }
0x281: {  	(v2sf) =	vpush v1, $0xA;
	[tilespmem:s29+$0xFFFFFB90] =	vst v3;
	v3 =	vld [tilespmem:s19+$0x890]  }
0x282: {  	v5 =	vld [tilespmem:s21+$0x890]  }
0x283: {  	v8 =	vld [tilespmem:s13+$0x880]  }
0x284: {  	(v2sf) =	vpush v2, $0x5;
	s21 =	spop (v2sf);
	[tilespmem:s29+$0x410] =	vst v4  }
0x285: {  	v4 =	vld [tilespmem:s21+$0x880]  }
0x286: {  	[tilespmem:s30+$0xFFFFF990] =	vst v3  }
0x287: {  	s22 =	spop (v2sf);
	v0 =	vshll.u32 v6, $0x5;
	[tilespmem:s30+$0x190] =	vst v5;
	v3 =	vld [tilespmem:s18+$0x880]  }
0x288: {  	v6 =	vshll.u32 v7, $0x5;
	(v2sf) =	vpush v0, $0x0;
	[tilespmem:s29+$0xFFFFFC00] =	vst v8;
	v5 =	vld [tilespmem:s22+$0x880]  }
0x289: {  	(v2sf) =	vpush v6, $0x0;
	v7 =	vld [tilespmem:s13+$0x890]  }
0x28a: {  	(v2sf) =	vpush v1, $0xB;
	[tilespmem:s29+$0x480] =	vst v4  }
0x28b: {  	(v2sf) =	vpush v6, $0x1;
	v4 =	vld [tilespmem:s21+$0x890]  }
0x28c: {  	(v2sf) =	vpush v6, $0x2;
	[tilespmem:s30+$0xFFFFFA00] =	vst v3  }
0x28d: {  	(v2sf) =	vpush v6, $0x3;
	[tilespmem:s30+$0x200] =	vst v5;
	v3 =	vld [tilespmem:s18+$0x890]  }
0x28e: {  	(v2sf) =	vpush v6, $0x4;
	[tilespmem:s29+$0xFFFFFC10] =	vst v7;
	v5 =	vld [tilespmem:s22+$0x890]  }
0x28f: {  	(v2sf) =	vpush v2, $0x6;
	v7 =	vld [tilespmem:s2+$0x880]  }
0x290: {  	s23 =	spop (v2sf);
	(v2sf) =	vpush v6, $0x5;
	[tilespmem:s29+$0x490] =	vst v4  }
0x291: {  	(v2sf) =	vpush v6, $0x6;
	v4 =	vld [tilespmem:s23+$0x880]  }
0x292: {  	(v2sf) =	vpush v6, $0x7;
	[tilespmem:s30+$0xFFFFFA10] =	vst v3  }
0x293: {  	s24 =	spop (v2sf);
	(v2sf) =	vpush v6, $0x8;
	[tilespmem:s30+$0x210] =	vst v5;
	v3 =	vld [tilespmem:s16+$0x880]  }
0x294: {  	(v2sf) =	vpush v0, $0x1;
	[tilespmem:s29+$0xFFFFFC80] =	vst v7;
	v5 =	vld [tilespmem:s24+$0x880]  }
0x295: {  	(v2sf) =	vpush v6, $0x9;
	v7 =	vld [tilespmem:s2+$0x890]  }
0x296: {  	(v2sf) =	vpush v1, $0xC;
	[tilespmem:s29+$0x500] =	vst v4  }
0x297: {  	s25 =	spop (v2sf);
	(v2sf) =	vpush v6, $0xA;
	v4 =	vld [tilespmem:s23+$0x890]  }
0x298: {  	v8 =	vld [tilespmem:s25+$0x880];
	s17 =	spop (v2sf);
	[tilespmem:s30+$0xFFFFFA80] =	vst v3  }
0x299: {  	(v2sf) =	vpush v6, $0xB;
	s18 =	spop (v2sf);
	[tilespmem:s30+$0x280] =	vst v5;
	v3 =	vld [tilespmem:s16+$0x890]  }
0x29a: {  	(v2sf) =	vpush v6, $0xC;
	s28 =	spop (v2sf);
	[tilespmem:s29+$0xFFFFFC90] =	vst v7;
	v5 =	vld [tilespmem:s24+$0x890]  }
0x29b: {  	s26 =	spop (v2sf);
	v7 =	vld [tilespmem:s3+$0x880]  }
0x29c: {  	s2 =	simm.s32 $0x3820;
	v9 =	vld [tilespmem:s17+$0x880];
	s24 =	spop (v2sf);
	[tilespmem:s29+$0x510] =	vst v4  }
0x29d: {  	(v2sf) =	vpush v6, $0xD;
	[tilespmem:s2+$0x0] =	vst v8;
	s22 =	spop (v2sf);
	v4 =	vld [tilespmem:s18+$0x880]  }
0x29e: {  	(v2sf) =	vpush v2, $0x7;
	v8 =	vld [tilespmem:s25+$0x890];
	s0 =	spop (v2sf);
	[tilespmem:s30+$0xFFFFFA90] =	vst v3  }
0x29f: {  	(v2sf) =	vpush v6, $0xE;
	s23 =	spop (v2sf);
	[tilespmem:s30+$0x290] =	vst v5;
	v3 =	vld [tilespmem:s14+$0x880]  }
0x2a0: {  	(v2sf) =	vpush v6, $0xF;
	s25 =	spop (v2sf);
	[tilespmem:s29+$0xFFFFFD00] =	vst v7;
	v5 =	vld [tilespmem:s0+$0x880]  }
0x2a1: {  	[tilespmem:s2+$0xFFFFF800] =	vst v9;
	s21 =	spop (v2sf);
	v6 =	vld [tilespmem:s3+$0x890]  }
0x2a2: {  	(v2sf) =	vpush v0, $0x2;
	s19 =	spop (v2sf);
	[tilespmem:s29+$0x580] =	vst v4  }
0x2a3: {  	[tilespmem:s2+$0x10] =	vst v8;
	s15 =	spop (v2sf);
	v4 =	vld [tilespmem:s18+$0x890]  }
0x2a4: {  	v7 =	vld [tilespmem:s15+$0x880];
	s18 =	spop (v2sf);
	[tilespmem:s30+$0xFFFFFB00] =	vst v3  }
0x2a5: {  	[tilespmem:s30+$0x300] =	vst v5;
	s29 =	spop (v2sf);
	v3 =	vld [tilespmem:s14+$0x890];
	s14 =	simm.s32 $0x1820  }
0x2a6: {  	v8 =	vld [tilespmem:s17+$0x890];
	s16 =	spop (v2sf);
	[tilespmem:s14+$0xFFFFFD10] =	vst v6  }
0x2a7: {  	(v2sf) =	vpush v1, $0xD;
	v5 =	vld [tilespmem:s0+$0x890];
	[dreg:$0x18] =	wrdreg s16  }
0x2a8: {  	s3 =	spop (v2sf);
	[tilespmem:s14+$0x590] =	vst v4  }
0x2a9: {  	s17 =	spop (v2sf);
	v6 =	vld [tilespmem:s9+$0x880];
	[tilespmem:s2+$0x80] =	vst v7  }
0x2aa: {  	(v2sf) =	vpush v2, $0x8;
	v4 =	vld [tilespmem:s29+$0x880];
	[dreg:$0x14] =	wrdreg s17  }
0x2ab: {  	[tilespmem:s2+$0xFFFFF810] =	vst v8  }
0x2ac: {  	s17 =	spop (v2sf);
	v7 =	vld [tilespmem:s15+$0x890];
	[tilespmem:s30+$0x310] =	vst v5  }
0x2ad: {  	s15 =	smov.u32 s31;
	s31 =	spop (v2sf);
	[tilespmem:s30+$0xFFFFFB10] =	vst v3;
	v8 =	vld [tilespmem:s28+$0x880]  }
0x2ae: {  	(v2sf) =	vpush v0, $0x3;
	v5 =	vld [tilespmem:s31+$0x880];
	s16 =	spop (v2sf);
	[tilespmem:s14+$0xFFFFFD80] =	vst v6  }
0x2af: {  	v3 =	vld [tilespmem:s20+$0x880];
	s13 =	spop (v2sf);
	[tilespmem:s14+$0x600] =	vst v4  }
0x2b0: {  	v6 =	vld [tilespmem:s9+$0x890];
	[dreg:$0xf] =	wrdreg s13  }
0x2b1: {  	v4 =	vld [tilespmem:s29+$0x890];
	[tilespmem:s2+$0x90] =	vst v7;
	s29 =	spop (v2sf)  }
0x2b2: {  	[tilespmem:s2+$0xFFFFF880] =	vst v8;
	v7 =	vld [tilespmem:s29+$0x880]  }
0x2b3: {  	[tilespmem:s30+$0x380] =	vst v5;
	v8 =	vld [tilespmem:s28+$0x890]  }
0x2b4: {  	[tilespmem:s30+$0xFFFFFB80] =	vst v3;
	v5 =	vld [tilespmem:s31+$0x890]  }
0x2b5: {  	(v2sf) =	vpush v1, $0xE;
	v3 =	vld [tilespmem:s20+$0x890];
	[tilespmem:s14+$0xFFFFFD90] =	vst v6  }
0x2b6: {  	s0 =	spop (v2sf);
	v6 =	vld [tilespmem:s1+$0x880];
	[tilespmem:s14+$0x610] =	vst v4  }
0x2b7: {  	v4 =	vld [tilespmem:s0+$0x880];
	[tilespmem:s2+$0x100] =	vst v7  }
0x2b8: {  	(v2sf) =	vpush v2, $0x9;
	[tilespmem:s2+$0xFFFFF890] =	vst v8;
	v7 =	vld [tilespmem:s29+$0x890]  }
0x2b9: {  	s13 =	spop (v2sf);
	[tilespmem:s30+$0x390] =	vst v5;
	v8 =	vld [tilespmem:s26+$0x880]  }
0x2ba: {  	[tilespmem:s30+$0xFFFFFB90] =	vst v3;
	v5 =	vld [tilespmem:s13+$0x880]  }
0x2bb: {  	v3 =	vld [tilespmem:s12+$0x880];
	[tilespmem:s14+$0xFFFFFE00] =	vst v6  }
0x2bc: {  	(v2sf) =	vpush v0, $0x4;
	v6 =	vld [tilespmem:s1+$0x890];
	[tilespmem:s14+$0x680] =	vst v4  }
0x2bd: {  	s1 =	spop (v2sf);
	v4 =	vld [tilespmem:s0+$0x890];
	[tilespmem:s2+$0x110] =	vst v7  }
0x2be: {  	s20 =	simm.s32 $0x60;
	[tilespmem:s2+$0xFFFFF900] =	vst v8;
	v7 =	vld [tilespmem:s1+$0x880]  }
0x2bf: {  	s28 =	simm.s32 $0x70;
	s29 =	sand.u32 $0x180, s20;
	[tilespmem:s30+$0x400] =	vst v5;
	v8 =	vld [tilespmem:s26+$0x890]  }
0x2c0: {  	s31 =	sor.u32 $0x200, s29;
	s0 =	sand.u32 $0x70, s28;
	[tilespmem:s30+$0xFFFFFC00] =	vst v3;
	v5 =	vld [tilespmem:s13+$0x890]  }
0x2c1: {  	(v2sf) =	vpush v1, $0xF;
	v3 =	vld [tilespmem:s12+$0x890];
	s13 =	sor.u32 s0, s31  }
0x2c2: {  	s26 =	sand.u32 $0x60, s20;
	v59 =	vld [tilespmem:s13+$0x0];
	[tilespmem:s14+$0xFFFFFE10] =	vst v6  }
0x2c3: {  	s9 =	sor.u32 s26, s31;
	v6 =	vld [tilespmem:s5+$0x880];
	[tilespmem:s14+$0x690] =	vst v4  }
0x2c4: {  	(v2sf) =	vpush v2, $0xA;
	s29 =	spop (v2sf);
	[tilespmem:s2+$0x180] =	vst v7;
	v7 =	vld [tilespmem:s9+$0x0]  }
0x2c5: {  	[tilespmem:s2+$0xFFFFF910] =	vst v8;
	v8 =	vld [tilespmem:s29+$0x880]  }
0x2c6: {  	v1 =	vld [tilespmem:s1+$0x890]  }
0x2c7: {  	s31 =	spop (v2sf);
	[tilespmem:s30+$0x410] =	vst v5;
	v4 =	vld [tilespmem:s24+$0x880]  }
0x2c8: {  	(v2sf) =	vpush v0, $0x5;
	[tilespmem:s30+$0xFFFFFC10] =	vst v3;
	v5 =	vld [tilespmem:s31+$0x880]  }
0x2c9: {  	v3 =	vld [tilespmem:s11+$0x880];
	[tilespmem:s14+$0xFFFFFE80] =	vst v6  }
0x2ca: {  	v6 =	vld [tilespmem:s5+$0x890];
	[tilespmem:s14+$0x700] =	vst v8  }
0x2cb: {  	s0 =	spop (v2sf);
	[tilespmem:s2+$0x190] =	vst v1;
	v1 =	vshll.u32 v59, $0x5;
	v8 =	vld [tilespmem:s29+$0x890]  }
0x2cc: {  	v7 =	vshll.u32 v7, $0x5;
	[tilespmem:s2+$0xFFFFF980] =	vst v4;
	v4 =	vld [tilespmem:s0+$0x880];
	(v2sf) =	vpush v1, $0x0  }
0x2cd: {  	[tilespmem:s30+$0x480] =	vst v5;
	v60 =	vld [tilespmem:s24+$0x890];
	(v2sf) =	vpush v7, $0x0  }
0x2ce: {  	[tilespmem:s30+$0xFFFFFC80] =	vst v3;
	v5 =	vld [tilespmem:s31+$0x890];
	(v2sf) =	vpush v2, $0xB  }
0x2cf: {  	v3 =	vld [tilespmem:s11+$0x890];
	[tilespmem:s14+$0xFFFFFE90] =	vst v6;
	(v2sf) =	vpush v7, $0x1  }
0x2d0: {  	s9 =	spop (v2sf);
	v6 =	vld [tilespmem:s4+$0x880];
	(v2sf) =	vpush v7, $0x2;
	[tilespmem:s14+$0x710] =	vst v8  }
0x2d1: {  	[tilespmem:s2+$0x200] =	vst v4;
	(v2sf) =	vpush v7, $0x3;
	v61 =	vld [tilespmem:s9+$0x880]  }
0x2d2: {  	[tilespmem:s2+$0xFFFFF990] =	vst v60;
	v4 =	vld [tilespmem:s0+$0x890];
	(v2sf) =	vpush v7, $0x4  }
0x2d3: {  	s11 =	spop (v2sf);
	[tilespmem:s30+$0x490] =	vst v5;
	v8 =	vld [tilespmem:s22+$0x880];
	(v2sf) =	vpush v0, $0x6  }
0x2d4: {  	[tilespmem:s30+$0xFFFFFC90] =	vst v3;
	v5 =	vld [tilespmem:s11+$0x880];
	(v2sf) =	vpush v7, $0x5  }
0x2d5: {  	v3 =	vld [tilespmem:s7+$0x880];
	[tilespmem:s14+$0xFFFFFF00] =	vst v6;
	(v2sf) =	vpush v7, $0x6  }
0x2d6: {  	v6 =	vld [tilespmem:s4+$0x890];
	(v2sf) =	vpush v7, $0x7;
	[tilespmem:s14+$0x780] =	vst v61  }
0x2d7: {  	s12 =	spop (v2sf);
	[tilespmem:s2+$0x210] =	vst v4;
	(v2sf) =	vpush v7, $0x8;
	v9 =	vld [tilespmem:s9+$0x890]  }
0x2d8: {  	[tilespmem:s2+$0xFFFFFA00] =	vst v8;
	v4 =	vld [tilespmem:s12+$0x880];
	(v2sf) =	vpush v1, $0x1  }
0x2d9: {  	[tilespmem:s30+$0x500] =	vst v5;
	v8 =	vld [tilespmem:s22+$0x890];
	(v2sf) =	vpush v7, $0x9  }
0x2da: {  	[tilespmem:s30+$0xFFFFFD00] =	vst v3;
	v5 =	vld [tilespmem:s11+$0x890];
	(v2sf) =	vpush v2, $0xC  }
0x2db: {  	v3 =	vld [tilespmem:s7+$0x890];
	[tilespmem:s14+$0xFFFFFF10] =	vst v6;
	(v2sf) =	vpush v7, $0xA;
	s13 =	spop (v2sf)  }
0x2dc: {  	v6 =	vld [tilespmem:s15+$0x880];
	s29 =	spop (v2sf);
	(v2sf) =	vpush v7, $0xB;
	[tilespmem:s14+$0x790] =	vst v9  }
0x2dd: {  	v62 =	vld [tilespmem:s13+$0x880];
	[tilespmem:s2+$0x280] =	vst v4;
	(v2sf) =	vpush v7, $0xC;
	s31 =	spop (v2sf)  }
0x2de: {  	[tilespmem:s2+$0xFFFFFA10] =	vst v8;
	v4 =	vld [tilespmem:s12+$0x890];
	s28 =	spop (v2sf)  }
0x2df: {  	[tilespmem:s30+$0x510] =	vst v5;
	v8 =	vld [tilespmem:s23+$0x880];
	(v2sf) =	vpush v7, $0xD;
	s26 =	spop (v2sf)  }
0x2e0: {  	[tilespmem:s30+$0xFFFFFD10] =	vst v3;
	v5 =	vld [tilespmem:s31+$0x880];
	(v2sf) =	vpush v0, $0x7;
	s22 =	spop (v2sf)  }
0x2e1: {  	s24 =	simm.s32 $0x4820;
	[tilespmem:s14+$0xFFFFFF80] =	vst v6;
	v6 =	vld [tilespmem:s29+$0x880];
	s20 =	spop (v2sf)  }
0x2e2: {  	v3 =	vld [tilespmem:s6+$0x880];
	[tilespmem:s24+$0x0] =	vst v62;
	s0 =	spop (v2sf)  }
0x2e3: {  	v9 =	vld [tilespmem:s13+$0x890];
	[tilespmem:s2+$0x290] =	vst v4;
	s12 =	spop (v2sf)  }
0x2e4: {  	[tilespmem:s2+$0xFFFFFA80] =	vst v8;
	v4 =	vld [tilespmem:s0+$0x880];
	s9 =	spop (v2sf)  }
0x2e5: {  	[tilespmem:s30+$0x580] =	vst v5;
	v8 =	vld [tilespmem:s23+$0x890];
	s7 =	spop (v2sf)  }
0x2e6: {  	(v2sf) =	vpush v7, $0xE;
	v5 =	vld [tilespmem:s31+$0x890];
	[tilespmem:s24+$0xFFFFF800] =	vst v6;
	s23 =	spop (v2sf)  }
0x2e7: {  	(v2sf) =	vpush v7, $0xF;
	[tilespmem:s30+$0xFFFFFD80] =	vst v3;
	v6 =	vld [tilespmem:s29+$0x890];
	s29 =	spop (v2sf)  }
0x2e8: {  	(v2sf) =	vpush v1, $0x2;
	[tilespmem:s24+$0x10] =	vst v9;
	s1 =	spop (v2sf)  }
0x2e9: {  	v3 =	vld [tilespmem:s6+$0x890];
	(v2sf) =	vpush v2, $0xD;
	[tilespmem:s2+$0x300] =	vst v4;
	s31 =	spop (v2sf)  }
0x2ea: {  	[tilespmem:s2+$0xFFFFFA90] =	vst v8;
	v4 =	vld [tilespmem:s0+$0x890];
	s11 =	spop (v2sf)  }
0x2eb: {  	[tilespmem:s30+$0x590] =	vst v5;
	v7 =	vld [tilespmem:s25+$0x880];
	s6 =	spop (v2sf)  }
0x2ec: {  	(v2sf) =	vpush v0, $0x8;
	v8 =	vld [tilespmem:s29+$0x880];
	[tilespmem:s24+$0xFFFFF810] =	vst v6;
	s13 =	spop (v2sf)  }
0x2ed: {  	v5 =	vld [tilespmem:s31+$0x880];
	[dreg:$0x1b] =	wrdreg s13  }
0x2ee: {  	s5 =	spop (v2sf);
	v6 =	vld [tilespmem:s28+$0x880];
	[tilespmem:s30+$0xFFFFFD90] =	vst v3  }
0x2ef: {  	s13 =	spop (v2sf);
	v3 =	vld [tilespmem:s8+$0x880];
	[tilespmem:s2+$0x310] =	vst v4  }
0x2f0: {  	[tilespmem:s2+$0xFFFFFB00] =	vst v7;
	v4 =	vld [tilespmem:s13+$0x880]  }
0x2f1: {  	[tilespmem:s24+$0x80] =	vst v8;
	v7 =	vld [tilespmem:s25+$0x890]  }
0x2f2: {  	v8 =	vld [tilespmem:s29+$0x890];
	[tilespmem:s30+$0x600] =	vst v5  }
0x2f3: {  	v5 =	vld [tilespmem:s31+$0x890];
	[tilespmem:s24+$0xFFFFF880] =	vst v6  }
0x2f4: {  	s4 =	smov.u32 s8;
	(v2sf) =	vpush v1, $0x3;
	v6 =	vld [tilespmem:s28+$0x890];
	[tilespmem:s30+$0xFFFFFE00] =	vst v3  }
0x2f5: {  	(v2sf) =	vpush v2, $0xE;
	s25 =	spop (v2sf);
	v3 =	vld [tilespmem:s4+$0x890];
	[tilespmem:s2+$0x380] =	vst v4  }
0x2f6: {  	s8 =	spop (v2sf);
	[tilespmem:s2+$0xFFFFFB10] =	vst v7;
	v4 =	vld [tilespmem:s13+$0x890]  }
0x2f7: {  	[tilespmem:s24+$0x90] =	vst v8;
	s28 =	spop (v2sf);
	v7 =	vld [tilespmem:s21+$0x880]  }
0x2f8: {  	[tilespmem:s30+$0x610] =	vst v5;
	v8 =	vld [tilespmem:s28+$0x880];
	s4 =	spop (v2sf)  }
0x2f9: {  	v5 =	vld [tilespmem:s4+$0x880];
	[tilespmem:s24+$0xFFFFF890] =	vst v6  }
0x2fa: {  	v6 =	vld [tilespmem:s26+$0x880];
	[tilespmem:s30+$0xFFFFFE10] =	vst v3  }
0x2fb: {  	s13 =	spop (v2sf);
	v3 =	vld [tilespmem:s10+$0x880];
	[tilespmem:s2+$0x390] =	vst v4  }
0x2fc: {  	[tilespmem:s2+$0xFFFFFB80] =	vst v7;
	v4 =	vld [tilespmem:s13+$0x880]  }
0x2fd: {  	[tilespmem:s24+$0x100] =	vst v8;
	v7 =	vld [tilespmem:s21+$0x890]  }
0x2fe: {  	v8 =	vld [tilespmem:s28+$0x890];
	[tilespmem:s30+$0x680] =	vst v5  }
0x2ff: {  	v63 =	vld [tilespmem:s4+$0x890];
	[tilespmem:s24+$0xFFFFF900] =	vst v6  }
0x300: {  	v6 =	vld [tilespmem:s26+$0x890];
	[tilespmem:s30+$0xFFFFFE80] =	vst v3  }
0x301: {  	(v2sf) =	vpush v0, $0x9;
	v3 =	vld [tilespmem:s10+$0x890];
	[tilespmem:s2+$0x400] =	vst v4  }
0x302: {  	[tilespmem:s2+$0xFFFFFB90] =	vst v7;
	v4 =	vld [tilespmem:s13+$0x890]  }
0x303: {  	(v2sf) =	vpush v1, $0x4;
	s28 =	spop (v2sf);
	[tilespmem:s24+$0x110] =	vst v8;
	v5 =	vld [tilespmem:s19+$0x880]  }
0x304: {  	(v2sf) =	vpush v2, $0xF;
	s21 =	simm.s32 $0x80;
	s26 =	spop (v2sf);
	s10 =	simm.s32 $0x6;
	v2 =	vld [tilespmem:s28+$0x880];
	[tilespmem:s30+$0x690] =	vst v63  }
.LBB2_4:
0x305: {  	_ =	sdelay $0x2  }
0x306: {  	[tilespmem:s24+$0xFFFFF910] =	vst v6  }
0x307: {  	v7 =	vld [tilespmem:s22+$0x880];
	[tilespmem:s2+$0xFFFFFC00] =	vst v5  }
0x308: {  	s31 =	sand.u32 $0x180, s21;
	s13 =	sadd.s32 $0x10, s21;
	v5 =	vld [tilespmem:s19+$0x890]  }
0x309: {  	s31 =	sor.u32 $0x200, s31;
	s13 =	sand.u32 $0x70, s13  }
0x30a: {  	v6 =	vld [tilespmem:s26+$0x880];
	s13 =	sor.u32 s13, s31;
	[tilespmem:s30+$0xFFFFFE90] =	vst v3  }
0x30b: {  	s29 =	sand.u32 $0x60, s21;
	(v2sf) =	vpush v0, $0xA;
	v3 =	vld [tilespmem:s13+$0x0];
	[tilespmem:s24+$0x180] =	vst v2  }
0x30c: {  	s29 =	sor.u32 s29, s31;
	v2 =	vld [tilespmem:s28+$0x890];
	[tilespmem:s24+$0xFFFFF980] =	vst v7  }
0x30d: {  	v7 =	vld [tilespmem:s29+$0x0];
	[tilespmem:s2+$0xFFFFFC10] =	vst v5  }
0x30e: {  	[smem:$0x7EB] =	sst s5;
	s5 =	smov.u32 s23;
	[tilespmem:s2+$0x410] =	vst v4;
	v5 =	vld [tilespmem:s22+$0x890];
	s23 =	spop (v2sf)  }
0x30f: {  	v4 =	vld [tilespmem:s23+$0x880]  }
0x310: {  	[tilespmem:s30+$0x700] =	vst v6  }
0x311: {  	v6 =	vld [tilespmem:s26+$0x890]  }
0x312: {  	v8 =	vld [tilespmem:s18+$0x880];
	(v2sf) =	vpush v1, $0x5;
	s31 =	spop (v2sf);
	[tilespmem:s24+$0x190] =	vst v2  }
0x313: {  	s0 =	rddreg [dreg:$0xc];
	v9 =	vld [tilespmem:s31+$0x880];
	[tilespmem:s24+$0xFFFFF990] =	vst v5  }
0x314: {  	v5 =	vld [tilespmem:s0+$0x880];
	[tilespmem:s2+$0x480] =	vst v4  }
0x315: {  	v2 =	vshll.u32 v3, $0x5;
	v3 =	vld [tilespmem:s23+$0x890]  }
0x316: {  	s4 =	spop (v2sf);
	v4 =	vshll.u32 v7, $0x5;
	v7 =	vld [tilespmem:s20+$0x880];
	[tilespmem:s30+$0x710] =	vst v6  }
0x317: {  	(v2sf) =	vpush v2, $0x0;
	[tilespmem:s2+$0xFFFFFC80] =	vst v8;
	v6 =	vld [tilespmem:s4+$0x880]  }
0x318: {  	(v2sf) =	vpush v4, $0x0;
	[tilespmem:s24+$0x200] =	vst v9  }
0x319: {  	v8 =	vld [tilespmem:s18+$0x890];
	(v2sf) =	vpush v0, $0xB;
	[tilespmem:s30+$0xFFFFFF00] =	vst v5  }
0x31a: {  	s19 =	smov.u32 s1;
	s1 =	spop (v2sf);
	(v2sf) =	vpush v4, $0x1;
	v9 =	vld [tilespmem:s31+$0x890];
	[tilespmem:s2+$0x490] =	vst v3  }
0x31b: {  	(v2sf) =	vpush v4, $0x2;
	[tilespmem:s24+$0xFFFFFA00] =	vst v7;
	v3 =	vld [tilespmem:s1+$0x880]  }
0x31c: {  	(v2sf) =	vpush v4, $0x3;
	[tilespmem:s30+$0x780] =	vst v6;
	v6 =	vld [tilespmem:s0+$0x890]  }
0x31d: {  	(v2sf) =	vpush v4, $0x4;
	v7 =	vld [tilespmem:s20+$0x890]  }
0x31e: {  	(v2sf) =	vpush v1, $0x6;
	[tilespmem:s2+$0xFFFFFC90] =	vst v8;
	v5 =	vld [tilespmem:s4+$0x890]  }
0x31f: {  	(v2sf) =	vpush v4, $0x5;
	[tilespmem:s24+$0x210] =	vst v9;
	s4 =	rddreg [dreg:$0x18]  }
0x320: {  	(v2sf) =	vpush v4, $0x6;
	v8 =	vld [tilespmem:s4+$0x880];
	[tilespmem:s2+$0x500] =	vst v3  }
0x321: {  	s18 =	smov.u32 s25;
	s25 =	rddreg [dreg:$0x8];
	s23 =	spop (v2sf);
	(v2sf) =	vpush v4, $0x7;
	v3 =	vld [tilespmem:s15+$0x890];
	[tilespmem:s30+$0xFFFFFF10] =	vst v6  }
0x322: {  	s22 =	smov.u32 s16;
	s16 =	smov.u32 s25;
	(v2sf) =	vpush v4, $0x8;
	[tilespmem:s24+$0xFFFFFA10] =	vst v7;
	v9 =	vld [tilespmem:s23+$0x880]  }
0x323: {  	(v2sf) =	vpush v2, $0x1;
	[tilespmem:s30+$0x790] =	vst v5;
	v6 =	vld [tilespmem:s16+$0x880]  }
0x324: {  	(v2sf) =	vpush v4, $0x9;
	v5 =	vld [tilespmem:s1+$0x890]  }
0x325: {  	v7 =	vld [tilespmem:s12+$0x880];
	[tilespmem:s2+$0xFFFFFD00] =	vst v8;
	(v2sf) =	vpush v0, $0xC  }
0x326: {  	s31 =	smov.u32 s8;
	s8 =	spop (v2sf);
	(v2sf) =	vpush v4, $0xA;
	v8 =	vld [tilespmem:s4+$0x890];
	[tilespmem:s14+$0xFFFFFF90] =	vst v3  }
0x327: {  	[dreg:$0xc] =	wrdreg s22;
	s15 =	smov.u32 s30;
	v3 =	vld [tilespmem:s8+$0x880];
	s14 =	spop (v2sf);
	(v2sf) =	vpush v4, $0xB;
	[tilespmem:s24+$0x280] =	vst v9  }
0x328: {  	s26 =	rddreg [dreg:$0xf];
	s30 =	smov.u32 s2;
	(v2sf) =	vpush v4, $0xC;
	[tilespmem:s15+$0xFFFFFF80] =	vst v6;
	v9 =	vld [tilespmem:s23+$0x890];
	s23 =	spop (v2sf)  }
0x329: {  	s22 =	smov.u32 s11;
	[dreg:$0xf] =	wrdreg s31;
	[tilespmem:s30+$0x510] =	vst v5;
	v6 =	vld [tilespmem:s14+$0x880];
	s31 =	spop (v2sf);
	(v2sf) =	vpush v4, $0xD  }
0x32a: {  	s29 =	smov.u32 s26;
	[dreg:$0x18] =	wrdreg s22;
	[tilespmem:s24+$0xFFFFFA80] =	vst v7;
	v5 =	vld [tilespmem:s23+$0x880];
	s26 =	spop (v2sf);
	(v2sf) =	vpush v1, $0x7  }
0x32b: {  	s2 =	smov.u32 s24;
	s24 =	sadd.s32 $0x1000, s24;
	v7 =	vld [tilespmem:s12+$0x890];
	[tilespmem:s30+$0xFFFFFD10] =	vst v8;
	s22 =	spop (v2sf)  }
0x32c: {  	(v2sf) =	vpush v4, $0xE;
	[tilespmem:s24+$0x0] =	vst v3;
	v3 =	vld [tilespmem:s3+$0x880];
	s20 =	spop (v2sf)  }
0x32d: {  	(v2sf) =	vpush v4, $0xF;
	v4 =	vld [tilespmem:s8+$0x890];
	[tilespmem:s2+$0x290] =	vst v9;
	s25 =	spop (v2sf)  }
0x32e: {  	[tilespmem:s24+$0xFFFFF800] =	vst v6;
	s12 =	spop (v2sf);
	v8 =	vld [tilespmem:s25+$0x880]  }
0x32f: {  	[dreg:$0x8] =	wrdreg s29;
	[tilespmem:s30+$0x580] =	vst v5;
	v6 =	vld [tilespmem:s14+$0x890];
	s29 =	spop (v2sf)  }
0x330: {  	[tilespmem:s2+$0xFFFFFA90] =	vst v7;
	(v2sf) =	vpush v2, $0x2;
	v5 =	vld [tilespmem:s23+$0x890];
	s28 =	spop (v2sf)  }
0x331: {  	v7 =	vld [tilespmem:s9+$0x880];
	[tilespmem:s30+$0xFFFFFD80] =	vst v3;
	s23 =	spop (v2sf)  }
0x332: {  	(v2sf) =	vpush v0, $0xD;
	[tilespmem:s24+$0x10] =	vst v4;
	v3 =	vld [tilespmem:s3+$0x890];
	s0 =	spop (v2sf)  }
0x333: {  	v4 =	vld [tilespmem:s0+$0x880];
	s1 =	spop (v2sf);
	[tilespmem:s2+$0x300] =	vst v8  }
0x334: {  	[tilespmem:s24+$0xFFFFF810] =	vst v6;
	v8 =	vld [tilespmem:s25+$0x890];
	s13 =	spop (v2sf)  }
0x335: {  	[tilespmem:s30+$0x590] =	vst v5;
	v6 =	vld [tilespmem:s31+$0x880];
	s11 =	spop (v2sf)  }
0x336: {  	s4 =	smov.u32 s6;
	[tilespmem:s2+$0xFFFFFB00] =	vst v7;
	v5 =	vld [tilespmem:s13+$0x880];
	s6 =	spop (v2sf)  }
0x337: {  	s3 =	rddreg [dreg:$0x14];
	v7 =	vld [tilespmem:s9+$0x890];
	(v2sf) =	vpush v1, $0x8;
	[tilespmem:s30+$0xFFFFFD90] =	vst v3;
	s14 =	spop (v2sf)  }
0x338: {  	s9 =	smov.u32 s29;
	v3 =	vld [tilespmem:s3+$0x880];
	[tilespmem:s24+$0x80] =	vst v4;
	s29 =	spop (v2sf)  }
0x339: {  	v4 =	vld [tilespmem:s0+$0x890];
	[tilespmem:s2+$0x310] =	vst v8;
	s0 =	spop (v2sf)  }
0x33a: {  	[tilespmem:s24+$0xFFFFF880] =	vst v6;
	v8 =	vld [tilespmem:s0+$0x880]  }
0x33b: {  	s25 =	spop (v2sf);
	[tilespmem:s30+$0x600] =	vst v5;
	v6 =	vld [tilespmem:s31+$0x890]  }
0x33c: {  	[tilespmem:s2+$0xFFFFFB10] =	vst v7;
	s8 =	spop (v2sf);
	(v2sf) =	vpush v2, $0x3;
	v5 =	vld [tilespmem:s13+$0x890]  }
0x33d: {  	v7 =	vld [tilespmem:s7+$0x880];
	[tilespmem:s30+$0xFFFFFE00] =	vst v3  }
0x33e: {  	(v2sf) =	vpush v0, $0xE;
	v3 =	vld [tilespmem:s3+$0x890];
	s3 =	smov.u32 s4;
	s4 =	rddreg [dreg:$0x1b]  }
0x33f: {  	[tilespmem:s24+$0x90] =	vst v4;
	s13 =	spop (v2sf);
	s31 =	smov.u32 s4  }
0x340: {  	[dreg:$0x14] =	wrdreg s31;
	s31 =	smov.u32 s14;
	v4 =	vld [tilespmem:s13+$0x880];
	[tilespmem:s2+$0x380] =	vst v8  }
0x341: {  	[dreg:$0x1b] =	wrdreg s31;
	v8 =	vld [tilespmem:s0+$0x890];
	[tilespmem:s30+$0x610] =	vst v5;
	s31 =	spop (v2sf)  }
0x342: {  	[tilespmem:s24+$0xFFFFF890] =	vst v6;
	v5 =	vld [tilespmem:s31+$0x880]  }
0x343: {  	v6 =	vld [tilespmem:s26+$0x880];
	[tilespmem:s2+$0xFFFFFB80] =	vst v7  }
0x344: {  	v7 =	vld [tilespmem:s7+$0x890];
	[tilespmem:s30+$0xFFFFFE10] =	vst v3  }
0x345: {  	v3 =	vld [tilespmem:s17+$0x880];
	[tilespmem:s24+$0x100] =	vst v4  }
0x346: {  	v4 =	vld [tilespmem:s13+$0x890];
	[tilespmem:s2+$0x390] =	vst v8;
	s4 =	spop (v2sf)  }
0x347: {  	s10 =	sadd.s32 $0x2, s10;
	v8 =	vld [tilespmem:s4+$0x880];
	[tilespmem:s30+$0x680] =	vst v5  }
0x348: {  	p0 =	slt.u32 s10, $0x1E;
	[tilespmem:s24+$0xFFFFF900] =	vst v6;
	v9 =	vld [tilespmem:s31+$0x890]  }
.Ltmp1:
0x349: {  	v6 =	vld [tilespmem:s26+$0x890];
	[tilespmem:s2+$0xFFFFFB90] =	vst v7;
	(pc) =	sbr.rel @p0 .LBB2_4-.Ltmp1, $4  }
0x34a: {  	s21 =	sadd.s32 $0x20, s21;
	s14 =	smov.u32 s15;
	(v2sf) =	vpush v1, $0x9;
	v5 =	vld [tilespmem:s5+$0x880];
	s31 =	sld [smem:$0x7EB];
	[tilespmem:s30+$0xFFFFFE80] =	vst v3  }
0x34b: {  	s15 =	smov.u32 s16;
	s7 =	smov.u32 s28;
	(v2sf) =	vpush v2, $0x4;
	v3 =	vld [tilespmem:s17+$0x890];
	[tilespmem:s24+$0x110] =	vst v4;
	s28 =	spop (v2sf)  }
0x34c: {  	s16 =	smov.u32 s18;
	s18 =	smov.u32 s19;
	s19 =	smov.u32 s5;
	(v2sf) =	vpush v0, $0xF;
	v0 =	vmov v1;
	v1 =	vmov v2;
	v2 =	vld [tilespmem:s28+$0x880];
	[tilespmem:s2+$0x400] =	vst v8  }
0x34d: {  	s5 =	smov.u32 s29;
	s17 =	smov.u32 s31;
	s26 =	spop (v2sf);
	v4 =	vld [tilespmem:s4+$0x890];
	[tilespmem:s30+$0x690] =	vst v9  }
0x34e: {  	_ =	sdelay $0x2  }
0x34f: {  	[tilespmem:s24+$0xFFFFF910] =	vst v6  }
0x350: {  	v6 =	vld [tilespmem:s22+$0x880];
	_ =	sdelay $0x1  }
0x351: {  	[tilespmem:s24+$0x180] =	vst v2  }
0x352: {  	v2 =	vld [tilespmem:s28+$0x890]  }
0x353: {  	(v2sf) =	vpush v0, $0xA  }
0x354: {  	(v2sf) =	vpush v1, $0x5;
	[tilespmem:s24+$0xFFFFF980] =	vst v6  }
0x355: {  	v6 =	vld [tilespmem:s22+$0x890]  }
0x356: {  	s22 =	spop (v2sf)  }
0x357: {  	[tilespmem:s24+$0x190] =	vst v2;
	s0 =	spop (v2sf)  }
0x358: {  	v2 =	vld [tilespmem:s0+$0x880];
	_ =	sdelay $0x1  }
0x359: {  	[tilespmem:s24+$0xFFFFF990] =	vst v6  }
0x35a: {  	v6 =	vld [tilespmem:s20+$0x880];
	_ =	sdelay $0x1  }
0x35b: {  	[tilespmem:s24+$0x200] =	vst v2  }
0x35c: {  	v2 =	vld [tilespmem:s0+$0x890]  }
0x35d: {  	(v2sf) =	vpush v0, $0xB  }
0x35e: {  	(v2sf) =	vpush v1, $0x6;
	[tilespmem:s24+$0xFFFFFA00] =	vst v6  }
0x35f: {  	s10 =	spop (v2sf);
	v6 =	vld [tilespmem:s20+$0x890]  }
0x360: {  	s21 =	spop (v2sf)  }
0x361: {  	s20 =	spop (v2sf);
	[tilespmem:s24+$0x210] =	vst v2  }
0x362: {  	v2 =	vld [tilespmem:s20+$0x880];
	_ =	sdelay $0x1  }
0x363: {  	[tilespmem:s24+$0xFFFFFA10] =	vst v6  }
0x364: {  	v6 =	vld [tilespmem:s12+$0x880];
	_ =	sdelay $0x1  }
0x365: {  	[tilespmem:s24+$0x280] =	vst v2  }
0x366: {  	v2 =	vld [tilespmem:s20+$0x890]  }
0x367: {  	(v2sf) =	vpush v0, $0xC  }
0x368: {  	(v2sf) =	vpush v1, $0x7;
	[tilespmem:s24+$0xFFFFFA80] =	vst v6  }
0x369: {  	v6 =	vld [tilespmem:s12+$0x890]  }
0x36a: {  	s29 =	spop (v2sf)  }
0x36b: {  	s31 =	spop (v2sf);
	[tilespmem:s24+$0x290] =	vst v2  }
0x36c: {  	v2 =	vld [tilespmem:s31+$0x880];
	_ =	sdelay $0x1  }
0x36d: {  	[tilespmem:s24+$0xFFFFFA90] =	vst v6  }
0x36e: {  	v6 =	vld [tilespmem:s9+$0x880];
	_ =	sdelay $0x1  }
0x36f: {  	[tilespmem:s24+$0x300] =	vst v2  }
0x370: {  	v2 =	vld [tilespmem:s31+$0x890]  }
0x371: {  	(v2sf) =	vpush v0, $0xD  }
0x372: {  	(v2sf) =	vpush v1, $0x8;
	[tilespmem:s24+$0xFFFFFB00] =	vst v6  }
0x373: {  	v6 =	vld [tilespmem:s9+$0x890]  }
0x374: {  	s12 =	spop (v2sf)  }
0x375: {  	s4 =	spop (v2sf);
	[tilespmem:s24+$0x310] =	vst v2  }
0x376: {  	v2 =	vld [tilespmem:s4+$0x880];
	_ =	sdelay $0x1  }
0x377: {  	[tilespmem:s24+$0xFFFFFB10] =	vst v6  }
0x378: {  	v6 =	vld [tilespmem:s7+$0x880];
	_ =	sdelay $0x1  }
0x379: {  	[tilespmem:s24+$0x380] =	vst v2  }
0x37a: {  	v2 =	vld [tilespmem:s4+$0x890]  }
0x37b: {  	(v2sf) =	vpush v0, $0xE  }
0x37c: {  	(v2sf) =	vpush v1, $0x9;
	[tilespmem:s24+$0xFFFFFB80] =	vst v6  }
0x37d: {  	v6 =	vld [tilespmem:s7+$0x890]  }
0x37e: {  	s9 =	spop (v2sf)  }
0x37f: {  	s7 =	spop (v2sf);
	[tilespmem:s24+$0x390] =	vst v2  }
0x380: {  	v2 =	vld [tilespmem:s7+$0x880];
	_ =	sdelay $0x1  }
0x381: {  	[tilespmem:s24+$0xFFFFFB90] =	vst v6  }
0x382: {  	[tilespmem:s2+$0xFFFFFC00] =	vst v5;
	v6 =	vld [tilespmem:s23+$0x880]  }
0x383: {  	v5 =	vld [tilespmem:s19+$0x890]  }
0x384: {  	[tilespmem:s24+$0x400] =	vst v2  }
0x385: {  	v2 =	vld [tilespmem:s7+$0x890]  }
0x386: {  	(v2sf) =	vpush v0, $0xF  }
0x387: {  	(v2sf) =	vpush v1, $0xA;
	[tilespmem:s24+$0xFFFFFC00] =	vst v6  }
0x388: {  	[tilespmem:s2+$0xFFFFFC10] =	vst v5;
	v0 =	vld [tilespmem:s23+$0x890]  }
0x389: {  	[tilespmem:s2+$0x410] =	vst v4;
	v5 =	vld [tilespmem:s18+$0x880];
	s7 =	spop (v2sf)  }
0x38a: {  	v4 =	vld [tilespmem:s22+$0x880];
	s13 =	spop (v2sf);
	[tilespmem:s24+$0x410] =	vst v2  }
0x38b: {  	v2 =	vld [tilespmem:s13+$0x880];
	_ =	sdelay $0x1  }
0x38c: {  	[tilespmem:s24+$0xFFFFFC10] =	vst v0  }
0x38d: {  	[tilespmem:s2+$0xFFFFFC80] =	vst v5;
	v0 =	vld [tilespmem:s1+$0x880]  }
0x38e: {  	v5 =	vld [tilespmem:s18+$0x890];
	[tilespmem:s2+$0x480] =	vst v4  }
0x38f: {  	v4 =	vld [tilespmem:s22+$0x890];
	[tilespmem:s24+$0x480] =	vst v2  }
0x390: {  	v2 =	vld [tilespmem:s13+$0x890];
	_ =	sdelay $0x1  }
0x391: {  	(v2sf) =	vpush v1, $0xB;
	[tilespmem:s24+$0xFFFFFC80] =	vst v0  }
0x392: {  	[tilespmem:s2+$0xFFFFFC90] =	vst v5;
	v0 =	vld [tilespmem:s1+$0x890]  }
0x393: {  	[tilespmem:s2+$0x490] =	vst v4;
	s18 =	spop (v2sf)  }
0x394: {  	v4 =	vld [tilespmem:s21+$0x880];
	s19 =	spop (v2sf);
	[tilespmem:s24+$0x490] =	vst v2  }
0x395: {  	v2 =	vld [tilespmem:s19+$0x880];
	s4 =	rddreg [dreg:$0x18]  }
0x396: {  	v5 =	vld [tilespmem:s4+$0x880]  }
0x397: {  	[tilespmem:s24+$0xFFFFFC90] =	vst v0  }
0x398: {  	v0 =	vld [tilespmem:s11+$0x880]  }
0x399: {  	[tilespmem:s2+$0x500] =	vst v4  }
0x39a: {  	v4 =	vld [tilespmem:s21+$0x890];
	[tilespmem:s24+$0x500] =	vst v2  }
0x39b: {  	v2 =	vld [tilespmem:s19+$0x890];
	[tilespmem:s2+$0xFFFFFD00] =	vst v5  }
0x39c: {  	v5 =	vld [tilespmem:s4+$0x890]  }
0x39d: {  	[tilespmem:s24+$0xFFFFFD00] =	vst v0  }
0x39e: {  	(v2sf) =	vpush v1, $0xC;
	v0 =	vld [tilespmem:s11+$0x890]  }
0x39f: {  	[tilespmem:s2+$0x510] =	vst v4  }
0x3a0: {  	s22 =	spop (v2sf);
	v4 =	vld [tilespmem:s29+$0x880];
	[tilespmem:s24+$0x510] =	vst v2  }
0x3a1: {  	[tilespmem:s2+$0xFFFFFD10] =	vst v5;
	v2 =	vld [tilespmem:s22+$0x880]  }
0x3a2: {  	v5 =	vld [tilespmem:s3+$0x880]  }
0x3a3: {  	[tilespmem:s24+$0xFFFFFD10] =	vst v0  }
0x3a4: {  	v0 =	vld [tilespmem:s6+$0x880]  }
0x3a5: {  	[tilespmem:s2+$0x580] =	vst v4  }
0x3a6: {  	v4 =	vld [tilespmem:s29+$0x890];
	[tilespmem:s24+$0x580] =	vst v2  }
0x3a7: {  	[tilespmem:s2+$0xFFFFFD80] =	vst v5;
	v2 =	vld [tilespmem:s22+$0x890]  }
0x3a8: {  	v5 =	vld [tilespmem:s3+$0x890]  }
0x3a9: {  	[tilespmem:s24+$0xFFFFFD80] =	vst v0  }
0x3aa: {  	(v2sf) =	vpush v1, $0xD;
	v0 =	vld [tilespmem:s6+$0x890]  }
0x3ab: {  	[tilespmem:s2+$0x590] =	vst v4  }
0x3ac: {  	v4 =	vld [tilespmem:s12+$0x880];
	[tilespmem:s24+$0x590] =	vst v2  }
0x3ad: {  	s23 =	spop (v2sf);
	[tilespmem:s2+$0xFFFFFD90] =	vst v5  }
0x3ae: {  	v2 =	vld [tilespmem:s23+$0x880];
	s29 =	rddreg [dreg:$0x14]  }
0x3af: {  	[tilespmem:s24+$0xFFFFFD90] =	vst v0;
	v5 =	vld [tilespmem:s29+$0x880]  }
0x3b0: {  	s31 =	rddreg [dreg:$0x1b]  }
0x3b1: {  	[tilespmem:s2+$0x600] =	vst v4;
	v0 =	vld [tilespmem:s31+$0x880]  }
0x3b2: {  	v4 =	vld [tilespmem:s12+$0x890]  }
0x3b3: {  	[tilespmem:s24+$0x600] =	vst v2  }
0x3b4: {  	v2 =	vld [tilespmem:s23+$0x890];
	[tilespmem:s2+$0xFFFFFE00] =	vst v5  }
0x3b5: {  	v5 =	vld [tilespmem:s29+$0x890]  }
0x3b6: {  	(v2sf) =	vpush v1, $0xE;
	[tilespmem:s24+$0xFFFFFE00] =	vst v0  }
0x3b7: {  	[tilespmem:s2+$0x610] =	vst v4;
	v0 =	vld [tilespmem:s31+$0x890]  }
0x3b8: {  	v4 =	vld [tilespmem:s9+$0x880]  }
0x3b9: {  	v6 =	vld [tilespmem:s26+$0x880];
	s4 =	spop (v2sf);
	[tilespmem:s24+$0x610] =	vst v2  }
0x3ba: {  	v2 =	vld [tilespmem:s4+$0x880];
	[tilespmem:s2+$0xFFFFFE10] =	vst v5  }
0x3bb: {  	v5 =	vld [tilespmem:s17+$0x880]  }
0x3bc: {  	[tilespmem:s24+$0xFFFFFE10] =	vst v0  }
0x3bd: {  	[tilespmem:s2+$0x680] =	vst v4;
	v0 =	vld [tilespmem:s5+$0x880]  }
0x3be: {  	[tilespmem:s30+$0x700] =	vst v6;
	v4 =	vld [tilespmem:s9+$0x890]  }
0x3bf: {  	[tilespmem:s24+$0x680] =	vst v2  }
0x3c0: {  	v2 =	vld [tilespmem:s4+$0x890];
	[tilespmem:s2+$0xFFFFFE80] =	vst v5  }
0x3c1: {  	[tilespmem:s30+$0xFFFFFE90] =	vst v3;
	v5 =	vld [tilespmem:s17+$0x890]  }
0x3c2: {  	(v2sf) =	vpush v1, $0xF;
	v1 =	vld [tilespmem:s26+$0x890];
	[tilespmem:s24+$0xFFFFFE80] =	vst v0  }
0x3c3: {  	[tilespmem:s2+$0x690] =	vst v4;
	v0 =	vld [tilespmem:s5+$0x890]  }
0x3c4: {  	v3 =	vld [tilespmem:s7+$0x880];
	s5 =	rddreg [dreg:$0xc]  }
0x3c5: {  	s6 =	spop (v2sf);
	v4 =	vld [tilespmem:s5+$0x880];
	[tilespmem:s24+$0x690] =	vst v2  }
0x3c6: {  	v2 =	vld [tilespmem:s6+$0x880];
	[tilespmem:s2+$0xFFFFFE90] =	vst v5  }
0x3c7: {  	[tilespmem:s30+$0x710] =	vst v1;
	v5 =	vld [tilespmem:s16+$0x880]  }
0x3c8: {  	v1 =	vld [tilespmem:s10+$0x880];
	[tilespmem:s24+$0xFFFFFE90] =	vst v0  }
0x3c9: {  	[tilespmem:s2+$0x700] =	vst v3;
	v0 =	vld [tilespmem:s25+$0x880]  }
0x3ca: {  	[tilespmem:s30+$0xFFFFFF00] =	vst v4;
	v3 =	vld [tilespmem:s7+$0x890]  }
0x3cb: {  	v4 =	vld [tilespmem:s5+$0x890];
	[tilespmem:s24+$0x700] =	vst v2  }
0x3cc: {  	v2 =	vld [tilespmem:s6+$0x890];
	[tilespmem:s2+$0xFFFFFF00] =	vst v5  }
0x3cd: {  	[tilespmem:s30+$0x780] =	vst v1;
	v5 =	vld [tilespmem:s16+$0x890]  }
0x3ce: {  	[tilespmem:s24+$0xFFFFFF00] =	vst v0  }
0x3cf: {  	[tilespmem:s2+$0x710] =	vst v3;
	v0 =	vld [tilespmem:s25+$0x890]  }
0x3d0: {  	v1 =	vld [tilespmem:s10+$0x890];
	[tilespmem:s30+$0xFFFFFF10] =	vst v4  }
0x3d1: {  	v3 =	vld [tilespmem:s18+$0x880];
	s7 =	rddreg [dreg:$0x8];
	[tilespmem:s24+$0x710] =	vst v2  }
0x3d2: {  	s9 =	spop (v2sf);
	v4 =	vld [tilespmem:s7+$0x880];
	[tilespmem:s2+$0xFFFFFF10] =	vst v5  }
0x3d3: {  	v2 =	vld [tilespmem:s9+$0x880];
	s10 =	rddreg [dreg:$0xf]  }
0x3d4: {  	[tilespmem:s24+$0xFFFFFF10] =	vst v0;
	v5 =	vld [tilespmem:s10+$0x880]  }
0x3d5: {  	[tilespmem:s30+$0x790] =	vst v1;
	v0 =	vld [tilespmem:s8+$0x880]  }
0x3d6: {  	v1 =	vld [tilespmem:s15+$0x890];
	[tilespmem:s2+$0x780] =	vst v3  }
0x3d7: {  	v3 =	vld [tilespmem:s18+$0x890];
	[tilespmem:s30+$0xFFFFFF80] =	vst v4  }
0x3d8: {  	v4 =	vld [tilespmem:s7+$0x890];
	[tilespmem:s24+$0x780] =	vst v2  }
0x3d9: {  	v2 =	vld [tilespmem:s9+$0x890];
	[tilespmem:s2+$0xFFFFFF80] =	vst v5  }
0x3da: {  	[tilespmem:s24+$0xFFFFFF80] =	vst v0;
	v5 =	vld [tilespmem:s10+$0x890]  }
0x3db: {  	[tilespmem:s14+$0xFFFFFF90] =	vst v1;
	v0 =	vld [tilespmem:s8+$0x890]  }
0x3dc: {  	[tilespmem:s2+$0x790] =	vst v3  }
0x3dd: {  	[tilespmem:s30+$0xFFFFFF90] =	vst v4  }
0x3de: {  	[tilespmem:s24+$0x790] =	vst v2  }
0x3df: {  	[tilespmem:s2+$0xFFFFFF90] =	vst v5  }
0x3e0: {  	s11 =	simm.s32 $0x3;
	[tilespmem:s24+$0xFFFFFF90] =	vst v0  }
0x3e1: {  	_ =	swait.ge [sflag:s11], $0x180  }
0x3e2: {  	[sflag:s11] =	ssyncset.done $0x0  }
0x3e3: {  	s12 =	simm.s32 $0x0;
	[sflag:s11] =	ssyncadd.s32 $0xFFFFFE80  }
0x3e4: {  	s13 =	sand.u32 $0x180, s12;
	s14 =	simm.s32 $0x10;
	_ =	swait.ge [sflag:s11], $0x200  }
0x3e5: {  	s1 =	sor.u32 $0x400, s13;
	s2 =	sand.u32 $0x70, s14;
	[sflag:s11] =	ssyncset.done $0x0  }
0x3e6: {  	s2 =	sor.u32 s2, s1;
	[sflag:s11] =	ssyncadd.s32 $0xFFFFFE00  }
0x3e7: {  	v0 =	vld [tilespmem:s2+$0x0]  }
0x3e8: {  	s0 =	sand.u32 $0x60, s12  }
0x3e9: {  	s0 =	sor.u32 s0, s1  }
0x3ea: {  	v2 =	vld [tilespmem:s0+$0x0];
	_ =	sdelay $0x1  }
0x3eb: {  	v1 =	vshll.u32 v0, $0x5  }
0x3ec: {  	(v2sf) =	vpush v1, $0x0;
	_ =	sdelay $0x1  }
0x3ed: {  	v0 =	vshll.u32 v2, $0x5  }
0x3ee: {  	(v2sf) =	vpush v0, $0x0  }
0x3ef: {  	(v2sf) =	vpush v0, $0x1  }
0x3f0: {  	(v2sf) =	vpush v0, $0x2  }
0x3f1: {  	(v2sf) =	vpush v0, $0x3  }
0x3f2: {  	(v2sf) =	vpush v0, $0x4  }
0x3f3: {  	(v2sf) =	vpush v0, $0x5  }
0x3f4: {  	(v2sf) =	vpush v0, $0x6  }
0x3f5: {  	(v2sf) =	vpush v0, $0x7  }
0x3f6: {  	(v2sf) =	vpush v0, $0x8  }
0x3f7: {  	(v2sf) =	vpush v1, $0x1;
	_ =	sdelay $0x2  }
0x3f8: {  	s15 =	spop (v2sf)  }
0x3f9: {  	v2 =	vld [tilespmem:s15+$0x980]  }
0x3fa: {  	(v2sf) =	vpush v0, $0x9  }
0x3fb: {  	(v2sf) =	vpush v0, $0xA;
	s16 =	spop (v2sf)  }
0x3fc: {  	(v2sf) =	vpush v0, $0xB;
	s18 =	spop (v2sf)  }
0x3fd: {  	s29 =	simm.s32 $0x1840;
	(v2sf) =	vpush v0, $0xC;
	s19 =	spop (v2sf)  }
0x3fe: {  	(v2sf) =	vpush v0, $0xD;
	s20 =	spop (v2sf);
	[tilespmem:s29+$0x0] =	vst v2  }
0x3ff: {  	(v2sf) =	vpush v0, $0xE;
	s6 =	spop (v2sf);
	v2 =	vld [tilespmem:s15+$0x990]  }
0x400: {  	(v2sf) =	vpush v0, $0xF;
	s0 =	spop (v2sf)  }
0x401: {  	s17 =	spop (v2sf);
	(v2sf) =	vpush v1, $0x2  }
0x402: {  	s15 =	spop (v2sf)  }
0x403: {  	v3 =	vld [tilespmem:s16+$0x980];
	s13 =	spop (v2sf)  }
0x404: {  	s21 =	spop (v2sf);
	[tilespmem:s29+$0x10] =	vst v2  }
0x405: {  	v2 =	vld [tilespmem:s21+$0x980];
	_ =	sdelay $0x2  }
0x406: {  	[tilespmem:s29+$0xFFFFF800] =	vst v3  }
0x407: {  	v0 =	vld [tilespmem:s16+$0x990];
	s2 =	spop (v2sf)  }
0x408: {  	s3 =	spop (v2sf);
	[tilespmem:s29+$0x80] =	vst v2  }
0x409: {  	s9 =	spop (v2sf);
	v2 =	vld [tilespmem:s21+$0x990]  }
0x40a: {  	s1 =	spop (v2sf)  }
0x40b: {  	s5 =	spop (v2sf)  }
0x40c: {  	[tilespmem:s29+$0xFFFFF810] =	vst v0;
	(v2sf) =	vpush v1, $0x3;
	s4 =	spop (v2sf)  }
0x40d: {  	v0 =	vld [tilespmem:s18+$0x980];
	s31 =	spop (v2sf)  }
0x40e: {  	s22 =	spop (v2sf);
	[tilespmem:s29+$0x90] =	vst v2  }
0x40f: {  	v2 =	vld [tilespmem:s22+$0x980];
	_ =	sdelay $0x2  }
0x410: {  	[tilespmem:s29+$0xFFFFF880] =	vst v0  }
0x411: {  	v0 =	vld [tilespmem:s18+$0x990]  }
0x412: {  	[tilespmem:s29+$0x100] =	vst v2  }
0x413: {  	v2 =	vld [tilespmem:s22+$0x990];
	_ =	sdelay $0x2  }
0x414: {  	(v2sf) =	vpush v1, $0x4;
	[tilespmem:s29+$0xFFFFF890] =	vst v0  }
0x415: {  	v0 =	vld [tilespmem:s19+$0x980]  }
0x416: {  	[tilespmem:s29+$0x110] =	vst v2  }
0x417: {  	s23 =	spop (v2sf)  }
0x418: {  	s24 =	simm.s32 $0x20;
	v2 =	vld [tilespmem:s23+$0x980]  }
0x419: {  	s26 =	simm.s32 $0x30;
	s25 =	sand.u32 $0x180, s24  }
0x41a: {  	s14 =	sand.u32 $0x70, s26;
	s12 =	sor.u32 $0x400, s25;
	[tilespmem:s29+$0xFFFFF900] =	vst v0  }
0x41b: {  	s14 =	sor.u32 s14, s12;
	s11 =	sand.u32 $0x60, s24;
	v0 =	vld [tilespmem:s19+$0x990]  }
0x41c: {  	s16 =	sor.u32 s11, s12;
	v3 =	vld [tilespmem:s14+$0x0]  }
0x41d: {  	v5 =	vld [tilespmem:s16+$0x0];
	[tilespmem:s29+$0x180] =	vst v2  }
0x41e: {  	v4 =	vld [tilespmem:s23+$0x990];
	_ =	sdelay $0x1  }
0x41f: {  	(v2sf) =	vpush v1, $0x5;
	_ =	sdelay $0x1  }
0x420: {  	[tilespmem:s29+$0xFFFFF910] =	vst v0;
	v2 =	vshll.u32 v3, $0x5  }
0x421: {  	s18 =	spop (v2sf);
	v0 =	vld [tilespmem:s20+$0x980];
	v3 =	vshll.u32 v5, $0x5;
	(v2sf) =	vpush v2, $0x0;
	[tilespmem:s29+$0x190] =	vst v4  }
0x422: {  	(v2sf) =	vpush v3, $0x0;
	v4 =	vld [tilespmem:s18+$0x980];
	_ =	sdelay $0x1  }
0x423: {  	(v2sf) =	vpush v3, $0x1  }
0x424: {  	(v2sf) =	vpush v3, $0x2  }
0x425: {  	(v2sf) =	vpush v3, $0x3;
	[tilespmem:s29+$0xFFFFF980] =	vst v0  }
0x426: {  	(v2sf) =	vpush v3, $0x4;
	v0 =	vld [tilespmem:s20+$0x990];
	[tilespmem:s29+$0x200] =	vst v4  }
0x427: {  	(v2sf) =	vpush v1, $0x6;
	v4 =	vld [tilespmem:s18+$0x990]  }
0x428: {  	(v2sf) =	vpush v3, $0x5  }
0x429: {  	(v2sf) =	vpush v3, $0x6  }
0x42a: {  	(v2sf) =	vpush v3, $0x7  }
0x42b: {  	(v2sf) =	vpush v3, $0x8;
	[tilespmem:s29+$0xFFFFF990] =	vst v0  }
0x42c: {  	s19 =	spop (v2sf);
	(v2sf) =	vpush v2, $0x1;
	v0 =	vld [tilespmem:s6+$0x980];
	[tilespmem:s29+$0x210] =	vst v4  }
0x42d: {  	v4 =	vld [tilespmem:s19+$0x980];
	_ =	sdelay $0x1  }
0x42e: {  	(v2sf) =	vpush v3, $0x9;
	s20 =	spop (v2sf)  }
0x42f: {  	(v2sf) =	vpush v3, $0xA;
	v5 =	vld [tilespmem:s20+$0x980];
	s22 =	spop (v2sf)  }
0x430: {  	(v2sf) =	vpush v3, $0xB;
	[tilespmem:s29+$0xFFFFFA00] =	vst v0;
	v0 =	vld [tilespmem:s22+$0x980]  }
0x431: {  	(v2sf) =	vpush v3, $0xC;
	s23 =	spop (v2sf);
	v6 =	vld [tilespmem:s6+$0x990];
	[tilespmem:s29+$0x280] =	vst v4  }
0x432: {  	(v2sf) =	vpush v3, $0xD;
	s21 =	spop (v2sf);
	v4 =	vld [tilespmem:s19+$0x990]  }
0x433: {  	s30 =	simm.s32 $0x2840;
	(v2sf) =	vpush v1, $0x7;
	s19 =	spop (v2sf)  }
0x434: {  	(v2sf) =	vpush v3, $0xE;
	[tilespmem:s30+$0x0] =	vst v5;
	s18 =	spop (v2sf)  }
0x435: {  	(v2sf) =	vpush v3, $0xF;
	v5 =	vld [tilespmem:s20+$0x990];
	[tilespmem:s30+$0xFFFFF800] =	vst v0;
	s24 =	spop (v2sf)  }
0x436: {  	[tilespmem:s29+$0xFFFFFA10] =	vst v6;
	v0 =	vld [tilespmem:s22+$0x990];
	s16 =	spop (v2sf)  }
0x437: {  	v3 =	vld [tilespmem:s0+$0x980];
	s14 =	spop (v2sf);
	(v2sf) =	vpush v2, $0x2;
	[tilespmem:s29+$0x290] =	vst v4  }
0x438: {  	s20 =	spop (v2sf);
	v4 =	vld [tilespmem:s24+$0x980]  }
0x439: {  	s12 =	spop (v2sf)  }
0x43a: {  	[tilespmem:s30+$0x10] =	vst v5;
	s25 =	spop (v2sf)  }
0x43b: {  	[tilespmem:s30+$0xFFFFF810] =	vst v0;
	v5 =	vld [tilespmem:s25+$0x980]  }
0x43c: {  	[tilespmem:s29+$0xFFFFFA80] =	vst v3;
	v0 =	vld [tilespmem:s23+$0x980]  }
0x43d: {  	v3 =	vld [tilespmem:s0+$0x990];
	s11 =	spop (v2sf);
	[tilespmem:s29+$0x300] =	vst v4  }
0x43e: {  	s7 =	spop (v2sf);
	v4 =	vld [tilespmem:s24+$0x990]  }
0x43f: {  	s6 =	spop (v2sf)  }
0x440: {  	s8 =	spop (v2sf);
	[tilespmem:s30+$0x80] =	vst v5  }
0x441: {  	[tilespmem:s30+$0xFFFFF880] =	vst v0;
	s10 =	spop (v2sf);
	v5 =	vld [tilespmem:s25+$0x990]  }
0x442: {  	(v2sf) =	vpush v1, $0x8;
	[tilespmem:s29+$0xFFFFFA90] =	vst v3;
	v0 =	vld [tilespmem:s23+$0x990];
	s26 =	spop (v2sf)  }
0x443: {  	(v2sf) =	vpush v2, $0x3;
	v3 =	vld [tilespmem:s17+$0x980];
	s22 =	spop (v2sf);
	[tilespmem:s29+$0x310] =	vst v4  }
0x444: {  	s24 =	spop (v2sf);
	[dreg:$0xd] =	wrdreg s22  }
0x445: {  	v4 =	vld [tilespmem:s26+$0x980];
	[dreg:$0x9] =	wrdreg s24  }
0x446: {  	s25 =	spop (v2sf);
	[tilespmem:s30+$0x90] =	vst v5  }
0x447: {  	[tilespmem:s30+$0xFFFFF890] =	vst v0;
	v5 =	vld [tilespmem:s25+$0x980]  }
0x448: {  	[tilespmem:s29+$0xFFFFFB00] =	vst v3;
	v0 =	vld [tilespmem:s21+$0x980]  }
0x449: {  	v3 =	vld [tilespmem:s17+$0x990];
	_ =	sdelay $0x1  }
0x44a: {  	[tilespmem:s29+$0x380] =	vst v4  }
0x44b: {  	v4 =	vld [tilespmem:s26+$0x990];
	[tilespmem:s30+$0x100] =	vst v5  }
0x44c: {  	[tilespmem:s30+$0xFFFFF900] =	vst v0;
	v5 =	vld [tilespmem:s25+$0x990]  }
0x44d: {  	(v2sf) =	vpush v1, $0x9;
	[tilespmem:s29+$0xFFFFFB10] =	vst v3;
	v0 =	vld [tilespmem:s21+$0x990]  }
0x44e: {  	v3 =	vld [tilespmem:s15+$0x980];
	_ =	sdelay $0x1  }
0x44f: {  	(v2sf) =	vpush v2, $0x4;
	s17 =	spop (v2sf);
	[tilespmem:s29+$0x390] =	vst v4  }
0x450: {  	s21 =	spop (v2sf);
	v4 =	vld [tilespmem:s17+$0x980];
	[tilespmem:s30+$0x110] =	vst v5  }
0x451: {  	s22 =	simm.s32 $0x40;
	[tilespmem:s30+$0xFFFFF910] =	vst v0;
	v5 =	vld [tilespmem:s21+$0x980]  }
0x452: {  	s0 =	simm.s32 $0x50;
	s26 =	sand.u32 $0x180, s22;
	[tilespmem:s29+$0xFFFFFB80] =	vst v3;
	v0 =	vld [tilespmem:s19+$0x980]  }
0x453: {  	s25 =	sand.u32 $0x70, s0;
	v3 =	vld [tilespmem:s15+$0x990];
	s15 =	sor.u32 $0x400, s26  }
0x454: {  	s26 =	sor.u32 s25, s15  }
0x455: {  	s0 =	sand.u32 $0x60, s22;
	v6 =	vld [tilespmem:s26+$0x0];
	[tilespmem:s29+$0x400] =	vst v4  }
0x456: {  	s15 =	sor.u32 s0, s15;
	v4 =	vld [tilespmem:s17+$0x990];
	[tilespmem:s30+$0x180] =	vst v5  }
0x457: {  	v7 =	vld [tilespmem:s15+$0x0];
	[tilespmem:s30+$0xFFFFF980] =	vst v0  }
0x458: {  	(v2sf) =	vpush v1, $0xA;
	[tilespmem:s29+$0xFFFFFB90] =	vst v3;
	v3 =	vld [tilespmem:s19+$0x990]  }
0x459: {  	v5 =	vld [tilespmem:s21+$0x990]  }
0x45a: {  	v8 =	vld [tilespmem:s13+$0x980]  }
0x45b: {  	(v2sf) =	vpush v2, $0x5;
	s21 =	spop (v2sf);
	[tilespmem:s29+$0x410] =	vst v4  }
0x45c: {  	v4 =	vld [tilespmem:s21+$0x980]  }
0x45d: {  	[tilespmem:s30+$0xFFFFF990] =	vst v3  }
0x45e: {  	s22 =	spop (v2sf);
	v0 =	vshll.u32 v6, $0x5;
	[tilespmem:s30+$0x190] =	vst v5;
	v3 =	vld [tilespmem:s18+$0x980]  }
0x45f: {  	v6 =	vshll.u32 v7, $0x5;
	(v2sf) =	vpush v0, $0x0;
	[tilespmem:s29+$0xFFFFFC00] =	vst v8;
	v5 =	vld [tilespmem:s22+$0x980]  }
0x460: {  	(v2sf) =	vpush v6, $0x0;
	v7 =	vld [tilespmem:s13+$0x990]  }
0x461: {  	(v2sf) =	vpush v1, $0xB;
	[tilespmem:s29+$0x480] =	vst v4  }
0x462: {  	(v2sf) =	vpush v6, $0x1;
	v4 =	vld [tilespmem:s21+$0x990]  }
0x463: {  	(v2sf) =	vpush v6, $0x2;
	[tilespmem:s30+$0xFFFFFA00] =	vst v3  }
0x464: {  	(v2sf) =	vpush v6, $0x3;
	[tilespmem:s30+$0x200] =	vst v5;
	v3 =	vld [tilespmem:s18+$0x990]  }
0x465: {  	(v2sf) =	vpush v6, $0x4;
	[tilespmem:s29+$0xFFFFFC10] =	vst v7;
	v5 =	vld [tilespmem:s22+$0x990]  }
0x466: {  	(v2sf) =	vpush v2, $0x6;
	v7 =	vld [tilespmem:s2+$0x980]  }
0x467: {  	s23 =	spop (v2sf);
	(v2sf) =	vpush v6, $0x5;
	[tilespmem:s29+$0x490] =	vst v4  }
0x468: {  	(v2sf) =	vpush v6, $0x6;
	v4 =	vld [tilespmem:s23+$0x980]  }
0x469: {  	(v2sf) =	vpush v6, $0x7;
	[tilespmem:s30+$0xFFFFFA10] =	vst v3  }
0x46a: {  	s24 =	spop (v2sf);
	(v2sf) =	vpush v6, $0x8;
	[tilespmem:s30+$0x210] =	vst v5;
	v3 =	vld [tilespmem:s16+$0x980]  }
0x46b: {  	(v2sf) =	vpush v0, $0x1;
	[tilespmem:s29+$0xFFFFFC80] =	vst v7;
	v5 =	vld [tilespmem:s24+$0x980]  }
0x46c: {  	(v2sf) =	vpush v6, $0x9;
	v7 =	vld [tilespmem:s2+$0x990]  }
0x46d: {  	(v2sf) =	vpush v1, $0xC;
	[tilespmem:s29+$0x500] =	vst v4  }
0x46e: {  	s25 =	spop (v2sf);
	(v2sf) =	vpush v6, $0xA;
	v4 =	vld [tilespmem:s23+$0x990]  }
0x46f: {  	v8 =	vld [tilespmem:s25+$0x980];
	s17 =	spop (v2sf);
	[tilespmem:s30+$0xFFFFFA80] =	vst v3  }
0x470: {  	(v2sf) =	vpush v6, $0xB;
	s18 =	spop (v2sf);
	[tilespmem:s30+$0x280] =	vst v5;
	v3 =	vld [tilespmem:s16+$0x990]  }
0x471: {  	(v2sf) =	vpush v6, $0xC;
	s28 =	spop (v2sf);
	[tilespmem:s29+$0xFFFFFC90] =	vst v7;
	v5 =	vld [tilespmem:s24+$0x990]  }
0x472: {  	s26 =	spop (v2sf);
	v7 =	vld [tilespmem:s3+$0x980]  }
0x473: {  	s2 =	simm.s32 $0x3840;
	v9 =	vld [tilespmem:s17+$0x980];
	s24 =	spop (v2sf);
	[tilespmem:s29+$0x510] =	vst v4  }
0x474: {  	(v2sf) =	vpush v6, $0xD;
	[tilespmem:s2+$0x0] =	vst v8;
	s22 =	spop (v2sf);
	v4 =	vld [tilespmem:s18+$0x980]  }
0x475: {  	(v2sf) =	vpush v2, $0x7;
	v8 =	vld [tilespmem:s25+$0x990];
	s0 =	spop (v2sf);
	[tilespmem:s30+$0xFFFFFA90] =	vst v3  }
0x476: {  	(v2sf) =	vpush v6, $0xE;
	s23 =	spop (v2sf);
	[tilespmem:s30+$0x290] =	vst v5;
	v3 =	vld [tilespmem:s14+$0x980]  }
0x477: {  	(v2sf) =	vpush v6, $0xF;
	s25 =	spop (v2sf);
	[tilespmem:s29+$0xFFFFFD00] =	vst v7;
	v5 =	vld [tilespmem:s0+$0x980]  }
0x478: {  	[tilespmem:s2+$0xFFFFF800] =	vst v9;
	s21 =	spop (v2sf);
	v6 =	vld [tilespmem:s3+$0x990]  }
0x479: {  	(v2sf) =	vpush v0, $0x2;
	s19 =	spop (v2sf);
	[tilespmem:s29+$0x580] =	vst v4  }
0x47a: {  	[tilespmem:s2+$0x10] =	vst v8;
	s15 =	spop (v2sf);
	v4 =	vld [tilespmem:s18+$0x990]  }
0x47b: {  	v7 =	vld [tilespmem:s15+$0x980];
	s18 =	spop (v2sf);
	[tilespmem:s30+$0xFFFFFB00] =	vst v3  }
0x47c: {  	[tilespmem:s30+$0x300] =	vst v5;
	s29 =	spop (v2sf);
	v3 =	vld [tilespmem:s14+$0x990];
	s14 =	simm.s32 $0x1840  }
0x47d: {  	v8 =	vld [tilespmem:s17+$0x990];
	s16 =	spop (v2sf);
	[tilespmem:s14+$0xFFFFFD10] =	vst v6  }
0x47e: {  	(v2sf) =	vpush v1, $0xD;
	v5 =	vld [tilespmem:s0+$0x990];
	[dreg:$0x19] =	wrdreg s16  }
0x47f: {  	s3 =	spop (v2sf);
	[tilespmem:s14+$0x590] =	vst v4  }
0x480: {  	s17 =	spop (v2sf);
	v6 =	vld [tilespmem:s9+$0x980];
	[tilespmem:s2+$0x80] =	vst v7  }
0x481: {  	(v2sf) =	vpush v2, $0x8;
	v4 =	vld [tilespmem:s29+$0x980];
	[dreg:$0x15] =	wrdreg s17  }
0x482: {  	[tilespmem:s2+$0xFFFFF810] =	vst v8  }
0x483: {  	s17 =	spop (v2sf);
	v7 =	vld [tilespmem:s15+$0x990];
	[tilespmem:s30+$0x310] =	vst v5  }
0x484: {  	s15 =	smov.u32 s31;
	s31 =	spop (v2sf);
	[tilespmem:s30+$0xFFFFFB10] =	vst v3;
	v8 =	vld [tilespmem:s28+$0x980]  }
0x485: {  	(v2sf) =	vpush v0, $0x3;
	v5 =	vld [tilespmem:s31+$0x980];
	s16 =	spop (v2sf);
	[tilespmem:s14+$0xFFFFFD80] =	vst v6  }
0x486: {  	v3 =	vld [tilespmem:s20+$0x980];
	s13 =	spop (v2sf);
	[tilespmem:s14+$0x600] =	vst v4  }
0x487: {  	v6 =	vld [tilespmem:s9+$0x990];
	[dreg:$0x10] =	wrdreg s13  }
0x488: {  	v4 =	vld [tilespmem:s29+$0x990];
	[tilespmem:s2+$0x90] =	vst v7;
	s29 =	spop (v2sf)  }
0x489: {  	[tilespmem:s2+$0xFFFFF880] =	vst v8;
	v7 =	vld [tilespmem:s29+$0x980]  }
0x48a: {  	[tilespmem:s30+$0x380] =	vst v5;
	v8 =	vld [tilespmem:s28+$0x990]  }
0x48b: {  	[tilespmem:s30+$0xFFFFFB80] =	vst v3;
	v5 =	vld [tilespmem:s31+$0x990]  }
0x48c: {  	(v2sf) =	vpush v1, $0xE;
	v3 =	vld [tilespmem:s20+$0x990];
	[tilespmem:s14+$0xFFFFFD90] =	vst v6  }
0x48d: {  	s0 =	spop (v2sf);
	v6 =	vld [tilespmem:s1+$0x980];
	[tilespmem:s14+$0x610] =	vst v4  }
0x48e: {  	v4 =	vld [tilespmem:s0+$0x980];
	[tilespmem:s2+$0x100] =	vst v7  }
0x48f: {  	(v2sf) =	vpush v2, $0x9;
	[tilespmem:s2+$0xFFFFF890] =	vst v8;
	v7 =	vld [tilespmem:s29+$0x990]  }
0x490: {  	s13 =	spop (v2sf);
	[tilespmem:s30+$0x390] =	vst v5;
	v8 =	vld [tilespmem:s26+$0x980]  }
0x491: {  	[tilespmem:s30+$0xFFFFFB90] =	vst v3;
	v5 =	vld [tilespmem:s13+$0x980]  }
0x492: {  	v3 =	vld [tilespmem:s12+$0x980];
	[tilespmem:s14+$0xFFFFFE00] =	vst v6  }
0x493: {  	(v2sf) =	vpush v0, $0x4;
	v6 =	vld [tilespmem:s1+$0x990];
	[tilespmem:s14+$0x680] =	vst v4  }
0x494: {  	s1 =	spop (v2sf);
	v4 =	vld [tilespmem:s0+$0x990];
	[tilespmem:s2+$0x110] =	vst v7  }
0x495: {  	s20 =	simm.s32 $0x60;
	[tilespmem:s2+$0xFFFFF900] =	vst v8;
	v7 =	vld [tilespmem:s1+$0x980]  }
0x496: {  	s28 =	simm.s32 $0x70;
	s29 =	sand.u32 $0x180, s20;
	[tilespmem:s30+$0x400] =	vst v5;
	v8 =	vld [tilespmem:s26+$0x990]  }
0x497: {  	s31 =	sor.u32 $0x400, s29;
	s0 =	sand.u32 $0x70, s28;
	[tilespmem:s30+$0xFFFFFC00] =	vst v3;
	v5 =	vld [tilespmem:s13+$0x990]  }
0x498: {  	(v2sf) =	vpush v1, $0xF;
	v3 =	vld [tilespmem:s12+$0x990];
	s13 =	sor.u32 s0, s31  }
0x499: {  	s26 =	sand.u32 $0x60, s20;
	v59 =	vld [tilespmem:s13+$0x0];
	[tilespmem:s14+$0xFFFFFE10] =	vst v6  }
0x49a: {  	s9 =	sor.u32 s26, s31;
	v6 =	vld [tilespmem:s5+$0x980];
	[tilespmem:s14+$0x690] =	vst v4  }
0x49b: {  	(v2sf) =	vpush v2, $0xA;
	s29 =	spop (v2sf);
	[tilespmem:s2+$0x180] =	vst v7;
	v7 =	vld [tilespmem:s9+$0x0]  }
0x49c: {  	[tilespmem:s2+$0xFFFFF910] =	vst v8;
	v8 =	vld [tilespmem:s29+$0x980]  }
0x49d: {  	v1 =	vld [tilespmem:s1+$0x990]  }
0x49e: {  	s31 =	spop (v2sf);
	[tilespmem:s30+$0x410] =	vst v5;
	v4 =	vld [tilespmem:s24+$0x980]  }
0x49f: {  	(v2sf) =	vpush v0, $0x5;
	[tilespmem:s30+$0xFFFFFC10] =	vst v3;
	v5 =	vld [tilespmem:s31+$0x980]  }
0x4a0: {  	v3 =	vld [tilespmem:s11+$0x980];
	[tilespmem:s14+$0xFFFFFE80] =	vst v6  }
0x4a1: {  	v6 =	vld [tilespmem:s5+$0x990];
	[tilespmem:s14+$0x700] =	vst v8  }
0x4a2: {  	s0 =	spop (v2sf);
	[tilespmem:s2+$0x190] =	vst v1;
	v1 =	vshll.u32 v59, $0x5;
	v8 =	vld [tilespmem:s29+$0x990]  }
0x4a3: {  	v7 =	vshll.u32 v7, $0x5;
	[tilespmem:s2+$0xFFFFF980] =	vst v4;
	v4 =	vld [tilespmem:s0+$0x980];
	(v2sf) =	vpush v1, $0x0  }
0x4a4: {  	[tilespmem:s30+$0x480] =	vst v5;
	v60 =	vld [tilespmem:s24+$0x990];
	(v2sf) =	vpush v7, $0x0  }
0x4a5: {  	[tilespmem:s30+$0xFFFFFC80] =	vst v3;
	v5 =	vld [tilespmem:s31+$0x990];
	(v2sf) =	vpush v2, $0xB  }
0x4a6: {  	v3 =	vld [tilespmem:s11+$0x990];
	[tilespmem:s14+$0xFFFFFE90] =	vst v6;
	(v2sf) =	vpush v7, $0x1  }
0x4a7: {  	s9 =	spop (v2sf);
	v6 =	vld [tilespmem:s4+$0x980];
	(v2sf) =	vpush v7, $0x2;
	[tilespmem:s14+$0x710] =	vst v8  }
0x4a8: {  	[tilespmem:s2+$0x200] =	vst v4;
	(v2sf) =	vpush v7, $0x3;
	v61 =	vld [tilespmem:s9+$0x980]  }
0x4a9: {  	[tilespmem:s2+$0xFFFFF990] =	vst v60;
	v4 =	vld [tilespmem:s0+$0x990];
	(v2sf) =	vpush v7, $0x4  }
0x4aa: {  	s11 =	spop (v2sf);
	[tilespmem:s30+$0x490] =	vst v5;
	v8 =	vld [tilespmem:s22+$0x980];
	(v2sf) =	vpush v0, $0x6  }
0x4ab: {  	[tilespmem:s30+$0xFFFFFC90] =	vst v3;
	v5 =	vld [tilespmem:s11+$0x980];
	(v2sf) =	vpush v7, $0x5  }
0x4ac: {  	v3 =	vld [tilespmem:s7+$0x980];
	[tilespmem:s14+$0xFFFFFF00] =	vst v6;
	(v2sf) =	vpush v7, $0x6  }
0x4ad: {  	v6 =	vld [tilespmem:s4+$0x990];
	(v2sf) =	vpush v7, $0x7;
	[tilespmem:s14+$0x780] =	vst v61  }
0x4ae: {  	s12 =	spop (v2sf);
	[tilespmem:s2+$0x210] =	vst v4;
	(v2sf) =	vpush v7, $0x8;
	v9 =	vld [tilespmem:s9+$0x990]  }
0x4af: {  	[tilespmem:s2+$0xFFFFFA00] =	vst v8;
	v4 =	vld [tilespmem:s12+$0x980];
	(v2sf) =	vpush v1, $0x1  }
0x4b0: {  	[tilespmem:s30+$0x500] =	vst v5;
	v8 =	vld [tilespmem:s22+$0x990];
	(v2sf) =	vpush v7, $0x9  }
0x4b1: {  	[tilespmem:s30+$0xFFFFFD00] =	vst v3;
	v5 =	vld [tilespmem:s11+$0x990];
	(v2sf) =	vpush v2, $0xC  }
0x4b2: {  	v3 =	vld [tilespmem:s7+$0x990];
	[tilespmem:s14+$0xFFFFFF10] =	vst v6;
	(v2sf) =	vpush v7, $0xA;
	s13 =	spop (v2sf)  }
0x4b3: {  	v6 =	vld [tilespmem:s15+$0x980];
	s29 =	spop (v2sf);
	(v2sf) =	vpush v7, $0xB;
	[tilespmem:s14+$0x790] =	vst v9  }
0x4b4: {  	v62 =	vld [tilespmem:s13+$0x980];
	[tilespmem:s2+$0x280] =	vst v4;
	(v2sf) =	vpush v7, $0xC;
	s31 =	spop (v2sf)  }
0x4b5: {  	[tilespmem:s2+$0xFFFFFA10] =	vst v8;
	v4 =	vld [tilespmem:s12+$0x990];
	s28 =	spop (v2sf)  }
0x4b6: {  	[tilespmem:s30+$0x510] =	vst v5;
	v8 =	vld [tilespmem:s23+$0x980];
	(v2sf) =	vpush v7, $0xD;
	s26 =	spop (v2sf)  }
0x4b7: {  	[tilespmem:s30+$0xFFFFFD10] =	vst v3;
	v5 =	vld [tilespmem:s31+$0x980];
	(v2sf) =	vpush v0, $0x7;
	s22 =	spop (v2sf)  }
0x4b8: {  	s24 =	simm.s32 $0x4840;
	[tilespmem:s14+$0xFFFFFF80] =	vst v6;
	v6 =	vld [tilespmem:s29+$0x980];
	s20 =	spop (v2sf)  }
0x4b9: {  	v3 =	vld [tilespmem:s6+$0x980];
	[tilespmem:s24+$0x0] =	vst v62;
	s0 =	spop (v2sf)  }
0x4ba: {  	v9 =	vld [tilespmem:s13+$0x990];
	[tilespmem:s2+$0x290] =	vst v4;
	s12 =	spop (v2sf)  }
0x4bb: {  	[tilespmem:s2+$0xFFFFFA80] =	vst v8;
	v4 =	vld [tilespmem:s0+$0x980];
	s9 =	spop (v2sf)  }
0x4bc: {  	[tilespmem:s30+$0x580] =	vst v5;
	v8 =	vld [tilespmem:s23+$0x990];
	s7 =	spop (v2sf)  }
0x4bd: {  	(v2sf) =	vpush v7, $0xE;
	v5 =	vld [tilespmem:s31+$0x990];
	[tilespmem:s24+$0xFFFFF800] =	vst v6;
	s23 =	spop (v2sf)  }
0x4be: {  	(v2sf) =	vpush v7, $0xF;
	[tilespmem:s30+$0xFFFFFD80] =	vst v3;
	v6 =	vld [tilespmem:s29+$0x990];
	s29 =	spop (v2sf)  }
0x4bf: {  	(v2sf) =	vpush v1, $0x2;
	[tilespmem:s24+$0x10] =	vst v9;
	s1 =	spop (v2sf)  }
0x4c0: {  	v3 =	vld [tilespmem:s6+$0x990];
	(v2sf) =	vpush v2, $0xD;
	[tilespmem:s2+$0x300] =	vst v4;
	s31 =	spop (v2sf)  }
0x4c1: {  	[tilespmem:s2+$0xFFFFFA90] =	vst v8;
	v4 =	vld [tilespmem:s0+$0x990];
	s11 =	spop (v2sf)  }
0x4c2: {  	[tilespmem:s30+$0x590] =	vst v5;
	v7 =	vld [tilespmem:s25+$0x980];
	s6 =	spop (v2sf)  }
0x4c3: {  	(v2sf) =	vpush v0, $0x8;
	v8 =	vld [tilespmem:s29+$0x980];
	[tilespmem:s24+$0xFFFFF810] =	vst v6;
	s13 =	spop (v2sf)  }
0x4c4: {  	v5 =	vld [tilespmem:s31+$0x980];
	[dreg:$0x1c] =	wrdreg s13  }
0x4c5: {  	s5 =	spop (v2sf);
	v6 =	vld [tilespmem:s28+$0x980];
	[tilespmem:s30+$0xFFFFFD90] =	vst v3  }
0x4c6: {  	s13 =	spop (v2sf);
	v3 =	vld [tilespmem:s8+$0x980];
	[tilespmem:s2+$0x310] =	vst v4  }
0x4c7: {  	[tilespmem:s2+$0xFFFFFB00] =	vst v7;
	v4 =	vld [tilespmem:s13+$0x980]  }
0x4c8: {  	[tilespmem:s24+$0x80] =	vst v8;
	v7 =	vld [tilespmem:s25+$0x990]  }
0x4c9: {  	v8 =	vld [tilespmem:s29+$0x990];
	[tilespmem:s30+$0x600] =	vst v5  }
0x4ca: {  	v5 =	vld [tilespmem:s31+$0x990];
	[tilespmem:s24+$0xFFFFF880] =	vst v6  }
0x4cb: {  	s4 =	smov.u32 s8;
	(v2sf) =	vpush v1, $0x3;
	v6 =	vld [tilespmem:s28+$0x990];
	[tilespmem:s30+$0xFFFFFE00] =	vst v3  }
0x4cc: {  	(v2sf) =	vpush v2, $0xE;
	s25 =	spop (v2sf);
	v3 =	vld [tilespmem:s4+$0x990];
	[tilespmem:s2+$0x380] =	vst v4  }
0x4cd: {  	s8 =	spop (v2sf);
	[tilespmem:s2+$0xFFFFFB10] =	vst v7;
	v4 =	vld [tilespmem:s13+$0x990]  }
0x4ce: {  	[tilespmem:s24+$0x90] =	vst v8;
	s28 =	spop (v2sf);
	v7 =	vld [tilespmem:s21+$0x980]  }
0x4cf: {  	[tilespmem:s30+$0x610] =	vst v5;
	v8 =	vld [tilespmem:s28+$0x980];
	s4 =	spop (v2sf)  }
0x4d0: {  	v5 =	vld [tilespmem:s4+$0x980];
	[tilespmem:s24+$0xFFFFF890] =	vst v6  }
0x4d1: {  	v6 =	vld [tilespmem:s26+$0x980];
	[tilespmem:s30+$0xFFFFFE10] =	vst v3  }
0x4d2: {  	s13 =	spop (v2sf);
	v3 =	vld [tilespmem:s10+$0x980];
	[tilespmem:s2+$0x390] =	vst v4  }
0x4d3: {  	[tilespmem:s2+$0xFFFFFB80] =	vst v7;
	v4 =	vld [tilespmem:s13+$0x980]  }
0x4d4: {  	[tilespmem:s24+$0x100] =	vst v8;
	v7 =	vld [tilespmem:s21+$0x990]  }
0x4d5: {  	v8 =	vld [tilespmem:s28+$0x990];
	[tilespmem:s30+$0x680] =	vst v5  }
0x4d6: {  	v63 =	vld [tilespmem:s4+$0x990];
	[tilespmem:s24+$0xFFFFF900] =	vst v6  }
0x4d7: {  	v6 =	vld [tilespmem:s26+$0x990];
	[tilespmem:s30+$0xFFFFFE80] =	vst v3  }
0x4d8: {  	(v2sf) =	vpush v0, $0x9;
	v3 =	vld [tilespmem:s10+$0x990];
	[tilespmem:s2+$0x400] =	vst v4  }
0x4d9: {  	[tilespmem:s2+$0xFFFFFB90] =	vst v7;
	v4 =	vld [tilespmem:s13+$0x990]  }
0x4da: {  	(v2sf) =	vpush v1, $0x4;
	s28 =	spop (v2sf);
	[tilespmem:s24+$0x110] =	vst v8;
	v5 =	vld [tilespmem:s19+$0x980]  }
0x4db: {  	(v2sf) =	vpush v2, $0xF;
	s21 =	simm.s32 $0x80;
	s26 =	spop (v2sf);
	s10 =	simm.s32 $0x6;
	v2 =	vld [tilespmem:s28+$0x980];
	[tilespmem:s30+$0x690] =	vst v63  }
.LBB2_6:
0x4dc: {  	_ =	sdelay $0x2  }
0x4dd: {  	[tilespmem:s24+$0xFFFFF910] =	vst v6  }
0x4de: {  	v7 =	vld [tilespmem:s22+$0x980];
	[tilespmem:s2+$0xFFFFFC00] =	vst v5  }
0x4df: {  	s31 =	sand.u32 $0x180, s21;
	s13 =	sadd.s32 $0x10, s21;
	v5 =	vld [tilespmem:s19+$0x990]  }
0x4e0: {  	s31 =	sor.u32 $0x400, s31;
	s13 =	sand.u32 $0x70, s13  }
0x4e1: {  	v6 =	vld [tilespmem:s26+$0x980];
	s13 =	sor.u32 s13, s31;
	[tilespmem:s30+$0xFFFFFE90] =	vst v3  }
0x4e2: {  	s29 =	sand.u32 $0x60, s21;
	(v2sf) =	vpush v0, $0xA;
	v3 =	vld [tilespmem:s13+$0x0];
	[tilespmem:s24+$0x180] =	vst v2  }
0x4e3: {  	s29 =	sor.u32 s29, s31;
	v2 =	vld [tilespmem:s28+$0x990];
	[tilespmem:s24+$0xFFFFF980] =	vst v7  }
0x4e4: {  	v7 =	vld [tilespmem:s29+$0x0];
	[tilespmem:s2+$0xFFFFFC10] =	vst v5  }
0x4e5: {  	[smem:$0x7EA] =	sst s5;
	s5 =	smov.u32 s23;
	[tilespmem:s2+$0x410] =	vst v4;
	v5 =	vld [tilespmem:s22+$0x990];
	s23 =	spop (v2sf)  }
0x4e6: {  	v4 =	vld [tilespmem:s23+$0x980]  }
0x4e7: {  	[tilespmem:s30+$0x700] =	vst v6  }
0x4e8: {  	v6 =	vld [tilespmem:s26+$0x990]  }
0x4e9: {  	v8 =	vld [tilespmem:s18+$0x980];
	(v2sf) =	vpush v1, $0x5;
	s31 =	spop (v2sf);
	[tilespmem:s24+$0x190] =	vst v2  }
0x4ea: {  	s0 =	rddreg [dreg:$0xd];
	v9 =	vld [tilespmem:s31+$0x980];
	[tilespmem:s24+$0xFFFFF990] =	vst v5  }
0x4eb: {  	v5 =	vld [tilespmem:s0+$0x980];
	[tilespmem:s2+$0x480] =	vst v4  }
0x4ec: {  	v2 =	vshll.u32 v3, $0x5;
	v3 =	vld [tilespmem:s23+$0x990]  }
0x4ed: {  	s4 =	spop (v2sf);
	v4 =	vshll.u32 v7, $0x5;
	v7 =	vld [tilespmem:s20+$0x980];
	[tilespmem:s30+$0x710] =	vst v6  }
0x4ee: {  	(v2sf) =	vpush v2, $0x0;
	[tilespmem:s2+$0xFFFFFC80] =	vst v8;
	v6 =	vld [tilespmem:s4+$0x980]  }
0x4ef: {  	(v2sf) =	vpush v4, $0x0;
	[tilespmem:s24+$0x200] =	vst v9  }
0x4f0: {  	v8 =	vld [tilespmem:s18+$0x990];
	(v2sf) =	vpush v0, $0xB;
	[tilespmem:s30+$0xFFFFFF00] =	vst v5  }
0x4f1: {  	s19 =	smov.u32 s1;
	s1 =	spop (v2sf);
	(v2sf) =	vpush v4, $0x1;
	v9 =	vld [tilespmem:s31+$0x990];
	[tilespmem:s2+$0x490] =	vst v3  }
0x4f2: {  	(v2sf) =	vpush v4, $0x2;
	[tilespmem:s24+$0xFFFFFA00] =	vst v7;
	v3 =	vld [tilespmem:s1+$0x980]  }
0x4f3: {  	(v2sf) =	vpush v4, $0x3;
	[tilespmem:s30+$0x780] =	vst v6;
	v6 =	vld [tilespmem:s0+$0x990]  }
0x4f4: {  	(v2sf) =	vpush v4, $0x4;
	v7 =	vld [tilespmem:s20+$0x990]  }
0x4f5: {  	(v2sf) =	vpush v1, $0x6;
	[tilespmem:s2+$0xFFFFFC90] =	vst v8;
	v5 =	vld [tilespmem:s4+$0x990]  }
0x4f6: {  	(v2sf) =	vpush v4, $0x5;
	[tilespmem:s24+$0x210] =	vst v9;
	s4 =	rddreg [dreg:$0x19]  }
0x4f7: {  	(v2sf) =	vpush v4, $0x6;
	v8 =	vld [tilespmem:s4+$0x980];
	[tilespmem:s2+$0x500] =	vst v3  }
0x4f8: {  	s18 =	smov.u32 s25;
	s25 =	rddreg [dreg:$0x9];
	s23 =	spop (v2sf);
	(v2sf) =	vpush v4, $0x7;
	v3 =	vld [tilespmem:s15+$0x990];
	[tilespmem:s30+$0xFFFFFF10] =	vst v6  }
0x4f9: {  	s22 =	smov.u32 s16;
	s16 =	smov.u32 s25;
	(v2sf) =	vpush v4, $0x8;
	[tilespmem:s24+$0xFFFFFA10] =	vst v7;
	v9 =	vld [tilespmem:s23+$0x980]  }
0x4fa: {  	(v2sf) =	vpush v2, $0x1;
	[tilespmem:s30+$0x790] =	vst v5;
	v6 =	vld [tilespmem:s16+$0x980]  }
0x4fb: {  	(v2sf) =	vpush v4, $0x9;
	v5 =	vld [tilespmem:s1+$0x990]  }
0x4fc: {  	v7 =	vld [tilespmem:s12+$0x980];
	[tilespmem:s2+$0xFFFFFD00] =	vst v8;
	(v2sf) =	vpush v0, $0xC  }
0x4fd: {  	s31 =	smov.u32 s8;
	s8 =	spop (v2sf);
	(v2sf) =	vpush v4, $0xA;
	v8 =	vld [tilespmem:s4+$0x990];
	[tilespmem:s14+$0xFFFFFF90] =	vst v3  }
0x4fe: {  	[dreg:$0xd] =	wrdreg s22;
	s15 =	smov.u32 s30;
	v3 =	vld [tilespmem:s8+$0x980];
	s14 =	spop (v2sf);
	(v2sf) =	vpush v4, $0xB;
	[tilespmem:s24+$0x280] =	vst v9  }
0x4ff: {  	s26 =	rddreg [dreg:$0x10];
	s30 =	smov.u32 s2;
	(v2sf) =	vpush v4, $0xC;
	[tilespmem:s15+$0xFFFFFF80] =	vst v6;
	v9 =	vld [tilespmem:s23+$0x990];
	s23 =	spop (v2sf)  }
0x500: {  	s22 =	smov.u32 s11;
	[dreg:$0x10] =	wrdreg s31;
	[tilespmem:s30+$0x510] =	vst v5;
	v6 =	vld [tilespmem:s14+$0x980];
	s31 =	spop (v2sf);
	(v2sf) =	vpush v4, $0xD  }
0x501: {  	s29 =	smov.u32 s26;
	[dreg:$0x19] =	wrdreg s22;
	[tilespmem:s24+$0xFFFFFA80] =	vst v7;
	v5 =	vld [tilespmem:s23+$0x980];
	s26 =	spop (v2sf);
	(v2sf) =	vpush v1, $0x7  }
0x502: {  	s2 =	smov.u32 s24;
	s24 =	sadd.s32 $0x1000, s24;
	v7 =	vld [tilespmem:s12+$0x990];
	[tilespmem:s30+$0xFFFFFD10] =	vst v8;
	s22 =	spop (v2sf)  }
0x503: {  	(v2sf) =	vpush v4, $0xE;
	[tilespmem:s24+$0x0] =	vst v3;
	v3 =	vld [tilespmem:s3+$0x980];
	s20 =	spop (v2sf)  }
0x504: {  	(v2sf) =	vpush v4, $0xF;
	v4 =	vld [tilespmem:s8+$0x990];
	[tilespmem:s2+$0x290] =	vst v9;
	s25 =	spop (v2sf)  }
0x505: {  	[tilespmem:s24+$0xFFFFF800] =	vst v6;
	s12 =	spop (v2sf);
	v8 =	vld [tilespmem:s25+$0x980]  }
0x506: {  	[dreg:$0x9] =	wrdreg s29;
	[tilespmem:s30+$0x580] =	vst v5;
	v6 =	vld [tilespmem:s14+$0x990];
	s29 =	spop (v2sf)  }
0x507: {  	[tilespmem:s2+$0xFFFFFA90] =	vst v7;
	(v2sf) =	vpush v2, $0x2;
	v5 =	vld [tilespmem:s23+$0x990];
	s28 =	spop (v2sf)  }
0x508: {  	v7 =	vld [tilespmem:s9+$0x980];
	[tilespmem:s30+$0xFFFFFD80] =	vst v3;
	s23 =	spop (v2sf)  }
0x509: {  	(v2sf) =	vpush v0, $0xD;
	[tilespmem:s24+$0x10] =	vst v4;
	v3 =	vld [tilespmem:s3+$0x990];
	s0 =	spop (v2sf)  }
0x50a: {  	v4 =	vld [tilespmem:s0+$0x980];
	s1 =	spop (v2sf);
	[tilespmem:s2+$0x300] =	vst v8  }
0x50b: {  	[tilespmem:s24+$0xFFFFF810] =	vst v6;
	v8 =	vld [tilespmem:s25+$0x990];
	s13 =	spop (v2sf)  }
0x50c: {  	[tilespmem:s30+$0x590] =	vst v5;
	v6 =	vld [tilespmem:s31+$0x980];
	s11 =	spop (v2sf)  }
0x50d: {  	s4 =	smov.u32 s6;
	[tilespmem:s2+$0xFFFFFB00] =	vst v7;
	v5 =	vld [tilespmem:s13+$0x980];
	s6 =	spop (v2sf)  }
0x50e: {  	s3 =	rddreg [dreg:$0x15];
	v7 =	vld [tilespmem:s9+$0x990];
	(v2sf) =	vpush v1, $0x8;
	[tilespmem:s30+$0xFFFFFD90] =	vst v3;
	s14 =	spop (v2sf)  }
0x50f: {  	s9 =	smov.u32 s29;
	v3 =	vld [tilespmem:s3+$0x980];
	[tilespmem:s24+$0x80] =	vst v4;
	s29 =	spop (v2sf)  }
0x510: {  	v4 =	vld [tilespmem:s0+$0x990];
	[tilespmem:s2+$0x310] =	vst v8;
	s0 =	spop (v2sf)  }
0x511: {  	[tilespmem:s24+$0xFFFFF880] =	vst v6;
	v8 =	vld [tilespmem:s0+$0x980]  }
0x512: {  	s25 =	spop (v2sf);
	[tilespmem:s30+$0x600] =	vst v5;
	v6 =	vld [tilespmem:s31+$0x990]  }
0x513: {  	[tilespmem:s2+$0xFFFFFB10] =	vst v7;
	s8 =	spop (v2sf);
	(v2sf) =	vpush v2, $0x3;
	v5 =	vld [tilespmem:s13+$0x990]  }
0x514: {  	v7 =	vld [tilespmem:s7+$0x980];
	[tilespmem:s30+$0xFFFFFE00] =	vst v3  }
0x515: {  	(v2sf) =	vpush v0, $0xE;
	v3 =	vld [tilespmem:s3+$0x990];
	s3 =	smov.u32 s4;
	s4 =	rddreg [dreg:$0x1c]  }
0x516: {  	[tilespmem:s24+$0x90] =	vst v4;
	s13 =	spop (v2sf);
	s31 =	smov.u32 s4  }
0x517: {  	[dreg:$0x15] =	wrdreg s31;
	s31 =	smov.u32 s14;
	v4 =	vld [tilespmem:s13+$0x980];
	[tilespmem:s2+$0x380] =	vst v8  }
0x518: {  	[dreg:$0x1c] =	wrdreg s31;
	v8 =	vld [tilespmem:s0+$0x990];
	[tilespmem:s30+$0x610] =	vst v5;
	s31 =	spop (v2sf)  }
0x519: {  	[tilespmem:s24+$0xFFFFF890] =	vst v6;
	v5 =	vld [tilespmem:s31+$0x980]  }
0x51a: {  	v6 =	vld [tilespmem:s26+$0x980];
	[tilespmem:s2+$0xFFFFFB80] =	vst v7  }
0x51b: {  	v7 =	vld [tilespmem:s7+$0x990];
	[tilespmem:s30+$0xFFFFFE10] =	vst v3  }
0x51c: {  	v3 =	vld [tilespmem:s17+$0x980];
	[tilespmem:s24+$0x100] =	vst v4  }
0x51d: {  	v4 =	vld [tilespmem:s13+$0x990];
	[tilespmem:s2+$0x390] =	vst v8;
	s4 =	spop (v2sf)  }
0x51e: {  	s10 =	sadd.s32 $0x2, s10;
	v8 =	vld [tilespmem:s4+$0x980];
	[tilespmem:s30+$0x680] =	vst v5  }
0x51f: {  	p0 =	slt.u32 s10, $0x1E;
	[tilespmem:s24+$0xFFFFF900] =	vst v6;
	v9 =	vld [tilespmem:s31+$0x990]  }
.Ltmp2:
0x520: {  	v6 =	vld [tilespmem:s26+$0x990];
	[tilespmem:s2+$0xFFFFFB90] =	vst v7;
	(pc) =	sbr.rel @p0 .LBB2_6-.Ltmp2, $4  }
0x521: {  	s21 =	sadd.s32 $0x20, s21;
	s14 =	smov.u32 s15;
	(v2sf) =	vpush v1, $0x9;
	v5 =	vld [tilespmem:s5+$0x980];
	s31 =	sld [smem:$0x7EA];
	[tilespmem:s30+$0xFFFFFE80] =	vst v3  }
0x522: {  	s15 =	smov.u32 s16;
	s7 =	smov.u32 s28;
	(v2sf) =	vpush v2, $0x4;
	v3 =	vld [tilespmem:s17+$0x990];
	[tilespmem:s24+$0x110] =	vst v4;
	s28 =	spop (v2sf)  }
0x523: {  	s16 =	smov.u32 s18;
	s18 =	smov.u32 s19;
	s19 =	smov.u32 s5;
	(v2sf) =	vpush v0, $0xF;
	v0 =	vmov v1;
	v1 =	vmov v2;
	v2 =	vld [tilespmem:s28+$0x980];
	[tilespmem:s2+$0x400] =	vst v8  }
0x524: {  	s5 =	smov.u32 s29;
	s17 =	smov.u32 s31;
	s26 =	spop (v2sf);
	v4 =	vld [tilespmem:s4+$0x990];
	[tilespmem:s30+$0x690] =	vst v9  }
0x525: {  	_ =	sdelay $0x2  }
0x526: {  	[tilespmem:s24+$0xFFFFF910] =	vst v6  }
0x527: {  	v6 =	vld [tilespmem:s22+$0x980];
	_ =	sdelay $0x1  }
0x528: {  	[tilespmem:s24+$0x180] =	vst v2  }
0x529: {  	v2 =	vld [tilespmem:s28+$0x990]  }
0x52a: {  	(v2sf) =	vpush v0, $0xA  }
0x52b: {  	(v2sf) =	vpush v1, $0x5;
	[tilespmem:s24+$0xFFFFF980] =	vst v6  }
0x52c: {  	v6 =	vld [tilespmem:s22+$0x990]  }
0x52d: {  	s22 =	spop (v2sf)  }
0x52e: {  	[tilespmem:s24+$0x190] =	vst v2;
	s0 =	spop (v2sf)  }
0x52f: {  	v2 =	vld [tilespmem:s0+$0x980];
	_ =	sdelay $0x1  }
0x530: {  	[tilespmem:s24+$0xFFFFF990] =	vst v6  }
0x531: {  	v6 =	vld [tilespmem:s20+$0x980];
	_ =	sdelay $0x1  }
0x532: {  	[tilespmem:s24+$0x200] =	vst v2  }
0x533: {  	v2 =	vld [tilespmem:s0+$0x990]  }
0x534: {  	(v2sf) =	vpush v0, $0xB  }
0x535: {  	(v2sf) =	vpush v1, $0x6;
	[tilespmem:s24+$0xFFFFFA00] =	vst v6  }
0x536: {  	s10 =	spop (v2sf);
	v6 =	vld [tilespmem:s20+$0x990]  }
0x537: {  	s21 =	spop (v2sf)  }
0x538: {  	s20 =	spop (v2sf);
	[tilespmem:s24+$0x210] =	vst v2  }
0x539: {  	v2 =	vld [tilespmem:s20+$0x980];
	_ =	sdelay $0x1  }
0x53a: {  	[tilespmem:s24+$0xFFFFFA10] =	vst v6  }
0x53b: {  	v6 =	vld [tilespmem:s12+$0x980];
	_ =	sdelay $0x1  }
0x53c: {  	[tilespmem:s24+$0x280] =	vst v2  }
0x53d: {  	v2 =	vld [tilespmem:s20+$0x990]  }
0x53e: {  	(v2sf) =	vpush v0, $0xC  }
0x53f: {  	(v2sf) =	vpush v1, $0x7;
	[tilespmem:s24+$0xFFFFFA80] =	vst v6  }
0x540: {  	v6 =	vld [tilespmem:s12+$0x990]  }
0x541: {  	s29 =	spop (v2sf)  }
0x542: {  	s31 =	spop (v2sf);
	[tilespmem:s24+$0x290] =	vst v2  }
0x543: {  	v2 =	vld [tilespmem:s31+$0x980];
	_ =	sdelay $0x1  }
0x544: {  	[tilespmem:s24+$0xFFFFFA90] =	vst v6  }
0x545: {  	v6 =	vld [tilespmem:s9+$0x980];
	_ =	sdelay $0x1  }
0x546: {  	[tilespmem:s24+$0x300] =	vst v2  }
0x547: {  	v2 =	vld [tilespmem:s31+$0x990]  }
0x548: {  	(v2sf) =	vpush v0, $0xD  }
0x549: {  	(v2sf) =	vpush v1, $0x8;
	[tilespmem:s24+$0xFFFFFB00] =	vst v6  }
0x54a: {  	v6 =	vld [tilespmem:s9+$0x990]  }
0x54b: {  	s12 =	spop (v2sf)  }
0x54c: {  	s4 =	spop (v2sf);
	[tilespmem:s24+$0x310] =	vst v2  }
0x54d: {  	v2 =	vld [tilespmem:s4+$0x980];
	_ =	sdelay $0x1  }
0x54e: {  	[tilespmem:s24+$0xFFFFFB10] =	vst v6  }
0x54f: {  	v6 =	vld [tilespmem:s7+$0x980];
	_ =	sdelay $0x1  }
0x550: {  	[tilespmem:s24+$0x380] =	vst v2  }
0x551: {  	v2 =	vld [tilespmem:s4+$0x990]  }
0x552: {  	(v2sf) =	vpush v0, $0xE  }
0x553: {  	(v2sf) =	vpush v1, $0x9;
	[tilespmem:s24+$0xFFFFFB80] =	vst v6  }
0x554: {  	v6 =	vld [tilespmem:s7+$0x990]  }
0x555: {  	s9 =	spop (v2sf)  }
0x556: {  	s7 =	spop (v2sf);
	[tilespmem:s24+$0x390] =	vst v2  }
0x557: {  	v2 =	vld [tilespmem:s7+$0x980];
	_ =	sdelay $0x1  }
0x558: {  	[tilespmem:s24+$0xFFFFFB90] =	vst v6  }
0x559: {  	[tilespmem:s2+$0xFFFFFC00] =	vst v5;
	v6 =	vld [tilespmem:s23+$0x980]  }
0x55a: {  	v5 =	vld [tilespmem:s19+$0x990]  }
0x55b: {  	[tilespmem:s24+$0x400] =	vst v2  }
0x55c: {  	v2 =	vld [tilespmem:s7+$0x990]  }
0x55d: {  	(v2sf) =	vpush v0, $0xF  }
0x55e: {  	(v2sf) =	vpush v1, $0xA;
	[tilespmem:s24+$0xFFFFFC00] =	vst v6  }
0x55f: {  	[tilespmem:s2+$0xFFFFFC10] =	vst v5;
	v0 =	vld [tilespmem:s23+$0x990]  }
0x560: {  	[tilespmem:s2+$0x410] =	vst v4;
	v5 =	vld [tilespmem:s18+$0x980];
	s7 =	spop (v2sf)  }
0x561: {  	v4 =	vld [tilespmem:s22+$0x980];
	s13 =	spop (v2sf);
	[tilespmem:s24+$0x410] =	vst v2  }
0x562: {  	v2 =	vld [tilespmem:s13+$0x980];
	_ =	sdelay $0x1  }
0x563: {  	[tilespmem:s24+$0xFFFFFC10] =	vst v0  }
0x564: {  	[tilespmem:s2+$0xFFFFFC80] =	vst v5;
	v0 =	vld [tilespmem:s1+$0x980]  }
0x565: {  	v5 =	vld [tilespmem:s18+$0x990];
	[tilespmem:s2+$0x480] =	vst v4  }
0x566: {  	v4 =	vld [tilespmem:s22+$0x990];
	[tilespmem:s24+$0x480] =	vst v2  }
0x567: {  	v2 =	vld [tilespmem:s13+$0x990];
	_ =	sdelay $0x1  }
0x568: {  	(v2sf) =	vpush v1, $0xB;
	[tilespmem:s24+$0xFFFFFC80] =	vst v0  }
0x569: {  	[tilespmem:s2+$0xFFFFFC90] =	vst v5;
	v0 =	vld [tilespmem:s1+$0x990]  }
0x56a: {  	[tilespmem:s2+$0x490] =	vst v4;
	s18 =	spop (v2sf)  }
0x56b: {  	v4 =	vld [tilespmem:s21+$0x980];
	s19 =	spop (v2sf);
	[tilespmem:s24+$0x490] =	vst v2  }
0x56c: {  	v2 =	vld [tilespmem:s19+$0x980];
	s4 =	rddreg [dreg:$0x19]  }
0x56d: {  	v5 =	vld [tilespmem:s4+$0x980]  }
0x56e: {  	[tilespmem:s24+$0xFFFFFC90] =	vst v0  }
0x56f: {  	v0 =	vld [tilespmem:s11+$0x980]  }
0x570: {  	[tilespmem:s2+$0x500] =	vst v4  }
0x571: {  	v4 =	vld [tilespmem:s21+$0x990];
	[tilespmem:s24+$0x500] =	vst v2  }
0x572: {  	v2 =	vld [tilespmem:s19+$0x990];
	[tilespmem:s2+$0xFFFFFD00] =	vst v5  }
0x573: {  	v5 =	vld [tilespmem:s4+$0x990]  }
0x574: {  	[tilespmem:s24+$0xFFFFFD00] =	vst v0  }
0x575: {  	(v2sf) =	vpush v1, $0xC;
	v0 =	vld [tilespmem:s11+$0x990]  }
0x576: {  	[tilespmem:s2+$0x510] =	vst v4  }
0x577: {  	s22 =	spop (v2sf);
	v4 =	vld [tilespmem:s29+$0x980];
	[tilespmem:s24+$0x510] =	vst v2  }
0x578: {  	[tilespmem:s2+$0xFFFFFD10] =	vst v5;
	v2 =	vld [tilespmem:s22+$0x980]  }
0x579: {  	v5 =	vld [tilespmem:s3+$0x980]  }
0x57a: {  	[tilespmem:s24+$0xFFFFFD10] =	vst v0  }
0x57b: {  	v0 =	vld [tilespmem:s6+$0x980]  }
0x57c: {  	[tilespmem:s2+$0x580] =	vst v4  }
0x57d: {  	v4 =	vld [tilespmem:s29+$0x990];
	[tilespmem:s24+$0x580] =	vst v2  }
0x57e: {  	[tilespmem:s2+$0xFFFFFD80] =	vst v5;
	v2 =	vld [tilespmem:s22+$0x990]  }
0x57f: {  	v5 =	vld [tilespmem:s3+$0x990]  }
0x580: {  	[tilespmem:s24+$0xFFFFFD80] =	vst v0  }
0x581: {  	(v2sf) =	vpush v1, $0xD;
	v0 =	vld [tilespmem:s6+$0x990]  }
0x582: {  	[tilespmem:s2+$0x590] =	vst v4  }
0x583: {  	v4 =	vld [tilespmem:s12+$0x980];
	[tilespmem:s24+$0x590] =	vst v2  }
0x584: {  	s23 =	spop (v2sf);
	[tilespmem:s2+$0xFFFFFD90] =	vst v5  }
0x585: {  	v2 =	vld [tilespmem:s23+$0x980];
	s29 =	rddreg [dreg:$0x15]  }
0x586: {  	[tilespmem:s24+$0xFFFFFD90] =	vst v0;
	v5 =	vld [tilespmem:s29+$0x980]  }
0x587: {  	s31 =	rddreg [dreg:$0x1c]  }
0x588: {  	[tilespmem:s2+$0x600] =	vst v4;
	v0 =	vld [tilespmem:s31+$0x980]  }
0x589: {  	v4 =	vld [tilespmem:s12+$0x990]  }
0x58a: {  	[tilespmem:s24+$0x600] =	vst v2  }
0x58b: {  	v2 =	vld [tilespmem:s23+$0x990];
	[tilespmem:s2+$0xFFFFFE00] =	vst v5  }
0x58c: {  	v5 =	vld [tilespmem:s29+$0x990]  }
0x58d: {  	(v2sf) =	vpush v1, $0xE;
	[tilespmem:s24+$0xFFFFFE00] =	vst v0  }
0x58e: {  	[tilespmem:s2+$0x610] =	vst v4;
	v0 =	vld [tilespmem:s31+$0x990]  }
0x58f: {  	v4 =	vld [tilespmem:s9+$0x980]  }
0x590: {  	v6 =	vld [tilespmem:s26+$0x980];
	s4 =	spop (v2sf);
	[tilespmem:s24+$0x610] =	vst v2  }
0x591: {  	v2 =	vld [tilespmem:s4+$0x980];
	[tilespmem:s2+$0xFFFFFE10] =	vst v5  }
0x592: {  	v5 =	vld [tilespmem:s17+$0x980]  }
0x593: {  	[tilespmem:s24+$0xFFFFFE10] =	vst v0  }
0x594: {  	[tilespmem:s2+$0x680] =	vst v4;
	v0 =	vld [tilespmem:s5+$0x980]  }
0x595: {  	[tilespmem:s30+$0x700] =	vst v6;
	v4 =	vld [tilespmem:s9+$0x990]  }
0x596: {  	[tilespmem:s24+$0x680] =	vst v2  }
0x597: {  	v2 =	vld [tilespmem:s4+$0x990];
	[tilespmem:s2+$0xFFFFFE80] =	vst v5  }
0x598: {  	[tilespmem:s30+$0xFFFFFE90] =	vst v3;
	v5 =	vld [tilespmem:s17+$0x990]  }
0x599: {  	(v2sf) =	vpush v1, $0xF;
	v1 =	vld [tilespmem:s26+$0x990];
	[tilespmem:s24+$0xFFFFFE80] =	vst v0  }
0x59a: {  	[tilespmem:s2+$0x690] =	vst v4;
	v0 =	vld [tilespmem:s5+$0x990]  }
0x59b: {  	v3 =	vld [tilespmem:s7+$0x980];
	s5 =	rddreg [dreg:$0xd]  }
0x59c: {  	s6 =	spop (v2sf);
	v4 =	vld [tilespmem:s5+$0x980];
	[tilespmem:s24+$0x690] =	vst v2  }
0x59d: {  	v2 =	vld [tilespmem:s6+$0x980];
	[tilespmem:s2+$0xFFFFFE90] =	vst v5  }
0x59e: {  	[tilespmem:s30+$0x710] =	vst v1;
	v5 =	vld [tilespmem:s16+$0x980]  }
0x59f: {  	v1 =	vld [tilespmem:s10+$0x980];
	[tilespmem:s24+$0xFFFFFE90] =	vst v0  }
0x5a0: {  	[tilespmem:s2+$0x700] =	vst v3;
	v0 =	vld [tilespmem:s25+$0x980]  }
0x5a1: {  	[tilespmem:s30+$0xFFFFFF00] =	vst v4;
	v3 =	vld [tilespmem:s7+$0x990]  }
0x5a2: {  	v4 =	vld [tilespmem:s5+$0x990];
	[tilespmem:s24+$0x700] =	vst v2  }
0x5a3: {  	v2 =	vld [tilespmem:s6+$0x990];
	[tilespmem:s2+$0xFFFFFF00] =	vst v5  }
0x5a4: {  	[tilespmem:s30+$0x780] =	vst v1;
	v5 =	vld [tilespmem:s16+$0x990]  }
0x5a5: {  	[tilespmem:s24+$0xFFFFFF00] =	vst v0  }
0x5a6: {  	[tilespmem:s2+$0x710] =	vst v3;
	v0 =	vld [tilespmem:s25+$0x990]  }
0x5a7: {  	v1 =	vld [tilespmem:s10+$0x990];
	[tilespmem:s30+$0xFFFFFF10] =	vst v4  }
0x5a8: {  	v3 =	vld [tilespmem:s18+$0x980];
	s7 =	rddreg [dreg:$0x9];
	[tilespmem:s24+$0x710] =	vst v2  }
0x5a9: {  	s9 =	spop (v2sf);
	v4 =	vld [tilespmem:s7+$0x980];
	[tilespmem:s2+$0xFFFFFF10] =	vst v5  }
0x5aa: {  	v2 =	vld [tilespmem:s9+$0x980];
	s10 =	rddreg [dreg:$0x10]  }
0x5ab: {  	[tilespmem:s24+$0xFFFFFF10] =	vst v0;
	v5 =	vld [tilespmem:s10+$0x980]  }
0x5ac: {  	[tilespmem:s30+$0x790] =	vst v1;
	v0 =	vld [tilespmem:s8+$0x980]  }
0x5ad: {  	v1 =	vld [tilespmem:s15+$0x990];
	[tilespmem:s2+$0x780] =	vst v3  }
0x5ae: {  	v3 =	vld [tilespmem:s18+$0x990];
	[tilespmem:s30+$0xFFFFFF80] =	vst v4  }
0x5af: {  	v4 =	vld [tilespmem:s7+$0x990];
	[tilespmem:s24+$0x780] =	vst v2  }
0x5b0: {  	v2 =	vld [tilespmem:s9+$0x990];
	[tilespmem:s2+$0xFFFFFF80] =	vst v5  }
0x5b1: {  	[tilespmem:s24+$0xFFFFFF80] =	vst v0;
	v5 =	vld [tilespmem:s10+$0x990]  }
0x5b2: {  	[tilespmem:s14+$0xFFFFFF90] =	vst v1;
	v0 =	vld [tilespmem:s8+$0x990]  }
0x5b3: {  	[tilespmem:s2+$0x790] =	vst v3  }
0x5b4: {  	[tilespmem:s30+$0xFFFFFF90] =	vst v4  }
0x5b5: {  	[tilespmem:s24+$0x790] =	vst v2  }
0x5b6: {  	[tilespmem:s2+$0xFFFFFF90] =	vst v5  }
0x5b7: {  	s11 =	simm.s32 $0x4;
	[tilespmem:s24+$0xFFFFFF90] =	vst v0  }
0x5b8: {  	_ =	swait.ge [sflag:s11], $0x500  }
0x5b9: {  	[sflag:s11] =	ssyncset.done $0x0  }
0x5ba: {  	s12 =	simm.s32 $0x0;
	[sflag:s11] =	ssyncadd.s32 $0xFFFFFB00  }
0x5bb: {  	s13 =	sand.u32 $0x180, s12;
	s14 =	simm.s32 $0x10;
	_ =	swait.ge [sflag:s11], $0x200  }
0x5bc: {  	s1 =	sor.u32 $0x600, s13;
	s2 =	sand.u32 $0x70, s14;
	[sflag:s11] =	ssyncset.done $0x0  }
0x5bd: {  	s2 =	sor.u32 s2, s1;
	[sflag:s11] =	ssyncadd.s32 $0xFFFFFE00  }
0x5be: {  	v0 =	vld [tilespmem:s2+$0x0]  }
0x5bf: {  	s0 =	sand.u32 $0x60, s12  }
0x5c0: {  	s0 =	sor.u32 s0, s1  }
0x5c1: {  	v2 =	vld [tilespmem:s0+$0x0];
	_ =	sdelay $0x1  }
0x5c2: {  	v1 =	vshll.u32 v0, $0x5  }
0x5c3: {  	(v2sf) =	vpush v1, $0x0;
	_ =	sdelay $0x1  }
0x5c4: {  	v0 =	vshll.u32 v2, $0x5  }
0x5c5: {  	(v2sf) =	vpush v0, $0x0  }
0x5c6: {  	(v2sf) =	vpush v0, $0x1  }
0x5c7: {  	(v2sf) =	vpush v0, $0x2  }
0x5c8: {  	(v2sf) =	vpush v0, $0x3  }
0x5c9: {  	(v2sf) =	vpush v0, $0x4  }
0x5ca: {  	(v2sf) =	vpush v0, $0x5  }
0x5cb: {  	(v2sf) =	vpush v0, $0x6  }
0x5cc: {  	(v2sf) =	vpush v0, $0x7  }
0x5cd: {  	(v2sf) =	vpush v0, $0x8  }
0x5ce: {  	(v2sf) =	vpush v1, $0x1;
	_ =	sdelay $0x2  }
0x5cf: {  	s15 =	spop (v2sf)  }
0x5d0: {  	v2 =	vld [tilespmem:s15+$0xB00]  }
0x5d1: {  	(v2sf) =	vpush v0, $0x9  }
0x5d2: {  	(v2sf) =	vpush v0, $0xA;
	s16 =	spop (v2sf)  }
0x5d3: {  	(v2sf) =	vpush v0, $0xB;
	s18 =	spop (v2sf)  }
0x5d4: {  	s29 =	simm.s32 $0x1860;
	(v2sf) =	vpush v0, $0xC;
	s19 =	spop (v2sf)  }
0x5d5: {  	(v2sf) =	vpush v0, $0xD;
	s20 =	spop (v2sf);
	[tilespmem:s29+$0x0] =	vst v2  }
0x5d6: {  	(v2sf) =	vpush v0, $0xE;
	s6 =	spop (v2sf);
	v2 =	vld [tilespmem:s15+$0xB10]  }
0x5d7: {  	(v2sf) =	vpush v0, $0xF;
	s0 =	spop (v2sf)  }
0x5d8: {  	s17 =	spop (v2sf);
	(v2sf) =	vpush v1, $0x2  }
0x5d9: {  	s15 =	spop (v2sf)  }
0x5da: {  	v3 =	vld [tilespmem:s16+$0xB00];
	s13 =	spop (v2sf)  }
0x5db: {  	s21 =	spop (v2sf);
	[tilespmem:s29+$0x10] =	vst v2  }
0x5dc: {  	v2 =	vld [tilespmem:s21+$0xB00];
	_ =	sdelay $0x2  }
0x5dd: {  	[tilespmem:s29+$0xFFFFF800] =	vst v3  }
0x5de: {  	v0 =	vld [tilespmem:s16+$0xB10];
	s2 =	spop (v2sf)  }
0x5df: {  	s3 =	spop (v2sf);
	[tilespmem:s29+$0x80] =	vst v2  }
0x5e0: {  	s9 =	spop (v2sf);
	v2 =	vld [tilespmem:s21+$0xB10]  }
0x5e1: {  	s1 =	spop (v2sf)  }
0x5e2: {  	s5 =	spop (v2sf)  }
0x5e3: {  	[tilespmem:s29+$0xFFFFF810] =	vst v0;
	(v2sf) =	vpush v1, $0x3;
	s4 =	spop (v2sf)  }
0x5e4: {  	v0 =	vld [tilespmem:s18+$0xB00];
	s31 =	spop (v2sf)  }
0x5e5: {  	s22 =	spop (v2sf);
	[tilespmem:s29+$0x90] =	vst v2  }
0x5e6: {  	v2 =	vld [tilespmem:s22+$0xB00];
	_ =	sdelay $0x2  }
0x5e7: {  	[tilespmem:s29+$0xFFFFF880] =	vst v0  }
0x5e8: {  	v0 =	vld [tilespmem:s18+$0xB10]  }
0x5e9: {  	[tilespmem:s29+$0x100] =	vst v2  }
0x5ea: {  	v2 =	vld [tilespmem:s22+$0xB10];
	_ =	sdelay $0x2  }
0x5eb: {  	(v2sf) =	vpush v1, $0x4;
	[tilespmem:s29+$0xFFFFF890] =	vst v0  }
0x5ec: {  	v0 =	vld [tilespmem:s19+$0xB00]  }
0x5ed: {  	[tilespmem:s29+$0x110] =	vst v2  }
0x5ee: {  	s23 =	spop (v2sf)  }
0x5ef: {  	s24 =	simm.s32 $0x20;
	v2 =	vld [tilespmem:s23+$0xB00]  }
0x5f0: {  	s26 =	simm.s32 $0x30;
	s25 =	sand.u32 $0x180, s24  }
0x5f1: {  	s14 =	sand.u32 $0x70, s26;
	s12 =	sor.u32 $0x600, s25;
	[tilespmem:s29+$0xFFFFF900] =	vst v0  }
0x5f2: {  	s14 =	sor.u32 s14, s12;
	s11 =	sand.u32 $0x60, s24;
	v0 =	vld [tilespmem:s19+$0xB10]  }
0x5f3: {  	s16 =	sor.u32 s11, s12;
	v3 =	vld [tilespmem:s14+$0x0]  }
0x5f4: {  	v5 =	vld [tilespmem:s16+$0x0];
	[tilespmem:s29+$0x180] =	vst v2  }
0x5f5: {  	v4 =	vld [tilespmem:s23+$0xB10];
	_ =	sdelay $0x1  }
0x5f6: {  	(v2sf) =	vpush v1, $0x5;
	_ =	sdelay $0x1  }
0x5f7: {  	[tilespmem:s29+$0xFFFFF910] =	vst v0;
	v2 =	vshll.u32 v3, $0x5  }
0x5f8: {  	s18 =	spop (v2sf);
	v0 =	vld [tilespmem:s20+$0xB00];
	v3 =	vshll.u32 v5, $0x5;
	(v2sf) =	vpush v2, $0x0;
	[tilespmem:s29+$0x190] =	vst v4  }
0x5f9: {  	(v2sf) =	vpush v3, $0x0;
	v4 =	vld [tilespmem:s18+$0xB00];
	_ =	sdelay $0x1  }
0x5fa: {  	(v2sf) =	vpush v3, $0x1  }
0x5fb: {  	(v2sf) =	vpush v3, $0x2  }
0x5fc: {  	(v2sf) =	vpush v3, $0x3;
	[tilespmem:s29+$0xFFFFF980] =	vst v0  }
0x5fd: {  	(v2sf) =	vpush v3, $0x4;
	v0 =	vld [tilespmem:s20+$0xB10];
	[tilespmem:s29+$0x200] =	vst v4  }
0x5fe: {  	(v2sf) =	vpush v1, $0x6;
	v4 =	vld [tilespmem:s18+$0xB10]  }
0x5ff: {  	(v2sf) =	vpush v3, $0x5  }
0x600: {  	(v2sf) =	vpush v3, $0x6  }
0x601: {  	(v2sf) =	vpush v3, $0x7  }
0x602: {  	(v2sf) =	vpush v3, $0x8;
	[tilespmem:s29+$0xFFFFF990] =	vst v0  }
0x603: {  	s19 =	spop (v2sf);
	(v2sf) =	vpush v2, $0x1;
	v0 =	vld [tilespmem:s6+$0xB00];
	[tilespmem:s29+$0x210] =	vst v4  }
0x604: {  	v4 =	vld [tilespmem:s19+$0xB00];
	_ =	sdelay $0x1  }
0x605: {  	(v2sf) =	vpush v3, $0x9;
	s20 =	spop (v2sf)  }
0x606: {  	(v2sf) =	vpush v3, $0xA;
	v5 =	vld [tilespmem:s20+$0xB00];
	s22 =	spop (v2sf)  }
0x607: {  	(v2sf) =	vpush v3, $0xB;
	[tilespmem:s29+$0xFFFFFA00] =	vst v0;
	v0 =	vld [tilespmem:s22+$0xB00]  }
0x608: {  	(v2sf) =	vpush v3, $0xC;
	s23 =	spop (v2sf);
	v6 =	vld [tilespmem:s6+$0xB10];
	[tilespmem:s29+$0x280] =	vst v4  }
0x609: {  	(v2sf) =	vpush v3, $0xD;
	s21 =	spop (v2sf);
	v4 =	vld [tilespmem:s19+$0xB10]  }
0x60a: {  	s30 =	simm.s32 $0x2860;
	(v2sf) =	vpush v1, $0x7;
	s19 =	spop (v2sf)  }
0x60b: {  	(v2sf) =	vpush v3, $0xE;
	[tilespmem:s30+$0x0] =	vst v5;
	s18 =	spop (v2sf)  }
0x60c: {  	(v2sf) =	vpush v3, $0xF;
	v5 =	vld [tilespmem:s20+$0xB10];
	[tilespmem:s30+$0xFFFFF800] =	vst v0;
	s24 =	spop (v2sf)  }
0x60d: {  	[tilespmem:s29+$0xFFFFFA10] =	vst v6;
	v0 =	vld [tilespmem:s22+$0xB10];
	s16 =	spop (v2sf)  }
0x60e: {  	v3 =	vld [tilespmem:s0+$0xB00];
	s14 =	spop (v2sf);
	(v2sf) =	vpush v2, $0x2;
	[tilespmem:s29+$0x290] =	vst v4  }
0x60f: {  	s20 =	spop (v2sf);
	v4 =	vld [tilespmem:s24+$0xB00]  }
0x610: {  	s12 =	spop (v2sf)  }
0x611: {  	[tilespmem:s30+$0x10] =	vst v5;
	s25 =	spop (v2sf)  }
0x612: {  	[tilespmem:s30+$0xFFFFF810] =	vst v0;
	v5 =	vld [tilespmem:s25+$0xB00]  }
0x613: {  	[tilespmem:s29+$0xFFFFFA80] =	vst v3;
	v0 =	vld [tilespmem:s23+$0xB00]  }
0x614: {  	v3 =	vld [tilespmem:s0+$0xB10];
	s11 =	spop (v2sf);
	[tilespmem:s29+$0x300] =	vst v4  }
0x615: {  	s7 =	spop (v2sf);
	v4 =	vld [tilespmem:s24+$0xB10]  }
0x616: {  	s6 =	spop (v2sf)  }
0x617: {  	s8 =	spop (v2sf);
	[tilespmem:s30+$0x80] =	vst v5  }
0x618: {  	[tilespmem:s30+$0xFFFFF880] =	vst v0;
	s10 =	spop (v2sf);
	v5 =	vld [tilespmem:s25+$0xB10]  }
0x619: {  	(v2sf) =	vpush v1, $0x8;
	[tilespmem:s29+$0xFFFFFA90] =	vst v3;
	v0 =	vld [tilespmem:s23+$0xB10];
	s26 =	spop (v2sf)  }
0x61a: {  	(v2sf) =	vpush v2, $0x3;
	v3 =	vld [tilespmem:s17+$0xB00];
	s22 =	spop (v2sf);
	[tilespmem:s29+$0x310] =	vst v4  }
0x61b: {  	s24 =	spop (v2sf);
	[dreg:$0xe] =	wrdreg s22  }
0x61c: {  	v4 =	vld [tilespmem:s26+$0xB00];
	[dreg:$0xa] =	wrdreg s24  }
0x61d: {  	s25 =	spop (v2sf);
	[tilespmem:s30+$0x90] =	vst v5  }
0x61e: {  	[tilespmem:s30+$0xFFFFF890] =	vst v0;
	v5 =	vld [tilespmem:s25+$0xB00]  }
0x61f: {  	[tilespmem:s29+$0xFFFFFB00] =	vst v3;
	v0 =	vld [tilespmem:s21+$0xB00]  }
0x620: {  	v3 =	vld [tilespmem:s17+$0xB10];
	_ =	sdelay $0x1  }
0x621: {  	[tilespmem:s29+$0x380] =	vst v4  }
0x622: {  	v4 =	vld [tilespmem:s26+$0xB10];
	[tilespmem:s30+$0x100] =	vst v5  }
0x623: {  	[tilespmem:s30+$0xFFFFF900] =	vst v0;
	v5 =	vld [tilespmem:s25+$0xB10]  }
0x624: {  	(v2sf) =	vpush v1, $0x9;
	[tilespmem:s29+$0xFFFFFB10] =	vst v3;
	v0 =	vld [tilespmem:s21+$0xB10]  }
0x625: {  	v3 =	vld [tilespmem:s15+$0xB00];
	_ =	sdelay $0x1  }
0x626: {  	(v2sf) =	vpush v2, $0x4;
	s17 =	spop (v2sf);
	[tilespmem:s29+$0x390] =	vst v4  }
0x627: {  	s21 =	spop (v2sf);
	v4 =	vld [tilespmem:s17+$0xB00];
	[tilespmem:s30+$0x110] =	vst v5  }
0x628: {  	s22 =	simm.s32 $0x40;
	[tilespmem:s30+$0xFFFFF910] =	vst v0;
	v5 =	vld [tilespmem:s21+$0xB00]  }
0x629: {  	s0 =	simm.s32 $0x50;
	s26 =	sand.u32 $0x180, s22;
	[tilespmem:s29+$0xFFFFFB80] =	vst v3;
	v0 =	vld [tilespmem:s19+$0xB00]  }
0x62a: {  	s25 =	sand.u32 $0x70, s0;
	v3 =	vld [tilespmem:s15+$0xB10];
	s15 =	sor.u32 $0x600, s26  }
0x62b: {  	s26 =	sor.u32 s25, s15  }
0x62c: {  	s0 =	sand.u32 $0x60, s22;
	v6 =	vld [tilespmem:s26+$0x0];
	[tilespmem:s29+$0x400] =	vst v4  }
0x62d: {  	s15 =	sor.u32 s0, s15;
	v4 =	vld [tilespmem:s17+$0xB10];
	[tilespmem:s30+$0x180] =	vst v5  }
0x62e: {  	v7 =	vld [tilespmem:s15+$0x0];
	[tilespmem:s30+$0xFFFFF980] =	vst v0  }
0x62f: {  	(v2sf) =	vpush v1, $0xA;
	[tilespmem:s29+$0xFFFFFB90] =	vst v3;
	v3 =	vld [tilespmem:s19+$0xB10]  }
0x630: {  	v5 =	vld [tilespmem:s21+$0xB10]  }
0x631: {  	v8 =	vld [tilespmem:s13+$0xB00]  }
0x632: {  	(v2sf) =	vpush v2, $0x5;
	s21 =	spop (v2sf);
	[tilespmem:s29+$0x410] =	vst v4  }
0x633: {  	v4 =	vld [tilespmem:s21+$0xB00]  }
0x634: {  	[tilespmem:s30+$0xFFFFF990] =	vst v3  }
0x635: {  	s22 =	spop (v2sf);
	v0 =	vshll.u32 v6, $0x5;
	[tilespmem:s30+$0x190] =	vst v5;
	v3 =	vld [tilespmem:s18+$0xB00]  }
0x636: {  	v6 =	vshll.u32 v7, $0x5;
	(v2sf) =	vpush v0, $0x0;
	[tilespmem:s29+$0xFFFFFC00] =	vst v8;
	v5 =	vld [tilespmem:s22+$0xB00]  }
0x637: {  	(v2sf) =	vpush v6, $0x0;
	v7 =	vld [tilespmem:s13+$0xB10]  }
0x638: {  	(v2sf) =	vpush v1, $0xB;
	[tilespmem:s29+$0x480] =	vst v4  }
0x639: {  	(v2sf) =	vpush v6, $0x1;
	v4 =	vld [tilespmem:s21+$0xB10]  }
0x63a: {  	(v2sf) =	vpush v6, $0x2;
	[tilespmem:s30+$0xFFFFFA00] =	vst v3  }
0x63b: {  	(v2sf) =	vpush v6, $0x3;
	[tilespmem:s30+$0x200] =	vst v5;
	v3 =	vld [tilespmem:s18+$0xB10]  }
0x63c: {  	(v2sf) =	vpush v6, $0x4;
	[tilespmem:s29+$0xFFFFFC10] =	vst v7;
	v5 =	vld [tilespmem:s22+$0xB10]  }
0x63d: {  	(v2sf) =	vpush v2, $0x6;
	v7 =	vld [tilespmem:s2+$0xB00]  }
0x63e: {  	s23 =	spop (v2sf);
	(v2sf) =	vpush v6, $0x5;
	[tilespmem:s29+$0x490] =	vst v4  }
0x63f: {  	(v2sf) =	vpush v6, $0x6;
	v4 =	vld [tilespmem:s23+$0xB00]  }
0x640: {  	(v2sf) =	vpush v6, $0x7;
	[tilespmem:s30+$0xFFFFFA10] =	vst v3  }
0x641: {  	s24 =	spop (v2sf);
	(v2sf) =	vpush v6, $0x8;
	[tilespmem:s30+$0x210] =	vst v5;
	v3 =	vld [tilespmem:s16+$0xB00]  }
0x642: {  	(v2sf) =	vpush v0, $0x1;
	[tilespmem:s29+$0xFFFFFC80] =	vst v7;
	v5 =	vld [tilespmem:s24+$0xB00]  }
0x643: {  	(v2sf) =	vpush v6, $0x9;
	v7 =	vld [tilespmem:s2+$0xB10]  }
0x644: {  	(v2sf) =	vpush v1, $0xC;
	[tilespmem:s29+$0x500] =	vst v4  }
0x645: {  	s25 =	spop (v2sf);
	(v2sf) =	vpush v6, $0xA;
	v4 =	vld [tilespmem:s23+$0xB10]  }
0x646: {  	v8 =	vld [tilespmem:s25+$0xB00];
	s17 =	spop (v2sf);
	[tilespmem:s30+$0xFFFFFA80] =	vst v3  }
0x647: {  	(v2sf) =	vpush v6, $0xB;
	s18 =	spop (v2sf);
	[tilespmem:s30+$0x280] =	vst v5;
	v3 =	vld [tilespmem:s16+$0xB10]  }
0x648: {  	(v2sf) =	vpush v6, $0xC;
	s28 =	spop (v2sf);
	[tilespmem:s29+$0xFFFFFC90] =	vst v7;
	v5 =	vld [tilespmem:s24+$0xB10]  }
0x649: {  	s26 =	spop (v2sf);
	v7 =	vld [tilespmem:s3+$0xB00]  }
0x64a: {  	s2 =	simm.s32 $0x3860;
	v9 =	vld [tilespmem:s17+$0xB00];
	s24 =	spop (v2sf);
	[tilespmem:s29+$0x510] =	vst v4  }
0x64b: {  	(v2sf) =	vpush v6, $0xD;
	[tilespmem:s2+$0x0] =	vst v8;
	s22 =	spop (v2sf);
	v4 =	vld [tilespmem:s18+$0xB00]  }
0x64c: {  	(v2sf) =	vpush v2, $0x7;
	v8 =	vld [tilespmem:s25+$0xB10];
	s0 =	spop (v2sf);
	[tilespmem:s30+$0xFFFFFA90] =	vst v3  }
0x64d: {  	(v2sf) =	vpush v6, $0xE;
	s23 =	spop (v2sf);
	[tilespmem:s30+$0x290] =	vst v5;
	v3 =	vld [tilespmem:s14+$0xB00]  }
0x64e: {  	(v2sf) =	vpush v6, $0xF;
	s25 =	spop (v2sf);
	[tilespmem:s29+$0xFFFFFD00] =	vst v7;
	v5 =	vld [tilespmem:s0+$0xB00]  }
0x64f: {  	[tilespmem:s2+$0xFFFFF800] =	vst v9;
	s21 =	spop (v2sf);
	v6 =	vld [tilespmem:s3+$0xB10]  }
0x650: {  	(v2sf) =	vpush v0, $0x2;
	s19 =	spop (v2sf);
	[tilespmem:s29+$0x580] =	vst v4  }
0x651: {  	[tilespmem:s2+$0x10] =	vst v8;
	s15 =	spop (v2sf);
	v4 =	vld [tilespmem:s18+$0xB10]  }
0x652: {  	v7 =	vld [tilespmem:s15+$0xB00];
	s18 =	spop (v2sf);
	[tilespmem:s30+$0xFFFFFB00] =	vst v3  }
0x653: {  	[tilespmem:s30+$0x300] =	vst v5;
	s29 =	spop (v2sf);
	v3 =	vld [tilespmem:s14+$0xB10];
	s14 =	simm.s32 $0x1860  }
0x654: {  	v8 =	vld [tilespmem:s17+$0xB10];
	s16 =	spop (v2sf);
	[tilespmem:s14+$0xFFFFFD10] =	vst v6  }
0x655: {  	(v2sf) =	vpush v1, $0xD;
	v5 =	vld [tilespmem:s0+$0xB10];
	[dreg:$0x1a] =	wrdreg s16  }
0x656: {  	s3 =	spop (v2sf);
	[tilespmem:s14+$0x590] =	vst v4  }
0x657: {  	s17 =	spop (v2sf);
	v6 =	vld [tilespmem:s9+$0xB00];
	[tilespmem:s2+$0x80] =	vst v7  }
0x658: {  	(v2sf) =	vpush v2, $0x8;
	v4 =	vld [tilespmem:s29+$0xB00];
	[dreg:$0x16] =	wrdreg s17  }
0x659: {  	[tilespmem:s2+$0xFFFFF810] =	vst v8  }
0x65a: {  	s17 =	spop (v2sf);
	v7 =	vld [tilespmem:s15+$0xB10];
	[tilespmem:s30+$0x310] =	vst v5  }
0x65b: {  	s15 =	smov.u32 s31;
	s31 =	spop (v2sf);
	[tilespmem:s30+$0xFFFFFB10] =	vst v3;
	v8 =	vld [tilespmem:s28+$0xB00]  }
0x65c: {  	(v2sf) =	vpush v0, $0x3;
	v5 =	vld [tilespmem:s31+$0xB00];
	s16 =	spop (v2sf);
	[tilespmem:s14+$0xFFFFFD80] =	vst v6  }
0x65d: {  	v3 =	vld [tilespmem:s20+$0xB00];
	s13 =	spop (v2sf);
	[tilespmem:s14+$0x600] =	vst v4  }
0x65e: {  	v6 =	vld [tilespmem:s9+$0xB10];
	[dreg:$0x11] =	wrdreg s13  }
0x65f: {  	v4 =	vld [tilespmem:s29+$0xB10];
	[tilespmem:s2+$0x90] =	vst v7;
	s29 =	spop (v2sf)  }
0x660: {  	[tilespmem:s2+$0xFFFFF880] =	vst v8;
	v7 =	vld [tilespmem:s29+$0xB00]  }
0x661: {  	[tilespmem:s30+$0x380] =	vst v5;
	v8 =	vld [tilespmem:s28+$0xB10]  }
0x662: {  	[tilespmem:s30+$0xFFFFFB80] =	vst v3;
	v5 =	vld [tilespmem:s31+$0xB10]  }
0x663: {  	(v2sf) =	vpush v1, $0xE;
	v3 =	vld [tilespmem:s20+$0xB10];
	[tilespmem:s14+$0xFFFFFD90] =	vst v6  }
0x664: {  	s0 =	spop (v2sf);
	v6 =	vld [tilespmem:s1+$0xB00];
	[tilespmem:s14+$0x610] =	vst v4  }
0x665: {  	v4 =	vld [tilespmem:s0+$0xB00];
	[tilespmem:s2+$0x100] =	vst v7  }
0x666: {  	(v2sf) =	vpush v2, $0x9;
	[tilespmem:s2+$0xFFFFF890] =	vst v8;
	v7 =	vld [tilespmem:s29+$0xB10]  }
0x667: {  	s13 =	spop (v2sf);
	[tilespmem:s30+$0x390] =	vst v5;
	v8 =	vld [tilespmem:s26+$0xB00]  }
0x668: {  	[tilespmem:s30+$0xFFFFFB90] =	vst v3;
	v5 =	vld [tilespmem:s13+$0xB00]  }
0x669: {  	v3 =	vld [tilespmem:s12+$0xB00];
	[tilespmem:s14+$0xFFFFFE00] =	vst v6  }
0x66a: {  	(v2sf) =	vpush v0, $0x4;
	v6 =	vld [tilespmem:s1+$0xB10];
	[tilespmem:s14+$0x680] =	vst v4  }
0x66b: {  	s1 =	spop (v2sf);
	v4 =	vld [tilespmem:s0+$0xB10];
	[tilespmem:s2+$0x110] =	vst v7  }
0x66c: {  	s20 =	simm.s32 $0x60;
	[tilespmem:s2+$0xFFFFF900] =	vst v8;
	v7 =	vld [tilespmem:s1+$0xB00]  }
0x66d: {  	s28 =	simm.s32 $0x70;
	s29 =	sand.u32 $0x180, s20;
	[tilespmem:s30+$0x400] =	vst v5;
	v8 =	vld [tilespmem:s26+$0xB10]  }
0x66e: {  	s31 =	sor.u32 $0x600, s29;
	s0 =	sand.u32 $0x70, s28;
	[tilespmem:s30+$0xFFFFFC00] =	vst v3;
	v5 =	vld [tilespmem:s13+$0xB10]  }
0x66f: {  	(v2sf) =	vpush v1, $0xF;
	v3 =	vld [tilespmem:s12+$0xB10];
	s13 =	sor.u32 s0, s31  }
0x670: {  	s26 =	sand.u32 $0x60, s20;
	v59 =	vld [tilespmem:s13+$0x0];
	[tilespmem:s14+$0xFFFFFE10] =	vst v6  }
0x671: {  	s9 =	sor.u32 s26, s31;
	v6 =	vld [tilespmem:s5+$0xB00];
	[tilespmem:s14+$0x690] =	vst v4  }
0x672: {  	(v2sf) =	vpush v2, $0xA;
	s29 =	spop (v2sf);
	[tilespmem:s2+$0x180] =	vst v7;
	v7 =	vld [tilespmem:s9+$0x0]  }
0x673: {  	[tilespmem:s2+$0xFFFFF910] =	vst v8;
	v8 =	vld [tilespmem:s29+$0xB00]  }
0x674: {  	v1 =	vld [tilespmem:s1+$0xB10]  }
0x675: {  	s31 =	spop (v2sf);
	[tilespmem:s30+$0x410] =	vst v5;
	v4 =	vld [tilespmem:s24+$0xB00]  }
0x676: {  	(v2sf) =	vpush v0, $0x5;
	[tilespmem:s30+$0xFFFFFC10] =	vst v3;
	v5 =	vld [tilespmem:s31+$0xB00]  }
0x677: {  	v3 =	vld [tilespmem:s11+$0xB00];
	[tilespmem:s14+$0xFFFFFE80] =	vst v6  }
0x678: {  	v6 =	vld [tilespmem:s5+$0xB10];
	[tilespmem:s14+$0x700] =	vst v8  }
0x679: {  	s0 =	spop (v2sf);
	[tilespmem:s2+$0x190] =	vst v1;
	v1 =	vshll.u32 v59, $0x5;
	v8 =	vld [tilespmem:s29+$0xB10]  }
0x67a: {  	v7 =	vshll.u32 v7, $0x5;
	[tilespmem:s2+$0xFFFFF980] =	vst v4;
	v4 =	vld [tilespmem:s0+$0xB00];
	(v2sf) =	vpush v1, $0x0  }
0x67b: {  	[tilespmem:s30+$0x480] =	vst v5;
	v60 =	vld [tilespmem:s24+$0xB10];
	(v2sf) =	vpush v7, $0x0  }
0x67c: {  	[tilespmem:s30+$0xFFFFFC80] =	vst v3;
	v5 =	vld [tilespmem:s31+$0xB10];
	(v2sf) =	vpush v2, $0xB  }
0x67d: {  	v3 =	vld [tilespmem:s11+$0xB10];
	[tilespmem:s14+$0xFFFFFE90] =	vst v6;
	(v2sf) =	vpush v7, $0x1  }
0x67e: {  	s9 =	spop (v2sf);
	v6 =	vld [tilespmem:s4+$0xB00];
	(v2sf) =	vpush v7, $0x2;
	[tilespmem:s14+$0x710] =	vst v8  }
0x67f: {  	[tilespmem:s2+$0x200] =	vst v4;
	(v2sf) =	vpush v7, $0x3;
	v61 =	vld [tilespmem:s9+$0xB00]  }
0x680: {  	[tilespmem:s2+$0xFFFFF990] =	vst v60;
	v4 =	vld [tilespmem:s0+$0xB10];
	(v2sf) =	vpush v7, $0x4  }
0x681: {  	s11 =	spop (v2sf);
	[tilespmem:s30+$0x490] =	vst v5;
	v8 =	vld [tilespmem:s22+$0xB00];
	(v2sf) =	vpush v0, $0x6  }
0x682: {  	[tilespmem:s30+$0xFFFFFC90] =	vst v3;
	v5 =	vld [tilespmem:s11+$0xB00];
	(v2sf) =	vpush v7, $0x5  }
0x683: {  	v3 =	vld [tilespmem:s7+$0xB00];
	[tilespmem:s14+$0xFFFFFF00] =	vst v6;
	(v2sf) =	vpush v7, $0x6  }
0x684: {  	v6 =	vld [tilespmem:s4+$0xB10];
	(v2sf) =	vpush v7, $0x7;
	[tilespmem:s14+$0x780] =	vst v61  }
0x685: {  	s12 =	spop (v2sf);
	[tilespmem:s2+$0x210] =	vst v4;
	(v2sf) =	vpush v7, $0x8;
	v9 =	vld [tilespmem:s9+$0xB10]  }
0x686: {  	[tilespmem:s2+$0xFFFFFA00] =	vst v8;
	v4 =	vld [tilespmem:s12+$0xB00];
	(v2sf) =	vpush v1, $0x1  }
0x687: {  	[tilespmem:s30+$0x500] =	vst v5;
	v8 =	vld [tilespmem:s22+$0xB10];
	(v2sf) =	vpush v7, $0x9  }
0x688: {  	[tilespmem:s30+$0xFFFFFD00] =	vst v3;
	v5 =	vld [tilespmem:s11+$0xB10];
	(v2sf) =	vpush v2, $0xC  }
0x689: {  	v3 =	vld [tilespmem:s7+$0xB10];
	[tilespmem:s14+$0xFFFFFF10] =	vst v6;
	(v2sf) =	vpush v7, $0xA;
	s13 =	spop (v2sf)  }
0x68a: {  	v6 =	vld [tilespmem:s15+$0xB00];
	s29 =	spop (v2sf);
	(v2sf) =	vpush v7, $0xB;
	[tilespmem:s14+$0x790] =	vst v9  }
0x68b: {  	v62 =	vld [tilespmem:s13+$0xB00];
	[tilespmem:s2+$0x280] =	vst v4;
	(v2sf) =	vpush v7, $0xC;
	s31 =	spop (v2sf)  }
0x68c: {  	[tilespmem:s2+$0xFFFFFA10] =	vst v8;
	v4 =	vld [tilespmem:s12+$0xB10];
	s28 =	spop (v2sf)  }
0x68d: {  	[tilespmem:s30+$0x510] =	vst v5;
	v8 =	vld [tilespmem:s23+$0xB00];
	(v2sf) =	vpush v7, $0xD;
	s26 =	spop (v2sf)  }
0x68e: {  	[tilespmem:s30+$0xFFFFFD10] =	vst v3;
	v5 =	vld [tilespmem:s31+$0xB00];
	(v2sf) =	vpush v0, $0x7;
	s22 =	spop (v2sf)  }
0x68f: {  	s24 =	simm.s32 $0x4860;
	[tilespmem:s14+$0xFFFFFF80] =	vst v6;
	v6 =	vld [tilespmem:s29+$0xB00];
	s20 =	spop (v2sf)  }
0x690: {  	v3 =	vld [tilespmem:s6+$0xB00];
	[tilespmem:s24+$0x0] =	vst v62;
	s0 =	spop (v2sf)  }
0x691: {  	v9 =	vld [tilespmem:s13+$0xB10];
	[tilespmem:s2+$0x290] =	vst v4;
	s12 =	spop (v2sf)  }
0x692: {  	[tilespmem:s2+$0xFFFFFA80] =	vst v8;
	v4 =	vld [tilespmem:s0+$0xB00];
	s9 =	spop (v2sf)  }
0x693: {  	[tilespmem:s30+$0x580] =	vst v5;
	v8 =	vld [tilespmem:s23+$0xB10];
	s7 =	spop (v2sf)  }
0x694: {  	(v2sf) =	vpush v7, $0xE;
	v5 =	vld [tilespmem:s31+$0xB10];
	[tilespmem:s24+$0xFFFFF800] =	vst v6;
	s23 =	spop (v2sf)  }
0x695: {  	(v2sf) =	vpush v7, $0xF;
	[tilespmem:s30+$0xFFFFFD80] =	vst v3;
	v6 =	vld [tilespmem:s29+$0xB10];
	s29 =	spop (v2sf)  }
0x696: {  	(v2sf) =	vpush v1, $0x2;
	[tilespmem:s24+$0x10] =	vst v9;
	s1 =	spop (v2sf)  }
0x697: {  	v3 =	vld [tilespmem:s6+$0xB10];
	(v2sf) =	vpush v2, $0xD;
	[tilespmem:s2+$0x300] =	vst v4;
	s31 =	spop (v2sf)  }
0x698: {  	[tilespmem:s2+$0xFFFFFA90] =	vst v8;
	v4 =	vld [tilespmem:s0+$0xB10];
	s11 =	spop (v2sf)  }
0x699: {  	[tilespmem:s30+$0x590] =	vst v5;
	v7 =	vld [tilespmem:s25+$0xB00];
	s6 =	spop (v2sf)  }
0x69a: {  	(v2sf) =	vpush v0, $0x8;
	v8 =	vld [tilespmem:s29+$0xB00];
	[tilespmem:s24+$0xFFFFF810] =	vst v6;
	s13 =	spop (v2sf)  }
0x69b: {  	v5 =	vld [tilespmem:s31+$0xB00];
	[dreg:$0x1d] =	wrdreg s13  }
0x69c: {  	s5 =	spop (v2sf);
	v6 =	vld [tilespmem:s28+$0xB00];
	[tilespmem:s30+$0xFFFFFD90] =	vst v3  }
0x69d: {  	s13 =	spop (v2sf);
	v3 =	vld [tilespmem:s8+$0xB00];
	[tilespmem:s2+$0x310] =	vst v4  }
0x69e: {  	[tilespmem:s2+$0xFFFFFB00] =	vst v7;
	v4 =	vld [tilespmem:s13+$0xB00]  }
0x69f: {  	[tilespmem:s24+$0x80] =	vst v8;
	v7 =	vld [tilespmem:s25+$0xB10]  }
0x6a0: {  	v8 =	vld [tilespmem:s29+$0xB10];
	[tilespmem:s30+$0x600] =	vst v5  }
0x6a1: {  	v5 =	vld [tilespmem:s31+$0xB10];
	[tilespmem:s24+$0xFFFFF880] =	vst v6  }
0x6a2: {  	s4 =	smov.u32 s8;
	(v2sf) =	vpush v1, $0x3;
	v6 =	vld [tilespmem:s28+$0xB10];
	[tilespmem:s30+$0xFFFFFE00] =	vst v3  }
0x6a3: {  	(v2sf) =	vpush v2, $0xE;
	s25 =	spop (v2sf);
	v3 =	vld [tilespmem:s4+$0xB10];
	[tilespmem:s2+$0x380] =	vst v4  }
0x6a4: {  	s8 =	spop (v2sf);
	[tilespmem:s2+$0xFFFFFB10] =	vst v7;
	v4 =	vld [tilespmem:s13+$0xB10]  }
0x6a5: {  	[tilespmem:s24+$0x90] =	vst v8;
	s28 =	spop (v2sf);
	v7 =	vld [tilespmem:s21+$0xB00]  }
0x6a6: {  	[tilespmem:s30+$0x610] =	vst v5;
	v8 =	vld [tilespmem:s28+$0xB00];
	s4 =	spop (v2sf)  }
0x6a7: {  	v5 =	vld [tilespmem:s4+$0xB00];
	[tilespmem:s24+$0xFFFFF890] =	vst v6  }
0x6a8: {  	v6 =	vld [tilespmem:s26+$0xB00];
	[tilespmem:s30+$0xFFFFFE10] =	vst v3  }
0x6a9: {  	s13 =	spop (v2sf);
	v3 =	vld [tilespmem:s10+$0xB00];
	[tilespmem:s2+$0x390] =	vst v4  }
0x6aa: {  	[tilespmem:s2+$0xFFFFFB80] =	vst v7;
	v4 =	vld [tilespmem:s13+$0xB00]  }
0x6ab: {  	[tilespmem:s24+$0x100] =	vst v8;
	v7 =	vld [tilespmem:s21+$0xB10]  }
0x6ac: {  	v8 =	vld [tilespmem:s28+$0xB10];
	[tilespmem:s30+$0x680] =	vst v5  }
0x6ad: {  	v63 =	vld [tilespmem:s4+$0xB10];
	[tilespmem:s24+$0xFFFFF900] =	vst v6  }
0x6ae: {  	v6 =	vld [tilespmem:s26+$0xB10];
	[tilespmem:s30+$0xFFFFFE80] =	vst v3  }
0x6af: {  	(v2sf) =	vpush v0, $0x9;
	v3 =	vld [tilespmem:s10+$0xB10];
	[tilespmem:s2+$0x400] =	vst v4  }
0x6b0: {  	[tilespmem:s2+$0xFFFFFB90] =	vst v7;
	v4 =	vld [tilespmem:s13+$0xB10]  }
0x6b1: {  	(v2sf) =	vpush v1, $0x4;
	s28 =	spop (v2sf);
	[tilespmem:s24+$0x110] =	vst v8;
	v5 =	vld [tilespmem:s19+$0xB00]  }
0x6b2: {  	(v2sf) =	vpush v2, $0xF;
	s21 =	simm.s32 $0x80;
	s26 =	spop (v2sf);
	s10 =	simm.s32 $0x6;
	v2 =	vld [tilespmem:s28+$0xB00];
	[tilespmem:s30+$0x690] =	vst v63  }
.LBB2_8:
0x6b3: {  	_ =	sdelay $0x2  }
0x6b4: {  	[tilespmem:s24+$0xFFFFF910] =	vst v6  }
0x6b5: {  	v7 =	vld [tilespmem:s22+$0xB00];
	[tilespmem:s2+$0xFFFFFC00] =	vst v5  }
0x6b6: {  	s31 =	sand.u32 $0x180, s21;
	s13 =	sadd.s32 $0x10, s21;
	v5 =	vld [tilespmem:s19+$0xB10]  }
0x6b7: {  	s31 =	sor.u32 $0x600, s31;
	s13 =	sand.u32 $0x70, s13  }
0x6b8: {  	v6 =	vld [tilespmem:s26+$0xB00];
	s13 =	sor.u32 s13, s31;
	[tilespmem:s30+$0xFFFFFE90] =	vst v3  }
0x6b9: {  	s29 =	sand.u32 $0x60, s21;
	(v2sf) =	vpush v0, $0xA;
	v3 =	vld [tilespmem:s13+$0x0];
	[tilespmem:s24+$0x180] =	vst v2  }
0x6ba: {  	s29 =	sor.u32 s29, s31;
	v2 =	vld [tilespmem:s28+$0xB10];
	[tilespmem:s24+$0xFFFFF980] =	vst v7  }
0x6bb: {  	v7 =	vld [tilespmem:s29+$0x0];
	[tilespmem:s2+$0xFFFFFC10] =	vst v5  }
0x6bc: {  	[smem:$0x7E9] =	sst s5;
	s5 =	smov.u32 s23;
	[tilespmem:s2+$0x410] =	vst v4;
	v5 =	vld [tilespmem:s22+$0xB10];
	s23 =	spop (v2sf)  }
0x6bd: {  	v4 =	vld [tilespmem:s23+$0xB00]  }
0x6be: {  	[tilespmem:s30+$0x700] =	vst v6  }
0x6bf: {  	v6 =	vld [tilespmem:s26+$0xB10]  }
0x6c0: {  	v8 =	vld [tilespmem:s18+$0xB00];
	(v2sf) =	vpush v1, $0x5;
	s31 =	spop (v2sf);
	[tilespmem:s24+$0x190] =	vst v2  }
0x6c1: {  	s0 =	rddreg [dreg:$0xe];
	v9 =	vld [tilespmem:s31+$0xB00];
	[tilespmem:s24+$0xFFFFF990] =	vst v5  }
0x6c2: {  	v5 =	vld [tilespmem:s0+$0xB00];
	[tilespmem:s2+$0x480] =	vst v4  }
0x6c3: {  	v2 =	vshll.u32 v3, $0x5;
	v3 =	vld [tilespmem:s23+$0xB10]  }
0x6c4: {  	s4 =	spop (v2sf);
	v4 =	vshll.u32 v7, $0x5;
	v7 =	vld [tilespmem:s20+$0xB00];
	[tilespmem:s30+$0x710] =	vst v6  }
0x6c5: {  	(v2sf) =	vpush v2, $0x0;
	[tilespmem:s2+$0xFFFFFC80] =	vst v8;
	v6 =	vld [tilespmem:s4+$0xB00]  }
0x6c6: {  	(v2sf) =	vpush v4, $0x0;
	[tilespmem:s24+$0x200] =	vst v9  }
0x6c7: {  	v8 =	vld [tilespmem:s18+$0xB10];
	(v2sf) =	vpush v0, $0xB;
	[tilespmem:s30+$0xFFFFFF00] =	vst v5  }
0x6c8: {  	s19 =	smov.u32 s1;
	s1 =	spop (v2sf);
	(v2sf) =	vpush v4, $0x1;
	v9 =	vld [tilespmem:s31+$0xB10];
	[tilespmem:s2+$0x490] =	vst v3  }
0x6c9: {  	(v2sf) =	vpush v4, $0x2;
	[tilespmem:s24+$0xFFFFFA00] =	vst v7;
	v3 =	vld [tilespmem:s1+$0xB00]  }
0x6ca: {  	(v2sf) =	vpush v4, $0x3;
	[tilespmem:s30+$0x780] =	vst v6;
	v6 =	vld [tilespmem:s0+$0xB10]  }
0x6cb: {  	(v2sf) =	vpush v4, $0x4;
	v7 =	vld [tilespmem:s20+$0xB10]  }
0x6cc: {  	(v2sf) =	vpush v1, $0x6;
	[tilespmem:s2+$0xFFFFFC90] =	vst v8;
	v5 =	vld [tilespmem:s4+$0xB10]  }
0x6cd: {  	(v2sf) =	vpush v4, $0x5;
	[tilespmem:s24+$0x210] =	vst v9;
	s4 =	rddreg [dreg:$0x1a]  }
0x6ce: {  	(v2sf) =	vpush v4, $0x6;
	v8 =	vld [tilespmem:s4+$0xB00];
	[tilespmem:s2+$0x500] =	vst v3  }
0x6cf: {  	s18 =	smov.u32 s25;
	s25 =	rddreg [dreg:$0xa];
	s23 =	spop (v2sf);
	(v2sf) =	vpush v4, $0x7;
	v3 =	vld [tilespmem:s15+$0xB10];
	[tilespmem:s30+$0xFFFFFF10] =	vst v6  }
0x6d0: {  	s22 =	smov.u32 s16;
	s16 =	smov.u32 s25;
	(v2sf) =	vpush v4, $0x8;
	[tilespmem:s24+$0xFFFFFA10] =	vst v7;
	v9 =	vld [tilespmem:s23+$0xB00]  }
0x6d1: {  	(v2sf) =	vpush v2, $0x1;
	[tilespmem:s30+$0x790] =	vst v5;
	v6 =	vld [tilespmem:s16+$0xB00]  }
0x6d2: {  	(v2sf) =	vpush v4, $0x9;
	v5 =	vld [tilespmem:s1+$0xB10]  }
0x6d3: {  	v7 =	vld [tilespmem:s12+$0xB00];
	[tilespmem:s2+$0xFFFFFD00] =	vst v8;
	(v2sf) =	vpush v0, $0xC  }
0x6d4: {  	s31 =	smov.u32 s8;
	s8 =	spop (v2sf);
	(v2sf) =	vpush v4, $0xA;
	v8 =	vld [tilespmem:s4+$0xB10];
	[tilespmem:s14+$0xFFFFFF90] =	vst v3  }
0x6d5: {  	[dreg:$0xe] =	wrdreg s22;
	s15 =	smov.u32 s30;
	v3 =	vld [tilespmem:s8+$0xB00];
	s14 =	spop (v2sf);
	(v2sf) =	vpush v4, $0xB;
	[tilespmem:s24+$0x280] =	vst v9  }
0x6d6: {  	s26 =	rddreg [dreg:$0x11];
	s30 =	smov.u32 s2;
	(v2sf) =	vpush v4, $0xC;
	[tilespmem:s15+$0xFFFFFF80] =	vst v6;
	v9 =	vld [tilespmem:s23+$0xB10];
	s23 =	spop (v2sf)  }
0x6d7: {  	s22 =	smov.u32 s11;
	[dreg:$0x11] =	wrdreg s31;
	[tilespmem:s30+$0x510] =	vst v5;
	v6 =	vld [tilespmem:s14+$0xB00];
	s31 =	spop (v2sf);
	(v2sf) =	vpush v4, $0xD  }
0x6d8: {  	s29 =	smov.u32 s26;
	[dreg:$0x1a] =	wrdreg s22;
	[tilespmem:s24+$0xFFFFFA80] =	vst v7;
	v5 =	vld [tilespmem:s23+$0xB00];
	s26 =	spop (v2sf);
	(v2sf) =	vpush v1, $0x7  }
0x6d9: {  	s2 =	smov.u32 s24;
	s24 =	sadd.s32 $0x1000, s24;
	v7 =	vld [tilespmem:s12+$0xB10];
	[tilespmem:s30+$0xFFFFFD10] =	vst v8;
	s22 =	spop (v2sf)  }
0x6da: {  	(v2sf) =	vpush v4, $0xE;
	[tilespmem:s24+$0x0] =	vst v3;
	v3 =	vld [tilespmem:s3+$0xB00];
	s20 =	spop (v2sf)  }
0x6db: {  	(v2sf) =	vpush v4, $0xF;
	v4 =	vld [tilespmem:s8+$0xB10];
	[tilespmem:s2+$0x290] =	vst v9;
	s25 =	spop (v2sf)  }
0x6dc: {  	[tilespmem:s24+$0xFFFFF800] =	vst v6;
	s12 =	spop (v2sf);
	v8 =	vld [tilespmem:s25+$0xB00]  }
0x6dd: {  	[dreg:$0xa] =	wrdreg s29;
	[tilespmem:s30+$0x580] =	vst v5;
	v6 =	vld [tilespmem:s14+$0xB10];
	s29 =	spop (v2sf)  }
0x6de: {  	[tilespmem:s2+$0xFFFFFA90] =	vst v7;
	(v2sf) =	vpush v2, $0x2;
	v5 =	vld [tilespmem:s23+$0xB10];
	s28 =	spop (v2sf)  }
0x6df: {  	v7 =	vld [tilespmem:s9+$0xB00];
	[tilespmem:s30+$0xFFFFFD80] =	vst v3;
	s23 =	spop (v2sf)  }
0x6e0: {  	(v2sf) =	vpush v0, $0xD;
	[tilespmem:s24+$0x10] =	vst v4;
	v3 =	vld [tilespmem:s3+$0xB10];
	s0 =	spop (v2sf)  }
0x6e1: {  	v4 =	vld [tilespmem:s0+$0xB00];
	s1 =	spop (v2sf);
	[tilespmem:s2+$0x300] =	vst v8  }
0x6e2: {  	[tilespmem:s24+$0xFFFFF810] =	vst v6;
	v8 =	vld [tilespmem:s25+$0xB10];
	s13 =	spop (v2sf)  }
0x6e3: {  	[tilespmem:s30+$0x590] =	vst v5;
	v6 =	vld [tilespmem:s31+$0xB00];
	s11 =	spop (v2sf)  }
0x6e4: {  	s4 =	smov.u32 s6;
	[tilespmem:s2+$0xFFFFFB00] =	vst v7;
	v5 =	vld [tilespmem:s13+$0xB00];
	s6 =	spop (v2sf)  }
0x6e5: {  	s3 =	rddreg [dreg:$0x16];
	v7 =	vld [tilespmem:s9+$0xB10];
	(v2sf) =	vpush v1, $0x8;
	[tilespmem:s30+$0xFFFFFD90] =	vst v3;
	s14 =	spop (v2sf)  }
0x6e6: {  	s9 =	smov.u32 s29;
	v3 =	vld [tilespmem:s3+$0xB00];
	[tilespmem:s24+$0x80] =	vst v4;
	s29 =	spop (v2sf)  }
0x6e7: {  	v4 =	vld [tilespmem:s0+$0xB10];
	[tilespmem:s2+$0x310] =	vst v8;
	s0 =	spop (v2sf)  }
0x6e8: {  	[tilespmem:s24+$0xFFFFF880] =	vst v6;
	v8 =	vld [tilespmem:s0+$0xB00]  }
0x6e9: {  	s25 =	spop (v2sf);
	[tilespmem:s30+$0x600] =	vst v5;
	v6 =	vld [tilespmem:s31+$0xB10]  }
0x6ea: {  	[tilespmem:s2+$0xFFFFFB10] =	vst v7;
	s8 =	spop (v2sf);
	(v2sf) =	vpush v2, $0x3;
	v5 =	vld [tilespmem:s13+$0xB10]  }
0x6eb: {  	v7 =	vld [tilespmem:s7+$0xB00];
	[tilespmem:s30+$0xFFFFFE00] =	vst v3  }
0x6ec: {  	(v2sf) =	vpush v0, $0xE;
	v3 =	vld [tilespmem:s3+$0xB10];
	s3 =	smov.u32 s4;
	s4 =	rddreg [dreg:$0x1d]  }
0x6ed: {  	[tilespmem:s24+$0x90] =	vst v4;
	s13 =	spop (v2sf);
	s31 =	smov.u32 s4  }
0x6ee: {  	[dreg:$0x16] =	wrdreg s31;
	s31 =	smov.u32 s14;
	v4 =	vld [tilespmem:s13+$0xB00];
	[tilespmem:s2+$0x380] =	vst v8  }
0x6ef: {  	[dreg:$0x1d] =	wrdreg s31;
	v8 =	vld [tilespmem:s0+$0xB10];
	[tilespmem:s30+$0x610] =	vst v5;
	s31 =	spop (v2sf)  }
0x6f0: {  	[tilespmem:s24+$0xFFFFF890] =	vst v6;
	v5 =	vld [tilespmem:s31+$0xB00]  }
0x6f1: {  	v6 =	vld [tilespmem:s26+$0xB00];
	[tilespmem:s2+$0xFFFFFB80] =	vst v7  }
0x6f2: {  	v7 =	vld [tilespmem:s7+$0xB10];
	[tilespmem:s30+$0xFFFFFE10] =	vst v3  }
0x6f3: {  	v3 =	vld [tilespmem:s17+$0xB00];
	[tilespmem:s24+$0x100] =	vst v4  }
0x6f4: {  	v4 =	vld [tilespmem:s13+$0xB10];
	[tilespmem:s2+$0x390] =	vst v8;
	s4 =	spop (v2sf)  }
0x6f5: {  	s10 =	sadd.s32 $0x2, s10;
	v8 =	vld [tilespmem:s4+$0xB00];
	[tilespmem:s30+$0x680] =	vst v5  }
0x6f6: {  	p0 =	slt.u32 s10, $0x1E;
	[tilespmem:s24+$0xFFFFF900] =	vst v6;
	v9 =	vld [tilespmem:s31+$0xB10]  }
.Ltmp3:
0x6f7: {  	v6 =	vld [tilespmem:s26+$0xB10];
	[tilespmem:s2+$0xFFFFFB90] =	vst v7;
	(pc) =	sbr.rel @p0 .LBB2_8-.Ltmp3, $4  }
0x6f8: {  	s21 =	sadd.s32 $0x20, s21;
	s14 =	smov.u32 s15;
	(v2sf) =	vpush v1, $0x9;
	v5 =	vld [tilespmem:s5+$0xB00];
	s31 =	sld [smem:$0x7E9];
	[tilespmem:s30+$0xFFFFFE80] =	vst v3  }
0x6f9: {  	s15 =	smov.u32 s16;
	s7 =	smov.u32 s28;
	(v2sf) =	vpush v2, $0x4;
	v3 =	vld [tilespmem:s17+$0xB10];
	[tilespmem:s24+$0x110] =	vst v4;
	s28 =	spop (v2sf)  }
0x6fa: {  	s16 =	smov.u32 s18;
	s18 =	smov.u32 s19;
	s19 =	smov.u32 s5;
	(v2sf) =	vpush v0, $0xF;
	v0 =	vmov v1;
	v1 =	vmov v2;
	v2 =	vld [tilespmem:s28+$0xB00];
	[tilespmem:s2+$0x400] =	vst v8  }
0x6fb: {  	s5 =	smov.u32 s29;
	s17 =	smov.u32 s31;
	s26 =	spop (v2sf);
	v4 =	vld [tilespmem:s4+$0xB10];
	[tilespmem:s30+$0x690] =	vst v9  }
0x6fc: {  	_ = 	snop  }
0x6fd: {  	[tilespmem:s24+$0xFFFFF910] =	vst v6  }
0x6fe: {  	v6 =	vld [tilespmem:s22+$0xB00];
	_ =	sdelay $0x3  }
0x6ff: {  	[tilespmem:s24+$0x180] =	vst v2  }
0x700: {  	v2 =	vld [tilespmem:s28+$0xB10];
	[tilespmem:s24+$0xFFFFF980] =	vst v6  }
0x701: {  	(v2sf) =	vpush v0, $0xA;
	v6 =	vld [tilespmem:s22+$0xB10]  }
0x702: {  	(v2sf) =	vpush v1, $0x5;
	_ =	sdelay $0x1  }
0x703: {  	s31 =	spop (v2sf)  }
0x704: {  	[tilespmem:s24+$0x190] =	vst v2;
	s0 =	spop (v2sf)  }
0x705: {  	[tilespmem:s24+$0xFFFFF990] =	vst v6;
	v2 =	vld [tilespmem:s0+$0xB00]  }
0x706: {  	v6 =	vld [tilespmem:s20+$0xB00];
	_ =	sdelay $0x3  }
0x707: {  	[tilespmem:s24+$0x200] =	vst v2  }
0x708: {  	[tilespmem:s24+$0xFFFFFA00] =	vst v6;
	v2 =	vld [tilespmem:s0+$0xB10]  }
0x709: {  	(v2sf) =	vpush v0, $0xB;
	v6 =	vld [tilespmem:s20+$0xB10]  }
0x70a: {  	(v2sf) =	vpush v1, $0x6  }
0x70b: {  	s10 =	spop (v2sf)  }
0x70c: {  	s21 =	spop (v2sf)  }
0x70d: {  	s4 =	spop (v2sf);
	[tilespmem:s24+$0x210] =	vst v2  }
0x70e: {  	[tilespmem:s24+$0xFFFFFA10] =	vst v6;
	v2 =	vld [tilespmem:s4+$0xB00]  }
0x70f: {  	v6 =	vld [tilespmem:s12+$0xB00];
	_ =	sdelay $0x3  }
0x710: {  	[tilespmem:s24+$0x280] =	vst v2  }
0x711: {  	[tilespmem:s24+$0xFFFFFA80] =	vst v6;
	v2 =	vld [tilespmem:s4+$0xB10]  }
0x712: {  	(v2sf) =	vpush v0, $0xC;
	v6 =	vld [tilespmem:s12+$0xB10]  }
0x713: {  	(v2sf) =	vpush v1, $0x7;
	_ =	sdelay $0x1  }
0x714: {  	s12 =	spop (v2sf)  }
0x715: {  	s4 =	spop (v2sf);
	[tilespmem:s24+$0x290] =	vst v2  }
0x716: {  	[tilespmem:s24+$0xFFFFFA90] =	vst v6;
	v2 =	vld [tilespmem:s4+$0xB00]  }
0x717: {  	v6 =	vld [tilespmem:s9+$0xB00];
	_ =	sdelay $0x3  }
0x718: {  	[tilespmem:s24+$0x300] =	vst v2  }
0x719: {  	[tilespmem:s24+$0xFFFFFB00] =	vst v6;
	v2 =	vld [tilespmem:s4+$0xB10]  }
0x71a: {  	(v2sf) =	vpush v0, $0xD;
	v6 =	vld [tilespmem:s9+$0xB10]  }
0x71b: {  	(v2sf) =	vpush v1, $0x8;
	_ =	sdelay $0x1  }
0x71c: {  	s9 =	spop (v2sf)  }
0x71d: {  	s4 =	spop (v2sf);
	[tilespmem:s24+$0x310] =	vst v2  }
0x71e: {  	[tilespmem:s24+$0xFFFFFB10] =	vst v6;
	v2 =	vld [tilespmem:s4+$0xB00]  }
0x71f: {  	v6 =	vld [tilespmem:s7+$0xB00];
	_ =	sdelay $0x3  }
0x720: {  	[tilespmem:s24+$0x380] =	vst v2  }
0x721: {  	[tilespmem:s24+$0xFFFFFB80] =	vst v6;
	v2 =	vld [tilespmem:s4+$0xB10]  }
0x722: {  	(v2sf) =	vpush v0, $0xE;
	v6 =	vld [tilespmem:s7+$0xB10]  }
0x723: {  	(v2sf) =	vpush v1, $0x9;
	_ =	sdelay $0x1  }
0x724: {  	s7 =	spop (v2sf)  }
0x725: {  	s13 =	spop (v2sf);
	[tilespmem:s24+$0x390] =	vst v2  }
0x726: {  	[tilespmem:s24+$0xFFFFFB90] =	vst v6;
	v2 =	vld [tilespmem:s13+$0xB00]  }
0x727: {  	[tilespmem:s2+$0xFFFFFC00] =	vst v5;
	v6 =	vld [tilespmem:s23+$0xB00]  }
0x728: {  	v5 =	vld [tilespmem:s19+$0xB10];
	_ =	sdelay $0x2  }
0x729: {  	[tilespmem:s24+$0x400] =	vst v2  }
0x72a: {  	[tilespmem:s24+$0xFFFFFC00] =	vst v6;
	v2 =	vld [tilespmem:s13+$0xB10]  }
0x72b: {  	[tilespmem:s2+$0xFFFFFC10] =	vst v5;
	(v2sf) =	vpush v0, $0xF;
	v6 =	vld [tilespmem:s23+$0xB10]  }
0x72c: {  	[tilespmem:s2+$0x410] =	vst v4;
	v55 =	vld [tilespmem:s18+$0xB00];
	(v2sf) =	vpush v1, $0xA  }
0x72d: {  	v54 =	vld [tilespmem:s31+$0xB00]  }
0x72e: {  	s23 =	spop (v2sf)  }
0x72f: {  	s28 =	spop (v2sf);
	[tilespmem:s24+$0x410] =	vst v2  }
0x730: {  	[tilespmem:s24+$0xFFFFFC10] =	vst v6;
	v2 =	vld [tilespmem:s28+$0xB00]  }
0x731: {  	[tilespmem:s2+$0xFFFFFC80] =	vst v55;
	v56 =	vld [tilespmem:s1+$0xB00]  }
0x732: {  	v4 =	vld [tilespmem:s18+$0xB10];
	[tilespmem:s2+$0x480] =	vst v54  }
0x733: {  	v0 =	vld [tilespmem:s31+$0xB10];
	_ =	sdelay $0x1  }
0x734: {  	[tilespmem:s24+$0x480] =	vst v2  }
0x735: {  	[tilespmem:s24+$0xFFFFFC80] =	vst v56;
	v2 =	vld [tilespmem:s28+$0xB10]  }
0x736: {  	[tilespmem:s2+$0xFFFFFC90] =	vst v4;
	v5 =	vld [tilespmem:s1+$0xB10]  }
0x737: {  	[tilespmem:s2+$0x490] =	vst v0;
	(v2sf) =	vpush v1, $0xB  }
0x738: {  	v0 =	vld [tilespmem:s21+$0xB00];
	s4 =	rddreg [dreg:$0x1a]  }
0x739: {  	s29 =	spop (v2sf);
	v4 =	vld [tilespmem:s4+$0xB00]  }
0x73a: {  	s31 =	spop (v2sf);
	[tilespmem:s24+$0x490] =	vst v2  }
0x73b: {  	[tilespmem:s24+$0xFFFFFC90] =	vst v5;
	v2 =	vld [tilespmem:s31+$0xB00]  }
0x73c: {  	v5 =	vld [tilespmem:s11+$0xB00]  }
0x73d: {  	[tilespmem:s2+$0x500] =	vst v0  }
0x73e: {  	v0 =	vld [tilespmem:s21+$0xB10];
	[tilespmem:s2+$0xFFFFFD00] =	vst v4  }
0x73f: {  	v4 =	vld [tilespmem:s4+$0xB10]  }
0x740: {  	[tilespmem:s24+$0x500] =	vst v2  }
0x741: {  	[tilespmem:s24+$0xFFFFFD00] =	vst v5;
	v2 =	vld [tilespmem:s31+$0xB10]  }
0x742: {  	v5 =	vld [tilespmem:s11+$0xB10]  }
0x743: {  	[tilespmem:s2+$0x510] =	vst v0  }
0x744: {  	(v2sf) =	vpush v1, $0xC;
	v0 =	vld [tilespmem:s12+$0xB00];
	[tilespmem:s2+$0xFFFFFD10] =	vst v4  }
0x745: {  	v4 =	vld [tilespmem:s3+$0xB00]  }
0x746: {  	s4 =	spop (v2sf);
	[tilespmem:s24+$0x510] =	vst v2  }
0x747: {  	[tilespmem:s24+$0xFFFFFD10] =	vst v5;
	v2 =	vld [tilespmem:s4+$0xB00]  }
0x748: {  	v5 =	vld [tilespmem:s6+$0xB00]  }
0x749: {  	[tilespmem:s2+$0x580] =	vst v0  }
0x74a: {  	v0 =	vld [tilespmem:s12+$0xB10];
	[tilespmem:s2+$0xFFFFFD80] =	vst v4  }
0x74b: {  	v4 =	vld [tilespmem:s3+$0xB10]  }
0x74c: {  	[tilespmem:s24+$0x580] =	vst v2  }
0x74d: {  	[tilespmem:s24+$0xFFFFFD80] =	vst v5;
	v2 =	vld [tilespmem:s4+$0xB10]  }
0x74e: {  	v5 =	vld [tilespmem:s6+$0xB10]  }
0x74f: {  	[tilespmem:s2+$0x590] =	vst v0  }
0x750: {  	(v2sf) =	vpush v1, $0xD;
	[tilespmem:s2+$0xFFFFFD90] =	vst v4  }
0x751: {  	v0 =	vld [tilespmem:s9+$0xB00];
	s11 =	rddreg [dreg:$0x16]  }
0x752: {  	v4 =	vld [tilespmem:s11+$0xB00];
	[tilespmem:s24+$0x590] =	vst v2  }
0x753: {  	s13 =	spop (v2sf);
	[tilespmem:s24+$0xFFFFFD90] =	vst v5  }
0x754: {  	v2 =	vld [tilespmem:s13+$0xB00];
	s18 =	rddreg [dreg:$0x1d]  }
0x755: {  	v5 =	vld [tilespmem:s18+$0xB00]  }
0x756: {  	[tilespmem:s2+$0x600] =	vst v0  }
0x757: {  	v0 =	vld [tilespmem:s9+$0xB10];
	[tilespmem:s2+$0xFFFFFE00] =	vst v4  }
0x758: {  	v4 =	vld [tilespmem:s11+$0xB10]  }
0x759: {  	[tilespmem:s24+$0x600] =	vst v2  }
0x75a: {  	v2 =	vld [tilespmem:s13+$0xB10];
	[tilespmem:s24+$0xFFFFFE00] =	vst v5  }
0x75b: {  	v5 =	vld [tilespmem:s18+$0xB10]  }
0x75c: {  	(v2sf) =	vpush v1, $0xE;
	[tilespmem:s2+$0x610] =	vst v0  }
0x75d: {  	v0 =	vld [tilespmem:s7+$0xB00];
	[tilespmem:s2+$0xFFFFFE10] =	vst v4  }
0x75e: {  	v4 =	vld [tilespmem:s17+$0xB00]  }
0x75f: {  	v57 =	vld [tilespmem:s26+$0xB00];
	s19 =	spop (v2sf);
	[tilespmem:s24+$0x610] =	vst v2  }
0x760: {  	v2 =	vld [tilespmem:s19+$0xB00];
	[tilespmem:s24+$0xFFFFFE10] =	vst v5  }
0x761: {  	[tilespmem:s30+$0xFFFFFE90] =	vst v3;
	v5 =	vld [tilespmem:s5+$0xB00]  }
0x762: {  	[tilespmem:s2+$0x680] =	vst v0  }
0x763: {  	v0 =	vld [tilespmem:s7+$0xB10];
	[tilespmem:s2+$0xFFFFFE80] =	vst v4  }
0x764: {  	[tilespmem:s30+$0x700] =	vst v57;
	v4 =	vld [tilespmem:s17+$0xB10]  }
0x765: {  	v58 =	vld [tilespmem:s26+$0xB10];
	[tilespmem:s24+$0x680] =	vst v2  }
0x766: {  	v2 =	vld [tilespmem:s19+$0xB10];
	[tilespmem:s24+$0xFFFFFE80] =	vst v5  }
0x767: {  	v5 =	vld [tilespmem:s5+$0xB10];
	s20 =	rddreg [dreg:$0xe]  }
0x768: {  	(v2sf) =	vpush v1, $0xF;
	[tilespmem:s2+$0x690] =	vst v0;
	v3 =	vld [tilespmem:s20+$0xB00]  }
0x769: {  	[tilespmem:s2+$0xFFFFFE90] =	vst v4;
	v0 =	vld [tilespmem:s23+$0xB00]  }
0x76a: {  	[tilespmem:s30+$0x710] =	vst v58;
	v4 =	vld [tilespmem:s16+$0xB00]  }
0x76b: {  	v61 =	vld [tilespmem:s15+$0xB10];
	s21 =	spop (v2sf);
	[tilespmem:s24+$0x690] =	vst v2  }
0x76c: {  	v2 =	vld [tilespmem:s21+$0xB00];
	[tilespmem:s24+$0xFFFFFE90] =	vst v5  }
0x76d: {  	[tilespmem:s30+$0xFFFFFF00] =	vst v3;
	v59 =	vld [tilespmem:s25+$0xB00]  }
0x76e: {  	[tilespmem:s2+$0x700] =	vst v0;
	v60 =	vld [tilespmem:s20+$0xB10]  }
0x76f: {  	[tilespmem:s2+$0xFFFFFF00] =	vst v4;
	v0 =	vld [tilespmem:s23+$0xB10]  }
0x770: {  	[tilespmem:s14+$0xFFFFFF90] =	vst v61;
	v4 =	vld [tilespmem:s16+$0xB10]  }
0x771: {  	[tilespmem:s24+$0x700] =	vst v2  }
0x772: {  	v2 =	vld [tilespmem:s21+$0xB10];
	[tilespmem:s24+$0xFFFFFF00] =	vst v59  }
0x773: {  	v3 =	vld [tilespmem:s25+$0xB10];
	[tilespmem:s30+$0xFFFFFF10] =	vst v60  }
0x774: {  	v62 =	vld [tilespmem:s10+$0xB00];
	s22 =	rddreg [dreg:$0xa];
	[tilespmem:s2+$0x710] =	vst v0  }
0x775: {  	[tilespmem:s2+$0xFFFFFF10] =	vst v4;
	v63 =	vld [tilespmem:s22+$0xB00]  }
0x776: {  	v0 =	vld [tilespmem:s29+$0xB00];
	s23 =	rddreg [dreg:$0x11]  }
0x777: {  	s25 =	spop (v2sf);
	v4 =	vld [tilespmem:s23+$0xB00];
	[tilespmem:s24+$0x710] =	vst v2  }
0x778: {  	v2 =	vld [tilespmem:s25+$0xB00];
	[tilespmem:s24+$0xFFFFFF10] =	vst v3  }
0x779: {  	[tilespmem:s30+$0x780] =	vst v62;
	v3 =	vld [tilespmem:s8+$0xB00]  }
0x77a: {  	v5 =	vld [tilespmem:s10+$0xB10];
	[tilespmem:s30+$0xFFFFFF80] =	vst v63  }
0x77b: {  	[tilespmem:s2+$0x780] =	vst v0;
	v1 =	vld [tilespmem:s22+$0xB10]  }
0x77c: {  	v0 =	vld [tilespmem:s29+$0xB10];
	[tilespmem:s2+$0xFFFFFF80] =	vst v4  }
0x77d: {  	v4 =	vld [tilespmem:s23+$0xB10];
	[tilespmem:s24+$0x780] =	vst v2  }
0x77e: {  	v2 =	vld [tilespmem:s25+$0xB10];
	[tilespmem:s24+$0xFFFFFF80] =	vst v3  }
0x77f: {  	[tilespmem:s30+$0x790] =	vst v5;
	v3 =	vld [tilespmem:s8+$0xB10]  }
0x780: {  	[tilespmem:s30+$0xFFFFFF90] =	vst v1  }
0x781: {  	[tilespmem:s2+$0x790] =	vst v0  }
0x782: {  	[tilespmem:s2+$0xFFFFFF90] =	vst v4  }
0x783: {  	[tilespmem:s24+$0x790] =	vst v2  }
0x784: {  	[tilespmem:s24+$0xFFFFFF90] =	vst v3  }
0x785: {  	s26 =	sld [smem:$0x7FC];
	_ =	sdelay $0x1  }
0x786: {  	s28 =	simm.s32 $0x1000;
	s10 =	simm.s32 $0x0;
	s29 =	simm.s32 $0x5  }
0x787: {  	[hbm4b:s26+s10] =	stream.linear.scatter [tilespmem:s28], [sflag:$0x5], $0x10000, $0x38;
	[tilespmem:$0x11000] =	vst v63  }
0x788: {  	_ =	swait.ge [sflag:s29], $0x10000  }
0x789: {  	s30 =	sld [smem:$0x7EF]  }
0x78a: {  	s31 =	sld [smem:$0x7FD];
	_ =	sdelay $0x1  }
0x78b: {  	s2 =	sadd.s32 $0x1, s30  }
0x78c: {  	p0 =	sne.s32 s2, s31  }
.Ltmp4:
0x78d: {  	_ = 	snop;
	(pc) =	sbr.rel @p0 .LBB2_1-.Ltmp4, $3  }
0x78e: {  	_ =	sdelay $0x1  }
0x78f: {  	[sflag:s29] =	ssyncset.done $0x0  }
0x790: {  	[sflag:s29] =	ssyncadd.s32 $0xFFFF0000  }
0x791: {  	_ =	sfence.sel $0x180000  }
0x792: {  	[bflag:$0x0] =	sbarrier.arrive $0xFFFF  }
0x793: {  	_ =	strace $0x90000047  }
0x794: {  	s0 =	stileid.u32;
	[bflag:$0x2] =	sbarrier.arrive $0xFFFF  }
0x795: {  	p0 =	sne.s32 s0, $0x0;
	s0 =	rddreg [dreg:$0x6]  }
0x796: {  	s0 =	sadd.s32 @!p0 $0x100000, s0  }
0x797: {  	[sflag:s0] =	ssyncadd.tile.s32 @!p0 $0x1;
	_ =	shalt  }
.Lfunc_end2:
_tile_overlayer_lowered:
.L_overlay_start_2:
0x798: {  	(tag) =	ssettag $0x2  }
0x799: {  	s0 =	rddreg [dreg:$0x0];
	s2 =	stileid.u32  }
0x79a: {  	s1 =	rddreg [dreg:$0x1];
	p0 =	sne.s32 s2, $0x0  }
0x79b: {  	s3 =	rddreg [dreg:$0x2];
	[bflag:$0x3] =	sbarrier.arrive $0xFFFF;
	s2 =	simm.s32 @!p0 $0x1C05  }
0x79c: {  	[timem:s3], [sflag:s2] =	dma.local @!p0 [hbm:s0], s1  }
0x79d: {  	s0 =	simm.s32 @!p0 $0x5  }
0x79e: {  	_ =	swait.ge @!p0 [sflag:s0], s1  }
0x79f: {  	s1 =	ssub.s32 @!p0 $0x0, s1;
	[sflag:s0] =	ssyncset.done @!p0 $0x0  }
0x7a0: {  	[sflag:s0] =	ssyncadd.s32 @!p0 s1  }
0x7a1: {  	[bflag:$0x3] =	sbarrier.arrive $0xFFFF  }
0x7a2: {  	_ =	shalt  }

</sc_bundles>
